<compile_context>
chip_gen: v7x
topology: tpu7x:2x2x1
jax: 0.10.2.dev20260603
libtpu: 0.0.44.dev20260713+nightly
codegen_flags: <defaults>
</compile_context>

<pallas_src>
import functools

import jax
import jax.numpy as jnp
from jax import lax
from jax.experimental import pallas as pl
from jax.experimental.pallas import tpu as pltpu
from jax.experimental.pallas import tpu_sc as plsc

T = 2048
D = 768
E = 64
K = 2
FF = 512
SFF = 2048
TK = T * K
TM = 128
P = TK + E * TM
NT = P // TM
NTP = 128
BR = 128
NB = TK // BR

NW = 32
RPW = P // NW
PPW = TK // NW
TPW = T // NW
CCH = 16


def _strict_lower(n):
    r = lax.broadcasted_iota(jnp.int32, (n, n), 0)
    c = lax.broadcasted_iota(jnp.int32, (n, n), 1)
    return (r > c).astype(jnp.float32)


def _route_body(x_ref, gw_ref, slot_ref, wp_ref, te_ref, tio_ref):
    x = x_ref[...]
    logits = jnp.dot(x, gw_ref[...], preferred_element_type=jnp.float32)
    m = jnp.max(logits, axis=-1, keepdims=True)
    ex = jnp.exp(logits - m)
    probs = ex / jnp.sum(ex, axis=-1, keepdims=True)
    iota_e = lax.broadcasted_iota(jnp.int32, (T, E), 1)
    m1 = jnp.max(probs, axis=-1, keepdims=True)
    id1 = jnp.min(jnp.where(probs == m1, iota_e, E), axis=-1, keepdims=True)
    probs2 = jnp.where(iota_e == id1, -1.0, probs)
    m2 = jnp.max(probs2, axis=-1, keepdims=True)
    id2 = jnp.min(jnp.where(probs2 == m2, iota_e, E), axis=-1, keepdims=True)

    oh0 = (iota_e == id1).astype(jnp.float32)
    oh1 = (iota_e == id2).astype(jnp.float32)
    oh = jnp.concatenate([oh0, oh1], axis=0)

    ls = _strict_lower(BR)
    ranks = []
    bsums = []
    for b in range(NB):
        blk = oh[b * BR:(b + 1) * BR]
        ranks.append(jnp.dot(ls, blk, preferred_element_type=jnp.float32))
        bsums.append(jnp.sum(blk, axis=0, keepdims=True))
    bs = jnp.concatenate(bsums, axis=0)
    bpref = jnp.dot(_strict_lower(NB), bs,
                    preferred_element_type=jnp.float32)
    rank = jnp.concatenate(
        [ranks[b] + bpref[b:b + 1] for b in range(NB)], axis=0)

    counts = jnp.sum(bs, axis=0, keepdims=True)
    pc = jnp.floor((counts + (TM - 1)) / TM) * TM
    upper = 1.0 - _strict_lower(E) - jnp.eye(E, dtype=jnp.float32)
    poff = jnp.dot(pc, upper, preferred_element_type=jnp.float32)

    slot_f = jnp.sum(oh * (rank + poff), axis=-1)
    slot_ref[...] = slot_f.astype(jnp.int32)
    wp_ref[...] = jnp.concatenate([m1[:, 0], m2[:, 0]], axis=0)

    offs = (lax.broadcasted_iota(jnp.int32, (NTP, E), 0) * TM
            ).astype(jnp.float32)
    te = jnp.sum((poff <= offs).astype(jnp.int32), axis=-1) - 1
    te_ref[...] = jnp.clip(te, 0, E - 1)
    tot = jnp.sum(pc)
    ti = lax.broadcasted_iota(jnp.int32, (NTP,), 0)
    tio_ref[...] = jnp.where((ti * TM).astype(jnp.float32) < tot, ti, NT)


def _route(x, gate_w):
    return pl.pallas_call(
        _route_body,
        out_shape=(
            jax.ShapeDtypeStruct((TK,), jnp.int32),
            jax.ShapeDtypeStruct((TK,), jnp.float32),
            jax.ShapeDtypeStruct((NTP,), jnp.int32),
            jax.ShapeDtypeStruct((NTP,), jnp.int32),
        ),
    )(x, gate_w)


@functools.cache
def _sc_mesh():
    return plsc.VectorSubcoreMesh(core_axis_name="c", subcore_axis_name="s")


@functools.cache
def _dispatch_call():
    return pl.kernel(
        _dispatch_body,
        out_type=(
            jax.ShapeDtypeStruct((P + TM, D), jnp.float32),
            jax.ShapeDtypeStruct((P,), jnp.float32),
        ),
        mesh=_sc_mesh(),
        scratch_types=[
            pltpu.VMEM((TK,), jnp.int32),
            pltpu.VMEM((TK,), jnp.float32),
            pltpu.VMEM((RPW,), jnp.float32),
            pltpu.VMEM((PPW,), jnp.int32),
            pltpu.VMEM((PPW, D), jnp.float32),
            pltpu.SemaphoreType.DMA,
        ],
        compiler_params=pltpu.CompilerParams(needs_layout_passes=False),
    )


def _dispatch_body(slot_hbm, wp_hbm, x_hbm, xs_hbm, ws_hbm,
                   slots_v, wvals_v, w_v, sl_v, rows_v, sem):
    wid = lax.axis_index("s") * 2 + lax.axis_index("c")
    lo = wid * RPW

    p0 = wid * PPW
    tok0 = jnp.where(p0 >= T, p0 - T, p0)
    pltpu.sync_copy(slot_hbm.at[pl.ds(p0, PPW)], sl_v)
    pltpu.sync_copy(x_hbm.at[pl.ds(tok0, PPW)], rows_v)
    scat = pltpu.async_copy(rows_v, xs_hbm.at[sl_v], sem)

    pltpu.sync_copy(slot_hbm, slots_v)
    pltpu.sync_copy(wp_hbm, wvals_v)

    def zbody(i, _):
        w_v[pl.ds(i * 16, 16)] = jnp.zeros((16,), jnp.float32)
        return 0
    lax.fori_loop(0, RPW // 16, zbody, 0)

    def sbody(c, _):
        idx = slots_v[pl.ds(c * 16, 16)]
        w = wvals_v[pl.ds(c * 16, 16)]
        rel = idx - lo
        msk = (idx >= lo) & (idx < lo + RPW)
        plsc.store_scatter(w_v, [rel], w, mask=msk)
        return 0
    lax.fori_loop(0, TK // 16, sbody, 0)
    pltpu.sync_copy(w_v, ws_hbm.at[pl.ds(lo, RPW)])
    scat.wait()


def _expert_body(te_ref, tio_ref, xs_ref, egu_ref, ed_ref, w_ref, ys_ref):
    xt = xs_ref[...].astype(jnp.bfloat16)
    gu = jnp.dot(xt, egu_ref[0].astype(jnp.bfloat16),
                 preferred_element_type=jnp.float32)
    g = gu[:, :FF]
    u = gu[:, FF:]
    y = jnp.dot((jax.nn.silu(g) * u).astype(jnp.bfloat16),
                ed_ref[0].astype(jnp.bfloat16),
                preferred_element_type=jnp.float32)
    ys_ref[...] = y * w_ref[...]


def _experts(tile_expert, tile_io, xs, egu, ed, ws):
    grid_spec = pltpu.PrefetchScalarGridSpec(
        num_scalar_prefetch=2,
        grid=(NT,),
        in_specs=[
            pl.BlockSpec((TM, D), lambda i, te, tio: (tio[i], 0)),
            pl.BlockSpec((1, D, 2 * FF), lambda i, te, tio: (te[i], 0, 0)),
            pl.BlockSpec((1, FF, D), lambda i, te, tio: (te[i], 0, 0)),
            pl.BlockSpec((TM, 1), lambda i, te, tio: (i, 0)),
        ],
        out_specs=pl.BlockSpec((TM, D), lambda i, te, tio: (tio[i], 0)),
    )
    return pl.pallas_call(
        _expert_body,
        grid_spec=grid_spec,
        out_shape=jax.ShapeDtypeStruct((P + TM, D), jnp.float32),
    )(tile_expert, tile_io, xs, egu, ed, ws)


def _shared_body(x_ref, sgu_ref, sd_ref, sgwt_ref, o_ref):
    x = x_ref[...]
    gu = jnp.dot(x.astype(jnp.bfloat16), sgu_ref[...].astype(jnp.bfloat16),
                 preferred_element_type=jnp.float32)
    g = gu[:, :SFF]
    u = gu[:, SFF:]
    h = jnp.dot((jax.nn.silu(g) * u).astype(jnp.bfloat16),
                sd_ref[...].astype(jnp.bfloat16),
                preferred_element_type=jnp.float32)
    gl = jnp.sum(x * sgwt_ref[...], axis=-1, keepdims=True)
    o_ref[...] = jax.nn.sigmoid(gl) * h


def _shared(x, sgu, sd, sgwt):
    tt = 256
    return pl.pallas_call(
        _shared_body,
        grid=(T // tt,),
        in_specs=[
            pl.BlockSpec((tt, D), lambda i: (i, 0)),
            pl.BlockSpec((D, 2 * SFF), lambda i: (0, 0)),
            pl.BlockSpec((SFF, D), lambda i: (0, 0)),
            pl.BlockSpec((1, D), lambda i: (0, 0)),
        ],
        out_specs=pl.BlockSpec((tt, D), lambda i: (i, 0)),
        out_shape=jax.ShapeDtypeStruct((T, D), jnp.float32),
    )(x, sgu, sd, sgwt)


@functools.cache
def _combine_call():
    buf = lambda: pltpu.VMEM((CCH, D), jnp.float32)
    idx = lambda: pltpu.VMEM((CCH,), jnp.int32)
    return pl.kernel(
        _combine_body,
        out_type=jax.ShapeDtypeStruct((T, D), jnp.float32),
        mesh=_sc_mesh(),
        scratch_types=[
            idx(), idx(), buf(), buf(), buf(), pltpu.SemaphoreType.DMA,
            idx(), idx(), buf(), buf(), buf(), pltpu.SemaphoreType.DMA,
        ],
        compiler_params=pltpu.CompilerParams(needs_layout_passes=False),
    )


def _combine_body(sh_hbm, ys_hbm, slot_hbm, out_hbm, *bufs):
    wid = lax.axis_index("s") * 2 + lax.axis_index("c")
    base = wid * TPW
    sets = (bufs[0:6], bufs[6:12])
    nch = TPW // CCH

    def fire(c, s):
        i0, i1, b0, b1, acc, sem = s
        t0 = base + c * CCH
        pltpu.sync_copy(slot_hbm.at[pl.ds(t0, CCH)], i0)
        pltpu.sync_copy(slot_hbm.at[pl.ds(T + t0, CCH)], i1)
        return (pltpu.async_copy(ys_hbm.at[i0], b0, sem),
                pltpu.async_copy(ys_hbm.at[i1], b1, sem),
                pltpu.async_copy(sh_hbm.at[pl.ds(t0, CCH)], acc, sem))

    def drain(c, s, ds):
        i0, i1, b0, b1, acc, sem = s
        for d in ds:
            d.wait()

        def rbody(r, _):
            for j in range(D // 16):
                sl = pl.ds(j * 16, 16)
                acc[r, sl] = acc[r, sl] + b0[r, sl] + b1[r, sl]
            return 0
        lax.fori_loop(0, CCH, rbody, 0)
        pltpu.sync_copy(acc, out_hbm.at[pl.ds(base + c * CCH, CCH)])

    pend = fire(0, sets[0])
    for c in range(nch):
        nxt = fire(c + 1, sets[(c + 1) % 2]) if c + 1 < nch else None
        drain(c, sets[c % 2], pend)
        pend = nxt


def kernel(hidden_states, gate_w, expert_gate_up, expert_down,
           shared_gate_up, shared_down, shared_gate_w):
    x = hidden_states.reshape(T, D)
    slot_pairs, w_pairs, tile_expert, tile_io = _route(x, gate_w)
    xs, ws = _dispatch_call()(slot_pairs, w_pairs, x)
    sh = _shared(x, shared_gate_up, shared_down, shared_gate_w.reshape(1, D))
    ys = _experts(tile_expert, tile_io, xs, expert_gate_up, expert_down,
                  ws.reshape(P, 1))
    out = _combine_call()(sh, ys, slot_pairs)
    return out.reshape(hidden_states.shape)

# --- scband reference (transcript-rebuilt; emitter-appended) ---
"""Pipeline reference for scband-qwen2-moe-sparse-moe-block-23089744183632 (READ-ONLY COPY).

The authoritative reference and input builder live on the scoring server;
editing this copy changes nothing except your own understanding.
"""

import jax, jax.numpy as jnp
import numpy as np

E = 64
TOP_K = 2
D = 768
FF = 512
SFF = 2048
T = 2048
NORM_TOPK = False


def setup_inputs(seed: int = 0) -> dict:
    key = jax.random.key(seed)
    ks = jax.random.split(key, 7)
    return {
        "hidden_states": jax.random.normal(ks[0], (T, D), dtype=jnp.float32),
        "gate_w": jax.random.normal(ks[1], (D, E), dtype=jnp.float32) * 0.02,
        "expert_gate_up": jax.random.normal(ks[2], (E, D, 2 * FF), dtype=jnp.float32) * 0.02,
        "expert_down": jax.random.normal(ks[3], (E, FF, D), dtype=jnp.float32) * 0.02,
        "shared_gate_up": jax.random.normal(ks[4], (D, 2 * SFF), dtype=jnp.float32) * 0.02,
        "shared_down": jax.random.normal(ks[5], (SFF, D), dtype=jnp.float32) * 0.02,
        "shared_gate_w": jax.random.normal(ks[6], (D, 1), dtype=jnp.float32) * 0.02,
    }


def _silu_and_mul(gu):
    g, u = jnp.split(gu, 2, axis=-1)
    return jax.nn.silu(g) * u


def _forward(hidden_states, gate_w, expert_gate_up, expert_down, shared_gate_up, shared_down, shared_gate_w):
    x = hidden_states.reshape(-1, D)
    # shared expert (Qwen2MoeMLP with SiluAndMul) gated by sigmoid(shared_expert_gate(x))
    shared = _silu_and_mul(x @ shared_gate_up) @ shared_down
    shared = jax.nn.sigmoid(x @ shared_gate_w) * shared
    # router: ReplicatedLinear gate -> softmax -> top-k (norm_topk_prob=False, no renormalize)
    router_logits = x @ gate_w
    scores = jax.nn.softmax(router_logits, axis=-1)
    topk_w, topk_ids = jax.lax.top_k(scores, TOP_K)
    if NORM_TOPK:
        topk_w = topk_w / jnp.sum(topk_w, axis=-1, keepdims=True)
    # routed experts: exact dense-masked computation (tokens not routed to e get weight 0)
    out = jnp.zeros_like(x)
    for e in range(E):
        tok_w = jnp.sum(jnp.where(topk_ids == e, topk_w, 0.0), axis=-1)  # [T]
        y = _silu_and_mul(x @ expert_gate_up[e]) @ expert_down[e]
        out = out + tok_w[:, None] * y
    return (out + shared).reshape(hidden_states.shape)


def reference(hidden_states, gate_w, expert_gate_up, expert_down, shared_gate_up, shared_down, shared_gate_w):
    return _forward(hidden_states, gate_w, expert_gate_up, expert_down, shared_gate_up, shared_down, shared_gate_w)

if __name__ == "__main__":
    import jax
    _d = setup_inputs()
    print(jax.jit(kernel)(*tuple(_d.values())))

</pallas_src>

<mosaic_0001>
#map = affine_map<(d0, d1) -> (0)>
#map1 = affine_map<(d0, d1) -> (0, 0)>
module attributes {stable_mosaic.version = 14 : i64} {
  func.func @_dispatch_body(%arg0: i32, %arg1: i32, %arg2: memref<4096xi32, #tpu.memory_space<hbm>>, %arg3: memref<4096xf32, #tpu.memory_space<hbm>>, %arg4: memref<2048x768xf32, #tpu.memory_space<hbm>>, %arg5: memref<12416x768xf32, #tpu.memory_space<hbm>>, %arg6: memref<12288xf32, #tpu.memory_space<hbm>>, %arg7: memref<4096xi32, #tpu.memory_space<vmem>>, %arg8: memref<4096xf32, #tpu.memory_space<vmem>>, %arg9: memref<384xf32, #tpu.memory_space<vmem>>, %arg10: memref<128xi32, #tpu.memory_space<vmem>>, %arg11: memref<128x768xf32, #tpu.memory_space<vmem>>, %arg12: memref<!tpu.dma_semaphore, #tpu.memory_space<semaphore_mem>>) attributes {dimension_semantics = [#tpu.dimension_semantics<core_parallel>, #tpu.dimension_semantics<subcore_parallel>], iteration_bounds = array<i64: 2, 16>, scalar_prefetch = 0 : i64, scratch_operands = 6 : i64, tpu.core_type = #tpu.core_type<sc_vector_subcore>, window_params = [{transform_indices = #map}, {transform_indices = #map}, {transform_indices = #map1}, {transform_indices = #map1}, {transform_indices = #map}]} {
    %mul3A = arith.constant 2 : i32
    %mul3A_0 = arith.muli %arg1, %mul3A : i32
    %add3A = arith.addi %mul3A_0, %arg0 : i32
    %mul3A_1 = arith.constant 384 : i32
    %mul3A_2 = arith.muli %add3A, %mul3A_1 : i32
    %mul3A_3 = arith.constant 128 : i32
    %mul3A_4 = arith.muli %add3A, %mul3A_3 : i32
    %ge3A = arith.constant 2048 : i32
    %ge3A_5 = arith.cmpi sge, %mul3A_4, %ge3A : i32
    %sub3A = arith.constant 2048 : i32
    %sub3A_6 = arith.subi %mul3A_4, %sub3A : i32
    %select_n3A = arith.select %ge3A_5, %sub3A_6, %mul3A_4 : i32
    "tpu.region"() ({
      %run_scoped3A = tpu.sem_alloc : memref<!tpu.dma_semaphore, #tpu.memory_space<semaphore_mem>>
      %dma_start3A_24 = tpu.memref_slice %arg2[%mul3A_4] : memref<4096xi32, #tpu.memory_space<hbm>> -> memref<128xi32, #tpu.memory_space<hbm>>
      %dma_start3A_25 = tpu.memref_slice %arg2[%mul3A_4] : memref<4096xi32, #tpu.memory_space<hbm>> -> memref<128xi32, #tpu.memory_space<hbm>>
      tpu.enqueue_dma source(%dma_start3A_25 : memref<128xi32, #tpu.memory_space<hbm>>) target(%arg10 : memref<128xi32, #tpu.memory_space<vmem>>) target_semaphore(%run_scoped3A : memref<!tpu.dma_semaphore, #tpu.memory_space<semaphore_mem>>)
      %dma_wait3A_26 = tpu.memref_slice %arg2[%mul3A_4] : memref<4096xi32, #tpu.memory_space<hbm>> -> memref<128xi32, #tpu.memory_space<hbm>>
      %dma_wait3A_27 = tpu.memref_slice %arg2[%mul3A_4] : memref<4096xi32, #tpu.memory_space<hbm>> -> memref<128xi32, #tpu.memory_space<hbm>>
      tpu.wait_dma2 semaphore(%run_scoped3A : memref<!tpu.dma_semaphore, #tpu.memory_space<semaphore_mem>>) src(%dma_wait3A_27 : memref<128xi32, #tpu.memory_space<hbm>>) dst(%arg10 : memref<128xi32, #tpu.memory_space<vmem>>)
      tpu.yield
    }) : () -> ()
    "tpu.region"() ({
      %run_scoped3A = tpu.sem_alloc : memref<!tpu.dma_semaphore, #tpu.memory_space<semaphore_mem>>
      %dma_start3A_24 = arith.constant 0 : i32
      %dma_start3A_25 = tpu.memref_slice %arg4[%select_n3A, %dma_start3A_24] : memref<2048x768xf32, #tpu.memory_space<hbm>> -> memref<128x768xf32, #tpu.memory_space<hbm>>
      %dma_start3A_26 = arith.constant 0 : i32
      %dma_start3A_27 = tpu.memref_slice %arg4[%select_n3A, %dma_start3A_26] : memref<2048x768xf32, #tpu.memory_space<hbm>> -> memref<128x768xf32, #tpu.memory_space<hbm>>
      tpu.enqueue_dma source(%dma_start3A_27 : memref<128x768xf32, #tpu.memory_space<hbm>>) target(%arg11 : memref<128x768xf32, #tpu.memory_space<vmem>>) target_semaphore(%run_scoped3A : memref<!tpu.dma_semaphore, #tpu.memory_space<semaphore_mem>>)
      %dma_wait3A_28 = arith.constant 0 : i32
      %dma_wait3A_29 = tpu.memref_slice %arg4[%select_n3A, %dma_wait3A_28] : memref<2048x768xf32, #tpu.memory_space<hbm>> -> memref<128x768xf32, #tpu.memory_space<hbm>>
      %dma_wait3A_30 = arith.constant 0 : i32
      %dma_wait3A_31 = tpu.memref_slice %arg4[%select_n3A, %dma_wait3A_30] : memref<2048x768xf32, #tpu.memory_space<hbm>> -> memref<128x768xf32, #tpu.memory_space<hbm>>
      tpu.wait_dma2 semaphore(%run_scoped3A : memref<!tpu.dma_semaphore, #tpu.memory_space<semaphore_mem>>) src(%dma_wait3A_31 : memref<128x768xf32, #tpu.memory_space<hbm>>) dst(%arg11 : memref<128x768xf32, #tpu.memory_space<vmem>>)
      tpu.yield
    }) : () -> ()
    %dma_start3A = arith.constant 0 : i32
    %dma_start3A_7 = arith.constant 0 : i32
    %dma_start3A_8 = tpu.memref_slice %arg5[%dma_start3A, %dma_start3A_7] : memref<12416x768xf32, #tpu.memory_space<hbm>> -> memref<12416x768xf32, #tpu.memory_space<hbm>>
    tpu.enqueue_indirect_dma source(%arg11 : memref<128x768xf32, #tpu.memory_space<vmem>>) target(%dma_start3A_8 : memref<12416x768xf32, #tpu.memory_space<hbm>>) offsets(%arg10 : memref<128xi32, #tpu.memory_space<vmem>>) semaphore(%arg12 : memref<!tpu.dma_semaphore, #tpu.memory_space<semaphore_mem>>)
    "tpu.region"() ({
      %run_scoped3A = tpu.sem_alloc : memref<!tpu.dma_semaphore, #tpu.memory_space<semaphore_mem>>
      tpu.enqueue_dma source(%arg2 : memref<4096xi32, #tpu.memory_space<hbm>>) target(%arg7 : memref<4096xi32, #tpu.memory_space<vmem>>) target_semaphore(%run_scoped3A : memref<!tpu.dma_semaphore, #tpu.memory_space<semaphore_mem>>)
      tpu.wait_dma2 semaphore(%run_scoped3A : memref<!tpu.dma_semaphore, #tpu.memory_space<semaphore_mem>>) src(%arg2 : memref<4096xi32, #tpu.memory_space<hbm>>) dst(%arg7 : memref<4096xi32, #tpu.memory_space<vmem>>)
      tpu.yield
    }) : () -> ()
    "tpu.region"() ({
      %run_scoped3A = tpu.sem_alloc : memref<!tpu.dma_semaphore, #tpu.memory_space<semaphore_mem>>
      tpu.enqueue_dma source(%arg3 : memref<4096xf32, #tpu.memory_space<hbm>>) target(%arg8 : memref<4096xf32, #tpu.memory_space<vmem>>) target_semaphore(%run_scoped3A : memref<!tpu.dma_semaphore, #tpu.memory_space<semaphore_mem>>)
      tpu.wait_dma2 semaphore(%run_scoped3A : memref<!tpu.dma_semaphore, #tpu.memory_space<semaphore_mem>>) src(%arg3 : memref<4096xf32, #tpu.memory_space<hbm>>) dst(%arg8 : memref<4096xf32, #tpu.memory_space<vmem>>)
      tpu.yield
    }) : () -> ()
    %scan3A = arith.constant 0 : i32
    %scan3A_9 = arith.constant 0 : i32
    %scan3A_10 = arith.constant 24 : i32
    %scan3A_11 = arith.addi %scan3A_9, %scan3A_10 : i32
    %scan3A_12 = arith.constant 1 : i32
    %scan3A_13 = scf.for %scan3A_24 = %scan3A_9 to %scan3A_11 step %scan3A_12 iter_args(%scan3A_25 = %scan3A) -> (i32)  : i32 {
      %broadcast_in_dim3A = arith.constant 0.000000e+00 : f32
      %broadcast_in_dim3A_26 = vector.broadcast %broadcast_in_dim3A : f32 to vector<16xf32>
      %mul3A_27 = arith.constant 16 : i32
      %mul3A_28 = arith.muli %scan3A_24, %mul3A_27 : i32
      %swap3A = arith.index_cast %mul3A_28 : i32 to index
      %swap3A_29 = tpu.vector_load %arg9[%swap3A] {strides = array<i32>} : memref<384xf32, #tpu.memory_space<vmem>>, vector<16xf32>,
      tpu.vector_store %arg9[%swap3A], %broadcast_in_dim3A_26 {strides = array<i32>} : memref<384xf32, #tpu.memory_space<vmem>>, vector<16xf32>,
      %scan3A_30 = arith.constant 0 : i32
      scf.yield %scan3A_30 : i32
    }
    %scan3A_14 = arith.constant 24 : i32
    %scan3A_15 = arith.constant 0 : i32
    %scan3A_16 = arith.constant 0 : i32
    %scan3A_17 = arith.constant 256 : i32
    %scan3A_18 = arith.addi %scan3A_16, %scan3A_17 : i32
    %scan3A_19 = arith.constant 1 : i32
    %scan3A_20 = scf.for %scan3A_24 = %scan3A_16 to %scan3A_18 step %scan3A_19 iter_args(%scan3A_25 = %scan3A_15) -> (i32)  : i32 {
      %mul3A_26 = arith.constant 16 : i32
      %mul3A_27 = arith.muli %scan3A_24, %mul3A_26 : i32
      %get3A = arith.index_cast %mul3A_27 : i32 to index
      %get3A_28 = tpu.vector_load %arg7[%get3A] {strides = array<i32>} : memref<4096xi32, #tpu.memory_space<vmem>>, vector<16xi32>,
      %mul3A_29 = arith.constant 16 : i32
      %mul3A_30 = arith.muli %scan3A_24, %mul3A_29 : i32
      %get3A_31 = arith.index_cast %mul3A_30 : i32 to index
      %get3A_32 = tpu.vector_load %arg8[%get3A_31] {strides = array<i32>} : memref<4096xf32, #tpu.memory_space<vmem>>, vector<16xf32>,
      %sub3A_33 = vector.broadcast %mul3A_2 : i32 to vector<16xi32>
      %sub3A_34 = arith.subi %get3A_28, %sub3A_33 : vector<16xi32>
      %ge3A_35 = vector.broadcast %mul3A_2 : i32 to vector<16xi32>
      %ge3A_36 = arith.cmpi sge, %get3A_28, %ge3A_35 : vector<16xi32>
      %add3A_37 = arith.constant 384 : i32
      %add3A_38 = arith.addi %mul3A_2, %add3A_37 : i32
      %lt3A = vector.broadcast %add3A_38 : i32 to vector<16xi32>
      %lt3A_39 = arith.cmpi slt, %get3A_28, %lt3A : vector<16xi32>
      %and3A = arith.andi %ge3A_36, %lt3A_39 : vector<16xi1>
      tpu.vector_store_idx %arg9[%sub3A_34], %get3A_32 masked %and3A : memref<384xf32, #tpu.memory_space<vmem>>[vector<16xi32>], vector<16xf32>, vector<16xi1>
      %scan3A_40 = arith.constant 0 : i32
      scf.yield %scan3A_40 : i32
    }
    %scan3A_21 = arith.constant 256 : i32
    "tpu.region"() ({
      %run_scoped3A = tpu.sem_alloc : memref<!tpu.dma_semaphore, #tpu.memory_space<semaphore_mem>>
      %dma_start3A_24 = tpu.memref_slice %arg6[%mul3A_2] : memref<12288xf32, #tpu.memory_space<hbm>> -> memref<384xf32, #tpu.memory_space<hbm>>
      %dma_start3A_25 = tpu.memref_slice %arg6[%mul3A_2] : memref<12288xf32, #tpu.memory_space<hbm>> -> memref<384xf32, #tpu.memory_space<hbm>>
      tpu.enqueue_dma source(%arg9 : memref<384xf32, #tpu.memory_space<vmem>>) target(%dma_start3A_25 : memref<384xf32, #tpu.memory_space<hbm>>) target_semaphore(%run_scoped3A : memref<!tpu.dma_semaphore, #tpu.memory_space<semaphore_mem>>)
      %dma_wait3A_26 = tpu.memref_slice %arg6[%mul3A_2] : memref<12288xf32, #tpu.memory_space<hbm>> -> memref<384xf32, #tpu.memory_space<hbm>>
      %dma_wait3A_27 = tpu.memref_slice %arg6[%mul3A_2] : memref<12288xf32, #tpu.memory_space<hbm>> -> memref<384xf32, #tpu.memory_space<hbm>>
      tpu.wait_dma2 semaphore(%run_scoped3A : memref<!tpu.dma_semaphore, #tpu.memory_space<semaphore_mem>>) src(%arg9 : memref<384xf32, #tpu.memory_space<vmem>>) dst(%dma_wait3A_27 : memref<384xf32, #tpu.memory_space<hbm>>)
      tpu.yield
    }) : () -> ()
    %dma_wait3A = arith.constant 0 : i32
    %dma_wait3A_22 = arith.constant 0 : i32
    %dma_wait3A_23 = tpu.memref_slice %arg5[%dma_wait3A, %dma_wait3A_22] : memref<12416x768xf32, #tpu.memory_space<hbm>> -> memref<12416x768xf32, #tpu.memory_space<hbm>>
    tpu.wait_indirect_dma semaphore(%arg12 : memref<!tpu.dma_semaphore, #tpu.memory_space<semaphore_mem>>) src(%arg11 : memref<128x768xf32, #tpu.memory_space<vmem>>) dst(%dma_wait3A_23 : memref<12416x768xf32, #tpu.memory_space<hbm>>)
    return
  }
}

#map = affine_map<(d0, d1) -> (0, 0)>
#map1 = affine_map<(d0, d1) -> (0)>
module attributes {stable_mosaic.version = 14 : i64} {
  func.func @_combine_body(%arg0: i32, %arg1: i32, %arg2: memref<2048x768xf32, #tpu.memory_space<hbm>>, %arg3: memref<12416x768xf32, #tpu.memory_space<hbm>>, %arg4: memref<4096xi32, #tpu.memory_space<hbm>>, %arg5: memref<2048x768xf32, #tpu.memory_space<hbm>>, %arg6: memref<16xi32, #tpu.memory_space<vmem>>, %arg7: memref<16xi32, #tpu.memory_space<vmem>>, %arg8: memref<16x768xf32, #tpu.memory_space<vmem>>, %arg9: memref<16x768xf32, #tpu.memory_space<vmem>>, %arg10: memref<16x768xf32, #tpu.memory_space<vmem>>, %arg11: memref<!tpu.dma_semaphore, #tpu.memory_space<semaphore_mem>>, %arg12: memref<16xi32, #tpu.memory_space<vmem>>, %arg13: memref<16xi32, #tpu.memory_space<vmem>>, %arg14: memref<16x768xf32, #tpu.memory_space<vmem>>, %arg15: memref<16x768xf32, #tpu.memory_space<vmem>>, %arg16: memref<16x768xf32, #tpu.memory_space<vmem>>, %arg17: memref<!tpu.dma_semaphore, #tpu.memory_space<semaphore_mem>>) attributes {dimension_semantics = [#tpu.dimension_semantics<core_parallel>, #tpu.dimension_semantics<subcore_parallel>], iteration_bounds = array<i64: 2, 16>, scalar_prefetch = 0 : i64, scratch_operands = 12 : i64, tpu.core_type = #tpu.core_type<sc_vector_subcore>, window_params = [{transform_indices = #map}, {transform_indices = #map}, {transform_indices = #map1}, {transform_indices = #map}]} {
    %mul3A = arith.constant 2 : i32
    %mul3A_0 = arith.muli %arg1, %mul3A : i32
    %add3A = arith.addi %mul3A_0, %arg0 : i32
    %mul3A_1 = arith.constant 64 : i32
    %mul3A_2 = arith.muli %add3A, %mul3A_1 : i32
    %add3A_3 = arith.constant 0 : i32
    %add3A_4 = arith.addi %mul3A_2, %add3A_3 : i32
    "tpu.region"() ({
      %run_scoped3A = tpu.sem_alloc : memref<!tpu.dma_semaphore, #tpu.memory_space<semaphore_mem>>
      %dma_start3A_132 = tpu.memref_slice %arg4[%add3A_4] : memref<4096xi32, #tpu.memory_space<hbm>> -> memref<16xi32, #tpu.memory_space<hbm>>
      %dma_start3A_133 = tpu.memref_slice %arg4[%add3A_4] : memref<4096xi32, #tpu.memory_space<hbm>> -> memref<16xi32, #tpu.memory_space<hbm>>
      tpu.enqueue_dma source(%dma_start3A_133 : memref<16xi32, #tpu.memory_space<hbm>>) target(%arg6 : memref<16xi32, #tpu.memory_space<vmem>>) target_semaphore(%run_scoped3A : memref<!tpu.dma_semaphore, #tpu.memory_space<semaphore_mem>>)
      %dma_wait3A_134 = tpu.memref_slice %arg4[%add3A_4] : memref<4096xi32, #tpu.memory_space<hbm>> -> memref<16xi32, #tpu.memory_space<hbm>>
      %dma_wait3A_135 = tpu.memref_slice %arg4[%add3A_4] : memref<4096xi32, #tpu.memory_space<hbm>> -> memref<16xi32, #tpu.memory_space<hbm>>
      tpu.wait_dma2 semaphore(%run_scoped3A : memref<!tpu.dma_semaphore, #tpu.memory_space<semaphore_mem>>) src(%dma_wait3A_135 : memref<16xi32, #tpu.memory_space<hbm>>) dst(%arg6 : memref<16xi32, #tpu.memory_space<vmem>>)
      tpu.yield
    }) : () -> ()
    %add3A_5 = arith.constant 2048 : i32
    %add3A_6 = arith.addi %add3A_5, %add3A_4 : i32
    "tpu.region"() ({
      %run_scoped3A = tpu.sem_alloc : memref<!tpu.dma_semaphore, #tpu.memory_space<semaphore_mem>>
      %dma_start3A_132 = tpu.memref_slice %arg4[%add3A_6] : memref<4096xi32, #tpu.memory_space<hbm>> -> memref<16xi32, #tpu.memory_space<hbm>>
      %dma_start3A_133 = tpu.memref_slice %arg4[%add3A_6] : memref<4096xi32, #tpu.memory_space<hbm>> -> memref<16xi32, #tpu.memory_space<hbm>>
      tpu.enqueue_dma source(%dma_start3A_133 : memref<16xi32, #tpu.memory_space<hbm>>) target(%arg7 : memref<16xi32, #tpu.memory_space<vmem>>) target_semaphore(%run_scoped3A : memref<!tpu.dma_semaphore, #tpu.memory_space<semaphore_mem>>)
      %dma_wait3A_134 = tpu.memref_slice %arg4[%add3A_6] : memref<4096xi32, #tpu.memory_space<hbm>> -> memref<16xi32, #tpu.memory_space<hbm>>
      %dma_wait3A_135 = tpu.memref_slice %arg4[%add3A_6] : memref<4096xi32, #tpu.memory_space<hbm>> -> memref<16xi32, #tpu.memory_space<hbm>>
      tpu.wait_dma2 semaphore(%run_scoped3A : memref<!tpu.dma_semaphore, #tpu.memory_space<semaphore_mem>>) src(%dma_wait3A_135 : memref<16xi32, #tpu.memory_space<hbm>>) dst(%arg7 : memref<16xi32, #tpu.memory_space<vmem>>)
      tpu.yield
    }) : () -> ()
    %dma_start3A = arith.constant 0 : i32
    %dma_start3A_7 = arith.constant 0 : i32
    %dma_start3A_8 = tpu.memref_slice %arg3[%dma_start3A, %dma_start3A_7] : memref<12416x768xf32, #tpu.memory_space<hbm>> -> memref<12416x768xf32, #tpu.memory_space<hbm>>
    tpu.enqueue_indirect_dma source(%dma_start3A_8 : memref<12416x768xf32, #tpu.memory_space<hbm>>) target(%arg8 : memref<16x768xf32, #tpu.memory_space<vmem>>) offsets(%arg6 : memref<16xi32, #tpu.memory_space<vmem>>) semaphore(%arg11 : memref<!tpu.dma_semaphore, #tpu.memory_space<semaphore_mem>>)
    %dma_start3A_9 = arith.constant 0 : i32
    %dma_start3A_10 = arith.constant 0 : i32
    %dma_start3A_11 = tpu.memref_slice %arg3[%dma_start3A_9, %dma_start3A_10] : memref<12416x768xf32, #tpu.memory_space<hbm>> -> memref<12416x768xf32, #tpu.memory_space<hbm>>
    tpu.enqueue_indirect_dma source(%dma_start3A_11 : memref<12416x768xf32, #tpu.memory_space<hbm>>) target(%arg9 : memref<16x768xf32, #tpu.memory_space<vmem>>) offsets(%arg7 : memref<16xi32, #tpu.memory_space<vmem>>) semaphore(%arg11 : memref<!tpu.dma_semaphore, #tpu.memory_space<semaphore_mem>>)
    %dma_start3A_12 = arith.constant 0 : i32
    %dma_start3A_13 = tpu.memref_slice %arg2[%add3A_4, %dma_start3A_12] : memref<2048x768xf32, #tpu.memory_space<hbm>> -> memref<16x768xf32, #tpu.memory_space<hbm>>
    %dma_start3A_14 = arith.constant 0 : i32
    %dma_start3A_15 = tpu.memref_slice %arg2[%add3A_4, %dma_start3A_14] : memref<2048x768xf32, #tpu.memory_space<hbm>> -> memref<16x768xf32, #tpu.memory_space<hbm>>
    tpu.enqueue_dma source(%dma_start3A_15 : memref<16x768xf32, #tpu.memory_space<hbm>>) target(%arg10 : memref<16x768xf32, #tpu.memory_space<vmem>>) target_semaphore(%arg11 : memref<!tpu.dma_semaphore, #tpu.memory_space<semaphore_mem>>)
    %add3A_16 = arith.constant 16 : i32
    %add3A_17 = arith.addi %mul3A_2, %add3A_16 : i32
    "tpu.region"() ({
      %run_scoped3A = tpu.sem_alloc : memref<!tpu.dma_semaphore, #tpu.memory_space<semaphore_mem>>
      %dma_start3A_132 = tpu.memref_slice %arg4[%add3A_17] : memref<4096xi32, #tpu.memory_space<hbm>> -> memref<16xi32, #tpu.memory_space<hbm>>
      %dma_start3A_133 = tpu.memref_slice %arg4[%add3A_17] : memref<4096xi32, #tpu.memory_space<hbm>> -> memref<16xi32, #tpu.memory_space<hbm>>
      tpu.enqueue_dma source(%dma_start3A_133 : memref<16xi32, #tpu.memory_space<hbm>>) target(%arg12 : memref<16xi32, #tpu.memory_space<vmem>>) target_semaphore(%run_scoped3A : memref<!tpu.dma_semaphore, #tpu.memory_space<semaphore_mem>>)
      %dma_wait3A_134 = tpu.memref_slice %arg4[%add3A_17] : memref<4096xi32, #tpu.memory_space<hbm>> -> memref<16xi32, #tpu.memory_space<hbm>>
      %dma_wait3A_135 = tpu.memref_slice %arg4[%add3A_17] : memref<4096xi32, #tpu.memory_space<hbm>> -> memref<16xi32, #tpu.memory_space<hbm>>
      tpu.wait_dma2 semaphore(%run_scoped3A : memref<!tpu.dma_semaphore, #tpu.memory_space<semaphore_mem>>) src(%dma_wait3A_135 : memref<16xi32, #tpu.memory_space<hbm>>) dst(%arg12 : memref<16xi32, #tpu.memory_space<vmem>>)
      tpu.yield
    }) : () -> ()
    %add3A_18 = arith.constant 2048 : i32
    %add3A_19 = arith.addi %add3A_18, %add3A_17 : i32
    "tpu.region"() ({
      %run_scoped3A = tpu.sem_alloc : memref<!tpu.dma_semaphore, #tpu.memory_space<semaphore_mem>>
      %dma_start3A_132 = tpu.memref_slice %arg4[%add3A_19] : memref<4096xi32, #tpu.memory_space<hbm>> -> memref<16xi32, #tpu.memory_space<hbm>>
      %dma_start3A_133 = tpu.memref_slice %arg4[%add3A_19] : memref<4096xi32, #tpu.memory_space<hbm>> -> memref<16xi32, #tpu.memory_space<hbm>>
      tpu.enqueue_dma source(%dma_start3A_133 : memref<16xi32, #tpu.memory_space<hbm>>) target(%arg13 : memref<16xi32, #tpu.memory_space<vmem>>) target_semaphore(%run_scoped3A : memref<!tpu.dma_semaphore, #tpu.memory_space<semaphore_mem>>)
      %dma_wait3A_134 = tpu.memref_slice %arg4[%add3A_19] : memref<4096xi32, #tpu.memory_space<hbm>> -> memref<16xi32, #tpu.memory_space<hbm>>
      %dma_wait3A_135 = tpu.memref_slice %arg4[%add3A_19] : memref<4096xi32, #tpu.memory_space<hbm>> -> memref<16xi32, #tpu.memory_space<hbm>>
      tpu.wait_dma2 semaphore(%run_scoped3A : memref<!tpu.dma_semaphore, #tpu.memory_space<semaphore_mem>>) src(%dma_wait3A_135 : memref<16xi32, #tpu.memory_space<hbm>>) dst(%arg13 : memref<16xi32, #tpu.memory_space<vmem>>)
      tpu.yield
    }) : () -> ()
    %dma_start3A_20 = arith.constant 0 : i32
    %dma_start3A_21 = arith.constant 0 : i32
    %dma_start3A_22 = tpu.memref_slice %arg3[%dma_start3A_20, %dma_start3A_21] : memref<12416x768xf32, #tpu.memory_space<hbm>> -> memref<12416x768xf32, #tpu.memory_space<hbm>>
    tpu.enqueue_indirect_dma source(%dma_start3A_22 : memref<12416x768xf32, #tpu.memory_space<hbm>>) target(%arg14 : memref<16x768xf32, #tpu.memory_space<vmem>>) offsets(%arg12 : memref<16xi32, #tpu.memory_space<vmem>>) semaphore(%arg17 : memref<!tpu.dma_semaphore, #tpu.memory_space<semaphore_mem>>)
    %dma_start3A_23 = arith.constant 0 : i32
    %dma_start3A_24 = arith.constant 0 : i32
    %dma_start3A_25 = tpu.memref_slice %arg3[%dma_start3A_23, %dma_start3A_24] : memref<12416x768xf32, #tpu.memory_space<hbm>> -> memref<12416x768xf32, #tpu.memory_space<hbm>>
    tpu.enqueue_indirect_dma source(%dma_start3A_25 : memref<12416x768xf32, #tpu.memory_space<hbm>>) target(%arg15 : memref<16x768xf32, #tpu.memory_space<vmem>>) offsets(%arg13 : memref<16xi32, #tpu.memory_space<vmem>>) semaphore(%arg17 : memref<!tpu.dma_semaphore, #tpu.memory_space<semaphore_mem>>)
    %dma_start3A_26 = arith.constant 0 : i32
    %dma_start3A_27 = tpu.memref_slice %arg2[%add3A_17, %dma_start3A_26] : memref<2048x768xf32, #tpu.memory_space<hbm>> -> memref<16x768xf32, #tpu.memory_space<hbm>>
    %dma_start3A_28 = arith.constant 0 : i32
    %dma_start3A_29 = tpu.memref_slice %arg2[%add3A_17, %dma_start3A_28] : memref<2048x768xf32, #tpu.memory_space<hbm>> -> memref<16x768xf32, #tpu.memory_space<hbm>>
    tpu.enqueue_dma source(%dma_start3A_29 : memref<16x768xf32, #tpu.memory_space<hbm>>) target(%arg16 : memref<16x768xf32, #tpu.memory_space<vmem>>) target_semaphore(%arg17 : memref<!tpu.dma_semaphore, #tpu.memory_space<semaphore_mem>>)
    %dma_wait3A = arith.constant 0 : i32
    %dma_wait3A_30 = arith.constant 0 : i32
    %dma_wait3A_31 = tpu.memref_slice %arg3[%dma_wait3A, %dma_wait3A_30] : memref<12416x768xf32, #tpu.memory_space<hbm>> -> memref<12416x768xf32, #tpu.memory_space<hbm>>
    tpu.wait_indirect_dma semaphore(%arg11 : memref<!tpu.dma_semaphore, #tpu.memory_space<semaphore_mem>>) src(%dma_wait3A_31 : memref<12416x768xf32, #tpu.memory_space<hbm>>) dst(%arg8 : memref<16x768xf32, #tpu.memory_space<vmem>>)
    %dma_wait3A_32 = arith.constant 0 : i32
    %dma_wait3A_33 = arith.constant 0 : i32
    %dma_wait3A_34 = tpu.memref_slice %arg3[%dma_wait3A_32, %dma_wait3A_33] : memref<12416x768xf32, #tpu.memory_space<hbm>> -> memref<12416x768xf32, #tpu.memory_space<hbm>>
    tpu.wait_indirect_dma semaphore(%arg11 : memref<!tpu.dma_semaphore, #tpu.memory_space<semaphore_mem>>) src(%dma_wait3A_34 : memref<12416x768xf32, #tpu.memory_space<hbm>>) dst(%arg9 : memref<16x768xf32, #tpu.memory_space<vmem>>)
    %dma_wait3A_35 = arith.constant 0 : i32
    %dma_wait3A_36 = tpu.memref_slice %arg2[%add3A_4, %dma_wait3A_35] : memref<2048x768xf32, #tpu.memory_space<hbm>> -> memref<16x768xf32, #tpu.memory_space<hbm>>
    %dma_wait3A_37 = arith.constant 0 : i32
    %dma_wait3A_38 = tpu.memref_slice %arg2[%add3A_4, %dma_wait3A_37] : memref<2048x768xf32, #tpu.memory_space<hbm>> -> memref<16x768xf32, #tpu.memory_space<hbm>>
    tpu.wait_dma2 semaphore(%arg11 : memref<!tpu.dma_semaphore, #tpu.memory_space<semaphore_mem>>) src(%dma_wait3A_38 : memref<16x768xf32, #tpu.memory_space<hbm>>) dst(%arg10 : memref<16x768xf32, #tpu.memory_space<vmem>>)
    %scan3A = arith.constant 0 : i32
    %scan3A_39 = arith.constant 0 : i32
    %scan3A_40 = arith.constant 16 : i32
    %scan3A_41 = arith.addi %scan3A_39, %scan3A_40 : i32
    %scan3A_42 = arith.constant 1 : i32
    %scan3A_43 = scf.for %scan3A_132 = %scan3A_39 to %scan3A_41 step %scan3A_42 iter_args(%scan3A_133 = %scan3A) -> (i32)  : i32 {
      %get3A = arith.index_cast %scan3A_132 : i32 to index
      %get3A_134 = arith.constant 0 : index
      %get3A_135 = tpu.vector_load %arg10[%get3A, %get3A_134] {strides = array<i32>} : memref<16x768xf32, #tpu.memory_space<vmem>>, vector<16xf32>,
      %get3A_136 = arith.index_cast %scan3A_132 : i32 to index
      %get3A_137 = arith.constant 0 : index
      %get3A_138 = tpu.vector_load %arg8[%get3A_136, %get3A_137] {strides = array<i32>} : memref<16x768xf32, #tpu.memory_space<vmem>>, vector<16xf32>,
      %add3A_139 = arith.addf %get3A_135, %get3A_138 : vector<16xf32>
      %get3A_140 = arith.index_cast %scan3A_132 : i32 to index
      %get3A_141 = arith.constant 0 : index
      %get3A_142 = tpu.vector_load %arg9[%get3A_140, %get3A_141] {strides = array<i32>} : memref<16x768xf32, #tpu.memory_space<vmem>>, vector<16xf32>,
      %add3A_143 = arith.addf %add3A_139, %get3A_142 : vector<16xf32>
      %swap3A = arith.index_cast %scan3A_132 : i32 to index
      %swap3A_144 = arith.constant 0 : index
      %swap3A_145 = tpu.vector_load %arg10[%swap3A, %swap3A_144] {strides = array<i32>} : memref<16x768xf32, #tpu.memory_space<vmem>>, vector<16xf32>,
      tpu.vector_store %arg10[%swap3A, %swap3A_144], %add3A_143 {strides = array<i32>} : memref<16x768xf32, #tpu.memory_space<vmem>>, vector<16xf32>,
      %get3A_146 = arith.index_cast %scan3A_132 : i32 to index
      %get3A_147 = arith.constant 16 : index
      %get3A_148 = tpu.vector_load %arg10[%get3A_146, %get3A_147] {strides = array<i32>} : memref<16x768xf32, #tpu.memory_space<vmem>>, vector<16xf32>,
      %get3A_149 = arith.index_cast %scan3A_132 : i32 to index
      %get3A_150 = arith.constant 16 : index
      %get3A_151 = tpu.vector_load %arg8[%get3A_149, %get3A_150] {strides = array<i32>} : memref<16x768xf32, #tpu.memory_space<vmem>>, vector<16xf32>,
      %add3A_152 = arith.addf %get3A_148, %get3A_151 : vector<16xf32>
      %get3A_153 = arith.index_cast %scan3A_132 : i32 to index
      %get3A_154 = arith.constant 16 : index
      %get3A_155 = tpu.vector_load %arg9[%get3A_153, %get3A_154] {strides = array<i32>} : memref<16x768xf32, #tpu.memory_space<vmem>>, vector<16xf32>,
      %add3A_156 = arith.addf %add3A_152, %get3A_155 : vector<16xf32>
      %swap3A_157 = arith.index_cast %scan3A_132 : i32 to index
      %swap3A_158 = arith.constant 16 : index
      %swap3A_159 = tpu.vector_load %arg10[%swap3A_157, %swap3A_158] {strides = array<i32>} : memref<16x768xf32, #tpu.memory_space<vmem>>, vector<16xf32>,
      tpu.vector_store %arg10[%swap3A_157, %swap3A_158], %add3A_156 {strides = array<i32>} : memref<16x768xf32, #tpu.memory_space<vmem>>, vector<16xf32>,
      %get3A_160 = arith.index_cast %scan3A_132 : i32 to index
      %get3A_161 = arith.constant 32 : index
      %get3A_162 = tpu.vector_load %arg10[%get3A_160, %get3A_161] {strides = array<i32>} : memref<16x768xf32, #tpu.memory_space<vmem>>, vector<16xf32>,
      %get3A_163 = arith.index_cast %scan3A_132 : i32 to index
      %get3A_164 = arith.constant 32 : index
      %get3A_165 = tpu.vector_load %arg8[%get3A_163, %get3A_164] {strides = array<i32>} : memref<16x768xf32, #tpu.memory_space<vmem>>, vector<16xf32>,
      %add3A_166 = arith.addf %get3A_162, %get3A_165 : vector<16xf32>
      %get3A_167 = arith.index_cast %scan3A_132 : i32 to index
      %get3A_168 = arith.constant 32 : index
      %get3A_169 = tpu.vector_load %arg9[%get3A_167, %get3A_168] {strides = array<i32>} : memref<16x768xf32, #tpu.memory_space<vmem>>, vector<16xf32>,
      %add3A_170 = arith.addf %add3A_166, %get3A_169 : vector<16xf32>
      %swap3A_171 = arith.index_cast %scan3A_132 : i32 to index
      %swap3A_172 = arith.constant 32 : index
      %swap3A_173 = tpu.vector_load %arg10[%swap3A_171, %swap3A_172] {strides = array<i32>} : memref<16x768xf32, #tpu.memory_space<vmem>>, vector<16xf32>,
      tpu.vector_store %arg10[%swap3A_171, %swap3A_172], %add3A_170 {strides = array<i32>} : memref<16x768xf32, #tpu.memory_space<vmem>>, vector<16xf32>,
      %get3A_174 = arith.index_cast %scan3A_132 : i32 to index
      %get3A_175 = arith.constant 48 : index
      %get3A_176 = tpu.vector_load %arg10[%get3A_174, %get3A_175] {strides = array<i32>} : memref<16x768xf32, #tpu.memory_space<vmem>>, vector<16xf32>,
      %get3A_177 = arith.index_cast %scan3A_132 : i32 to index
      %get3A_178 = arith.constant 48 : index
      %get3A_179 = tpu.vector_load %arg8[%get3A_177, %get3A_178] {strides = array<i32>} : memref<16x768xf32, #tpu.memory_space<vmem>>, vector<16xf32>,
      %add3A_180 = arith.addf %get3A_176, %get3A_179 : vector<16xf32>
      %get3A_181 = arith.index_cast %scan3A_132 : i32 to index
      %get3A_182 = arith.constant 48 : index
      %get3A_183 = tpu.vector_load %arg9[%get3A_181, %get3A_182] {strides = array<i32>} : memref<16x768xf32, #tpu.memory_space<vmem>>, vector<16xf32>,
      %add3A_184 = arith.addf %add3A_180, %get3A_183 : vector<16xf32>
      %swap3A_185 = arith.index_cast %scan3A_132 : i32 to index
      %swap3A_186 = arith.constant 48 : index
      %swap3A_187 = tpu.vector_load %arg10[%swap3A_185, %swap3A_186] {strides = array<i32>} : memref<16x768xf32, #tpu.memory_space<vmem>>, vector<16xf32>,
      tpu.vector_store %arg10[%swap3A_185, %swap3A_186], %add3A_184 {strides = array<i32>} : memref<16x768xf32, #tpu.memory_space<vmem>>, vector<16xf32>,
      %get3A_188 = arith.index_cast %scan3A_132 : i32 to index
      %get3A_189 = arith.constant 64 : index
      %get3A_190 = tpu.vector_load %arg10[%get3A_188, %get3A_189] {strides = array<i32>} : memref<16x768xf32, #tpu.memory_space<vmem>>, vector<16xf32>,
      %get3A_191 = arith.index_cast %scan3A_132 : i32 to index
      %get3A_192 = arith.constant 64 : index
      %get3A_193 = tpu.vector_load %arg8[%get3A_191, %get3A_192] {strides = array<i32>} : memref<16x768xf32, #tpu.memory_space<vmem>>, vector<16xf32>,
      %add3A_194 = arith.addf %get3A_190, %get3A_193 : vector<16xf32>
      %get3A_195 = arith.index_cast %scan3A_132 : i32 to index
      %get3A_196 = arith.constant 64 : index
      %get3A_197 = tpu.vector_load %arg9[%get3A_195, %get3A_196] {strides = array<i32>} : memref<16x768xf32, #tpu.memory_space<vmem>>, vector<16xf32>,
      %add3A_198 = arith.addf %add3A_194, %get3A_197 : vector<16xf32>
      %swap3A_199 = arith.index_cast %scan3A_132 : i32 to index
      %swap3A_200 = arith.constant 64 : index
      %swap3A_201 = tpu.vector_load %arg10[%swap3A_199, %swap3A_200] {strides = array<i32>} : memref<16x768xf32, #tpu.memory_space<vmem>>, vector<16xf32>,
      tpu.vector_store %arg10[%swap3A_199, %swap3A_200], %add3A_198 {strides = array<i32>} : memref<16x768xf32, #tpu.memory_space<vmem>>, vector<16xf32>,
      %get3A_202 = arith.index_cast %scan3A_132 : i32 to index
      %get3A_203 = arith.constant 80 : index
      %get3A_204 = tpu.vector_load %arg10[%get3A_202, %get3A_203] {strides = array<i32>} : memref<16x768xf32, #tpu.memory_space<vmem>>, vector<16xf32>,
      %get3A_205 = arith.index_cast %scan3A_132 : i32 to index
      %get3A_206 = arith.constant 80 : index
      %get3A_207 = tpu.vector_load %arg8[%get3A_205, %get3A_206] {strides = array<i32>} : memref<16x768xf32, #tpu.memory_space<vmem>>, vector<16xf32>,
      %add3A_208 = arith.addf %get3A_204, %get3A_207 : vector<16xf32>
      %get3A_209 = arith.index_cast %scan3A_132 : i32 to index
      %get3A_210 = arith.constant 80 : index
      %get3A_211 = tpu.vector_load %arg9[%get3A_209, %get3A_210] {strides = array<i32>} : memref<16x768xf32, #tpu.memory_space<vmem>>, vector<16xf32>,
      %add3A_212 = arith.addf %add3A_208, %get3A_211 : vector<16xf32>
      %swap3A_213 = arith.index_cast %scan3A_132 : i32 to index
      %swap3A_214 = arith.constant 80 : index
      %swap3A_215 = tpu.vector_load %arg10[%swap3A_213, %swap3A_214] {strides = array<i32>} : memref<16x768xf32, #tpu.memory_space<vmem>>, vector<16xf32>,
      tpu.vector_store %arg10[%swap3A_213, %swap3A_214], %add3A_212 {strides = array<i32>} : memref<16x768xf32, #tpu.memory_space<vmem>>, vector<16xf32>,
      %get3A_216 = arith.index_cast %scan3A_132 : i32 to index
      %get3A_217 = arith.constant 96 : index
      %get3A_218 = tpu.vector_load %arg10[%get3A_216, %get3A_217] {strides = array<i32>} : memref<16x768xf32, #tpu.memory_space<vmem>>, vector<16xf32>,
      %get3A_219 = arith.index_cast %scan3A_132 : i32 to index
      %get3A_220 = arith.constant 96 : index
      %get3A_221 = tpu.vector_load %arg8[%get3A_219, %get3A_220] {strides = array<i32>} : memref<16x768xf32, #tpu.memory_space<vmem>>, vector<16xf32>,
      %add3A_222 = arith.addf %get3A_218, %get3A_221 : vector<16xf32>
      %get3A_223 = arith.index_cast %scan3A_132 : i32 to index
      %get3A_224 = arith.constant 96 : index
      %get3A_225 = tpu.vector_load %arg9[%get3A_223, %get3A_224] {strides = array<i32>} : memref<16x768xf32, #tpu.memory_space<vmem>>, vector<16xf32>,
      %add3A_226 = arith.addf %add3A_222, %get3A_225 : vector<16xf32>
      %swap3A_227 = arith.index_cast %scan3A_132 : i32 to index
      %swap3A_228 = arith.constant 96 : index
      %swap3A_229 = tpu.vector_load %arg10[%swap3A_227, %swap3A_228] {strides = array<i32>} : memref<16x768xf32, #tpu.memory_space<vmem>>, vector<16xf32>,
      tpu.vector_store %arg10[%swap3A_227, %swap3A_228], %add3A_226 {strides = array<i32>} : memref<16x768xf32, #tpu.memory_space<vmem>>, vector<16xf32>,
      %get3A_230 = arith.index_cast %scan3A_132 : i32 to index
      %get3A_231 = arith.constant 112 : index
      %get3A_232 = tpu.vector_load %arg10[%get3A_230, %get3A_231] {strides = array<i32>} : memref<16x768xf32, #tpu.memory_space<vmem>>, vector<16xf32>,
      %get3A_233 = arith.index_cast %scan3A_132 : i32 to index
      %get3A_234 = arith.constant 112 : index
      %get3A_235 = tpu.vector_load %arg8[%get3A_233, %get3A_234] {strides = array<i32>} : memref<16x768xf32, #tpu.memory_space<vmem>>, vector<16xf32>,
      %add3A_236 = arith.addf %get3A_232, %get3A_235 : vector<16xf32>
      %get3A_237 = arith.index_cast %scan3A_132 : i32 to index
      %get3A_238 = arith.constant 112 : index
      %get3A_239 = tpu.vector_load %arg9[%get3A_237, %get3A_238] {strides = array<i32>} : memref<16x768xf32, #tpu.memory_space<vmem>>, vector<16xf32>,
      %add3A_240 = arith.addf %add3A_236, %get3A_239 : vector<16xf32>
      %swap3A_241 = arith.index_cast %scan3A_132 : i32 to index
      %swap3A_242 = arith.constant 112 : index
      %swap3A_243 = tpu.vector_load %arg10[%swap3A_241, %swap3A_242] {strides = array<i32>} : memref<16x768xf32, #tpu.memory_space<vmem>>, vector<16xf32>,
      tpu.vector_store %arg10[%swap3A_241, %swap3A_242], %add3A_240 {strides = array<i32>} : memref<16x768xf32, #tpu.memory_space<vmem>>, vector<16xf32>,
      %get3A_244 = arith.index_cast %scan3A_132 : i32 to index
      %get3A_245 = arith.constant 128 : index
      %get3A_246 = tpu.vector_load %arg10[%get3A_244, %get3A_245] {strides = array<i32>} : memref<16x768xf32, #tpu.memory_space<vmem>>, vector<16xf32>,
      %get3A_247 = arith.index_cast %scan3A_132 : i32 to index
      %get3A_248 = arith.constant 128 : index
      %get3A_249 = tpu.vector_load %arg8[%get3A_247, %get3A_248] {strides = array<i32>} : memref<16x768xf32, #tpu.memory_space<vmem>>, vector<16xf32>,
      %add3A_250 = arith.addf %get3A_246, %get3A_249 : vector<16xf32>
      %get3A_251 = arith.index_cast %scan3A_132 : i32 to index
      %get3A_252 = arith.constant 128 : index
      %get3A_253 = tpu.vector_load %arg9[%get3A_251, %get3A_252] {strides = array<i32>} : memref<16x768xf32, #tpu.memory_space<vmem>>, vector<16xf32>,
      %add3A_254 = arith.addf %add3A_250, %get3A_253 : vector<16xf32>
      %swap3A_255 = arith.index_cast %scan3A_132 : i32 to index
      %swap3A_256 = arith.constant 128 : index
      %swap3A_257 = tpu.vector_load %arg10[%swap3A_255, %swap3A_256] {strides = array<i32>} : memref<16x768xf32, #tpu.memory_space<vmem>>, vector<16xf32>,
      tpu.vector_store %arg10[%swap3A_255, %swap3A_256], %add3A_254 {strides = array<i32>} : memref<16x768xf32, #tpu.memory_space<vmem>>, vector<16xf32>,
      %get3A_258 = arith.index_cast %scan3A_132 : i32 to index
      %get3A_259 = arith.constant 144 : index
      %get3A_260 = tpu.vector_load %arg10[%get3A_258, %get3A_259] {strides = array<i32>} : memref<16x768xf32, #tpu.memory_space<vmem>>, vector<16xf32>,
      %get3A_261 = arith.index_cast %scan3A_132 : i32 to index
      %get3A_262 = arith.constant 144 : index
      %get3A_263 = tpu.vector_load %arg8[%get3A_261, %get3A_262] {strides = array<i32>} : memref<16x768xf32, #tpu.memory_space<vmem>>, vector<16xf32>,
      %add3A_264 = arith.addf %get3A_260, %get3A_263 : vector<16xf32>
      %get3A_265 = arith.index_cast %scan3A_132 : i32 to index
      %get3A_266 = arith.constant 144 : index
      %get3A_267 = tpu.vector_load %arg9[%get3A_265, %get3A_266] {strides = array<i32>} : memref<16x768xf32, #tpu.memory_space<vmem>>, vector<16xf32>,
      %add3A_268 = arith.addf %add3A_264, %get3A_267 : vector<16xf32>
      %swap3A_269 = arith.index_cast %scan3A_132 : i32 to index
      %swap3A_270 = arith.constant 144 : index
      %swap3A_271 = tpu.vector_load %arg10[%swap3A_269, %swap3A_270] {strides = array<i32>} : memref<16x768xf32, #tpu.memory_space<vmem>>, vector<16xf32>,
      tpu.vector_store %arg10[%swap3A_269, %swap3A_270], %add3A_268 {strides = array<i32>} : memref<16x768xf32, #tpu.memory_space<vmem>>, vector<16xf32>,
      %get3A_272 = arith.index_cast %scan3A_132 : i32 to index
      %get3A_273 = arith.constant 160 : index
      %get3A_274 = tpu.vector_load %arg10[%get3A_272, %get3A_273] {strides = array<i32>} : memref<16x768xf32, #tpu.memory_space<vmem>>, vector<16xf32>,
      %get3A_275 = arith.index_cast %scan3A_132 : i32 to index
      %get3A_276 = arith.constant 160 : index
      %get3A_277 = tpu.vector_load %arg8[%get3A_275, %get3A_276] {strides = array<i32>} : memref<16x768xf32, #tpu.memory_space<vmem>>, vector<16xf32>,
      %add3A_278 = arith.addf %get3A_274, %get3A_277 : vector<16xf32>
      %get3A_279 = arith.index_cast %scan3A_132 : i32 to index
      %get3A_280 = arith.constant 160 : index
      %get3A_281 = tpu.vector_load %arg9[%get3A_279, %get3A_280] {strides = array<i32>} : memref<16x768xf32, #tpu.memory_space<vmem>>, vector<16xf32>,
      %add3A_282 = arith.addf %add3A_278, %get3A_281 : vector<16xf32>
      %swap3A_283 = arith.index_cast %scan3A_132 : i32 to index
      %swap3A_284 = arith.constant 160 : index
      %swap3A_285 = tpu.vector_load %arg10[%swap3A_283, %swap3A_284] {strides = array<i32>} : memref<16x768xf32, #tpu.memory_space<vmem>>, vector<16xf32>,
      tpu.vector_store %arg10[%swap3A_283, %swap3A_284], %add3A_282 {strides = array<i32>} : memref<16x768xf32, #tpu.memory_space<vmem>>, vector<16xf32>,
      %get3A_286 = arith.index_cast %scan3A_132 : i32 to index
      %get3A_287 = arith.constant 176 : index
      %get3A_288 = tpu.vector_load %arg10[%get3A_286, %get3A_287] {strides = array<i32>} : memref<16x768xf32, #tpu.memory_space<vmem>>, vector<16xf32>,
      %get3A_289 = arith.index_cast %scan3A_132 : i32 to index
      %get3A_290 = arith.constant 176 : index
      %get3A_291 = tpu.vector_load %arg8[%get3A_289, %get3A_290] {strides = array<i32>} : memref<16x768xf32, #tpu.memory_space<vmem>>, vector<16xf32>,
      %add3A_292 = arith.addf %get3A_288, %get3A_291 : vector<16xf32>
      %get3A_293 = arith.index_cast %scan3A_132 : i32 to index
      %get3A_294 = arith.constant 176 : index
      %get3A_295 = tpu.vector_load %arg9[%get3A_293, %get3A_294] {strides = array<i32>} : memref<16x768xf32, #tpu.memory_space<vmem>>, vector<16xf32>,
      %add3A_296 = arith.addf %add3A_292, %get3A_295 : vector<16xf32>
      %swap3A_297 = arith.index_cast %scan3A_132 : i32 to index
      %swap3A_298 = arith.constant 176 : index
      %swap3A_299 = tpu.vector_load %arg10[%swap3A_297, %swap3A_298] {strides = array<i32>} : memref<16x768xf32, #tpu.memory_space<vmem>>, vector<16xf32>,
      tpu.vector_store %arg10[%swap3A_297, %swap3A_298], %add3A_296 {strides = array<i32>} : memref<16x768xf32, #tpu.memory_space<vmem>>, vector<16xf32>,
      %get3A_300 = arith.index_cast %scan3A_132 : i32 to index
      %get3A_301 = arith.constant 192 : index
      %get3A_302 = tpu.vector_load %arg10[%get3A_300, %get3A_301] {strides = array<i32>} : memref<16x768xf32, #tpu.memory_space<vmem>>, vector<16xf32>,
      %get3A_303 = arith.index_cast %scan3A_132 : i32 to index
      %get3A_304 = arith.constant 192 : index
      %get3A_305 = tpu.vector_load %arg8[%get3A_303, %get3A_304] {strides = array<i32>} : memref<16x768xf32, #tpu.memory_space<vmem>>, vector<16xf32>,
      %add3A_306 = arith.addf %get3A_302, %get3A_305 : vector<16xf32>
      %get3A_307 = arith.index_cast %scan3A_132 : i32 to index
      %get3A_308 = arith.constant 192 : index
      %get3A_309 = tpu.vector_load %arg9[%get3A_307, %get3A_308] {strides = array<i32>} : memref<16x768xf32, #tpu.memory_space<vmem>>, vector<16xf32>,
      %add3A_310 = arith.addf %add3A_306, %get3A_309 : vector<16xf32>
      %swap3A_311 = arith.index_cast %scan3A_132 : i32 to index
      %swap3A_312 = arith.constant 192 : index
      %swap3A_313 = tpu.vector_load %arg10[%swap3A_311, %swap3A_312] {strides = array<i32>} : memref<16x768xf32, #tpu.memory_space<vmem>>, vector<16xf32>,
      tpu.vector_store %arg10[%swap3A_311, %swap3A_312], %add3A_310 {strides = array<i32>} : memref<16x768xf32, #tpu.memory_space<vmem>>, vector<16xf32>,
      %get3A_314 = arith.index_cast %scan3A_132 : i32 to index
      %get3A_315 = arith.constant 208 : index
      %get3A_316 = tpu.vector_load %arg10[%get3A_314, %get3A_315] {strides = array<i32>} : memref<16x768xf32, #tpu.memory_space<vmem>>, vector<16xf32>,
      %get3A_317 = arith.index_cast %scan3A_132 : i32 to index
      %get3A_318 = arith.constant 208 : index
      %get3A_319 = tpu.vector_load %arg8[%get3A_317, %get3A_318] {strides = array<i32>} : memref<16x768xf32, #tpu.memory_space<vmem>>, vector<16xf32>,
      %add3A_320 = arith.addf %get3A_316, %get3A_319 : vector<16xf32>
      %get3A_321 = arith.index_cast %scan3A_132 : i32 to index
      %get3A_322 = arith.constant 208 : index
      %get3A_323 = tpu.vector_load %arg9[%get3A_321, %get3A_322] {strides = array<i32>} : memref<16x768xf32, #tpu.memory_space<vmem>>, vector<16xf32>,
      %add3A_324 = arith.addf %add3A_320, %get3A_323 : vector<16xf32>
      %swap3A_325 = arith.index_cast %scan3A_132 : i32 to index
      %swap3A_326 = arith.constant 208 : index
      %swap3A_327 = tpu.vector_load %arg10[%swap3A_325, %swap3A_326] {strides = array<i32>} : memref<16x768xf32, #tpu.memory_space<vmem>>, vector<16xf32>,
      tpu.vector_store %arg10[%swap3A_325, %swap3A_326], %add3A_324 {strides = array<i32>} : memref<16x768xf32, #tpu.memory_space<vmem>>, vector<16xf32>,
      %get3A_328 = arith.index_cast %scan3A_132 : i32 to index
      %get3A_329 = arith.constant 224 : index
      %get3A_330 = tpu.vector_load %arg10[%get3A_328, %get3A_329] {strides = array<i32>} : memref<16x768xf32, #tpu.memory_space<vmem>>, vector<16xf32>,
      %get3A_331 = arith.index_cast %scan3A_132 : i32 to index
      %get3A_332 = arith.constant 224 : index
      %get3A_333 = tpu.vector_load %arg8[%get3A_331, %get3A_332] {strides = array<i32>} : memref<16x768xf32, #tpu.memory_space<vmem>>, vector<16xf32>,
      %add3A_334 = arith.addf %get3A_330, %get3A_333 : vector<16xf32>
      %get3A_335 = arith.index_cast %scan3A_132 : i32 to index
      %get3A_336 = arith.constant 224 : index
      %get3A_337 = tpu.vector_load %arg9[%get3A_335, %get3A_336] {strides = array<i32>} : memref<16x768xf32, #tpu.memory_space<vmem>>, vector<16xf32>,
      %add3A_338 = arith.addf %add3A_334, %get3A_337 : vector<16xf32>
      %swap3A_339 = arith.index_cast %scan3A_132 : i32 to index
      %swap3A_340 = arith.constant 224 : index
      %swap3A_341 = tpu.vector_load %arg10[%swap3A_339, %swap3A_340] {strides = array<i32>} : memref<16x768xf32, #tpu.memory_space<vmem>>, vector<16xf32>,
      tpu.vector_store %arg10[%swap3A_339, %swap3A_340], %add3A_338 {strides = array<i32>} : memref<16x768xf32, #tpu.memory_space<vmem>>, vector<16xf32>,
      %get3A_342 = arith.index_cast %scan3A_132 : i32 to index
      %get3A_343 = arith.constant 240 : index
      %get3A_344 = tpu.vector_load %arg10[%get3A_342, %get3A_343] {strides = array<i32>} : memref<16x768xf32, #tpu.memory_space<vmem>>, vector<16xf32>,
      %get3A_345 = arith.index_cast %scan3A_132 : i32 to index
      %get3A_346 = arith.constant 240 : index
      %get3A_347 = tpu.vector_load %arg8[%get3A_345, %get3A_346] {strides = array<i32>} : memref<16x768xf32, #tpu.memory_space<vmem>>, vector<16xf32>,
      %add3A_348 = arith.addf %get3A_344, %get3A_347 : vector<16xf32>
      %get3A_349 = arith.index_cast %scan3A_132 : i32 to index
      %get3A_350 = arith.constant 240 : index
      %get3A_351 = tpu.vector_load %arg9[%get3A_349, %get3A_350] {strides = array<i32>} : memref<16x768xf32, #tpu.memory_space<vmem>>, vector<16xf32>,
      %add3A_352 = arith.addf %add3A_348, %get3A_351 : vector<16xf32>
      %swap3A_353 = arith.index_cast %scan3A_132 : i32 to index
      %swap3A_354 = arith.constant 240 : index
      %swap3A_355 = tpu.vector_load %arg10[%swap3A_353, %swap3A_354] {strides = array<i32>} : memref<16x768xf32, #tpu.memory_space<vmem>>, vector<16xf32>,
      tpu.vector_store %arg10[%swap3A_353, %swap3A_354], %add3A_352 {strides = array<i32>} : memref<16x768xf32, #tpu.memory_space<vmem>>, vector<16xf32>,
      %get3A_356 = arith.index_cast %scan3A_132 : i32 to index
      %get3A_357 = arith.constant 256 : index
      %get3A_358 = tpu.vector_load %arg10[%get3A_356, %get3A_357] {strides = array<i32>} : memref<16x768xf32, #tpu.memory_space<vmem>>, vector<16xf32>,
      %get3A_359 = arith.index_cast %scan3A_132 : i32 to index
      %get3A_360 = arith.constant 256 : index
      %get3A_361 = tpu.vector_load %arg8[%get3A_359, %get3A_360] {strides = array<i32>} : memref<16x768xf32, #tpu.memory_space<vmem>>, vector<16xf32>,
      %add3A_362 = arith.addf %get3A_358, %get3A_361 : vector<16xf32>
      %get3A_363 = arith.index_cast %scan3A_132 : i32 to index
      %get3A_364 = arith.constant 256 : index
      %get3A_365 = tpu.vector_load %arg9[%get3A_363, %get3A_364] {strides = array<i32>} : memref<16x768xf32, #tpu.memory_space<vmem>>, vector<16xf32>,
      %add3A_366 = arith.addf %add3A_362, %get3A_365 : vector<16xf32>
      %swap3A_367 = arith.index_cast %scan3A_132 : i32 to index
      %swap3A_368 = arith.constant 256 : index
      %swap3A_369 = tpu.vector_load %arg10[%swap3A_367, %swap3A_368] {strides = array<i32>} : memref<16x768xf32, #tpu.memory_space<vmem>>, vector<16xf32>,
      tpu.vector_store %arg10[%swap3A_367, %swap3A_368], %add3A_366 {strides = array<i32>} : memref<16x768xf32, #tpu.memory_space<vmem>>, vector<16xf32>,
      %get3A_370 = arith.index_cast %scan3A_132 : i32 to index
      %get3A_371 = arith.constant 272 : index
      %get3A_372 = tpu.vector_load %arg10[%get3A_370, %get3A_371] {strides = array<i32>} : memref<16x768xf32, #tpu.memory_space<vmem>>, vector<16xf32>,
      %get3A_373 = arith.index_cast %scan3A_132 : i32 to index
      %get3A_374 = arith.constant 272 : index
      %get3A_375 = tpu.vector_load %arg8[%get3A_373, %get3A_374] {strides = array<i32>} : memref<16x768xf32, #tpu.memory_space<vmem>>, vector<16xf32>,
      %add3A_376 = arith.addf %get3A_372, %get3A_375 : vector<16xf32>
      %get3A_377 = arith.index_cast %scan3A_132 : i32 to index
      %get3A_378 = arith.constant 272 : index
      %get3A_379 = tpu.vector_load %arg9[%get3A_377, %get3A_378] {strides = array<i32>} : memref<16x768xf32, #tpu.memory_space<vmem>>, vector<16xf32>,
      %add3A_380 = arith.addf %add3A_376, %get3A_379 : vector<16xf32>
      %swap3A_381 = arith.index_cast %scan3A_132 : i32 to index
      %swap3A_382 = arith.constant 272 : index
      %swap3A_383 = tpu.vector_load %arg10[%swap3A_381, %swap3A_382] {strides = array<i32>} : memref<16x768xf32, #tpu.memory_space<vmem>>, vector<16xf32>,
      tpu.vector_store %arg10[%swap3A_381, %swap3A_382], %add3A_380 {strides = array<i32>} : memref<16x768xf32, #tpu.memory_space<vmem>>, vector<16xf32>,
      %get3A_384 = arith.index_cast %scan3A_132 : i32 to index
      %get3A_385 = arith.constant 288 : index
      %get3A_386 = tpu.vector_load %arg10[%get3A_384, %get3A_385] {strides = array<i32>} : memref<16x768xf32, #tpu.memory_space<vmem>>, vector<16xf32>,
      %get3A_387 = arith.index_cast %scan3A_132 : i32 to index
      %get3A_388 = arith.constant 288 : index
      %get3A_389 = tpu.vector_load %arg8[%get3A_387, %get3A_388] {strides = array<i32>} : memref<16x768xf32, #tpu.memory_space<vmem>>, vector<16xf32>,
      %add3A_390 = arith.addf %get3A_386, %get3A_389 : vector<16xf32>
      %get3A_391 = arith.index_cast %scan3A_132 : i32 to index
      %get3A_392 = arith.constant 288 : index
      %get3A_393 = tpu.vector_load %arg9[%get3A_391, %get3A_392] {strides = array<i32>} : memref<16x768xf32, #tpu.memory_space<vmem>>, vector<16xf32>,
      %add3A_394 = arith.addf %add3A_390, %get3A_393 : vector<16xf32>
      %swap3A_395 = arith.index_cast %scan3A_132 : i32 to index
      %swap3A_396 = arith.constant 288 : index
      %swap3A_397 = tpu.vector_load %arg10[%swap3A_395, %swap3A_396] {strides = array<i32>} : memref<16x768xf32, #tpu.memory_space<vmem>>, vector<16xf32>,
      tpu.vector_store %arg10[%swap3A_395, %swap3A_396], %add3A_394 {strides = array<i32>} : memref<16x768xf32, #tpu.memory_space<vmem>>, vector<16xf32>,
      %get3A_398 = arith.index_cast %scan3A_132 : i32 to index
      %get3A_399 = arith.constant 304 : index
      %get3A_400 = tpu.vector_load %arg10[%get3A_398, %get3A_399] {strides = array<i32>} : memref<16x768xf32, #tpu.memory_space<vmem>>, vector<16xf32>,
      %get3A_401 = arith.index_cast %scan3A_132 : i32 to index
      %get3A_402 = arith.constant 304 : index
      %get3A_403 = tpu.vector_load %arg8[%get3A_401, %get3A_402] {strides = array<i32>} : memref<16x768xf32, #tpu.memory_space<vmem>>, vector<16xf32>,
      %add3A_404 = arith.addf %get3A_400, %get3A_403 : vector<16xf32>
      %get3A_405 = arith.index_cast %scan3A_132 : i32 to index
      %get3A_406 = arith.constant 304 : index
      %get3A_407 = tpu.vector_load %arg9[%get3A_405, %get3A_406] {strides = array<i32>} : memref<16x768xf32, #tpu.memory_space<vmem>>, vector<16xf32>,
      %add3A_408 = arith.addf %add3A_404, %get3A_407 : vector<16xf32>
      %swap3A_409 = arith.index_cast %scan3A_132 : i32 to index
      %swap3A_410 = arith.constant 304 : index
      %swap3A_411 = tpu.vector_load %arg10[%swap3A_409, %swap3A_410] {strides = array<i32>} : memref<16x768xf32, #tpu.memory_space<vmem>>, vector<16xf32>,
      tpu.vector_store %arg10[%swap3A_409, %swap3A_410], %add3A_408 {strides = array<i32>} : memref<16x768xf32, #tpu.memory_space<vmem>>, vector<16xf32>,
      %get3A_412 = arith.index_cast %scan3A_132 : i32 to index
      %get3A_413 = arith.constant 320 : index
      %get3A_414 = tpu.vector_load %arg10[%get3A_412, %get3A_413] {strides = array<i32>} : memref<16x768xf32, #tpu.memory_space<vmem>>, vector<16xf32>,
      %get3A_415 = arith.index_cast %scan3A_132 : i32 to index
      %get3A_416 = arith.constant 320 : index
      %get3A_417 = tpu.vector_load %arg8[%get3A_415, %get3A_416] {strides = array<i32>} : memref<16x768xf32, #tpu.memory_space<vmem>>, vector<16xf32>,
      %add3A_418 = arith.addf %get3A_414, %get3A_417 : vector<16xf32>
      %get3A_419 = arith.index_cast %scan3A_132 : i32 to index
      %get3A_420 = arith.constant 320 : index
      %get3A_421 = tpu.vector_load %arg9[%get3A_419, %get3A_420] {strides = array<i32>} : memref<16x768xf32, #tpu.memory_space<vmem>>, vector<16xf32>,
      %add3A_422 = arith.addf %add3A_418, %get3A_421 : vector<16xf32>
      %swap3A_423 = arith.index_cast %scan3A_132 : i32 to index
      %swap3A_424 = arith.constant 320 : index
      %swap3A_425 = tpu.vector_load %arg10[%swap3A_423, %swap3A_424] {strides = array<i32>} : memref<16x768xf32, #tpu.memory_space<vmem>>, vector<16xf32>,
      tpu.vector_store %arg10[%swap3A_423, %swap3A_424], %add3A_422 {strides = array<i32>} : memref<16x768xf32, #tpu.memory_space<vmem>>, vector<16xf32>,
      %get3A_426 = arith.index_cast %scan3A_132 : i32 to index
      %get3A_427 = arith.constant 336 : index
      %get3A_428 = tpu.vector_load %arg10[%get3A_426, %get3A_427] {strides = array<i32>} : memref<16x768xf32, #tpu.memory_space<vmem>>, vector<16xf32>,
      %get3A_429 = arith.index_cast %scan3A_132 : i32 to index
      %get3A_430 = arith.constant 336 : index
      %get3A_431 = tpu.vector_load %arg8[%get3A_429, %get3A_430] {strides = array<i32>} : memref<16x768xf32, #tpu.memory_space<vmem>>, vector<16xf32>,
      %add3A_432 = arith.addf %get3A_428, %get3A_431 : vector<16xf32>
      %get3A_433 = arith.index_cast %scan3A_132 : i32 to index
      %get3A_434 = arith.constant 336 : index
      %get3A_435 = tpu.vector_load %arg9[%get3A_433, %get3A_434] {strides = array<i32>} : memref<16x768xf32, #tpu.memory_space<vmem>>, vector<16xf32>,
      %add3A_436 = arith.addf %add3A_432, %get3A_435 : vector<16xf32>
      %swap3A_437 = arith.index_cast %scan3A_132 : i32 to index
      %swap3A_438 = arith.constant 336 : index
      %swap3A_439 = tpu.vector_load %arg10[%swap3A_437, %swap3A_438] {strides = array<i32>} : memref<16x768xf32, #tpu.memory_space<vmem>>, vector<16xf32>,
      tpu.vector_store %arg10[%swap3A_437, %swap3A_438], %add3A_436 {strides = array<i32>} : memref<16x768xf32, #tpu.memory_space<vmem>>, vector<16xf32>,
      %get3A_440 = arith.index_cast %scan3A_132 : i32 to index
      %get3A_441 = arith.constant 352 : index
      %get3A_442 = tpu.vector_load %arg10[%get3A_440, %get3A_441] {strides = array<i32>} : memref<16x768xf32, #tpu.memory_space<vmem>>, vector<16xf32>,
      %get3A_443 = arith.index_cast %scan3A_132 : i32 to index
      %get3A_444 = arith.constant 352 : index
      %get3A_445 = tpu.vector_load %arg8[%get3A_443, %get3A_444] {strides = array<i32>} : memref<16x768xf32, #tpu.memory_space<vmem>>, vector<16xf32>,
      %add3A_446 = arith.addf %get3A_442, %get3A_445 : vector<16xf32>
      %get3A_447 = arith.index_cast %scan3A_132 : i32 to index
      %get3A_448 = arith.constant 352 : index
      %get3A_449 = tpu.vector_load %arg9[%get3A_447, %get3A_448] {strides = array<i32>} : memref<16x768xf32, #tpu.memory_space<vmem>>, vector<16xf32>,
      %add3A_450 = arith.addf %add3A_446, %get3A_449 : vector<16xf32>
      %swap3A_451 = arith.index_cast %scan3A_132 : i32 to index
      %swap3A_452 = arith.constant 352 : index
      %swap3A_453 = tpu.vector_load %arg10[%swap3A_451, %swap3A_452] {strides = array<i32>} : memref<16x768xf32, #tpu.memory_space<vmem>>, vector<16xf32>,
      tpu.vector_store %arg10[%swap3A_451, %swap3A_452], %add3A_450 {strides = array<i32>} : memref<16x768xf32, #tpu.memory_space<vmem>>, vector<16xf32>,
      %get3A_454 = arith.index_cast %scan3A_132 : i32 to index
      %get3A_455 = arith.constant 368 : index
      %get3A_456 = tpu.vector_load %arg10[%get3A_454, %get3A_455] {strides = array<i32>} : memref<16x768xf32, #tpu.memory_space<vmem>>, vector<16xf32>,
      %get3A_457 = arith.index_cast %scan3A_132 : i32 to index
      %get3A_458 = arith.constant 368 : index
      %get3A_459 = tpu.vector_load %arg8[%get3A_457, %get3A_458] {strides = array<i32>} : memref<16x768xf32, #tpu.memory_space<vmem>>, vector<16xf32>,
      %add3A_460 = arith.addf %get3A_456, %get3A_459 : vector<16xf32>
      %get3A_461 = arith.index_cast %scan3A_132 : i32 to index
      %get3A_462 = arith.constant 368 : index
      %get3A_463 = tpu.vector_load %arg9[%get3A_461, %get3A_462] {strides = array<i32>} : memref<16x768xf32, #tpu.memory_space<vmem>>, vector<16xf32>,
      %add3A_464 = arith.addf %add3A_460, %get3A_463 : vector<16xf32>
      %swap3A_465 = arith.index_cast %scan3A_132 : i32 to index
      %swap3A_466 = arith.constant 368 : index
      %swap3A_467 = tpu.vector_load %arg10[%swap3A_465, %swap3A_466] {strides = array<i32>} : memref<16x768xf32, #tpu.memory_space<vmem>>, vector<16xf32>,
      tpu.vector_store %arg10[%swap3A_465, %swap3A_466], %add3A_464 {strides = array<i32>} : memref<16x768xf32, #tpu.memory_space<vmem>>, vector<16xf32>,
      %get3A_468 = arith.index_cast %scan3A_132 : i32 to index
      %get3A_469 = arith.constant 384 : index
      %get3A_470 = tpu.vector_load %arg10[%get3A_468, %get3A_469] {strides = array<i32>} : memref<16x768xf32, #tpu.memory_space<vmem>>, vector<16xf32>,
      %get3A_471 = arith.index_cast %scan3A_132 : i32 to index
      %get3A_472 = arith.constant 384 : index
      %get3A_473 = tpu.vector_load %arg8[%get3A_471, %get3A_472] {strides = array<i32>} : memref<16x768xf32, #tpu.memory_space<vmem>>, vector<16xf32>,
      %add3A_474 = arith.addf %get3A_470, %get3A_473 : vector<16xf32>
      %get3A_475 = arith.index_cast %scan3A_132 : i32 to index
      %get3A_476 = arith.constant 384 : index
      %get3A_477 = tpu.vector_load %arg9[%get3A_475, %get3A_476] {strides = array<i32>} : memref<16x768xf32, #tpu.memory_space<vmem>>, vector<16xf32>,
      %add3A_478 = arith.addf %add3A_474, %get3A_477 : vector<16xf32>
      %swap3A_479 = arith.index_cast %scan3A_132 : i32 to index
      %swap3A_480 = arith.constant 384 : index
      %swap3A_481 = tpu.vector_load %arg10[%swap3A_479, %swap3A_480] {strides = array<i32>} : memref<16x768xf32, #tpu.memory_space<vmem>>, vector<16xf32>,
      tpu.vector_store %arg10[%swap3A_479, %swap3A_480], %add3A_478 {strides = array<i32>} : memref<16x768xf32, #tpu.memory_space<vmem>>, vector<16xf32>,
      %get3A_482 = arith.index_cast %scan3A_132 : i32 to index
      %get3A_483 = arith.constant 400 : index
      %get3A_484 = tpu.vector_load %arg10[%get3A_482, %get3A_483] {strides = array<i32>} : memref<16x768xf32, #tpu.memory_space<vmem>>, vector<16xf32>,
      %get3A_485 = arith.index_cast %scan3A_132 : i32 to index
      %get3A_486 = arith.constant 400 : index
      %get3A_487 = tpu.vector_load %arg8[%get3A_485, %get3A_486] {strides = array<i32>} : memref<16x768xf32, #tpu.memory_space<vmem>>, vector<16xf32>,
      %add3A_488 = arith.addf %get3A_484, %get3A_487 : vector<16xf32>
      %get3A_489 = arith.index_cast %scan3A_132 : i32 to index
      %get3A_490 = arith.constant 400 : index
      %get3A_491 = tpu.vector_load %arg9[%get3A_489, %get3A_490] {strides = array<i32>} : memref<16x768xf32, #tpu.memory_space<vmem>>, vector<16xf32>,
      %add3A_492 = arith.addf %add3A_488, %get3A_491 : vector<16xf32>
      %swap3A_493 = arith.index_cast %scan3A_132 : i32 to index
      %swap3A_494 = arith.constant 400 : index
      %swap3A_495 = tpu.vector_load %arg10[%swap3A_493, %swap3A_494] {strides = array<i32>} : memref<16x768xf32, #tpu.memory_space<vmem>>, vector<16xf32>,
      tpu.vector_store %arg10[%swap3A_493, %swap3A_494], %add3A_492 {strides = array<i32>} : memref<16x768xf32, #tpu.memory_space<vmem>>, vector<16xf32>,
      %get3A_496 = arith.index_cast %scan3A_132 : i32 to index
      %get3A_497 = arith.constant 416 : index
      %get3A_498 = tpu.vector_load %arg10[%get3A_496, %get3A_497] {strides = array<i32>} : memref<16x768xf32, #tpu.memory_space<vmem>>, vector<16xf32>,
      %get3A_499 = arith.index_cast %scan3A_132 : i32 to index
      %get3A_500 = arith.constant 416 : index
      %get3A_501 = tpu.vector_load %arg8[%get3A_499, %get3A_500] {strides = array<i32>} : memref<16x768xf32, #tpu.memory_space<vmem>>, vector<16xf32>,
      %add3A_502 = arith.addf %get3A_498, %get3A_501 : vector<16xf32>
      %get3A_503 = arith.index_cast %scan3A_132 : i32 to index
      %get3A_504 = arith.constant 416 : index
      %get3A_505 = tpu.vector_load %arg9[%get3A_503, %get3A_504] {strides = array<i32>} : memref<16x768xf32, #tpu.memory_space<vmem>>, vector<16xf32>,
      %add3A_506 = arith.addf %add3A_502, %get3A_505 : vector<16xf32>
      %swap3A_507 = arith.index_cast %scan3A_132 : i32 to index
      %swap3A_508 = arith.constant 416 : index
      %swap3A_509 = tpu.vector_load %arg10[%swap3A_507, %swap3A_508] {strides = array<i32>} : memref<16x768xf32, #tpu.memory_space<vmem>>, vector<16xf32>,
      tpu.vector_store %arg10[%swap3A_507, %swap3A_508], %add3A_506 {strides = array<i32>} : memref<16x768xf32, #tpu.memory_space<vmem>>, vector<16xf32>,
      %get3A_510 = arith.index_cast %scan3A_132 : i32 to index
      %get3A_511 = arith.constant 432 : index
      %get3A_512 = tpu.vector_load %arg10[%get3A_510, %get3A_511] {strides = array<i32>} : memref<16x768xf32, #tpu.memory_space<vmem>>, vector<16xf32>,
      %get3A_513 = arith.index_cast %scan3A_132 : i32 to index
      %get3A_514 = arith.constant 432 : index
      %get3A_515 = tpu.vector_load %arg8[%get3A_513, %get3A_514] {strides = array<i32>} : memref<16x768xf32, #tpu.memory_space<vmem>>, vector<16xf32>,
      %add3A_516 = arith.addf %get3A_512, %get3A_515 : vector<16xf32>
      %get3A_517 = arith.index_cast %scan3A_132 : i32 to index
      %get3A_518 = arith.constant 432 : index
      %get3A_519 = tpu.vector_load %arg9[%get3A_517, %get3A_518] {strides = array<i32>} : memref<16x768xf32, #tpu.memory_space<vmem>>, vector<16xf32>,
      %add3A_520 = arith.addf %add3A_516, %get3A_519 : vector<16xf32>
      %swap3A_521 = arith.index_cast %scan3A_132 : i32 to index
      %swap3A_522 = arith.constant 432 : index
      %swap3A_523 = tpu.vector_load %arg10[%swap3A_521, %swap3A_522] {strides = array<i32>} : memref<16x768xf32, #tpu.memory_space<vmem>>, vector<16xf32>,
      tpu.vector_store %arg10[%swap3A_521, %swap3A_522], %add3A_520 {strides = array<i32>} : memref<16x768xf32, #tpu.memory_space<vmem>>, vector<16xf32>,
      %get3A_524 = arith.index_cast %scan3A_132 : i32 to index
      %get3A_525 = arith.constant 448 : index
      %get3A_526 = tpu.vector_load %arg10[%get3A_524, %get3A_525] {strides = array<i32>} : memref<16x768xf32, #tpu.memory_space<vmem>>, vector<16xf32>,
      %get3A_527 = arith.index_cast %scan3A_132 : i32 to index
      %get3A_528 = arith.constant 448 : index
      %get3A_529 = tpu.vector_load %arg8[%get3A_527, %get3A_528] {strides = array<i32>} : memref<16x768xf32, #tpu.memory_space<vmem>>, vector<16xf32>,
      %add3A_530 = arith.addf %get3A_526, %get3A_529 : vector<16xf32>
      %get3A_531 = arith.index_cast %scan3A_132 : i32 to index
      %get3A_532 = arith.constant 448 : index
      %get3A_533 = tpu.vector_load %arg9[%get3A_531, %get3A_532] {strides = array<i32>} : memref<16x768xf32, #tpu.memory_space<vmem>>, vector<16xf32>,
      %add3A_534 = arith.addf %add3A_530, %get3A_533 : vector<16xf32>
      %swap3A_535 = arith.index_cast %scan3A_132 : i32 to index
      %swap3A_536 = arith.constant 448 : index
      %swap3A_537 = tpu.vector_load %arg10[%swap3A_535, %swap3A_536] {strides = array<i32>} : memref<16x768xf32, #tpu.memory_space<vmem>>, vector<16xf32>,
      tpu.vector_store %arg10[%swap3A_535, %swap3A_536], %add3A_534 {strides = array<i32>} : memref<16x768xf32, #tpu.memory_space<vmem>>, vector<16xf32>,
      %get3A_538 = arith.index_cast %scan3A_132 : i32 to index
      %get3A_539 = arith.constant 464 : index
      %get3A_540 = tpu.vector_load %arg10[%get3A_538, %get3A_539] {strides = array<i32>} : memref<16x768xf32, #tpu.memory_space<vmem>>, vector<16xf32>,
      %get3A_541 = arith.index_cast %scan3A_132 : i32 to index
      %get3A_542 = arith.constant 464 : index
      %get3A_543 = tpu.vector_load %arg8[%get3A_541, %get3A_542] {strides = array<i32>} : memref<16x768xf32, #tpu.memory_space<vmem>>, vector<16xf32>,
      %add3A_544 = arith.addf %get3A_540, %get3A_543 : vector<16xf32>
      %get3A_545 = arith.index_cast %scan3A_132 : i32 to index
      %get3A_546 = arith.constant 464 : index
      %get3A_547 = tpu.vector_load %arg9[%get3A_545, %get3A_546] {strides = array<i32>} : memref<16x768xf32, #tpu.memory_space<vmem>>, vector<16xf32>,
      %add3A_548 = arith.addf %add3A_544, %get3A_547 : vector<16xf32>
      %swap3A_549 = arith.index_cast %scan3A_132 : i32 to index
      %swap3A_550 = arith.constant 464 : index
      %swap3A_551 = tpu.vector_load %arg10[%swap3A_549, %swap3A_550] {strides = array<i32>} : memref<16x768xf32, #tpu.memory_space<vmem>>, vector<16xf32>,
      tpu.vector_store %arg10[%swap3A_549, %swap3A_550], %add3A_548 {strides = array<i32>} : memref<16x768xf32, #tpu.memory_space<vmem>>, vector<16xf32>,
      %get3A_552 = arith.index_cast %scan3A_132 : i32 to index
      %get3A_553 = arith.constant 480 : index
      %get3A_554 = tpu.vector_load %arg10[%get3A_552, %get3A_553] {strides = array<i32>} : memref<16x768xf32, #tpu.memory_space<vmem>>, vector<16xf32>,
      %get3A_555 = arith.index_cast %scan3A_132 : i32 to index
      %get3A_556 = arith.constant 480 : index
      %get3A_557 = tpu.vector_load %arg8[%get3A_555, %get3A_556] {strides = array<i32>} : memref<16x768xf32, #tpu.memory_space<vmem>>, vector<16xf32>,
      %add3A_558 = arith.addf %get3A_554, %get3A_557 : vector<16xf32>
      %get3A_559 = arith.index_cast %scan3A_132 : i32 to index
      %get3A_560 = arith.constant 480 : index
      %get3A_561 = tpu.vector_load %arg9[%get3A_559, %get3A_560] {strides = array<i32>} : memref<16x768xf32, #tpu.memory_space<vmem>>, vector<16xf32>,
      %add3A_562 = arith.addf %add3A_558, %get3A_561 : vector<16xf32>
      %swap3A_563 = arith.index_cast %scan3A_132 : i32 to index
      %swap3A_564 = arith.constant 480 : index
      %swap3A_565 = tpu.vector_load %arg10[%swap3A_563, %swap3A_564] {strides = array<i32>} : memref<16x768xf32, #tpu.memory_space<vmem>>, vector<16xf32>,
      tpu.vector_store %arg10[%swap3A_563, %swap3A_564], %add3A_562 {strides = array<i32>} : memref<16x768xf32, #tpu.memory_space<vmem>>, vector<16xf32>,
      %get3A_566 = arith.index_cast %scan3A_132 : i32 to index
      %get3A_567 = arith.constant 496 : index
      %get3A_568 = tpu.vector_load %arg10[%get3A_566, %get3A_567] {strides = array<i32>} : memref<16x768xf32, #tpu.memory_space<vmem>>, vector<16xf32>,
      %get3A_569 = arith.index_cast %scan3A_132 : i32 to index
      %get3A_570 = arith.constant 496 : index
      %get3A_571 = tpu.vector_load %arg8[%get3A_569, %get3A_570] {strides = array<i32>} : memref<16x768xf32, #tpu.memory_space<vmem>>, vector<16xf32>,
      %add3A_572 = arith.addf %get3A_568, %get3A_571 : vector<16xf32>
      %get3A_573 = arith.index_cast %scan3A_132 : i32 to index
      %get3A_574 = arith.constant 496 : index
      %get3A_575 = tpu.vector_load %arg9[%get3A_573, %get3A_574] {strides = array<i32>} : memref<16x768xf32, #tpu.memory_space<vmem>>, vector<16xf32>,
      %add3A_576 = arith.addf %add3A_572, %get3A_575 : vector<16xf32>
      %swap3A_577 = arith.index_cast %scan3A_132 : i32 to index
      %swap3A_578 = arith.constant 496 : index
      %swap3A_579 = tpu.vector_load %arg10[%swap3A_577, %swap3A_578] {strides = array<i32>} : memref<16x768xf32, #tpu.memory_space<vmem>>, vector<16xf32>,
      tpu.vector_store %arg10[%swap3A_577, %swap3A_578], %add3A_576 {strides = array<i32>} : memref<16x768xf32, #tpu.memory_space<vmem>>, vector<16xf32>,
      %get3A_580 = arith.index_cast %scan3A_132 : i32 to index
      %get3A_581 = arith.constant 512 : index
      %get3A_582 = tpu.vector_load %arg10[%get3A_580, %get3A_581] {strides = array<i32>} : memref<16x768xf32, #tpu.memory_space<vmem>>, vector<16xf32>,
      %get3A_583 = arith.index_cast %scan3A_132 : i32 to index
      %get3A_584 = arith.constant 512 : index
      %get3A_585 = tpu.vector_load %arg8[%get3A_583, %get3A_584] {strides = array<i32>} : memref<16x768xf32, #tpu.memory_space<vmem>>, vector<16xf32>,
      %add3A_586 = arith.addf %get3A_582, %get3A_585 : vector<16xf32>
      %get3A_587 = arith.index_cast %scan3A_132 : i32 to index
      %get3A_588 = arith.constant 512 : index
      %get3A_589 = tpu.vector_load %arg9[%get3A_587, %get3A_588] {strides = array<i32>} : memref<16x768xf32, #tpu.memory_space<vmem>>, vector<16xf32>,
      %add3A_590 = arith.addf %add3A_586, %get3A_589 : vector<16xf32>
      %swap3A_591 = arith.index_cast %scan3A_132 : i32 to index
      %swap3A_592 = arith.constant 512 : index
      %swap3A_593 = tpu.vector_load %arg10[%swap3A_591, %swap3A_592] {strides = array<i32>} : memref<16x768xf32, #tpu.memory_space<vmem>>, vector<16xf32>,
      tpu.vector_store %arg10[%swap3A_591, %swap3A_592], %add3A_590 {strides = array<i32>} : memref<16x768xf32, #tpu.memory_space<vmem>>, vector<16xf32>,
      %get3A_594 = arith.index_cast %scan3A_132 : i32 to index
      %get3A_595 = arith.constant 528 : index
      %get3A_596 = tpu.vector_load %arg10[%get3A_594, %get3A_595] {strides = array<i32>} : memref<16x768xf32, #tpu.memory_space<vmem>>, vector<16xf32>,
      %get3A_597 = arith.index_cast %scan3A_132 : i32 to index
      %get3A_598 = arith.constant 528 : index
      %get3A_599 = tpu.vector_load %arg8[%get3A_597, %get3A_598] {strides = array<i32>} : memref<16x768xf32, #tpu.memory_space<vmem>>, vector<16xf32>,
      %add3A_600 = arith.addf %get3A_596, %get3A_599 : vector<16xf32>
      %get3A_601 = arith.index_cast %scan3A_132 : i32 to index
      %get3A_602 = arith.constant 528 : index
      %get3A_603 = tpu.vector_load %arg9[%get3A_601, %get3A_602] {strides = array<i32>} : memref<16x768xf32, #tpu.memory_space<vmem>>, vector<16xf32>,
      %add3A_604 = arith.addf %add3A_600, %get3A_603 : vector<16xf32>
      %swap3A_605 = arith.index_cast %scan3A_132 : i32 to index
      %swap3A_606 = arith.constant 528 : index
      %swap3A_607 = tpu.vector_load %arg10[%swap3A_605, %swap3A_606] {strides = array<i32>} : memref<16x768xf32, #tpu.memory_space<vmem>>, vector<16xf32>,
      tpu.vector_store %arg10[%swap3A_605, %swap3A_606], %add3A_604 {strides = array<i32>} : memref<16x768xf32, #tpu.memory_space<vmem>>, vector<16xf32>,
      %get3A_608 = arith.index_cast %scan3A_132 : i32 to index
      %get3A_609 = arith.constant 544 : index
      %get3A_610 = tpu.vector_load %arg10[%get3A_608, %get3A_609] {strides = array<i32>} : memref<16x768xf32, #tpu.memory_space<vmem>>, vector<16xf32>,
      %get3A_611 = arith.index_cast %scan3A_132 : i32 to index
      %get3A_612 = arith.constant 544 : index
      %get3A_613 = tpu.vector_load %arg8[%get3A_611, %get3A_612] {strides = array<i32>} : memref<16x768xf32, #tpu.memory_space<vmem>>, vector<16xf32>,
      %add3A_614 = arith.addf %get3A_610, %get3A_613 : vector<16xf32>
      %get3A_615 = arith.index_cast %scan3A_132 : i32 to index
      %get3A_616 = arith.constant 544 : index
      %get3A_617 = tpu.vector_load %arg9[%get3A_615, %get3A_616] {strides = array<i32>} : memref<16x768xf32, #tpu.memory_space<vmem>>, vector<16xf32>,
      %add3A_618 = arith.addf %add3A_614, %get3A_617 : vector<16xf32>
      %swap3A_619 = arith.index_cast %scan3A_132 : i32 to index
      %swap3A_620 = arith.constant 544 : index
      %swap3A_621 = tpu.vector_load %arg10[%swap3A_619, %swap3A_620] {strides = array<i32>} : memref<16x768xf32, #tpu.memory_space<vmem>>, vector<16xf32>,
      tpu.vector_store %arg10[%swap3A_619, %swap3A_620], %add3A_618 {strides = array<i32>} : memref<16x768xf32, #tpu.memory_space<vmem>>, vector<16xf32>,
      %get3A_622 = arith.index_cast %scan3A_132 : i32 to index
      %get3A_623 = arith.constant 560 : index
      %get3A_624 = tpu.vector_load %arg10[%get3A_622, %get3A_623] {strides = array<i32>} : memref<16x768xf32, #tpu.memory_space<vmem>>, vector<16xf32>,
      %get3A_625 = arith.index_cast %scan3A_132 : i32 to index
      %get3A_626 = arith.constant 560 : index
      %get3A_627 = tpu.vector_load %arg8[%get3A_625, %get3A_626] {strides = array<i32>} : memref<16x768xf32, #tpu.memory_space<vmem>>, vector<16xf32>,
      %add3A_628 = arith.addf %get3A_624, %get3A_627 : vector<16xf32>
      %get3A_629 = arith.index_cast %scan3A_132 : i32 to index
      %get3A_630 = arith.constant 560 : index
      %get3A_631 = tpu.vector_load %arg9[%get3A_629, %get3A_630] {strides = array<i32>} : memref<16x768xf32, #tpu.memory_space<vmem>>, vector<16xf32>,
      %add3A_632 = arith.addf %add3A_628, %get3A_631 : vector<16xf32>
      %swap3A_633 = arith.index_cast %scan3A_132 : i32 to index
      %swap3A_634 = arith.constant 560 : index
      %swap3A_635 = tpu.vector_load %arg10[%swap3A_633, %swap3A_634] {strides = array<i32>} : memref<16x768xf32, #tpu.memory_space<vmem>>, vector<16xf32>,
      tpu.vector_store %arg10[%swap3A_633, %swap3A_634], %add3A_632 {strides = array<i32>} : memref<16x768xf32, #tpu.memory_space<vmem>>, vector<16xf32>,
      %get3A_636 = arith.index_cast %scan3A_132 : i32 to index
      %get3A_637 = arith.constant 576 : index
      %get3A_638 = tpu.vector_load %arg10[%get3A_636, %get3A_637] {strides = array<i32>} : memref<16x768xf32, #tpu.memory_space<vmem>>, vector<16xf32>,
      %get3A_639 = arith.index_cast %scan3A_132 : i32 to index
      %get3A_640 = arith.constant 576 : index
      %get3A_641 = tpu.vector_load %arg8[%get3A_639, %get3A_640] {strides = array<i32>} : memref<16x768xf32, #tpu.memory_space<vmem>>, vector<16xf32>,
      %add3A_642 = arith.addf %get3A_638, %get3A_641 : vector<16xf32>
      %get3A_643 = arith.index_cast %scan3A_132 : i32 to index
      %get3A_644 = arith.constant 576 : index
      %get3A_645 = tpu.vector_load %arg9[%get3A_643, %get3A_644] {strides = array<i32>} : memref<16x768xf32, #tpu.memory_space<vmem>>, vector<16xf32>,
      %add3A_646 = arith.addf %add3A_642, %get3A_645 : vector<16xf32>
      %swap3A_647 = arith.index_cast %scan3A_132 : i32 to index
      %swap3A_648 = arith.constant 576 : index
      %swap3A_649 = tpu.vector_load %arg10[%swap3A_647, %swap3A_648] {strides = array<i32>} : memref<16x768xf32, #tpu.memory_space<vmem>>, vector<16xf32>,
      tpu.vector_store %arg10[%swap3A_647, %swap3A_648], %add3A_646 {strides = array<i32>} : memref<16x768xf32, #tpu.memory_space<vmem>>, vector<16xf32>,
      %get3A_650 = arith.index_cast %scan3A_132 : i32 to index
      %get3A_651 = arith.constant 592 : index
      %get3A_652 = tpu.vector_load %arg10[%get3A_650, %get3A_651] {strides = array<i32>} : memref<16x768xf32, #tpu.memory_space<vmem>>, vector<16xf32>,
      %get3A_653 = arith.index_cast %scan3A_132 : i32 to index
      %get3A_654 = arith.constant 592 : index
      %get3A_655 = tpu.vector_load %arg8[%get3A_653, %get3A_654] {strides = array<i32>} : memref<16x768xf32, #tpu.memory_space<vmem>>, vector<16xf32>,
      %add3A_656 = arith.addf %get3A_652, %get3A_655 : vector<16xf32>
      %get3A_657 = arith.index_cast %scan3A_132 : i32 to index
      %get3A_658 = arith.constant 592 : index
      %get3A_659 = tpu.vector_load %arg9[%get3A_657, %get3A_658] {strides = array<i32>} : memref<16x768xf32, #tpu.memory_space<vmem>>, vector<16xf32>,
      %add3A_660 = arith.addf %add3A_656, %get3A_659 : vector<16xf32>
      %swap3A_661 = arith.index_cast %scan3A_132 : i32 to index
      %swap3A_662 = arith.constant 592 : index
      %swap3A_663 = tpu.vector_load %arg10[%swap3A_661, %swap3A_662] {strides = array<i32>} : memref<16x768xf32, #tpu.memory_space<vmem>>, vector<16xf32>,
      tpu.vector_store %arg10[%swap3A_661, %swap3A_662], %add3A_660 {strides = array<i32>} : memref<16x768xf32, #tpu.memory_space<vmem>>, vector<16xf32>,
      %get3A_664 = arith.index_cast %scan3A_132 : i32 to index
      %get3A_665 = arith.constant 608 : index
      %get3A_666 = tpu.vector_load %arg10[%get3A_664, %get3A_665] {strides = array<i32>} : memref<16x768xf32, #tpu.memory_space<vmem>>, vector<16xf32>,
      %get3A_667 = arith.index_cast %scan3A_132 : i32 to index
      %get3A_668 = arith.constant 608 : index
      %get3A_669 = tpu.vector_load %arg8[%get3A_667, %get3A_668] {strides = array<i32>} : memref<16x768xf32, #tpu.memory_space<vmem>>, vector<16xf32>,
      %add3A_670 = arith.addf %get3A_666, %get3A_669 : vector<16xf32>
      %get3A_671 = arith.index_cast %scan3A_132 : i32 to index
      %get3A_672 = arith.constant 608 : index
      %get3A_673 = tpu.vector_load %arg9[%get3A_671, %get3A_672] {strides = array<i32>} : memref<16x768xf32, #tpu.memory_space<vmem>>, vector<16xf32>,
      %add3A_674 = arith.addf %add3A_670, %get3A_673 : vector<16xf32>
      %swap3A_675 = arith.index_cast %scan3A_132 : i32 to index
      %swap3A_676 = arith.constant 608 : index
      %swap3A_677 = tpu.vector_load %arg10[%swap3A_675, %swap3A_676] {strides = array<i32>} : memref<16x768xf32, #tpu.memory_space<vmem>>, vector<16xf32>,
      tpu.vector_store %arg10[%swap3A_675, %swap3A_676], %add3A_674 {strides = array<i32>} : memref<16x768xf32, #tpu.memory_space<vmem>>, vector<16xf32>,
      %get3A_678 = arith.index_cast %scan3A_132 : i32 to index
      %get3A_679 = arith.constant 624 : index
      %get3A_680 = tpu.vector_load %arg10[%get3A_678, %get3A_679] {strides = array<i32>} : memref<16x768xf32, #tpu.memory_space<vmem>>, vector<16xf32>,
      %get3A_681 = arith.index_cast %scan3A_132 : i32 to index
      %get3A_682 = arith.constant 624 : index
      %get3A_683 = tpu.vector_load %arg8[%get3A_681, %get3A_682] {strides = array<i32>} : memref<16x768xf32, #tpu.memory_space<vmem>>, vector<16xf32>,
      %add3A_684 = arith.addf %get3A_680, %get3A_683 : vector<16xf32>
      %get3A_685 = arith.index_cast %scan3A_132 : i32 to index
      %get3A_686 = arith.constant 624 : index
      %get3A_687 = tpu.vector_load %arg9[%get3A_685, %get3A_686] {strides = array<i32>} : memref<16x768xf32, #tpu.memory_space<vmem>>, vector<16xf32>,
      %add3A_688 = arith.addf %add3A_684, %get3A_687 : vector<16xf32>
      %swap3A_689 = arith.index_cast %scan3A_132 : i32 to index
      %swap3A_690 = arith.constant 624 : index
      %swap3A_691 = tpu.vector_load %arg10[%swap3A_689, %swap3A_690] {strides = array<i32>} : memref<16x768xf32, #tpu.memory_space<vmem>>, vector<16xf32>,
      tpu.vector_store %arg10[%swap3A_689, %swap3A_690], %add3A_688 {strides = array<i32>} : memref<16x768xf32, #tpu.memory_space<vmem>>, vector<16xf32>,
      %get3A_692 = arith.index_cast %scan3A_132 : i32 to index
      %get3A_693 = arith.constant 640 : index
      %get3A_694 = tpu.vector_load %arg10[%get3A_692, %get3A_693] {strides = array<i32>} : memref<16x768xf32, #tpu.memory_space<vmem>>, vector<16xf32>,
      %get3A_695 = arith.index_cast %scan3A_132 : i32 to index
      %get3A_696 = arith.constant 640 : index
      %get3A_697 = tpu.vector_load %arg8[%get3A_695, %get3A_696] {strides = array<i32>} : memref<16x768xf32, #tpu.memory_space<vmem>>, vector<16xf32>,
      %add3A_698 = arith.addf %get3A_694, %get3A_697 : vector<16xf32>
      %get3A_699 = arith.index_cast %scan3A_132 : i32 to index
      %get3A_700 = arith.constant 640 : index
      %get3A_701 = tpu.vector_load %arg9[%get3A_699, %get3A_700] {strides = array<i32>} : memref<16x768xf32, #tpu.memory_space<vmem>>, vector<16xf32>,
      %add3A_702 = arith.addf %add3A_698, %get3A_701 : vector<16xf32>
      %swap3A_703 = arith.index_cast %scan3A_132 : i32 to index
      %swap3A_704 = arith.constant 640 : index
      %swap3A_705 = tpu.vector_load %arg10[%swap3A_703, %swap3A_704] {strides = array<i32>} : memref<16x768xf32, #tpu.memory_space<vmem>>, vector<16xf32>,
      tpu.vector_store %arg10[%swap3A_703, %swap3A_704], %add3A_702 {strides = array<i32>} : memref<16x768xf32, #tpu.memory_space<vmem>>, vector<16xf32>,
      %get3A_706 = arith.index_cast %scan3A_132 : i32 to index
      %get3A_707 = arith.constant 656 : index
      %get3A_708 = tpu.vector_load %arg10[%get3A_706, %get3A_707] {strides = array<i32>} : memref<16x768xf32, #tpu.memory_space<vmem>>, vector<16xf32>,
      %get3A_709 = arith.index_cast %scan3A_132 : i32 to index
      %get3A_710 = arith.constant 656 : index
      %get3A_711 = tpu.vector_load %arg8[%get3A_709, %get3A_710] {strides = array<i32>} : memref<16x768xf32, #tpu.memory_space<vmem>>, vector<16xf32>,
      %add3A_712 = arith.addf %get3A_708, %get3A_711 : vector<16xf32>
      %get3A_713 = arith.index_cast %scan3A_132 : i32 to index
      %get3A_714 = arith.constant 656 : index
      %get3A_715 = tpu.vector_load %arg9[%get3A_713, %get3A_714] {strides = array<i32>} : memref<16x768xf32, #tpu.memory_space<vmem>>, vector<16xf32>,
      %add3A_716 = arith.addf %add3A_712, %get3A_715 : vector<16xf32>
      %swap3A_717 = arith.index_cast %scan3A_132 : i32 to index
      %swap3A_718 = arith.constant 656 : index
      %swap3A_719 = tpu.vector_load %arg10[%swap3A_717, %swap3A_718] {strides = array<i32>} : memref<16x768xf32, #tpu.memory_space<vmem>>, vector<16xf32>,
      tpu.vector_store %arg10[%swap3A_717, %swap3A_718], %add3A_716 {strides = array<i32>} : memref<16x768xf32, #tpu.memory_space<vmem>>, vector<16xf32>,
      %get3A_720 = arith.index_cast %scan3A_132 : i32 to index
      %get3A_721 = arith.constant 672 : index
      %get3A_722 = tpu.vector_load %arg10[%get3A_720, %get3A_721] {strides = array<i32>} : memref<16x768xf32, #tpu.memory_space<vmem>>, vector<16xf32>,
      %get3A_723 = arith.index_cast %scan3A_132 : i32 to index
      %get3A_724 = arith.constant 672 : index
      %get3A_725 = tpu.vector_load %arg8[%get3A_723, %get3A_724] {strides = array<i32>} : memref<16x768xf32, #tpu.memory_space<vmem>>, vector<16xf32>,
      %add3A_726 = arith.addf %get3A_722, %get3A_725 : vector<16xf32>
      %get3A_727 = arith.index_cast %scan3A_132 : i32 to index
      %get3A_728 = arith.constant 672 : index
      %get3A_729 = tpu.vector_load %arg9[%get3A_727, %get3A_728] {strides = array<i32>} : memref<16x768xf32, #tpu.memory_space<vmem>>, vector<16xf32>,
      %add3A_730 = arith.addf %add3A_726, %get3A_729 : vector<16xf32>
      %swap3A_731 = arith.index_cast %scan3A_132 : i32 to index
      %swap3A_732 = arith.constant 672 : index
      %swap3A_733 = tpu.vector_load %arg10[%swap3A_731, %swap3A_732] {strides = array<i32>} : memref<16x768xf32, #tpu.memory_space<vmem>>, vector<16xf32>,
      tpu.vector_store %arg10[%swap3A_731, %swap3A_732], %add3A_730 {strides = array<i32>} : memref<16x768xf32, #tpu.memory_space<vmem>>, vector<16xf32>,
      %get3A_734 = arith.index_cast %scan3A_132 : i32 to index
      %get3A_735 = arith.constant 688 : index
      %get3A_736 = tpu.vector_load %arg10[%get3A_734, %get3A_735] {strides = array<i32>} : memref<16x768xf32, #tpu.memory_space<vmem>>, vector<16xf32>,
      %get3A_737 = arith.index_cast %scan3A_132 : i32 to index
      %get3A_738 = arith.constant 688 : index
      %get3A_739 = tpu.vector_load %arg8[%get3A_737, %get3A_738] {strides = array<i32>} : memref<16x768xf32, #tpu.memory_space<vmem>>, vector<16xf32>,
      %add3A_740 = arith.addf %get3A_736, %get3A_739 : vector<16xf32>
      %get3A_741 = arith.index_cast %scan3A_132 : i32 to index
      %get3A_742 = arith.constant 688 : index
      %get3A_743 = tpu.vector_load %arg9[%get3A_741, %get3A_742] {strides = array<i32>} : memref<16x768xf32, #tpu.memory_space<vmem>>, vector<16xf32>,
      %add3A_744 = arith.addf %add3A_740, %get3A_743 : vector<16xf32>
      %swap3A_745 = arith.index_cast %scan3A_132 : i32 to index
      %swap3A_746 = arith.constant 688 : index
      %swap3A_747 = tpu.vector_load %arg10[%swap3A_745, %swap3A_746] {strides = array<i32>} : memref<16x768xf32, #tpu.memory_space<vmem>>, vector<16xf32>,
      tpu.vector_store %arg10[%swap3A_745, %swap3A_746], %add3A_744 {strides = array<i32>} : memref<16x768xf32, #tpu.memory_space<vmem>>, vector<16xf32>,
      %get3A_748 = arith.index_cast %scan3A_132 : i32 to index
      %get3A_749 = arith.constant 704 : index
      %get3A_750 = tpu.vector_load %arg10[%get3A_748, %get3A_749] {strides = array<i32>} : memref<16x768xf32, #tpu.memory_space<vmem>>, vector<16xf32>,
      %get3A_751 = arith.index_cast %scan3A_132 : i32 to index
      %get3A_752 = arith.constant 704 : index
      %get3A_753 = tpu.vector_load %arg8[%get3A_751, %get3A_752] {strides = array<i32>} : memref<16x768xf32, #tpu.memory_space<vmem>>, vector<16xf32>,
      %add3A_754 = arith.addf %get3A_750, %get3A_753 : vector<16xf32>
      %get3A_755 = arith.index_cast %scan3A_132 : i32 to index
      %get3A_756 = arith.constant 704 : index
      %get3A_757 = tpu.vector_load %arg9[%get3A_755, %get3A_756] {strides = array<i32>} : memref<16x768xf32, #tpu.memory_space<vmem>>, vector<16xf32>,
      %add3A_758 = arith.addf %add3A_754, %get3A_757 : vector<16xf32>
      %swap3A_759 = arith.index_cast %scan3A_132 : i32 to index
      %swap3A_760 = arith.constant 704 : index
      %swap3A_761 = tpu.vector_load %arg10[%swap3A_759, %swap3A_760] {strides = array<i32>} : memref<16x768xf32, #tpu.memory_space<vmem>>, vector<16xf32>,
      tpu.vector_store %arg10[%swap3A_759, %swap3A_760], %add3A_758 {strides = array<i32>} : memref<16x768xf32, #tpu.memory_space<vmem>>, vector<16xf32>,
      %get3A_762 = arith.index_cast %scan3A_132 : i32 to index
      %get3A_763 = arith.constant 720 : index
      %get3A_764 = tpu.vector_load %arg10[%get3A_762, %get3A_763] {strides = array<i32>} : memref<16x768xf32, #tpu.memory_space<vmem>>, vector<16xf32>,
      %get3A_765 = arith.index_cast %scan3A_132 : i32 to index
      %get3A_766 = arith.constant 720 : index
      %get3A_767 = tpu.vector_load %arg8[%get3A_765, %get3A_766] {strides = array<i32>} : memref<16x768xf32, #tpu.memory_space<vmem>>, vector<16xf32>,
      %add3A_768 = arith.addf %get3A_764, %get3A_767 : vector<16xf32>
      %get3A_769 = arith.index_cast %scan3A_132 : i32 to index
      %get3A_770 = arith.constant 720 : index
      %get3A_771 = tpu.vector_load %arg9[%get3A_769, %get3A_770] {strides = array<i32>} : memref<16x768xf32, #tpu.memory_space<vmem>>, vector<16xf32>,
      %add3A_772 = arith.addf %add3A_768, %get3A_771 : vector<16xf32>
      %swap3A_773 = arith.index_cast %scan3A_132 : i32 to index
      %swap3A_774 = arith.constant 720 : index
      %swap3A_775 = tpu.vector_load %arg10[%swap3A_773, %swap3A_774] {strides = array<i32>} : memref<16x768xf32, #tpu.memory_space<vmem>>, vector<16xf32>,
      tpu.vector_store %arg10[%swap3A_773, %swap3A_774], %add3A_772 {strides = array<i32>} : memref<16x768xf32, #tpu.memory_space<vmem>>, vector<16xf32>,
      %get3A_776 = arith.index_cast %scan3A_132 : i32 to index
      %get3A_777 = arith.constant 736 : index
      %get3A_778 = tpu.vector_load %arg10[%get3A_776, %get3A_777] {strides = array<i32>} : memref<16x768xf32, #tpu.memory_space<vmem>>, vector<16xf32>,
      %get3A_779 = arith.index_cast %scan3A_132 : i32 to index
      %get3A_780 = arith.constant 736 : index
      %get3A_781 = tpu.vector_load %arg8[%get3A_779, %get3A_780] {strides = array<i32>} : memref<16x768xf32, #tpu.memory_space<vmem>>, vector<16xf32>,
      %add3A_782 = arith.addf %get3A_778, %get3A_781 : vector<16xf32>
      %get3A_783 = arith.index_cast %scan3A_132 : i32 to index
      %get3A_784 = arith.constant 736 : index
      %get3A_785 = tpu.vector_load %arg9[%get3A_783, %get3A_784] {strides = array<i32>} : memref<16x768xf32, #tpu.memory_space<vmem>>, vector<16xf32>,
      %add3A_786 = arith.addf %add3A_782, %get3A_785 : vector<16xf32>
      %swap3A_787 = arith.index_cast %scan3A_132 : i32 to index
      %swap3A_788 = arith.constant 736 : index
      %swap3A_789 = tpu.vector_load %arg10[%swap3A_787, %swap3A_788] {strides = array<i32>} : memref<16x768xf32, #tpu.memory_space<vmem>>, vector<16xf32>,
      tpu.vector_store %arg10[%swap3A_787, %swap3A_788], %add3A_786 {strides = array<i32>} : memref<16x768xf32, #tpu.memory_space<vmem>>, vector<16xf32>,
      %get3A_790 = arith.index_cast %scan3A_132 : i32 to index
      %get3A_791 = arith.constant 752 : index
      %get3A_792 = tpu.vector_load %arg10[%get3A_790, %get3A_791] {strides = array<i32>} : memref<16x768xf32, #tpu.memory_space<vmem>>, vector<16xf32>,
      %get3A_793 = arith.index_cast %scan3A_132 : i32 to index
      %get3A_794 = arith.constant 752 : index
      %get3A_795 = tpu.vector_load %arg8[%get3A_793, %get3A_794] {strides = array<i32>} : memref<16x768xf32, #tpu.memory_space<vmem>>, vector<16xf32>,
      %add3A_796 = arith.addf %get3A_792, %get3A_795 : vector<16xf32>
      %get3A_797 = arith.index_cast %scan3A_132 : i32 to index
      %get3A_798 = arith.constant 752 : index
      %get3A_799 = tpu.vector_load %arg9[%get3A_797, %get3A_798] {strides = array<i32>} : memref<16x768xf32, #tpu.memory_space<vmem>>, vector<16xf32>,
      %add3A_800 = arith.addf %add3A_796, %get3A_799 : vector<16xf32>
      %swap3A_801 = arith.index_cast %scan3A_132 : i32 to index
      %swap3A_802 = arith.constant 752 : index
      %swap3A_803 = tpu.vector_load %arg10[%swap3A_801, %swap3A_802] {strides = array<i32>} : memref<16x768xf32, #tpu.memory_space<vmem>>, vector<16xf32>,
      tpu.vector_store %arg10[%swap3A_801, %swap3A_802], %add3A_800 {strides = array<i32>} : memref<16x768xf32, #tpu.memory_space<vmem>>, vector<16xf32>,
      %scan3A_804 = arith.constant 0 : i32
      scf.yield %scan3A_804 : i32
    }
    %scan3A_44 = arith.constant 16 : i32
    %add3A_45 = arith.constant 0 : i32
    %add3A_46 = arith.addi %mul3A_2, %add3A_45 : i32
    "tpu.region"() ({
      %run_scoped3A = tpu.sem_alloc : memref<!tpu.dma_semaphore, #tpu.memory_space<semaphore_mem>>
      %dma_start3A_132 = arith.constant 0 : i32
      %dma_start3A_133 = tpu.memref_slice %arg5[%add3A_46, %dma_start3A_132] : memref<2048x768xf32, #tpu.memory_space<hbm>> -> memref<16x768xf32, #tpu.memory_space<hbm>>
      %dma_start3A_134 = arith.constant 0 : i32
      %dma_start3A_135 = tpu.memref_slice %arg5[%add3A_46, %dma_start3A_134] : memref<2048x768xf32, #tpu.memory_space<hbm>> -> memref<16x768xf32, #tpu.memory_space<hbm>>
      tpu.enqueue_dma source(%arg10 : memref<16x768xf32, #tpu.memory_space<vmem>>) target(%dma_start3A_135 : memref<16x768xf32, #tpu.memory_space<hbm>>) target_semaphore(%run_scoped3A : memref<!tpu.dma_semaphore, #tpu.memory_space<semaphore_mem>>)
      %dma_wait3A_136 = arith.constant 0 : i32
      %dma_wait3A_137 = tpu.memref_slice %arg5[%add3A_46, %dma_wait3A_136] : memref<2048x768xf32, #tpu.memory_space<hbm>> -> memref<16x768xf32, #tpu.memory_space<hbm>>
      %dma_wait3A_138 = arith.constant 0 : i32
      %dma_wait3A_139 = tpu.memref_slice %arg5[%add3A_46, %dma_wait3A_138] : memref<2048x768xf32, #tpu.memory_space<hbm>> -> memref<16x768xf32, #tpu.memory_space<hbm>>
      tpu.wait_dma2 semaphore(%run_scoped3A : memref<!tpu.dma_semaphore, #tpu.memory_space<semaphore_mem>>) src(%arg10 : memref<16x768xf32, #tpu.memory_space<vmem>>) dst(%dma_wait3A_139 : memref<16x768xf32, #tpu.memory_space<hbm>>)
      tpu.yield
    }) : () -> ()
    %add3A_47 = arith.constant 32 : i32
    %add3A_48 = arith.addi %mul3A_2, %add3A_47 : i32
    "tpu.region"() ({
      %run_scoped3A = tpu.sem_alloc : memref<!tpu.dma_semaphore, #tpu.memory_space<semaphore_mem>>
      %dma_start3A_132 = tpu.memref_slice %arg4[%add3A_48] : memref<4096xi32, #tpu.memory_space<hbm>> -> memref<16xi32, #tpu.memory_space<hbm>>
      %dma_start3A_133 = tpu.memref_slice %arg4[%add3A_48] : memref<4096xi32, #tpu.memory_space<hbm>> -> memref<16xi32, #tpu.memory_space<hbm>>
      tpu.enqueue_dma source(%dma_start3A_133 : memref<16xi32, #tpu.memory_space<hbm>>) target(%arg6 : memref<16xi32, #tpu.memory_space<vmem>>) target_semaphore(%run_scoped3A : memref<!tpu.dma_semaphore, #tpu.memory_space<semaphore_mem>>)
      %dma_wait3A_134 = tpu.memref_slice %arg4[%add3A_48] : memref<4096xi32, #tpu.memory_space<hbm>> -> memref<16xi32, #tpu.memory_space<hbm>>
      %dma_wait3A_135 = tpu.memref_slice %arg4[%add3A_48] : memref<4096xi32, #tpu.memory_space<hbm>> -> memref<16xi32, #tpu.memory_space<hbm>>
      tpu.wait_dma2 semaphore(%run_scoped3A : memref<!tpu.dma_semaphore, #tpu.memory_space<semaphore_mem>>) src(%dma_wait3A_135 : memref<16xi32, #tpu.memory_space<hbm>>) dst(%arg6 : memref<16xi32, #tpu.memory_space<vmem>>)
      tpu.yield
    }) : () -> ()
    %add3A_49 = arith.constant 2048 : i32
    %add3A_50 = arith.addi %add3A_49, %add3A_48 : i32
    "tpu.region"() ({
      %run_scoped3A = tpu.sem_alloc : memref<!tpu.dma_semaphore, #tpu.memory_space<semaphore_mem>>
      %dma_start3A_132 = tpu.memref_slice %arg4[%add3A_50] : memref<4096xi32, #tpu.memory_space<hbm>> -> memref<16xi32, #tpu.memory_space<hbm>>
      %dma_start3A_133 = tpu.memref_slice %arg4[%add3A_50] : memref<4096xi32, #tpu.memory_space<hbm>> -> memref<16xi32, #tpu.memory_space<hbm>>
      tpu.enqueue_dma source(%dma_start3A_133 : memref<16xi32, #tpu.memory_space<hbm>>) target(%arg7 : memref<16xi32, #tpu.memory_space<vmem>>) target_semaphore(%run_scoped3A : memref<!tpu.dma_semaphore, #tpu.memory_space<semaphore_mem>>)
      %dma_wait3A_134 = tpu.memref_slice %arg4[%add3A_50] : memref<4096xi32, #tpu.memory_space<hbm>> -> memref<16xi32, #tpu.memory_space<hbm>>
      %dma_wait3A_135 = tpu.memref_slice %arg4[%add3A_50] : memref<4096xi32, #tpu.memory_space<hbm>> -> memref<16xi32, #tpu.memory_space<hbm>>
      tpu.wait_dma2 semaphore(%run_scoped3A : memref<!tpu.dma_semaphore, #tpu.memory_space<semaphore_mem>>) src(%dma_wait3A_135 : memref<16xi32, #tpu.memory_space<hbm>>) dst(%arg7 : memref<16xi32, #tpu.memory_space<vmem>>)
      tpu.yield
    }) : () -> ()
    %dma_start3A_51 = arith.constant 0 : i32
    %dma_start3A_52 = arith.constant 0 : i32
    %dma_start3A_53 = tpu.memref_slice %arg3[%dma_start3A_51, %dma_start3A_52] : memref<12416x768xf32, #tpu.memory_space<hbm>> -> memref<12416x768xf32, #tpu.memory_space<hbm>>
    tpu.enqueue_indirect_dma source(%dma_start3A_53 : memref<12416x768xf32, #tpu.memory_space<hbm>>) target(%arg8 : memref<16x768xf32, #tpu.memory_space<vmem>>) offsets(%arg6 : memref<16xi32, #tpu.memory_space<vmem>>) semaphore(%arg11 : memref<!tpu.dma_semaphore, #tpu.memory_space<semaphore_mem>>)
    %dma_start3A_54 = arith.constant 0 : i32
    %dma_start3A_55 = arith.constant 0 : i32
    %dma_start3A_56 = tpu.memref_slice %arg3[%dma_start3A_54, %dma_start3A_55] : memref<12416x768xf32, #tpu.memory_space<hbm>> -> memref<12416x768xf32, #tpu.memory_space<hbm>>
    tpu.enqueue_indirect_dma source(%dma_start3A_56 : memref<12416x768xf32, #tpu.memory_space<hbm>>) target(%arg9 : memref<16x768xf32, #tpu.memory_space<vmem>>) offsets(%arg7 : memref<16xi32, #tpu.memory_space<vmem>>) semaphore(%arg11 : memref<!tpu.dma_semaphore, #tpu.memory_space<semaphore_mem>>)
    %dma_start3A_57 = arith.constant 0 : i32
    %dma_start3A_58 = tpu.memref_slice %arg2[%add3A_48, %dma_start3A_57] : memref<2048x768xf32, #tpu.memory_space<hbm>> -> memref<16x768xf32, #tpu.memory_space<hbm>>
    %dma_start3A_59 = arith.constant 0 : i32
    %dma_start3A_60 = tpu.memref_slice %arg2[%add3A_48, %dma_start3A_59] : memref<2048x768xf32, #tpu.memory_space<hbm>> -> memref<16x768xf32, #tpu.memory_space<hbm>>
    tpu.enqueue_dma source(%dma_start3A_60 : memref<16x768xf32, #tpu.memory_space<hbm>>) target(%arg10 : memref<16x768xf32, #tpu.memory_space<vmem>>) target_semaphore(%arg11 : memref<!tpu.dma_semaphore, #tpu.memory_space<semaphore_mem>>)
    %dma_wait3A_61 = arith.constant 0 : i32
    %dma_wait3A_62 = arith.constant 0 : i32
    %dma_wait3A_63 = tpu.memref_slice %arg3[%dma_wait3A_61, %dma_wait3A_62] : memref<12416x768xf32, #tpu.memory_space<hbm>> -> memref<12416x768xf32, #tpu.memory_space<hbm>>
    tpu.wait_indirect_dma semaphore(%arg17 : memref<!tpu.dma_semaphore, #tpu.memory_space<semaphore_mem>>) src(%dma_wait3A_63 : memref<12416x768xf32, #tpu.memory_space<hbm>>) dst(%arg14 : memref<16x768xf32, #tpu.memory_space<vmem>>)
    %dma_wait3A_64 = arith.constant 0 : i32
    %dma_wait3A_65 = arith.constant 0 : i32
    %dma_wait3A_66 = tpu.memref_slice %arg3[%dma_wait3A_64, %dma_wait3A_65] : memref<12416x768xf32, #tpu.memory_space<hbm>> -> memref<12416x768xf32, #tpu.memory_space<hbm>>
    tpu.wait_indirect_dma semaphore(%arg17 : memref<!tpu.dma_semaphore, #tpu.memory_space<semaphore_mem>>) src(%dma_wait3A_66 : memref<12416x768xf32, #tpu.memory_space<hbm>>) dst(%arg15 : memref<16x768xf32, #tpu.memory_space<vmem>>)
    %dma_wait3A_67 = arith.constant 0 : i32
    %dma_wait3A_68 = tpu.memref_slice %arg2[%add3A_17, %dma_wait3A_67] : memref<2048x768xf32, #tpu.memory_space<hbm>> -> memref<16x768xf32, #tpu.memory_space<hbm>>
    %dma_wait3A_69 = arith.constant 0 : i32
    %dma_wait3A_70 = tpu.memref_slice %arg2[%add3A_17, %dma_wait3A_69] : memref<2048x768xf32, #tpu.memory_space<hbm>> -> memref<16x768xf32, #tpu.memory_space<hbm>>
    tpu.wait_dma2 semaphore(%arg17 : memref<!tpu.dma_semaphore, #tpu.memory_space<semaphore_mem>>) src(%dma_wait3A_70 : memref<16x768xf32, #tpu.memory_space<hbm>>) dst(%arg16 : memref<16x768xf32, #tpu.memory_space<vmem>>)
    %scan3A_71 = arith.constant 0 : i32
    %scan3A_72 = arith.constant 0 : i32
    %scan3A_73 = arith.constant 16 : i32
    %scan3A_74 = arith.addi %scan3A_72, %scan3A_73 : i32
    %scan3A_75 = arith.constant 1 : i32
    %scan3A_76 = scf.for %scan3A_132 = %scan3A_72 to %scan3A_74 step %scan3A_75 iter_args(%scan3A_133 = %scan3A_71) -> (i32)  : i32 {
      %get3A = arith.index_cast %scan3A_132 : i32 to index
      %get3A_134 = arith.constant 0 : index
      %get3A_135 = tpu.vector_load %arg16[%get3A, %get3A_134] {strides = array<i32>} : memref<16x768xf32, #tpu.memory_space<vmem>>, vector<16xf32>,
      %get3A_136 = arith.index_cast %scan3A_132 : i32 to index
      %get3A_137 = arith.constant 0 : index
      %get3A_138 = tpu.vector_load %arg14[%get3A_136, %get3A_137] {strides = array<i32>} : memref<16x768xf32, #tpu.memory_space<vmem>>, vector<16xf32>,
      %add3A_139 = arith.addf %get3A_135, %get3A_138 : vector<16xf32>
      %get3A_140 = arith.index_cast %scan3A_132 : i32 to index
      %get3A_141 = arith.constant 0 : index
      %get3A_142 = tpu.vector_load %arg15[%get3A_140, %get3A_141] {strides = array<i32>} : memref<16x768xf32, #tpu.memory_space<vmem>>, vector<16xf32>,
      %add3A_143 = arith.addf %add3A_139, %get3A_142 : vector<16xf32>
      %swap3A = arith.index_cast %scan3A_132 : i32 to index
      %swap3A_144 = arith.constant 0 : index
      %swap3A_145 = tpu.vector_load %arg16[%swap3A, %swap3A_144] {strides = array<i32>} : memref<16x768xf32, #tpu.memory_space<vmem>>, vector<16xf32>,
      tpu.vector_store %arg16[%swap3A, %swap3A_144], %add3A_143 {strides = array<i32>} : memref<16x768xf32, #tpu.memory_space<vmem>>, vector<16xf32>,
      %get3A_146 = arith.index_cast %scan3A_132 : i32 to index
      %get3A_147 = arith.constant 16 : index
      %get3A_148 = tpu.vector_load %arg16[%get3A_146, %get3A_147] {strides = array<i32>} : memref<16x768xf32, #tpu.memory_space<vmem>>, vector<16xf32>,
      %get3A_149 = arith.index_cast %scan3A_132 : i32 to index
      %get3A_150 = arith.constant 16 : index
      %get3A_151 = tpu.vector_load %arg14[%get3A_149, %get3A_150] {strides = array<i32>} : memref<16x768xf32, #tpu.memory_space<vmem>>, vector<16xf32>,
      %add3A_152 = arith.addf %get3A_148, %get3A_151 : vector<16xf32>
      %get3A_153 = arith.index_cast %scan3A_132 : i32 to index
      %get3A_154 = arith.constant 16 : index
      %get3A_155 = tpu.vector_load %arg15[%get3A_153, %get3A_154] {strides = array<i32>} : memref<16x768xf32, #tpu.memory_space<vmem>>, vector<16xf32>,
      %add3A_156 = arith.addf %add3A_152, %get3A_155 : vector<16xf32>
      %swap3A_157 = arith.index_cast %scan3A_132 : i32 to index
      %swap3A_158 = arith.constant 16 : index
      %swap3A_159 = tpu.vector_load %arg16[%swap3A_157, %swap3A_158] {strides = array<i32>} : memref<16x768xf32, #tpu.memory_space<vmem>>, vector<16xf32>,
      tpu.vector_store %arg16[%swap3A_157, %swap3A_158], %add3A_156 {strides = array<i32>} : memref<16x768xf32, #tpu.memory_space<vmem>>, vector<16xf32>,
      %get3A_160 = arith.index_cast %scan3A_132 : i32 to index
      %get3A_161 = arith.constant 32 : index
      %get3A_162 = tpu.vector_load %arg16[%get3A_160, %get3A_161] {strides = array<i32>} : memref<16x768xf32, #tpu.memory_space<vmem>>, vector<16xf32>,
      %get3A_163 = arith.index_cast %scan3A_132 : i32 to index
      %get3A_164 = arith.constant 32 : index
      %get3A_165 = tpu.vector_load %arg14[%get3A_163, %get3A_164] {strides = array<i32>} : memref<16x768xf32, #tpu.memory_space<vmem>>, vector<16xf32>,
      %add3A_166 = arith.addf %get3A_162, %get3A_165 : vector<16xf32>
      %get3A_167 = arith.index_cast %scan3A_132 : i32 to index
      %get3A_168 = arith.constant 32 : index
      %get3A_169 = tpu.vector_load %arg15[%get3A_167, %get3A_168] {strides = array<i32>} : memref<16x768xf32, #tpu.memory_space<vmem>>, vector<16xf32>,
      %add3A_170 = arith.addf %add3A_166, %get3A_169 : vector<16xf32>
      %swap3A_171 = arith.index_cast %scan3A_132 : i32 to index
      %swap3A_172 = arith.constant 32 : index
      %swap3A_173 = tpu.vector_load %arg16[%swap3A_171, %swap3A_172] {strides = array<i32>} : memref<16x768xf32, #tpu.memory_space<vmem>>, vector<16xf32>,
      tpu.vector_store %arg16[%swap3A_171, %swap3A_172], %add3A_170 {strides = array<i32>} : memref<16x768xf32, #tpu.memory_space<vmem>>, vector<16xf32>,
      %get3A_174 = arith.index_cast %scan3A_132 : i32 to index
      %get3A_175 = arith.constant 48 : index
      %get3A_176 = tpu.vector_load %arg16[%get3A_174, %get3A_175] {strides = array<i32>} : memref<16x768xf32, #tpu.memory_space<vmem>>, vector<16xf32>,
      %get3A_177 = arith.index_cast %scan3A_132 : i32 to index
      %get3A_178 = arith.constant 48 : index
      %get3A_179 = tpu.vector_load %arg14[%get3A_177, %get3A_178] {strides = array<i32>} : memref<16x768xf32, #tpu.memory_space<vmem>>, vector<16xf32>,
      %add3A_180 = arith.addf %get3A_176, %get3A_179 : vector<16xf32>
      %get3A_181 = arith.index_cast %scan3A_132 : i32 to index
      %get3A_182 = arith.constant 48 : index
      %get3A_183 = tpu.vector_load %arg15[%get3A_181, %get3A_182] {strides = array<i32>} : memref<16x768xf32, #tpu.memory_space<vmem>>, vector<16xf32>,
      %add3A_184 = arith.addf %add3A_180, %get3A_183 : vector<16xf32>
      %swap3A_185 = arith.index_cast %scan3A_132 : i32 to index
      %swap3A_186 = arith.constant 48 : index
      %swap3A_187 = tpu.vector_load %arg16[%swap3A_185, %swap3A_186] {strides = array<i32>} : memref<16x768xf32, #tpu.memory_space<vmem>>, vector<16xf32>,
      tpu.vector_store %arg16[%swap3A_185, %swap3A_186], %add3A_184 {strides = array<i32>} : memref<16x768xf32, #tpu.memory_space<vmem>>, vector<16xf32>,
      %get3A_188 = arith.index_cast %scan3A_132 : i32 to index
      %get3A_189 = arith.constant 64 : index
      %get3A_190 = tpu.vector_load %arg16[%get3A_188, %get3A_189] {strides = array<i32>} : memref<16x768xf32, #tpu.memory_space<vmem>>, vector<16xf32>,
      %get3A_191 = arith.index_cast %scan3A_132 : i32 to index
      %get3A_192 = arith.constant 64 : index
      %get3A_193 = tpu.vector_load %arg14[%get3A_191, %get3A_192] {strides = array<i32>} : memref<16x768xf32, #tpu.memory_space<vmem>>, vector<16xf32>,
      %add3A_194 = arith.addf %get3A_190, %get3A_193 : vector<16xf32>
      %get3A_195 = arith.index_cast %scan3A_132 : i32 to index
      %get3A_196 = arith.constant 64 : index
      %get3A_197 = tpu.vector_load %arg15[%get3A_195, %get3A_196] {strides = array<i32>} : memref<16x768xf32, #tpu.memory_space<vmem>>, vector<16xf32>,
      %add3A_198 = arith.addf %add3A_194, %get3A_197 : vector<16xf32>
      %swap3A_199 = arith.index_cast %scan3A_132 : i32 to index
      %swap3A_200 = arith.constant 64 : index
      %swap3A_201 = tpu.vector_load %arg16[%swap3A_199, %swap3A_200] {strides = array<i32>} : memref<16x768xf32, #tpu.memory_space<vmem>>, vector<16xf32>,
      tpu.vector_store %arg16[%swap3A_199, %swap3A_200], %add3A_198 {strides = array<i32>} : memref<16x768xf32, #tpu.memory_space<vmem>>, vector<16xf32>,
      %get3A_202 = arith.index_cast %scan3A_132 : i32 to index
      %get3A_203 = arith.constant 80 : index
      %get3A_204 = tpu.vector_load %arg16[%get3A_202, %get3A_203] {strides = array<i32>} : memref<16x768xf32, #tpu.memory_space<vmem>>, vector<16xf32>,
      %get3A_205 = arith.index_cast %scan3A_132 : i32 to index
      %get3A_206 = arith.constant 80 : index
      %get3A_207 = tpu.vector_load %arg14[%get3A_205, %get3A_206] {strides = array<i32>} : memref<16x768xf32, #tpu.memory_space<vmem>>, vector<16xf32>,
      %add3A_208 = arith.addf %get3A_204, %get3A_207 : vector<16xf32>
      %get3A_209 = arith.index_cast %scan3A_132 : i32 to index
      %get3A_210 = arith.constant 80 : index
      %get3A_211 = tpu.vector_load %arg15[%get3A_209, %get3A_210] {strides = array<i32>} : memref<16x768xf32, #tpu.memory_space<vmem>>, vector<16xf32>,
      %add3A_212 = arith.addf %add3A_208, %get3A_211 : vector<16xf32>
      %swap3A_213 = arith.index_cast %scan3A_132 : i32 to index
      %swap3A_214 = arith.constant 80 : index
      %swap3A_215 = tpu.vector_load %arg16[%swap3A_213, %swap3A_214] {strides = array<i32>} : memref<16x768xf32, #tpu.memory_space<vmem>>, vector<16xf32>,
      tpu.vector_store %arg16[%swap3A_213, %swap3A_214], %add3A_212 {strides = array<i32>} : memref<16x768xf32, #tpu.memory_space<vmem>>, vector<16xf32>,
      %get3A_216 = arith.index_cast %scan3A_132 : i32 to index
      %get3A_217 = arith.constant 96 : index
      %get3A_218 = tpu.vector_load %arg16[%get3A_216, %get3A_217] {strides = array<i32>} : memref<16x768xf32, #tpu.memory_space<vmem>>, vector<16xf32>,
      %get3A_219 = arith.index_cast %scan3A_132 : i32 to index
      %get3A_220 = arith.constant 96 : index
      %get3A_221 = tpu.vector_load %arg14[%get3A_219, %get3A_220] {strides = array<i32>} : memref<16x768xf32, #tpu.memory_space<vmem>>, vector<16xf32>,
      %add3A_222 = arith.addf %get3A_218, %get3A_221 : vector<16xf32>
      %get3A_223 = arith.index_cast %scan3A_132 : i32 to index
      %get3A_224 = arith.constant 96 : index
      %get3A_225 = tpu.vector_load %arg15[%get3A_223, %get3A_224] {strides = array<i32>} : memref<16x768xf32, #tpu.memory_space<vmem>>, vector<16xf32>,
      %add3A_226 = arith.addf %add3A_222, %get3A_225 : vector<16xf32>
      %swap3A_227 = arith.index_cast %scan3A_132 : i32 to index
      %swap3A_228 = arith.constant 96 : index
      %swap3A_229 = tpu.vector_load %arg16[%swap3A_227, %swap3A_228] {strides = array<i32>} : memref<16x768xf32, #tpu.memory_space<vmem>>, vector<16xf32>,
      tpu.vector_store %arg16[%swap3A_227, %swap3A_228], %add3A_226 {strides = array<i32>} : memref<16x768xf32, #tpu.memory_space<vmem>>, vector<16xf32>,
      %get3A_230 = arith.index_cast %scan3A_132 : i32 to index
      %get3A_231 = arith.constant 112 : index
      %get3A_232 = tpu.vector_load %arg16[%get3A_230, %get3A_231] {strides = array<i32>} : memref<16x768xf32, #tpu.memory_space<vmem>>, vector<16xf32>,
      %get3A_233 = arith.index_cast %scan3A_132 : i32 to index
      %get3A_234 = arith.constant 112 : index
      %get3A_235 = tpu.vector_load %arg14[%get3A_233, %get3A_234] {strides = array<i32>} : memref<16x768xf32, #tpu.memory_space<vmem>>, vector<16xf32>,
      %add3A_236 = arith.addf %get3A_232, %get3A_235 : vector<16xf32>
      %get3A_237 = arith.index_cast %scan3A_132 : i32 to index
      %get3A_238 = arith.constant 112 : index
      %get3A_239 = tpu.vector_load %arg15[%get3A_237, %get3A_238] {strides = array<i32>} : memref<16x768xf32, #tpu.memory_space<vmem>>, vector<16xf32>,
      %add3A_240 = arith.addf %add3A_236, %get3A_239 : vector<16xf32>
      %swap3A_241 = arith.index_cast %scan3A_132 : i32 to index
      %swap3A_242 = arith.constant 112 : index
      %swap3A_243 = tpu.vector_load %arg16[%swap3A_241, %swap3A_242] {strides = array<i32>} : memref<16x768xf32, #tpu.memory_space<vmem>>, vector<16xf32>,
      tpu.vector_store %arg16[%swap3A_241, %swap3A_242], %add3A_240 {strides = array<i32>} : memref<16x768xf32, #tpu.memory_space<vmem>>, vector<16xf32>,
      %get3A_244 = arith.index_cast %scan3A_132 : i32 to index
      %get3A_245 = arith.constant 128 : index
      %get3A_246 = tpu.vector_load %arg16[%get3A_244, %get3A_245] {strides = array<i32>} : memref<16x768xf32, #tpu.memory_space<vmem>>, vector<16xf32>,
      %get3A_247 = arith.index_cast %scan3A_132 : i32 to index
      %get3A_248 = arith.constant 128 : index
      %get3A_249 = tpu.vector_load %arg14[%get3A_247, %get3A_248] {strides = array<i32>} : memref<16x768xf32, #tpu.memory_space<vmem>>, vector<16xf32>,
      %add3A_250 = arith.addf %get3A_246, %get3A_249 : vector<16xf32>
      %get3A_251 = arith.index_cast %scan3A_132 : i32 to index
      %get3A_252 = arith.constant 128 : index
      %get3A_253 = tpu.vector_load %arg15[%get3A_251, %get3A_252] {strides = array<i32>} : memref<16x768xf32, #tpu.memory_space<vmem>>, vector<16xf32>,
      %add3A_254 = arith.addf %add3A_250, %get3A_253 : vector<16xf32>
      %swap3A_255 = arith.index_cast %scan3A_132 : i32 to index
      %swap3A_256 = arith.constant 128 : index
      %swap3A_257 = tpu.vector_load %arg16[%swap3A_255, %swap3A_256] {strides = array<i32>} : memref<16x768xf32, #tpu.memory_space<vmem>>, vector<16xf32>,
      tpu.vector_store %arg16[%swap3A_255, %swap3A_256], %add3A_254 {strides = array<i32>} : memref<16x768xf32, #tpu.memory_space<vmem>>, vector<16xf32>,
      %get3A_258 = arith.index_cast %scan3A_132 : i32 to index
      %get3A_259 = arith.constant 144 : index
      %get3A_260 = tpu.vector_load %arg16[%get3A_258, %get3A_259] {strides = array<i32>} : memref<16x768xf32, #tpu.memory_space<vmem>>, vector<16xf32>,
      %get3A_261 = arith.index_cast %scan3A_132 : i32 to index
      %get3A_262 = arith.constant 144 : index
      %get3A_263 = tpu.vector_load %arg14[%get3A_261, %get3A_262] {strides = array<i32>} : memref<16x768xf32, #tpu.memory_space<vmem>>, vector<16xf32>,
      %add3A_264 = arith.addf %get3A_260, %get3A_263 : vector<16xf32>
      %get3A_265 = arith.index_cast %scan3A_132 : i32 to index
      %get3A_266 = arith.constant 144 : index
      %get3A_267 = tpu.vector_load %arg15[%get3A_265, %get3A_266] {strides = array<i32>} : memref<16x768xf32, #tpu.memory_space<vmem>>, vector<16xf32>,
      %add3A_268 = arith.addf %add3A_264, %get3A_267 : vector<16xf32>
      %swap3A_269 = arith.index_cast %scan3A_132 : i32 to index
      %swap3A_270 = arith.constant 144 : index
      %swap3A_271 = tpu.vector_load %arg16[%swap3A_269, %swap3A_270] {strides = array<i32>} : memref<16x768xf32, #tpu.memory_space<vmem>>, vector<16xf32>,
      tpu.vector_store %arg16[%swap3A_269, %swap3A_270], %add3A_268 {strides = array<i32>} : memref<16x768xf32, #tpu.memory_space<vmem>>, vector<16xf32>,
      %get3A_272 = arith.index_cast %scan3A_132 : i32 to index
      %get3A_273 = arith.constant 160 : index
      %get3A_274 = tpu.vector_load %arg16[%get3A_272, %get3A_273] {strides = array<i32>} : memref<16x768xf32, #tpu.memory_space<vmem>>, vector<16xf32>,
      %get3A_275 = arith.index_cast %scan3A_132 : i32 to index
      %get3A_276 = arith.constant 160 : index
      %get3A_277 = tpu.vector_load %arg14[%get3A_275, %get3A_276] {strides = array<i32>} : memref<16x768xf32, #tpu.memory_space<vmem>>, vector<16xf32>,
      %add3A_278 = arith.addf %get3A_274, %get3A_277 : vector<16xf32>
      %get3A_279 = arith.index_cast %scan3A_132 : i32 to index
      %get3A_280 = arith.constant 160 : index
      %get3A_281 = tpu.vector_load %arg15[%get3A_279, %get3A_280] {strides = array<i32>} : memref<16x768xf32, #tpu.memory_space<vmem>>, vector<16xf32>,
      %add3A_282 = arith.addf %add3A_278, %get3A_281 : vector<16xf32>
      %swap3A_283 = arith.index_cast %scan3A_132 : i32 to index
      %swap3A_284 = arith.constant 160 : index
      %swap3A_285 = tpu.vector_load %arg16[%swap3A_283, %swap3A_284] {strides = array<i32>} : memref<16x768xf32, #tpu.memory_space<vmem>>, vector<16xf32>,
      tpu.vector_store %arg16[%swap3A_283, %swap3A_284], %add3A_282 {strides = array<i32>} : memref<16x768xf32, #tpu.memory_space<vmem>>, vector<16xf32>,
      %get3A_286 = arith.index_cast %scan3A_132 : i32 to index
      %get3A_287 = arith.constant 176 : index
      %get3A_288 = tpu.vector_load %arg16[%get3A_286, %get3A_287] {strides = array<i32>} : memref<16x768xf32, #tpu.memory_space<vmem>>, vector<16xf32>,
      %get3A_289 = arith.index_cast %scan3A_132 : i32 to index
      %get3A_290 = arith.constant 176 : index
      %get3A_291 = tpu.vector_load %arg14[%get3A_289, %get3A_290] {strides = array<i32>} : memref<16x768xf32, #tpu.memory_space<vmem>>, vector<16xf32>,
      %add3A_292 = arith.addf %get3A_288, %get3A_291 : vector<16xf32>
      %get3A_293 = arith.index_cast %scan3A_132 : i32 to index
      %get3A_294 = arith.constant 176 : index
      %get3A_295 = tpu.vector_load %arg15[%get3A_293, %get3A_294] {strides = array<i32>} : memref<16x768xf32, #tpu.memory_space<vmem>>, vector<16xf32>,
      %add3A_296 = arith.addf %add3A_292, %get3A_295 : vector<16xf32>
      %swap3A_297 = arith.index_cast %scan3A_132 : i32 to index
      %swap3A_298 = arith.constant 176 : index
      %swap3A_299 = tpu.vector_load %arg16[%swap3A_297, %swap3A_298] {strides = array<i32>} : memref<16x768xf32, #tpu.memory_space<vmem>>, vector<16xf32>,
      tpu.vector_store %arg16[%swap3A_297, %swap3A_298], %add3A_296 {strides = array<i32>} : memref<16x768xf32, #tpu.memory_space<vmem>>, vector<16xf32>,
      %get3A_300 = arith.index_cast %scan3A_132 : i32 to index
      %get3A_301 = arith.constant 192 : index
      %get3A_302 = tpu.vector_load %arg16[%get3A_300, %get3A_301] {strides = array<i32>} : memref<16x768xf32, #tpu.memory_space<vmem>>, vector<16xf32>,
      %get3A_303 = arith.index_cast %scan3A_132 : i32 to index
      %get3A_304 = arith.constant 192 : index
      %get3A_305 = tpu.vector_load %arg14[%get3A_303, %get3A_304] {strides = array<i32>} : memref<16x768xf32, #tpu.memory_space<vmem>>, vector<16xf32>,
      %add3A_306 = arith.addf %get3A_302, %get3A_305 : vector<16xf32>
      %get3A_307 = arith.index_cast %scan3A_132 : i32 to index
      %get3A_308 = arith.constant 192 : index
      %get3A_309 = tpu.vector_load %arg15[%get3A_307, %get3A_308] {strides = array<i32>} : memref<16x768xf32, #tpu.memory_space<vmem>>, vector<16xf32>,
      %add3A_310 = arith.addf %add3A_306, %get3A_309 : vector<16xf32>
      %swap3A_311 = arith.index_cast %scan3A_132 : i32 to index
      %swap3A_312 = arith.constant 192 : index
      %swap3A_313 = tpu.vector_load %arg16[%swap3A_311, %swap3A_312] {strides = array<i32>} : memref<16x768xf32, #tpu.memory_space<vmem>>, vector<16xf32>,
      tpu.vector_store %arg16[%swap3A_311, %swap3A_312], %add3A_310 {strides = array<i32>} : memref<16x768xf32, #tpu.memory_space<vmem>>, vector<16xf32>,
      %get3A_314 = arith.index_cast %scan3A_132 : i32 to index
      %get3A_315 = arith.constant 208 : index
      %get3A_316 = tpu.vector_load %arg16[%get3A_314, %get3A_315] {strides = array<i32>} : memref<16x768xf32, #tpu.memory_space<vmem>>, vector<16xf32>,
      %get3A_317 = arith.index_cast %scan3A_132 : i32 to index
      %get3A_318 = arith.constant 208 : index
      %get3A_319 = tpu.vector_load %arg14[%get3A_317, %get3A_318] {strides = array<i32>} : memref<16x768xf32, #tpu.memory_space<vmem>>, vector<16xf32>,
      %add3A_320 = arith.addf %get3A_316, %get3A_319 : vector<16xf32>
      %get3A_321 = arith.index_cast %scan3A_132 : i32 to index
      %get3A_322 = arith.constant 208 : index
      %get3A_323 = tpu.vector_load %arg15[%get3A_321, %get3A_322] {strides = array<i32>} : memref<16x768xf32, #tpu.memory_space<vmem>>, vector<16xf32>,
      %add3A_324 = arith.addf %add3A_320, %get3A_323 : vector<16xf32>
      %swap3A_325 = arith.index_cast %scan3A_132 : i32 to index
      %swap3A_326 = arith.constant 208 : index
      %swap3A_327 = tpu.vector_load %arg16[%swap3A_325, %swap3A_326] {strides = array<i32>} : memref<16x768xf32, #tpu.memory_space<vmem>>, vector<16xf32>,
      tpu.vector_store %arg16[%swap3A_325, %swap3A_326], %add3A_324 {strides = array<i32>} : memref<16x768xf32, #tpu.memory_space<vmem>>, vector<16xf32>,
      %get3A_328 = arith.index_cast %scan3A_132 : i32 to index
      %get3A_329 = arith.constant 224 : index
      %get3A_330 = tpu.vector_load %arg16[%get3A_328, %get3A_329] {strides = array<i32>} : memref<16x768xf32, #tpu.memory_space<vmem>>, vector<16xf32>,
      %get3A_331 = arith.index_cast %scan3A_132 : i32 to index
      %get3A_332 = arith.constant 224 : index
      %get3A_333 = tpu.vector_load %arg14[%get3A_331, %get3A_332] {strides = array<i32>} : memref<16x768xf32, #tpu.memory_space<vmem>>, vector<16xf32>,
      %add3A_334 = arith.addf %get3A_330, %get3A_333 : vector<16xf32>
      %get3A_335 = arith.index_cast %scan3A_132 : i32 to index
      %get3A_336 = arith.constant 224 : index
      %get3A_337 = tpu.vector_load %arg15[%get3A_335, %get3A_336] {strides = array<i32>} : memref<16x768xf32, #tpu.memory_space<vmem>>, vector<16xf32>,
      %add3A_338 = arith.addf %add3A_334, %get3A_337 : vector<16xf32>
      %swap3A_339 = arith.index_cast %scan3A_132 : i32 to index
      %swap3A_340 = arith.constant 224 : index
      %swap3A_341 = tpu.vector_load %arg16[%swap3A_339, %swap3A_340] {strides = array<i32>} : memref<16x768xf32, #tpu.memory_space<vmem>>, vector<16xf32>,
      tpu.vector_store %arg16[%swap3A_339, %swap3A_340], %add3A_338 {strides = array<i32>} : memref<16x768xf32, #tpu.memory_space<vmem>>, vector<16xf32>,
      %get3A_342 = arith.index_cast %scan3A_132 : i32 to index
      %get3A_343 = arith.constant 240 : index
      %get3A_344 = tpu.vector_load %arg16[%get3A_342, %get3A_343] {strides = array<i32>} : memref<16x768xf32, #tpu.memory_space<vmem>>, vector<16xf32>,
      %get3A_345 = arith.index_cast %scan3A_132 : i32 to index
      %get3A_346 = arith.constant 240 : index
      %get3A_347 = tpu.vector_load %arg14[%get3A_345, %get3A_346] {strides = array<i32>} : memref<16x768xf32, #tpu.memory_space<vmem>>, vector<16xf32>,
      %add3A_348 = arith.addf %get3A_344, %get3A_347 : vector<16xf32>
      %get3A_349 = arith.index_cast %scan3A_132 : i32 to index
      %get3A_350 = arith.constant 240 : index
      %get3A_351 = tpu.vector_load %arg15[%get3A_349, %get3A_350] {strides = array<i32>} : memref<16x768xf32, #tpu.memory_space<vmem>>, vector<16xf32>,
      %add3A_352 = arith.addf %add3A_348, %get3A_351 : vector<16xf32>
      %swap3A_353 = arith.index_cast %scan3A_132 : i32 to index
      %swap3A_354 = arith.constant 240 : index
      %swap3A_355 = tpu.vector_load %arg16[%swap3A_353, %swap3A_354] {strides = array<i32>} : memref<16x768xf32, #tpu.memory_space<vmem>>, vector<16xf32>,
      tpu.vector_store %arg16[%swap3A_353, %swap3A_354], %add3A_352 {strides = array<i32>} : memref<16x768xf32, #tpu.memory_space<vmem>>, vector<16xf32>,
      %get3A_356 = arith.index_cast %scan3A_132 : i32 to index
      %get3A_357 = arith.constant 256 : index
      %get3A_358 = tpu.vector_load %arg16[%get3A_356, %get3A_357] {strides = array<i32>} : memref<16x768xf32, #tpu.memory_space<vmem>>, vector<16xf32>,
      %get3A_359 = arith.index_cast %scan3A_132 : i32 to index
      %get3A_360 = arith.constant 256 : index
      %get3A_361 = tpu.vector_load %arg14[%get3A_359, %get3A_360] {strides = array<i32>} : memref<16x768xf32, #tpu.memory_space<vmem>>, vector<16xf32>,
      %add3A_362 = arith.addf %get3A_358, %get3A_361 : vector<16xf32>
      %get3A_363 = arith.index_cast %scan3A_132 : i32 to index
      %get3A_364 = arith.constant 256 : index
      %get3A_365 = tpu.vector_load %arg15[%get3A_363, %get3A_364] {strides = array<i32>} : memref<16x768xf32, #tpu.memory_space<vmem>>, vector<16xf32>,
      %add3A_366 = arith.addf %add3A_362, %get3A_365 : vector<16xf32>
      %swap3A_367 = arith.index_cast %scan3A_132 : i32 to index
      %swap3A_368 = arith.constant 256 : index
      %swap3A_369 = tpu.vector_load %arg16[%swap3A_367, %swap3A_368] {strides = array<i32>} : memref<16x768xf32, #tpu.memory_space<vmem>>, vector<16xf32>,
      tpu.vector_store %arg16[%swap3A_367, %swap3A_368], %add3A_366 {strides = array<i32>} : memref<16x768xf32, #tpu.memory_space<vmem>>, vector<16xf32>,
      %get3A_370 = arith.index_cast %scan3A_132 : i32 to index
      %get3A_371 = arith.constant 272 : index
      %get3A_372 = tpu.vector_load %arg16[%get3A_370, %get3A_371] {strides = array<i32>} : memref<16x768xf32, #tpu.memory_space<vmem>>, vector<16xf32>,
      %get3A_373 = arith.index_cast %scan3A_132 : i32 to index
      %get3A_374 = arith.constant 272 : index
      %get3A_375 = tpu.vector_load %arg14[%get3A_373, %get3A_374] {strides = array<i32>} : memref<16x768xf32, #tpu.memory_space<vmem>>, vector<16xf32>,
      %add3A_376 = arith.addf %get3A_372, %get3A_375 : vector<16xf32>
      %get3A_377 = arith.index_cast %scan3A_132 : i32 to index
      %get3A_378 = arith.constant 272 : index
      %get3A_379 = tpu.vector_load %arg15[%get3A_377, %get3A_378] {strides = array<i32>} : memref<16x768xf32, #tpu.memory_space<vmem>>, vector<16xf32>,
      %add3A_380 = arith.addf %add3A_376, %get3A_379 : vector<16xf32>
      %swap3A_381 = arith.index_cast %scan3A_132 : i32 to index
      %swap3A_382 = arith.constant 272 : index
      %swap3A_383 = tpu.vector_load %arg16[%swap3A_381, %swap3A_382] {strides = array<i32>} : memref<16x768xf32, #tpu.memory_space<vmem>>, vector<16xf32>,
      tpu.vector_store %arg16[%swap3A_381, %swap3A_382], %add3A_380 {strides = array<i32>} : memref<16x768xf32, #tpu.memory_space<vmem>>, vector<16xf32>,
      %get3A_384 = arith.index_cast %scan3A_132 : i32 to index
      %get3A_385 = arith.constant 288 : index
      %get3A_386 = tpu.vector_load %arg16[%get3A_384, %get3A_385] {strides = array<i32>} : memref<16x768xf32, #tpu.memory_space<vmem>>, vector<16xf32>,
      %get3A_387 = arith.index_cast %scan3A_132 : i32 to index
      %get3A_388 = arith.constant 288 : index
      %get3A_389 = tpu.vector_load %arg14[%get3A_387, %get3A_388] {strides = array<i32>} : memref<16x768xf32, #tpu.memory_space<vmem>>, vector<16xf32>,
      %add3A_390 = arith.addf %get3A_386, %get3A_389 : vector<16xf32>
      %get3A_391 = arith.index_cast %scan3A_132 : i32 to index
      %get3A_392 = arith.constant 288 : index
      %get3A_393 = tpu.vector_load %arg15[%get3A_391, %get3A_392] {strides = array<i32>} : memref<16x768xf32, #tpu.memory_space<vmem>>, vector<16xf32>,
      %add3A_394 = arith.addf %add3A_390, %get3A_393 : vector<16xf32>
      %swap3A_395 = arith.index_cast %scan3A_132 : i32 to index
      %swap3A_396 = arith.constant 288 : index
      %swap3A_397 = tpu.vector_load %arg16[%swap3A_395, %swap3A_396] {strides = array<i32>} : memref<16x768xf32, #tpu.memory_space<vmem>>, vector<16xf32>,
      tpu.vector_store %arg16[%swap3A_395, %swap3A_396], %add3A_394 {strides = array<i32>} : memref<16x768xf32, #tpu.memory_space<vmem>>, vector<16xf32>,
      %get3A_398 = arith.index_cast %scan3A_132 : i32 to index
      %get3A_399 = arith.constant 304 : index
      %get3A_400 = tpu.vector_load %arg16[%get3A_398, %get3A_399] {strides = array<i32>} : memref<16x768xf32, #tpu.memory_space<vmem>>, vector<16xf32>,
      %get3A_401 = arith.index_cast %scan3A_132 : i32 to index
      %get3A_402 = arith.constant 304 : index
      %get3A_403 = tpu.vector_load %arg14[%get3A_401, %get3A_402] {strides = array<i32>} : memref<16x768xf32, #tpu.memory_space<vmem>>, vector<16xf32>,
      %add3A_404 = arith.addf %get3A_400, %get3A_403 : vector<16xf32>
      %get3A_405 = arith.index_cast %scan3A_132 : i32 to index
      %get3A_406 = arith.constant 304 : index
      %get3A_407 = tpu.vector_load %arg15[%get3A_405, %get3A_406] {strides = array<i32>} : memref<16x768xf32, #tpu.memory_space<vmem>>, vector<16xf32>,
      %add3A_408 = arith.addf %add3A_404, %get3A_407 : vector<16xf32>
      %swap3A_409 = arith.index_cast %scan3A_132 : i32 to index
      %swap3A_410 = arith.constant 304 : index
      %swap3A_411 = tpu.vector_load %arg16[%swap3A_409, %swap3A_410] {strides = array<i32>} : memref<16x768xf32, #tpu.memory_space<vmem>>, vector<16xf32>,
      tpu.vector_store %arg16[%swap3A_409, %swap3A_410], %add3A_408 {strides = array<i32>} : memref<16x768xf32, #tpu.memory_space<vmem>>, vector<16xf32>,
      %get3A_412 = arith.index_cast %scan3A_132 : i32 to index
      %get3A_413 = arith.constant 320 : index
      %get3A_414 = tpu.vector_load %arg16[%get3A_412, %get3A_413] {strides = array<i32>} : memref<16x768xf32, #tpu.memory_space<vmem>>, vector<16xf32>,
      %get3A_415 = arith.index_cast %scan3A_132 : i32 to index
      %get3A_416 = arith.constant 320 : index
      %get3A_417 = tpu.vector_load %arg14[%get3A_415, %get3A_416] {strides = array<i32>} : memref<16x768xf32, #tpu.memory_space<vmem>>, vector<16xf32>,
      %add3A_418 = arith.addf %get3A_414, %get3A_417 : vector<16xf32>
      %get3A_419 = arith.index_cast %scan3A_132 : i32 to index
      %get3A_420 = arith.constant 320 : index
      %get3A_421 = tpu.vector_load %arg15[%get3A_419, %get3A_420] {strides = array<i32>} : memref<16x768xf32, #tpu.memory_space<vmem>>, vector<16xf32>,
      %add3A_422 = arith.addf %add3A_418, %get3A_421 : vector<16xf32>
      %swap3A_423 = arith.index_cast %scan3A_132 : i32 to index
      %swap3A_424 = arith.constant 320 : index
      %swap3A_425 = tpu.vector_load %arg16[%swap3A_423, %swap3A_424] {strides = array<i32>} : memref<16x768xf32, #tpu.memory_space<vmem>>, vector<16xf32>,
      tpu.vector_store %arg16[%swap3A_423, %swap3A_424], %add3A_422 {strides = array<i32>} : memref<16x768xf32, #tpu.memory_space<vmem>>, vector<16xf32>,
      %get3A_426 = arith.index_cast %scan3A_132 : i32 to index
      %get3A_427 = arith.constant 336 : index
      %get3A_428 = tpu.vector_load %arg16[%get3A_426, %get3A_427] {strides = array<i32>} : memref<16x768xf32, #tpu.memory_space<vmem>>, vector<16xf32>,
      %get3A_429 = arith.index_cast %scan3A_132 : i32 to index
      %get3A_430 = arith.constant 336 : index
      %get3A_431 = tpu.vector_load %arg14[%get3A_429, %get3A_430] {strides = array<i32>} : memref<16x768xf32, #tpu.memory_space<vmem>>, vector<16xf32>,
      %add3A_432 = arith.addf %get3A_428, %get3A_431 : vector<16xf32>
      %get3A_433 = arith.index_cast %scan3A_132 : i32 to index
      %get3A_434 = arith.constant 336 : index
      %get3A_435 = tpu.vector_load %arg15[%get3A_433, %get3A_434] {strides = array<i32>} : memref<16x768xf32, #tpu.memory_space<vmem>>, vector<16xf32>,
      %add3A_436 = arith.addf %add3A_432, %get3A_435 : vector<16xf32>
      %swap3A_437 = arith.index_cast %scan3A_132 : i32 to index
      %swap3A_438 = arith.constant 336 : index
      %swap3A_439 = tpu.vector_load %arg16[%swap3A_437, %swap3A_438] {strides = array<i32>} : memref<16x768xf32, #tpu.memory_space<vmem>>, vector<16xf32>,
      tpu.vector_store %arg16[%swap3A_437, %swap3A_438], %add3A_436 {strides = array<i32>} : memref<16x768xf32, #tpu.memory_space<vmem>>, vector<16xf32>,
      %get3A_440 = arith.index_cast %scan3A_132 : i32 to index
      %get3A_441 = arith.constant 352 : index
      %get3A_442 = tpu.vector_load %arg16[%get3A_440, %get3A_441] {strides = array<i32>} : memref<16x768xf32, #tpu.memory_space<vmem>>, vector<16xf32>,
      %get3A_443 = arith.index_cast %scan3A_132 : i32 to index
      %get3A_444 = arith.constant 352 : index
      %get3A_445 = tpu.vector_load %arg14[%get3A_443, %get3A_444] {strides = array<i32>} : memref<16x768xf32, #tpu.memory_space<vmem>>, vector<16xf32>,
      %add3A_446 = arith.addf %get3A_442, %get3A_445 : vector<16xf32>
      %get3A_447 = arith.index_cast %scan3A_132 : i32 to index
      %get3A_448 = arith.constant 352 : index
      %get3A_449 = tpu.vector_load %arg15[%get3A_447, %get3A_448] {strides = array<i32>} : memref<16x768xf32, #tpu.memory_space<vmem>>, vector<16xf32>,
      %add3A_450 = arith.addf %add3A_446, %get3A_449 : vector<16xf32>
      %swap3A_451 = arith.index_cast %scan3A_132 : i32 to index
      %swap3A_452 = arith.constant 352 : index
      %swap3A_453 = tpu.vector_load %arg16[%swap3A_451, %swap3A_452] {strides = array<i32>} : memref<16x768xf32, #tpu.memory_space<vmem>>, vector<16xf32>,
      tpu.vector_store %arg16[%swap3A_451, %swap3A_452], %add3A_450 {strides = array<i32>} : memref<16x768xf32, #tpu.memory_space<vmem>>, vector<16xf32>,
      %get3A_454 = arith.index_cast %scan3A_132 : i32 to index
      %get3A_455 = arith.constant 368 : index
      %get3A_456 = tpu.vector_load %arg16[%get3A_454, %get3A_455] {strides = array<i32>} : memref<16x768xf32, #tpu.memory_space<vmem>>, vector<16xf32>,
      %get3A_457 = arith.index_cast %scan3A_132 : i32 to index
      %get3A_458 = arith.constant 368 : index
      %get3A_459 = tpu.vector_load %arg14[%get3A_457, %get3A_458] {strides = array<i32>} : memref<16x768xf32, #tpu.memory_space<vmem>>, vector<16xf32>,
      %add3A_460 = arith.addf %get3A_456, %get3A_459 : vector<16xf32>
      %get3A_461 = arith.index_cast %scan3A_132 : i32 to index
      %get3A_462 = arith.constant 368 : index
      %get3A_463 = tpu.vector_load %arg15[%get3A_461, %get3A_462] {strides = array<i32>} : memref<16x768xf32, #tpu.memory_space<vmem>>, vector<16xf32>,
      %add3A_464 = arith.addf %add3A_460, %get3A_463 : vector<16xf32>
      %swap3A_465 = arith.index_cast %scan3A_132 : i32 to index
      %swap3A_466 = arith.constant 368 : index
      %swap3A_467 = tpu.vector_load %arg16[%swap3A_465, %swap3A_466] {strides = array<i32>} : memref<16x768xf32, #tpu.memory_space<vmem>>, vector<16xf32>,
      tpu.vector_store %arg16[%swap3A_465, %swap3A_466], %add3A_464 {strides = array<i32>} : memref<16x768xf32, #tpu.memory_space<vmem>>, vector<16xf32>,
      %get3A_468 = arith.index_cast %scan3A_132 : i32 to index
      %get3A_469 = arith.constant 384 : index
      %get3A_470 = tpu.vector_load %arg16[%get3A_468, %get3A_469] {strides = array<i32>} : memref<16x768xf32, #tpu.memory_space<vmem>>, vector<16xf32>,
      %get3A_471 = arith.index_cast %scan3A_132 : i32 to index
      %get3A_472 = arith.constant 384 : index
      %get3A_473 = tpu.vector_load %arg14[%get3A_471, %get3A_472] {strides = array<i32>} : memref<16x768xf32, #tpu.memory_space<vmem>>, vector<16xf32>,
      %add3A_474 = arith.addf %get3A_470, %get3A_473 : vector<16xf32>
      %get3A_475 = arith.index_cast %scan3A_132 : i32 to index
      %get3A_476 = arith.constant 384 : index
      %get3A_477 = tpu.vector_load %arg15[%get3A_475, %get3A_476] {strides = array<i32>} : memref<16x768xf32, #tpu.memory_space<vmem>>, vector<16xf32>,
      %add3A_478 = arith.addf %add3A_474, %get3A_477 : vector<16xf32>
      %swap3A_479 = arith.index_cast %scan3A_132 : i32 to index
      %swap3A_480 = arith.constant 384 : index
      %swap3A_481 = tpu.vector_load %arg16[%swap3A_479, %swap3A_480] {strides = array<i32>} : memref<16x768xf32, #tpu.memory_space<vmem>>, vector<16xf32>,
      tpu.vector_store %arg16[%swap3A_479, %swap3A_480], %add3A_478 {strides = array<i32>} : memref<16x768xf32, #tpu.memory_space<vmem>>, vector<16xf32>,
      %get3A_482 = arith.index_cast %scan3A_132 : i32 to index
      %get3A_483 = arith.constant 400 : index
      %get3A_484 = tpu.vector_load %arg16[%get3A_482, %get3A_483] {strides = array<i32>} : memref<16x768xf32, #tpu.memory_space<vmem>>, vector<16xf32>,
      %get3A_485 = arith.index_cast %scan3A_132 : i32 to index
      %get3A_486 = arith.constant 400 : index
      %get3A_487 = tpu.vector_load %arg14[%get3A_485, %get3A_486] {strides = array<i32>} : memref<16x768xf32, #tpu.memory_space<vmem>>, vector<16xf32>,
      %add3A_488 = arith.addf %get3A_484, %get3A_487 : vector<16xf32>
      %get3A_489 = arith.index_cast %scan3A_132 : i32 to index
      %get3A_490 = arith.constant 400 : index
      %get3A_491 = tpu.vector_load %arg15[%get3A_489, %get3A_490] {strides = array<i32>} : memref<16x768xf32, #tpu.memory_space<vmem>>, vector<16xf32>,
      %add3A_492 = arith.addf %add3A_488, %get3A_491 : vector<16xf32>
      %swap3A_493 = arith.index_cast %scan3A_132 : i32 to index
      %swap3A_494 = arith.constant 400 : index
      %swap3A_495 = tpu.vector_load %arg16[%swap3A_493, %swap3A_494] {strides = array<i32>} : memref<16x768xf32, #tpu.memory_space<vmem>>, vector<16xf32>,
      tpu.vector_store %arg16[%swap3A_493, %swap3A_494], %add3A_492 {strides = array<i32>} : memref<16x768xf32, #tpu.memory_space<vmem>>, vector<16xf32>,
      %get3A_496 = arith.index_cast %scan3A_132 : i32 to index
      %get3A_497 = arith.constant 416 : index
      %get3A_498 = tpu.vector_load %arg16[%get3A_496, %get3A_497] {strides = array<i32>} : memref<16x768xf32, #tpu.memory_space<vmem>>, vector<16xf32>,
      %get3A_499 = arith.index_cast %scan3A_132 : i32 to index
      %get3A_500 = arith.constant 416 : index
      %get3A_501 = tpu.vector_load %arg14[%get3A_499, %get3A_500] {strides = array<i32>} : memref<16x768xf32, #tpu.memory_space<vmem>>, vector<16xf32>,
      %add3A_502 = arith.addf %get3A_498, %get3A_501 : vector<16xf32>
      %get3A_503 = arith.index_cast %scan3A_132 : i32 to index
      %get3A_504 = arith.constant 416 : index
      %get3A_505 = tpu.vector_load %arg15[%get3A_503, %get3A_504] {strides = array<i32>} : memref<16x768xf32, #tpu.memory_space<vmem>>, vector<16xf32>,
      %add3A_506 = arith.addf %add3A_502, %get3A_505 : vector<16xf32>
      %swap3A_507 = arith.index_cast %scan3A_132 : i32 to index
      %swap3A_508 = arith.constant 416 : index
      %swap3A_509 = tpu.vector_load %arg16[%swap3A_507, %swap3A_508] {strides = array<i32>} : memref<16x768xf32, #tpu.memory_space<vmem>>, vector<16xf32>,
      tpu.vector_store %arg16[%swap3A_507, %swap3A_508], %add3A_506 {strides = array<i32>} : memref<16x768xf32, #tpu.memory_space<vmem>>, vector<16xf32>,
      %get3A_510 = arith.index_cast %scan3A_132 : i32 to index
      %get3A_511 = arith.constant 432 : index
      %get3A_512 = tpu.vector_load %arg16[%get3A_510, %get3A_511] {strides = array<i32>} : memref<16x768xf32, #tpu.memory_space<vmem>>, vector<16xf32>,
      %get3A_513 = arith.index_cast %scan3A_132 : i32 to index
      %get3A_514 = arith.constant 432 : index
      %get3A_515 = tpu.vector_load %arg14[%get3A_513, %get3A_514] {strides = array<i32>} : memref<16x768xf32, #tpu.memory_space<vmem>>, vector<16xf32>,
      %add3A_516 = arith.addf %get3A_512, %get3A_515 : vector<16xf32>
      %get3A_517 = arith.index_cast %scan3A_132 : i32 to index
      %get3A_518 = arith.constant 432 : index
      %get3A_519 = tpu.vector_load %arg15[%get3A_517, %get3A_518] {strides = array<i32>} : memref<16x768xf32, #tpu.memory_space<vmem>>, vector<16xf32>,
      %add3A_520 = arith.addf %add3A_516, %get3A_519 : vector<16xf32>
      %swap3A_521 = arith.index_cast %scan3A_132 : i32 to index
      %swap3A_522 = arith.constant 432 : index
      %swap3A_523 = tpu.vector_load %arg16[%swap3A_521, %swap3A_522] {strides = array<i32>} : memref<16x768xf32, #tpu.memory_space<vmem>>, vector<16xf32>,
      tpu.vector_store %arg16[%swap3A_521, %swap3A_522], %add3A_520 {strides = array<i32>} : memref<16x768xf32, #tpu.memory_space<vmem>>, vector<16xf32>,
      %get3A_524 = arith.index_cast %scan3A_132 : i32 to index
      %get3A_525 = arith.constant 448 : index
      %get3A_526 = tpu.vector_load %arg16[%get3A_524, %get3A_525] {strides = array<i32>} : memref<16x768xf32, #tpu.memory_space<vmem>>, vector<16xf32>,
      %get3A_527 = arith.index_cast %scan3A_132 : i32 to index
      %get3A_528 = arith.constant 448 : index
      %get3A_529 = tpu.vector_load %arg14[%get3A_527, %get3A_528] {strides = array<i32>} : memref<16x768xf32, #tpu.memory_space<vmem>>, vector<16xf32>,
      %add3A_530 = arith.addf %get3A_526, %get3A_529 : vector<16xf32>
      %get3A_531 = arith.index_cast %scan3A_132 : i32 to index
      %get3A_532 = arith.constant 448 : index
      %get3A_533 = tpu.vector_load %arg15[%get3A_531, %get3A_532] {strides = array<i32>} : memref<16x768xf32, #tpu.memory_space<vmem>>, vector<16xf32>,
      %add3A_534 = arith.addf %add3A_530, %get3A_533 : vector<16xf32>
      %swap3A_535 = arith.index_cast %scan3A_132 : i32 to index
      %swap3A_536 = arith.constant 448 : index
      %swap3A_537 = tpu.vector_load %arg16[%swap3A_535, %swap3A_536] {strides = array<i32>} : memref<16x768xf32, #tpu.memory_space<vmem>>, vector<16xf32>,
      tpu.vector_store %arg16[%swap3A_535, %swap3A_536], %add3A_534 {strides = array<i32>} : memref<16x768xf32, #tpu.memory_space<vmem>>, vector<16xf32>,
      %get3A_538 = arith.index_cast %scan3A_132 : i32 to index
      %get3A_539 = arith.constant 464 : index
      %get3A_540 = tpu.vector_load %arg16[%get3A_538, %get3A_539] {strides = array<i32>} : memref<16x768xf32, #tpu.memory_space<vmem>>, vector<16xf32>,
      %get3A_541 = arith.index_cast %scan3A_132 : i32 to index
      %get3A_542 = arith.constant 464 : index
      %get3A_543 = tpu.vector_load %arg14[%get3A_541, %get3A_542] {strides = array<i32>} : memref<16x768xf32, #tpu.memory_space<vmem>>, vector<16xf32>,
      %add3A_544 = arith.addf %get3A_540, %get3A_543 : vector<16xf32>
      %get3A_545 = arith.index_cast %scan3A_132 : i32 to index
      %get3A_546 = arith.constant 464 : index
      %get3A_547 = tpu.vector_load %arg15[%get3A_545, %get3A_546] {strides = array<i32>} : memref<16x768xf32, #tpu.memory_space<vmem>>, vector<16xf32>,
      %add3A_548 = arith.addf %add3A_544, %get3A_547 : vector<16xf32>
      %swap3A_549 = arith.index_cast %scan3A_132 : i32 to index
      %swap3A_550 = arith.constant 464 : index
      %swap3A_551 = tpu.vector_load %arg16[%swap3A_549, %swap3A_550] {strides = array<i32>} : memref<16x768xf32, #tpu.memory_space<vmem>>, vector<16xf32>,
      tpu.vector_store %arg16[%swap3A_549, %swap3A_550], %add3A_548 {strides = array<i32>} : memref<16x768xf32, #tpu.memory_space<vmem>>, vector<16xf32>,
      %get3A_552 = arith.index_cast %scan3A_132 : i32 to index
      %get3A_553 = arith.constant 480 : index
      %get3A_554 = tpu.vector_load %arg16[%get3A_552, %get3A_553] {strides = array<i32>} : memref<16x768xf32, #tpu.memory_space<vmem>>, vector<16xf32>,
      %get3A_555 = arith.index_cast %scan3A_132 : i32 to index
      %get3A_556 = arith.constant 480 : index
      %get3A_557 = tpu.vector_load %arg14[%get3A_555, %get3A_556] {strides = array<i32>} : memref<16x768xf32, #tpu.memory_space<vmem>>, vector<16xf32>,
      %add3A_558 = arith.addf %get3A_554, %get3A_557 : vector<16xf32>
      %get3A_559 = arith.index_cast %scan3A_132 : i32 to index
      %get3A_560 = arith.constant 480 : index
      %get3A_561 = tpu.vector_load %arg15[%get3A_559, %get3A_560] {strides = array<i32>} : memref<16x768xf32, #tpu.memory_space<vmem>>, vector<16xf32>,
      %add3A_562 = arith.addf %add3A_558, %get3A_561 : vector<16xf32>
      %swap3A_563 = arith.index_cast %scan3A_132 : i32 to index
      %swap3A_564 = arith.constant 480 : index
      %swap3A_565 = tpu.vector_load %arg16[%swap3A_563, %swap3A_564] {strides = array<i32>} : memref<16x768xf32, #tpu.memory_space<vmem>>, vector<16xf32>,
      tpu.vector_store %arg16[%swap3A_563, %swap3A_564], %add3A_562 {strides = array<i32>} : memref<16x768xf32, #tpu.memory_space<vmem>>, vector<16xf32>,
      %get3A_566 = arith.index_cast %scan3A_132 : i32 to index
      %get3A_567 = arith.constant 496 : index
      %get3A_568 = tpu.vector_load %arg16[%get3A_566, %get3A_567] {strides = array<i32>} : memref<16x768xf32, #tpu.memory_space<vmem>>, vector<16xf32>,
      %get3A_569 = arith.index_cast %scan3A_132 : i32 to index
      %get3A_570 = arith.constant 496 : index
      %get3A_571 = tpu.vector_load %arg14[%get3A_569, %get3A_570] {strides = array<i32>} : memref<16x768xf32, #tpu.memory_space<vmem>>, vector<16xf32>,
      %add3A_572 = arith.addf %get3A_568, %get3A_571 : vector<16xf32>
      %get3A_573 = arith.index_cast %scan3A_132 : i32 to index
      %get3A_574 = arith.constant 496 : index
      %get3A_575 = tpu.vector_load %arg15[%get3A_573, %get3A_574] {strides = array<i32>} : memref<16x768xf32, #tpu.memory_space<vmem>>, vector<16xf32>,
      %add3A_576 = arith.addf %add3A_572, %get3A_575 : vector<16xf32>
      %swap3A_577 = arith.index_cast %scan3A_132 : i32 to index
      %swap3A_578 = arith.constant 496 : index
      %swap3A_579 = tpu.vector_load %arg16[%swap3A_577, %swap3A_578] {strides = array<i32>} : memref<16x768xf32, #tpu.memory_space<vmem>>, vector<16xf32>,
      tpu.vector_store %arg16[%swap3A_577, %swap3A_578], %add3A_576 {strides = array<i32>} : memref<16x768xf32, #tpu.memory_space<vmem>>, vector<16xf32>,
      %get3A_580 = arith.index_cast %scan3A_132 : i32 to index
      %get3A_581 = arith.constant 512 : index
      %get3A_582 = tpu.vector_load %arg16[%get3A_580, %get3A_581] {strides = array<i32>} : memref<16x768xf32, #tpu.memory_space<vmem>>, vector<16xf32>,
      %get3A_583 = arith.index_cast %scan3A_132 : i32 to index
      %get3A_584 = arith.constant 512 : index
      %get3A_585 = tpu.vector_load %arg14[%get3A_583, %get3A_584] {strides = array<i32>} : memref<16x768xf32, #tpu.memory_space<vmem>>, vector<16xf32>,
      %add3A_586 = arith.addf %get3A_582, %get3A_585 : vector<16xf32>
      %get3A_587 = arith.index_cast %scan3A_132 : i32 to index
      %get3A_588 = arith.constant 512 : index
      %get3A_589 = tpu.vector_load %arg15[%get3A_587, %get3A_588] {strides = array<i32>} : memref<16x768xf32, #tpu.memory_space<vmem>>, vector<16xf32>,
      %add3A_590 = arith.addf %add3A_586, %get3A_589 : vector<16xf32>
      %swap3A_591 = arith.index_cast %scan3A_132 : i32 to index
      %swap3A_592 = arith.constant 512 : index
      %swap3A_593 = tpu.vector_load %arg16[%swap3A_591, %swap3A_592] {strides = array<i32>} : memref<16x768xf32, #tpu.memory_space<vmem>>, vector<16xf32>,
      tpu.vector_store %arg16[%swap3A_591, %swap3A_592], %add3A_590 {strides = array<i32>} : memref<16x768xf32, #tpu.memory_space<vmem>>, vector<16xf32>,
      %get3A_594 = arith.index_cast %scan3A_132 : i32 to index
      %get3A_595 = arith.constant 528 : index
      %get3A_596 = tpu.vector_load %arg16[%get3A_594, %get3A_595] {strides = array<i32>} : memref<16x768xf32, #tpu.memory_space<vmem>>, vector<16xf32>,
      %get3A_597 = arith.index_cast %scan3A_132 : i32 to index
      %get3A_598 = arith.constant 528 : index
      %get3A_599 = tpu.vector_load %arg14[%get3A_597, %get3A_598] {strides = array<i32>} : memref<16x768xf32, #tpu.memory_space<vmem>>, vector<16xf32>,
      %add3A_600 = arith.addf %get3A_596, %get3A_599 : vector<16xf32>
      %get3A_601 = arith.index_cast %scan3A_132 : i32 to index
      %get3A_602 = arith.constant 528 : index
      %get3A_603 = tpu.vector_load %arg15[%get3A_601, %get3A_602] {strides = array<i32>} : memref<16x768xf32, #tpu.memory_space<vmem>>, vector<16xf32>,
      %add3A_604 = arith.addf %add3A_600, %get3A_603 : vector<16xf32>
      %swap3A_605 = arith.index_cast %scan3A_132 : i32 to index
      %swap3A_606 = arith.constant 528 : index
      %swap3A_607 = tpu.vector_load %arg16[%swap3A_605, %swap3A_606] {strides = array<i32>} : memref<16x768xf32, #tpu.memory_space<vmem>>, vector<16xf32>,
      tpu.vector_store %arg16[%swap3A_605, %swap3A_606], %add3A_604 {strides = array<i32>} : memref<16x768xf32, #tpu.memory_space<vmem>>, vector<16xf32>,
      %get3A_608 = arith.index_cast %scan3A_132 : i32 to index
      %get3A_609 = arith.constant 544 : index
      %get3A_610 = tpu.vector_load %arg16[%get3A_608, %get3A_609] {strides = array<i32>} : memref<16x768xf32, #tpu.memory_space<vmem>>, vector<16xf32>,
      %get3A_611 = arith.index_cast %scan3A_132 : i32 to index
      %get3A_612 = arith.constant 544 : index
      %get3A_613 = tpu.vector_load %arg14[%get3A_611, %get3A_612] {strides = array<i32>} : memref<16x768xf32, #tpu.memory_space<vmem>>, vector<16xf32>,
      %add3A_614 = arith.addf %get3A_610, %get3A_613 : vector<16xf32>
      %get3A_615 = arith.index_cast %scan3A_132 : i32 to index
      %get3A_616 = arith.constant 544 : index
      %get3A_617 = tpu.vector_load %arg15[%get3A_615, %get3A_616] {strides = array<i32>} : memref<16x768xf32, #tpu.memory_space<vmem>>, vector<16xf32>,
      %add3A_618 = arith.addf %add3A_614, %get3A_617 : vector<16xf32>
      %swap3A_619 = arith.index_cast %scan3A_132 : i32 to index
      %swap3A_620 = arith.constant 544 : index
      %swap3A_621 = tpu.vector_load %arg16[%swap3A_619, %swap3A_620] {strides = array<i32>} : memref<16x768xf32, #tpu.memory_space<vmem>>, vector<16xf32>,
      tpu.vector_store %arg16[%swap3A_619, %swap3A_620], %add3A_618 {strides = array<i32>} : memref<16x768xf32, #tpu.memory_space<vmem>>, vector<16xf32>,
      %get3A_622 = arith.index_cast %scan3A_132 : i32 to index
      %get3A_623 = arith.constant 560 : index
      %get3A_624 = tpu.vector_load %arg16[%get3A_622, %get3A_623] {strides = array<i32>} : memref<16x768xf32, #tpu.memory_space<vmem>>, vector<16xf32>,
      %get3A_625 = arith.index_cast %scan3A_132 : i32 to index
      %get3A_626 = arith.constant 560 : index
      %get3A_627 = tpu.vector_load %arg14[%get3A_625, %get3A_626] {strides = array<i32>} : memref<16x768xf32, #tpu.memory_space<vmem>>, vector<16xf32>,
      %add3A_628 = arith.addf %get3A_624, %get3A_627 : vector<16xf32>
      %get3A_629 = arith.index_cast %scan3A_132 : i32 to index
      %get3A_630 = arith.constant 560 : index
      %get3A_631 = tpu.vector_load %arg15[%get3A_629, %get3A_630] {strides = array<i32>} : memref<16x768xf32, #tpu.memory_space<vmem>>, vector<16xf32>,
      %add3A_632 = arith.addf %add3A_628, %get3A_631 : vector<16xf32>
      %swap3A_633 = arith.index_cast %scan3A_132 : i32 to index
      %swap3A_634 = arith.constant 560 : index
      %swap3A_635 = tpu.vector_load %arg16[%swap3A_633, %swap3A_634] {strides = array<i32>} : memref<16x768xf32, #tpu.memory_space<vmem>>, vector<16xf32>,
      tpu.vector_store %arg16[%swap3A_633, %swap3A_634], %add3A_632 {strides = array<i32>} : memref<16x768xf32, #tpu.memory_space<vmem>>, vector<16xf32>,
      %get3A_636 = arith.index_cast %scan3A_132 : i32 to index
      %get3A_637 = arith.constant 576 : index
      %get3A_638 = tpu.vector_load %arg16[%get3A_636, %get3A_637] {strides = array<i32>} : memref<16x768xf32, #tpu.memory_space<vmem>>, vector<16xf32>,
      %get3A_639 = arith.index_cast %scan3A_132 : i32 to index
      %get3A_640 = arith.constant 576 : index
      %get3A_641 = tpu.vector_load %arg14[%get3A_639, %get3A_640] {strides = array<i32>} : memref<16x768xf32, #tpu.memory_space<vmem>>, vector<16xf32>,
      %add3A_642 = arith.addf %get3A_638, %get3A_641 : vector<16xf32>
      %get3A_643 = arith.index_cast %scan3A_132 : i32 to index
      %get3A_644 = arith.constant 576 : index
      %get3A_645 = tpu.vector_load %arg15[%get3A_643, %get3A_644] {strides = array<i32>} : memref<16x768xf32, #tpu.memory_space<vmem>>, vector<16xf32>,
      %add3A_646 = arith.addf %add3A_642, %get3A_645 : vector<16xf32>
      %swap3A_647 = arith.index_cast %scan3A_132 : i32 to index
      %swap3A_648 = arith.constant 576 : index
      %swap3A_649 = tpu.vector_load %arg16[%swap3A_647, %swap3A_648] {strides = array<i32>} : memref<16x768xf32, #tpu.memory_space<vmem>>, vector<16xf32>,
      tpu.vector_store %arg16[%swap3A_647, %swap3A_648], %add3A_646 {strides = array<i32>} : memref<16x768xf32, #tpu.memory_space<vmem>>, vector<16xf32>,
      %get3A_650 = arith.index_cast %scan3A_132 : i32 to index
      %get3A_651 = arith.constant 592 : index
      %get3A_652 = tpu.vector_load %arg16[%get3A_650, %get3A_651] {strides = array<i32>} : memref<16x768xf32, #tpu.memory_space<vmem>>, vector<16xf32>,
      %get3A_653 = arith.index_cast %scan3A_132 : i32 to index
      %get3A_654 = arith.constant 592 : index
      %get3A_655 = tpu.vector_load %arg14[%get3A_653, %get3A_654] {strides = array<i32>} : memref<16x768xf32, #tpu.memory_space<vmem>>, vector<16xf32>,
      %add3A_656 = arith.addf %get3A_652, %get3A_655 : vector<16xf32>
      %get3A_657 = arith.index_cast %scan3A_132 : i32 to index
      %get3A_658 = arith.constant 592 : index
      %get3A_659 = tpu.vector_load %arg15[%get3A_657, %get3A_658] {strides = array<i32>} : memref<16x768xf32, #tpu.memory_space<vmem>>, vector<16xf32>,
      %add3A_660 = arith.addf %add3A_656, %get3A_659 : vector<16xf32>
      %swap3A_661 = arith.index_cast %scan3A_132 : i32 to index
      %swap3A_662 = arith.constant 592 : index
      %swap3A_663 = tpu.vector_load %arg16[%swap3A_661, %swap3A_662] {strides = array<i32>} : memref<16x768xf32, #tpu.memory_space<vmem>>, vector<16xf32>,
      tpu.vector_store %arg16[%swap3A_661, %swap3A_662], %add3A_660 {strides = array<i32>} : memref<16x768xf32, #tpu.memory_space<vmem>>, vector<16xf32>,
      %get3A_664 = arith.index_cast %scan3A_132 : i32 to index
      %get3A_665 = arith.constant 608 : index
      %get3A_666 = tpu.vector_load %arg16[%get3A_664, %get3A_665] {strides = array<i32>} : memref<16x768xf32, #tpu.memory_space<vmem>>, vector<16xf32>,
      %get3A_667 = arith.index_cast %scan3A_132 : i32 to index
      %get3A_668 = arith.constant 608 : index
      %get3A_669 = tpu.vector_load %arg14[%get3A_667, %get3A_668] {strides = array<i32>} : memref<16x768xf32, #tpu.memory_space<vmem>>, vector<16xf32>,
      %add3A_670 = arith.addf %get3A_666, %get3A_669 : vector<16xf32>
      %get3A_671 = arith.index_cast %scan3A_132 : i32 to index
      %get3A_672 = arith.constant 608 : index
      %get3A_673 = tpu.vector_load %arg15[%get3A_671, %get3A_672] {strides = array<i32>} : memref<16x768xf32, #tpu.memory_space<vmem>>, vector<16xf32>,
      %add3A_674 = arith.addf %add3A_670, %get3A_673 : vector<16xf32>
      %swap3A_675 = arith.index_cast %scan3A_132 : i32 to index
      %swap3A_676 = arith.constant 608 : index
      %swap3A_677 = tpu.vector_load %arg16[%swap3A_675, %swap3A_676] {strides = array<i32>} : memref<16x768xf32, #tpu.memory_space<vmem>>, vector<16xf32>,
      tpu.vector_store %arg16[%swap3A_675, %swap3A_676], %add3A_674 {strides = array<i32>} : memref<16x768xf32, #tpu.memory_space<vmem>>, vector<16xf32>,
      %get3A_678 = arith.index_cast %scan3A_132 : i32 to index
      %get3A_679 = arith.constant 624 : index
      %get3A_680 = tpu.vector_load %arg16[%get3A_678, %get3A_679] {strides = array<i32>} : memref<16x768xf32, #tpu.memory_space<vmem>>, vector<16xf32>,
      %get3A_681 = arith.index_cast %scan3A_132 : i32 to index
      %get3A_682 = arith.constant 624 : index
      %get3A_683 = tpu.vector_load %arg14[%get3A_681, %get3A_682] {strides = array<i32>} : memref<16x768xf32, #tpu.memory_space<vmem>>, vector<16xf32>,
      %add3A_684 = arith.addf %get3A_680, %get3A_683 : vector<16xf32>
      %get3A_685 = arith.index_cast %scan3A_132 : i32 to index
      %get3A_686 = arith.constant 624 : index
      %get3A_687 = tpu.vector_load %arg15[%get3A_685, %get3A_686] {strides = array<i32>} : memref<16x768xf32, #tpu.memory_space<vmem>>, vector<16xf32>,
      %add3A_688 = arith.addf %add3A_684, %get3A_687 : vector<16xf32>
      %swap3A_689 = arith.index_cast %scan3A_132 : i32 to index
      %swap3A_690 = arith.constant 624 : index
      %swap3A_691 = tpu.vector_load %arg16[%swap3A_689, %swap3A_690] {strides = array<i32>} : memref<16x768xf32, #tpu.memory_space<vmem>>, vector<16xf32>,
      tpu.vector_store %arg16[%swap3A_689, %swap3A_690], %add3A_688 {strides = array<i32>} : memref<16x768xf32, #tpu.memory_space<vmem>>, vector<16xf32>,
      %get3A_692 = arith.index_cast %scan3A_132 : i32 to index
      %get3A_693 = arith.constant 640 : index
      %get3A_694 = tpu.vector_load %arg16[%get3A_692, %get3A_693] {strides = array<i32>} : memref<16x768xf32, #tpu.memory_space<vmem>>, vector<16xf32>,
      %get3A_695 = arith.index_cast %scan3A_132 : i32 to index
      %get3A_696 = arith.constant 640 : index
      %get3A_697 = tpu.vector_load %arg14[%get3A_695, %get3A_696] {strides = array<i32>} : memref<16x768xf32, #tpu.memory_space<vmem>>, vector<16xf32>,
      %add3A_698 = arith.addf %get3A_694, %get3A_697 : vector<16xf32>
      %get3A_699 = arith.index_cast %scan3A_132 : i32 to index
      %get3A_700 = arith.constant 640 : index
      %get3A_701 = tpu.vector_load %arg15[%get3A_699, %get3A_700] {strides = array<i32>} : memref<16x768xf32, #tpu.memory_space<vmem>>, vector<16xf32>,
      %add3A_702 = arith.addf %add3A_698, %get3A_701 : vector<16xf32>
      %swap3A_703 = arith.index_cast %scan3A_132 : i32 to index
      %swap3A_704 = arith.constant 640 : index
      %swap3A_705 = tpu.vector_load %arg16[%swap3A_703, %swap3A_704] {strides = array<i32>} : memref<16x768xf32, #tpu.memory_space<vmem>>, vector<16xf32>,
      tpu.vector_store %arg16[%swap3A_703, %swap3A_704], %add3A_702 {strides = array<i32>} : memref<16x768xf32, #tpu.memory_space<vmem>>, vector<16xf32>,
      %get3A_706 = arith.index_cast %scan3A_132 : i32 to index
      %get3A_707 = arith.constant 656 : index
      %get3A_708 = tpu.vector_load %arg16[%get3A_706, %get3A_707] {strides = array<i32>} : memref<16x768xf32, #tpu.memory_space<vmem>>, vector<16xf32>,
      %get3A_709 = arith.index_cast %scan3A_132 : i32 to index
      %get3A_710 = arith.constant 656 : index
      %get3A_711 = tpu.vector_load %arg14[%get3A_709, %get3A_710] {strides = array<i32>} : memref<16x768xf32, #tpu.memory_space<vmem>>, vector<16xf32>,
      %add3A_712 = arith.addf %get3A_708, %get3A_711 : vector<16xf32>
      %get3A_713 = arith.index_cast %scan3A_132 : i32 to index
      %get3A_714 = arith.constant 656 : index
      %get3A_715 = tpu.vector_load %arg15[%get3A_713, %get3A_714] {strides = array<i32>} : memref<16x768xf32, #tpu.memory_space<vmem>>, vector<16xf32>,
      %add3A_716 = arith.addf %add3A_712, %get3A_715 : vector<16xf32>
      %swap3A_717 = arith.index_cast %scan3A_132 : i32 to index
      %swap3A_718 = arith.constant 656 : index
      %swap3A_719 = tpu.vector_load %arg16[%swap3A_717, %swap3A_718] {strides = array<i32>} : memref<16x768xf32, #tpu.memory_space<vmem>>, vector<16xf32>,
      tpu.vector_store %arg16[%swap3A_717, %swap3A_718], %add3A_716 {strides = array<i32>} : memref<16x768xf32, #tpu.memory_space<vmem>>, vector<16xf32>,
      %get3A_720 = arith.index_cast %scan3A_132 : i32 to index
      %get3A_721 = arith.constant 672 : index
      %get3A_722 = tpu.vector_load %arg16[%get3A_720, %get3A_721] {strides = array<i32>} : memref<16x768xf32, #tpu.memory_space<vmem>>, vector<16xf32>,
      %get3A_723 = arith.index_cast %scan3A_132 : i32 to index
      %get3A_724 = arith.constant 672 : index
      %get3A_725 = tpu.vector_load %arg14[%get3A_723, %get3A_724] {strides = array<i32>} : memref<16x768xf32, #tpu.memory_space<vmem>>, vector<16xf32>,
      %add3A_726 = arith.addf %get3A_722, %get3A_725 : vector<16xf32>
      %get3A_727 = arith.index_cast %scan3A_132 : i32 to index
      %get3A_728 = arith.constant 672 : index
      %get3A_729 = tpu.vector_load %arg15[%get3A_727, %get3A_728] {strides = array<i32>} : memref<16x768xf32, #tpu.memory_space<vmem>>, vector<16xf32>,
      %add3A_730 = arith.addf %add3A_726, %get3A_729 : vector<16xf32>
      %swap3A_731 = arith.index_cast %scan3A_132 : i32 to index
      %swap3A_732 = arith.constant 672 : index
      %swap3A_733 = tpu.vector_load %arg16[%swap3A_731, %swap3A_732] {strides = array<i32>} : memref<16x768xf32, #tpu.memory_space<vmem>>, vector<16xf32>,
      tpu.vector_store %arg16[%swap3A_731, %swap3A_732], %add3A_730 {strides = array<i32>} : memref<16x768xf32, #tpu.memory_space<vmem>>, vector<16xf32>,
      %get3A_734 = arith.index_cast %scan3A_132 : i32 to index
      %get3A_735 = arith.constant 688 : index
      %get3A_736 = tpu.vector_load %arg16[%get3A_734, %get3A_735] {strides = array<i32>} : memref<16x768xf32, #tpu.memory_space<vmem>>, vector<16xf32>,
      %get3A_737 = arith.index_cast %scan3A_132 : i32 to index
      %get3A_738 = arith.constant 688 : index
      %get3A_739 = tpu.vector_load %arg14[%get3A_737, %get3A_738] {strides = array<i32>} : memref<16x768xf32, #tpu.memory_space<vmem>>, vector<16xf32>,
      %add3A_740 = arith.addf %get3A_736, %get3A_739 : vector<16xf32>
      %get3A_741 = arith.index_cast %scan3A_132 : i32 to index
      %get3A_742 = arith.constant 688 : index
      %get3A_743 = tpu.vector_load %arg15[%get3A_741, %get3A_742] {strides = array<i32>} : memref<16x768xf32, #tpu.memory_space<vmem>>, vector<16xf32>,
      %add3A_744 = arith.addf %add3A_740, %get3A_743 : vector<16xf32>
      %swap3A_745 = arith.index_cast %scan3A_132 : i32 to index
      %swap3A_746 = arith.constant 688 : index
      %swap3A_747 = tpu.vector_load %arg16[%swap3A_745, %swap3A_746] {strides = array<i32>} : memref<16x768xf32, #tpu.memory_space<vmem>>, vector<16xf32>,
      tpu.vector_store %arg16[%swap3A_745, %swap3A_746], %add3A_744 {strides = array<i32>} : memref<16x768xf32, #tpu.memory_space<vmem>>, vector<16xf32>,
      %get3A_748 = arith.index_cast %scan3A_132 : i32 to index
      %get3A_749 = arith.constant 704 : index
      %get3A_750 = tpu.vector_load %arg16[%get3A_748, %get3A_749] {strides = array<i32>} : memref<16x768xf32, #tpu.memory_space<vmem>>, vector<16xf32>,
      %get3A_751 = arith.index_cast %scan3A_132 : i32 to index
      %get3A_752 = arith.constant 704 : index
      %get3A_753 = tpu.vector_load %arg14[%get3A_751, %get3A_752] {strides = array<i32>} : memref<16x768xf32, #tpu.memory_space<vmem>>, vector<16xf32>,
      %add3A_754 = arith.addf %get3A_750, %get3A_753 : vector<16xf32>
      %get3A_755 = arith.index_cast %scan3A_132 : i32 to index
      %get3A_756 = arith.constant 704 : index
      %get3A_757 = tpu.vector_load %arg15[%get3A_755, %get3A_756] {strides = array<i32>} : memref<16x768xf32, #tpu.memory_space<vmem>>, vector<16xf32>,
      %add3A_758 = arith.addf %add3A_754, %get3A_757 : vector<16xf32>
      %swap3A_759 = arith.index_cast %scan3A_132 : i32 to index
      %swap3A_760 = arith.constant 704 : index
      %swap3A_761 = tpu.vector_load %arg16[%swap3A_759, %swap3A_760] {strides = array<i32>} : memref<16x768xf32, #tpu.memory_space<vmem>>, vector<16xf32>,
      tpu.vector_store %arg16[%swap3A_759, %swap3A_760], %add3A_758 {strides = array<i32>} : memref<16x768xf32, #tpu.memory_space<vmem>>, vector<16xf32>,
      %get3A_762 = arith.index_cast %scan3A_132 : i32 to index
      %get3A_763 = arith.constant 720 : index
      %get3A_764 = tpu.vector_load %arg16[%get3A_762, %get3A_763] {strides = array<i32>} : memref<16x768xf32, #tpu.memory_space<vmem>>, vector<16xf32>,
      %get3A_765 = arith.index_cast %scan3A_132 : i32 to index
      %get3A_766 = arith.constant 720 : index
      %get3A_767 = tpu.vector_load %arg14[%get3A_765, %get3A_766] {strides = array<i32>} : memref<16x768xf32, #tpu.memory_space<vmem>>, vector<16xf32>,
      %add3A_768 = arith.addf %get3A_764, %get3A_767 : vector<16xf32>
      %get3A_769 = arith.index_cast %scan3A_132 : i32 to index
      %get3A_770 = arith.constant 720 : index
      %get3A_771 = tpu.vector_load %arg15[%get3A_769, %get3A_770] {strides = array<i32>} : memref<16x768xf32, #tpu.memory_space<vmem>>, vector<16xf32>,
      %add3A_772 = arith.addf %add3A_768, %get3A_771 : vector<16xf32>
      %swap3A_773 = arith.index_cast %scan3A_132 : i32 to index
      %swap3A_774 = arith.constant 720 : index
      %swap3A_775 = tpu.vector_load %arg16[%swap3A_773, %swap3A_774] {strides = array<i32>} : memref<16x768xf32, #tpu.memory_space<vmem>>, vector<16xf32>,
      tpu.vector_store %arg16[%swap3A_773, %swap3A_774], %add3A_772 {strides = array<i32>} : memref<16x768xf32, #tpu.memory_space<vmem>>, vector<16xf32>,
      %get3A_776 = arith.index_cast %scan3A_132 : i32 to index
      %get3A_777 = arith.constant 736 : index
      %get3A_778 = tpu.vector_load %arg16[%get3A_776, %get3A_777] {strides = array<i32>} : memref<16x768xf32, #tpu.memory_space<vmem>>, vector<16xf32>,
      %get3A_779 = arith.index_cast %scan3A_132 : i32 to index
      %get3A_780 = arith.constant 736 : index
      %get3A_781 = tpu.vector_load %arg14[%get3A_779, %get3A_780] {strides = array<i32>} : memref<16x768xf32, #tpu.memory_space<vmem>>, vector<16xf32>,
      %add3A_782 = arith.addf %get3A_778, %get3A_781 : vector<16xf32>
      %get3A_783 = arith.index_cast %scan3A_132 : i32 to index
      %get3A_784 = arith.constant 736 : index
      %get3A_785 = tpu.vector_load %arg15[%get3A_783, %get3A_784] {strides = array<i32>} : memref<16x768xf32, #tpu.memory_space<vmem>>, vector<16xf32>,
      %add3A_786 = arith.addf %add3A_782, %get3A_785 : vector<16xf32>
      %swap3A_787 = arith.index_cast %scan3A_132 : i32 to index
      %swap3A_788 = arith.constant 736 : index
      %swap3A_789 = tpu.vector_load %arg16[%swap3A_787, %swap3A_788] {strides = array<i32>} : memref<16x768xf32, #tpu.memory_space<vmem>>, vector<16xf32>,
      tpu.vector_store %arg16[%swap3A_787, %swap3A_788], %add3A_786 {strides = array<i32>} : memref<16x768xf32, #tpu.memory_space<vmem>>, vector<16xf32>,
      %get3A_790 = arith.index_cast %scan3A_132 : i32 to index
      %get3A_791 = arith.constant 752 : index
      %get3A_792 = tpu.vector_load %arg16[%get3A_790, %get3A_791] {strides = array<i32>} : memref<16x768xf32, #tpu.memory_space<vmem>>, vector<16xf32>,
      %get3A_793 = arith.index_cast %scan3A_132 : i32 to index
      %get3A_794 = arith.constant 752 : index
      %get3A_795 = tpu.vector_load %arg14[%get3A_793, %get3A_794] {strides = array<i32>} : memref<16x768xf32, #tpu.memory_space<vmem>>, vector<16xf32>,
      %add3A_796 = arith.addf %get3A_792, %get3A_795 : vector<16xf32>
      %get3A_797 = arith.index_cast %scan3A_132 : i32 to index
      %get3A_798 = arith.constant 752 : index
      %get3A_799 = tpu.vector_load %arg15[%get3A_797, %get3A_798] {strides = array<i32>} : memref<16x768xf32, #tpu.memory_space<vmem>>, vector<16xf32>,
      %add3A_800 = arith.addf %add3A_796, %get3A_799 : vector<16xf32>
      %swap3A_801 = arith.index_cast %scan3A_132 : i32 to index
      %swap3A_802 = arith.constant 752 : index
      %swap3A_803 = tpu.vector_load %arg16[%swap3A_801, %swap3A_802] {strides = array<i32>} : memref<16x768xf32, #tpu.memory_space<vmem>>, vector<16xf32>,
      tpu.vector_store %arg16[%swap3A_801, %swap3A_802], %add3A_800 {strides = array<i32>} : memref<16x768xf32, #tpu.memory_space<vmem>>, vector<16xf32>,
      %scan3A_804 = arith.constant 0 : i32
      scf.yield %scan3A_804 : i32
    }
    %scan3A_77 = arith.constant 16 : i32
    %add3A_78 = arith.constant 16 : i32
    %add3A_79 = arith.addi %mul3A_2, %add3A_78 : i32
    "tpu.region"() ({
      %run_scoped3A = tpu.sem_alloc : memref<!tpu.dma_semaphore, #tpu.memory_space<semaphore_mem>>
      %dma_start3A_132 = arith.constant 0 : i32
      %dma_start3A_133 = tpu.memref_slice %arg5[%add3A_79, %dma_start3A_132] : memref<2048x768xf32, #tpu.memory_space<hbm>> -> memref<16x768xf32, #tpu.memory_space<hbm>>
      %dma_start3A_134 = arith.constant 0 : i32
      %dma_start3A_135 = tpu.memref_slice %arg5[%add3A_79, %dma_start3A_134] : memref<2048x768xf32, #tpu.memory_space<hbm>> -> memref<16x768xf32, #tpu.memory_space<hbm>>
      tpu.enqueue_dma source(%arg16 : memref<16x768xf32, #tpu.memory_space<vmem>>) target(%dma_start3A_135 : memref<16x768xf32, #tpu.memory_space<hbm>>) target_semaphore(%run_scoped3A : memref<!tpu.dma_semaphore, #tpu.memory_space<semaphore_mem>>)
      %dma_wait3A_136 = arith.constant 0 : i32
      %dma_wait3A_137 = tpu.memref_slice %arg5[%add3A_79, %dma_wait3A_136] : memref<2048x768xf32, #tpu.memory_space<hbm>> -> memref<16x768xf32, #tpu.memory_space<hbm>>
      %dma_wait3A_138 = arith.constant 0 : i32
      %dma_wait3A_139 = tpu.memref_slice %arg5[%add3A_79, %dma_wait3A_138] : memref<2048x768xf32, #tpu.memory_space<hbm>> -> memref<16x768xf32, #tpu.memory_space<hbm>>
      tpu.wait_dma2 semaphore(%run_scoped3A : memref<!tpu.dma_semaphore, #tpu.memory_space<semaphore_mem>>) src(%arg16 : memref<16x768xf32, #tpu.memory_space<vmem>>) dst(%dma_wait3A_139 : memref<16x768xf32, #tpu.memory_space<hbm>>)
      tpu.yield
    }) : () -> ()
    %add3A_80 = arith.constant 48 : i32
    %add3A_81 = arith.addi %mul3A_2, %add3A_80 : i32
    "tpu.region"() ({
      %run_scoped3A = tpu.sem_alloc : memref<!tpu.dma_semaphore, #tpu.memory_space<semaphore_mem>>
      %dma_start3A_132 = tpu.memref_slice %arg4[%add3A_81] : memref<4096xi32, #tpu.memory_space<hbm>> -> memref<16xi32, #tpu.memory_space<hbm>>
      %dma_start3A_133 = tpu.memref_slice %arg4[%add3A_81] : memref<4096xi32, #tpu.memory_space<hbm>> -> memref<16xi32, #tpu.memory_space<hbm>>
      tpu.enqueue_dma source(%dma_start3A_133 : memref<16xi32, #tpu.memory_space<hbm>>) target(%arg12 : memref<16xi32, #tpu.memory_space<vmem>>) target_semaphore(%run_scoped3A : memref<!tpu.dma_semaphore, #tpu.memory_space<semaphore_mem>>)
      %dma_wait3A_134 = tpu.memref_slice %arg4[%add3A_81] : memref<4096xi32, #tpu.memory_space<hbm>> -> memref<16xi32, #tpu.memory_space<hbm>>
      %dma_wait3A_135 = tpu.memref_slice %arg4[%add3A_81] : memref<4096xi32, #tpu.memory_space<hbm>> -> memref<16xi32, #tpu.memory_space<hbm>>
      tpu.wait_dma2 semaphore(%run_scoped3A : memref<!tpu.dma_semaphore, #tpu.memory_space<semaphore_mem>>) src(%dma_wait3A_135 : memref<16xi32, #tpu.memory_space<hbm>>) dst(%arg12 : memref<16xi32, #tpu.memory_space<vmem>>)
      tpu.yield
    }) : () -> ()
    %add3A_82 = arith.constant 2048 : i32
    %add3A_83 = arith.addi %add3A_82, %add3A_81 : i32
    "tpu.region"() ({
      %run_scoped3A = tpu.sem_alloc : memref<!tpu.dma_semaphore, #tpu.memory_space<semaphore_mem>>
      %dma_start3A_132 = tpu.memref_slice %arg4[%add3A_83] : memref<4096xi32, #tpu.memory_space<hbm>> -> memref<16xi32, #tpu.memory_space<hbm>>
      %dma_start3A_133 = tpu.memref_slice %arg4[%add3A_83] : memref<4096xi32, #tpu.memory_space<hbm>> -> memref<16xi32, #tpu.memory_space<hbm>>
      tpu.enqueue_dma source(%dma_start3A_133 : memref<16xi32, #tpu.memory_space<hbm>>) target(%arg13 : memref<16xi32, #tpu.memory_space<vmem>>) target_semaphore(%run_scoped3A : memref<!tpu.dma_semaphore, #tpu.memory_space<semaphore_mem>>)
      %dma_wait3A_134 = tpu.memref_slice %arg4[%add3A_83] : memref<4096xi32, #tpu.memory_space<hbm>> -> memref<16xi32, #tpu.memory_space<hbm>>
      %dma_wait3A_135 = tpu.memref_slice %arg4[%add3A_83] : memref<4096xi32, #tpu.memory_space<hbm>> -> memref<16xi32, #tpu.memory_space<hbm>>
      tpu.wait_dma2 semaphore(%run_scoped3A : memref<!tpu.dma_semaphore, #tpu.memory_space<semaphore_mem>>) src(%dma_wait3A_135 : memref<16xi32, #tpu.memory_space<hbm>>) dst(%arg13 : memref<16xi32, #tpu.memory_space<vmem>>)
      tpu.yield
    }) : () -> ()
    %dma_start3A_84 = arith.constant 0 : i32
    %dma_start3A_85 = arith.constant 0 : i32
    %dma_start3A_86 = tpu.memref_slice %arg3[%dma_start3A_84, %dma_start3A_85] : memref<12416x768xf32, #tpu.memory_space<hbm>> -> memref<12416x768xf32, #tpu.memory_space<hbm>>
    tpu.enqueue_indirect_dma source(%dma_start3A_86 : memref<12416x768xf32, #tpu.memory_space<hbm>>) target(%arg14 : memref<16x768xf32, #tpu.memory_space<vmem>>) offsets(%arg12 : memref<16xi32, #tpu.memory_space<vmem>>) semaphore(%arg17 : memref<!tpu.dma_semaphore, #tpu.memory_space<semaphore_mem>>)
    %dma_start3A_87 = arith.constant 0 : i32
    %dma_start3A_88 = arith.constant 0 : i32
    %dma_start3A_89 = tpu.memref_slice %arg3[%dma_start3A_87, %dma_start3A_88] : memref<12416x768xf32, #tpu.memory_space<hbm>> -> memref<12416x768xf32, #tpu.memory_space<hbm>>
    tpu.enqueue_indirect_dma source(%dma_start3A_89 : memref<12416x768xf32, #tpu.memory_space<hbm>>) target(%arg15 : memref<16x768xf32, #tpu.memory_space<vmem>>) offsets(%arg13 : memref<16xi32, #tpu.memory_space<vmem>>) semaphore(%arg17 : memref<!tpu.dma_semaphore, #tpu.memory_space<semaphore_mem>>)
    %dma_start3A_90 = arith.constant 0 : i32
    %dma_start3A_91 = tpu.memref_slice %arg2[%add3A_81, %dma_start3A_90] : memref<2048x768xf32, #tpu.memory_space<hbm>> -> memref<16x768xf32, #tpu.memory_space<hbm>>
    %dma_start3A_92 = arith.constant 0 : i32
    %dma_start3A_93 = tpu.memref_slice %arg2[%add3A_81, %dma_start3A_92] : memref<2048x768xf32, #tpu.memory_space<hbm>> -> memref<16x768xf32, #tpu.memory_space<hbm>>
    tpu.enqueue_dma source(%dma_start3A_93 : memref<16x768xf32, #tpu.memory_space<hbm>>) target(%arg16 : memref<16x768xf32, #tpu.memory_space<vmem>>) target_semaphore(%arg17 : memref<!tpu.dma_semaphore, #tpu.memory_space<semaphore_mem>>)
    %dma_wait3A_94 = arith.constant 0 : i32
    %dma_wait3A_95 = arith.constant 0 : i32
    %dma_wait3A_96 = tpu.memref_slice %arg3[%dma_wait3A_94, %dma_wait3A_95] : memref<12416x768xf32, #tpu.memory_space<hbm>> -> memref<12416x768xf32, #tpu.memory_space<hbm>>
    tpu.wait_indirect_dma semaphore(%arg11 : memref<!tpu.dma_semaphore, #tpu.memory_space<semaphore_mem>>) src(%dma_wait3A_96 : memref<12416x768xf32, #tpu.memory_space<hbm>>) dst(%arg8 : memref<16x768xf32, #tpu.memory_space<vmem>>)
    %dma_wait3A_97 = arith.constant 0 : i32
    %dma_wait3A_98 = arith.constant 0 : i32
    %dma_wait3A_99 = tpu.memref_slice %arg3[%dma_wait3A_97, %dma_wait3A_98] : memref<12416x768xf32, #tpu.memory_space<hbm>> -> memref<12416x768xf32, #tpu.memory_space<hbm>>
    tpu.wait_indirect_dma semaphore(%arg11 : memref<!tpu.dma_semaphore, #tpu.memory_space<semaphore_mem>>) src(%dma_wait3A_99 : memref<12416x768xf32, #tpu.memory_space<hbm>>) dst(%arg9 : memref<16x768xf32, #tpu.memory_space<vmem>>)
    %dma_wait3A_100 = arith.constant 0 : i32
    %dma_wait3A_101 = tpu.memref_slice %arg2[%add3A_48, %dma_wait3A_100] : memref<2048x768xf32, #tpu.memory_space<hbm>> -> memref<16x768xf32, #tpu.memory_space<hbm>>
    %dma_wait3A_102 = arith.constant 0 : i32
    %dma_wait3A_103 = tpu.memref_slice %arg2[%add3A_48, %dma_wait3A_102] : memref<2048x768xf32, #tpu.memory_space<hbm>> -> memref<16x768xf32, #tpu.memory_space<hbm>>
    tpu.wait_dma2 semaphore(%arg11 : memref<!tpu.dma_semaphore, #tpu.memory_space<semaphore_mem>>) src(%dma_wait3A_103 : memref<16x768xf32, #tpu.memory_space<hbm>>) dst(%arg10 : memref<16x768xf32, #tpu.memory_space<vmem>>)
    %scan3A_104 = arith.constant 0 : i32
    %scan3A_105 = arith.constant 0 : i32
    %scan3A_106 = arith.constant 16 : i32
    %scan3A_107 = arith.addi %scan3A_105, %scan3A_106 : i32
    %scan3A_108 = arith.constant 1 : i32
    %scan3A_109 = scf.for %scan3A_132 = %scan3A_105 to %scan3A_107 step %scan3A_108 iter_args(%scan3A_133 = %scan3A_104) -> (i32)  : i32 {
      %get3A = arith.index_cast %scan3A_132 : i32 to index
      %get3A_134 = arith.constant 0 : index
      %get3A_135 = tpu.vector_load %arg10[%get3A, %get3A_134] {strides = array<i32>} : memref<16x768xf32, #tpu.memory_space<vmem>>, vector<16xf32>,
      %get3A_136 = arith.index_cast %scan3A_132 : i32 to index
      %get3A_137 = arith.constant 0 : index
      %get3A_138 = tpu.vector_load %arg8[%get3A_136, %get3A_137] {strides = array<i32>} : memref<16x768xf32, #tpu.memory_space<vmem>>, vector<16xf32>,
      %add3A_139 = arith.addf %get3A_135, %get3A_138 : vector<16xf32>
      %get3A_140 = arith.index_cast %scan3A_132 : i32 to index
      %get3A_141 = arith.constant 0 : index
      %get3A_142 = tpu.vector_load %arg9[%get3A_140, %get3A_141] {strides = array<i32>} : memref<16x768xf32, #tpu.memory_space<vmem>>, vector<16xf32>,
      %add3A_143 = arith.addf %add3A_139, %get3A_142 : vector<16xf32>
      %swap3A = arith.index_cast %scan3A_132 : i32 to index
      %swap3A_144 = arith.constant 0 : index
      %swap3A_145 = tpu.vector_load %arg10[%swap3A, %swap3A_144] {strides = array<i32>} : memref<16x768xf32, #tpu.memory_space<vmem>>, vector<16xf32>,
      tpu.vector_store %arg10[%swap3A, %swap3A_144], %add3A_143 {strides = array<i32>} : memref<16x768xf32, #tpu.memory_space<vmem>>, vector<16xf32>,
      %get3A_146 = arith.index_cast %scan3A_132 : i32 to index
      %get3A_147 = arith.constant 16 : index
      %get3A_148 = tpu.vector_load %arg10[%get3A_146, %get3A_147] {strides = array<i32>} : memref<16x768xf32, #tpu.memory_space<vmem>>, vector<16xf32>,
      %get3A_149 = arith.index_cast %scan3A_132 : i32 to index
      %get3A_150 = arith.constant 16 : index
      %get3A_151 = tpu.vector_load %arg8[%get3A_149, %get3A_150] {strides = array<i32>} : memref<16x768xf32, #tpu.memory_space<vmem>>, vector<16xf32>,
      %add3A_152 = arith.addf %get3A_148, %get3A_151 : vector<16xf32>
      %get3A_153 = arith.index_cast %scan3A_132 : i32 to index
      %get3A_154 = arith.constant 16 : index
      %get3A_155 = tpu.vector_load %arg9[%get3A_153, %get3A_154] {strides = array<i32>} : memref<16x768xf32, #tpu.memory_space<vmem>>, vector<16xf32>,
      %add3A_156 = arith.addf %add3A_152, %get3A_155 : vector<16xf32>
      %swap3A_157 = arith.index_cast %scan3A_132 : i32 to index
      %swap3A_158 = arith.constant 16 : index
      %swap3A_159 = tpu.vector_load %arg10[%swap3A_157, %swap3A_158] {strides = array<i32>} : memref<16x768xf32, #tpu.memory_space<vmem>>, vector<16xf32>,
      tpu.vector_store %arg10[%swap3A_157, %swap3A_158], %add3A_156 {strides = array<i32>} : memref<16x768xf32, #tpu.memory_space<vmem>>, vector<16xf32>,
      %get3A_160 = arith.index_cast %scan3A_132 : i32 to index
      %get3A_161 = arith.constant 32 : index
      %get3A_162 = tpu.vector_load %arg10[%get3A_160, %get3A_161] {strides = array<i32>} : memref<16x768xf32, #tpu.memory_space<vmem>>, vector<16xf32>,
      %get3A_163 = arith.index_cast %scan3A_132 : i32 to index
      %get3A_164 = arith.constant 32 : index
      %get3A_165 = tpu.vector_load %arg8[%get3A_163, %get3A_164] {strides = array<i32>} : memref<16x768xf32, #tpu.memory_space<vmem>>, vector<16xf32>,
      %add3A_166 = arith.addf %get3A_162, %get3A_165 : vector<16xf32>
      %get3A_167 = arith.index_cast %scan3A_132 : i32 to index
      %get3A_168 = arith.constant 32 : index
      %get3A_169 = tpu.vector_load %arg9[%get3A_167, %get3A_168] {strides = array<i32>} : memref<16x768xf32, #tpu.memory_space<vmem>>, vector<16xf32>,
      %add3A_170 = arith.addf %add3A_166, %get3A_169 : vector<16xf32>
      %swap3A_171 = arith.index_cast %scan3A_132 : i32 to index
      %swap3A_172 = arith.constant 32 : index
      %swap3A_173 = tpu.vector_load %arg10[%swap3A_171, %swap3A_172] {strides = array<i32>} : memref<16x768xf32, #tpu.memory_space<vmem>>, vector<16xf32>,
      tpu.vector_store %arg10[%swap3A_171, %swap3A_172], %add3A_170 {strides = array<i32>} : memref<16x768xf32, #tpu.memory_space<vmem>>, vector<16xf32>,
      %get3A_174 = arith.index_cast %scan3A_132 : i32 to index
      %get3A_175 = arith.constant 48 : index
      %get3A_176 = tpu.vector_load %arg10[%get3A_174, %get3A_175] {strides = array<i32>} : memref<16x768xf32, #tpu.memory_space<vmem>>, vector<16xf32>,
      %get3A_177 = arith.index_cast %scan3A_132 : i32 to index
      %get3A_178 = arith.constant 48 : index
      %get3A_179 = tpu.vector_load %arg8[%get3A_177, %get3A_178] {strides = array<i32>} : memref<16x768xf32, #tpu.memory_space<vmem>>, vector<16xf32>,
      %add3A_180 = arith.addf %get3A_176, %get3A_179 : vector<16xf32>
      %get3A_181 = arith.index_cast %scan3A_132 : i32 to index
      %get3A_182 = arith.constant 48 : index
      %get3A_183 = tpu.vector_load %arg9[%get3A_181, %get3A_182] {strides = array<i32>} : memref<16x768xf32, #tpu.memory_space<vmem>>, vector<16xf32>,
      %add3A_184 = arith.addf %add3A_180, %get3A_183 : vector<16xf32>
      %swap3A_185 = arith.index_cast %scan3A_132 : i32 to index
      %swap3A_186 = arith.constant 48 : index
      %swap3A_187 = tpu.vector_load %arg10[%swap3A_185, %swap3A_186] {strides = array<i32>} : memref<16x768xf32, #tpu.memory_space<vmem>>, vector<16xf32>,
      tpu.vector_store %arg10[%swap3A_185, %swap3A_186], %add3A_184 {strides = array<i32>} : memref<16x768xf32, #tpu.memory_space<vmem>>, vector<16xf32>,
      %get3A_188 = arith.index_cast %scan3A_132 : i32 to index
      %get3A_189 = arith.constant 64 : index
      %get3A_190 = tpu.vector_load %arg10[%get3A_188, %get3A_189] {strides = array<i32>} : memref<16x768xf32, #tpu.memory_space<vmem>>, vector<16xf32>,
      %get3A_191 = arith.index_cast %scan3A_132 : i32 to index
      %get3A_192 = arith.constant 64 : index
      %get3A_193 = tpu.vector_load %arg8[%get3A_191, %get3A_192] {strides = array<i32>} : memref<16x768xf32, #tpu.memory_space<vmem>>, vector<16xf32>,
      %add3A_194 = arith.addf %get3A_190, %get3A_193 : vector<16xf32>
      %get3A_195 = arith.index_cast %scan3A_132 : i32 to index
      %get3A_196 = arith.constant 64 : index
      %get3A_197 = tpu.vector_load %arg9[%get3A_195, %get3A_196] {strides = array<i32>} : memref<16x768xf32, #tpu.memory_space<vmem>>, vector<16xf32>,
      %add3A_198 = arith.addf %add3A_194, %get3A_197 : vector<16xf32>
      %swap3A_199 = arith.index_cast %scan3A_132 : i32 to index
      %swap3A_200 = arith.constant 64 : index
      %swap3A_201 = tpu.vector_load %arg10[%swap3A_199, %swap3A_200] {strides = array<i32>} : memref<16x768xf32, #tpu.memory_space<vmem>>, vector<16xf32>,
      tpu.vector_store %arg10[%swap3A_199, %swap3A_200], %add3A_198 {strides = array<i32>} : memref<16x768xf32, #tpu.memory_space<vmem>>, vector<16xf32>,
      %get3A_202 = arith.index_cast %scan3A_132 : i32 to index
      %get3A_203 = arith.constant 80 : index
      %get3A_204 = tpu.vector_load %arg10[%get3A_202, %get3A_203] {strides = array<i32>} : memref<16x768xf32, #tpu.memory_space<vmem>>, vector<16xf32>,
      %get3A_205 = arith.index_cast %scan3A_132 : i32 to index
      %get3A_206 = arith.constant 80 : index
      %get3A_207 = tpu.vector_load %arg8[%get3A_205, %get3A_206] {strides = array<i32>} : memref<16x768xf32, #tpu.memory_space<vmem>>, vector<16xf32>,
      %add3A_208 = arith.addf %get3A_204, %get3A_207 : vector<16xf32>
      %get3A_209 = arith.index_cast %scan3A_132 : i32 to index
      %get3A_210 = arith.constant 80 : index
      %get3A_211 = tpu.vector_load %arg9[%get3A_209, %get3A_210] {strides = array<i32>} : memref<16x768xf32, #tpu.memory_space<vmem>>, vector<16xf32>,
      %add3A_212 = arith.addf %add3A_208, %get3A_211 : vector<16xf32>
      %swap3A_213 = arith.index_cast %scan3A_132 : i32 to index
      %swap3A_214 = arith.constant 80 : index
      %swap3A_215 = tpu.vector_load %arg10[%swap3A_213, %swap3A_214] {strides = array<i32>} : memref<16x768xf32, #tpu.memory_space<vmem>>, vector<16xf32>,
      tpu.vector_store %arg10[%swap3A_213, %swap3A_214], %add3A_212 {strides = array<i32>} : memref<16x768xf32, #tpu.memory_space<vmem>>, vector<16xf32>,
      %get3A_216 = arith.index_cast %scan3A_132 : i32 to index
      %get3A_217 = arith.constant 96 : index
      %get3A_218 = tpu.vector_load %arg10[%get3A_216, %get3A_217] {strides = array<i32>} : memref<16x768xf32, #tpu.memory_space<vmem>>, vector<16xf32>,
      %get3A_219 = arith.index_cast %scan3A_132 : i32 to index
      %get3A_220 = arith.constant 96 : index
      %get3A_221 = tpu.vector_load %arg8[%get3A_219, %get3A_220] {strides = array<i32>} : memref<16x768xf32, #tpu.memory_space<vmem>>, vector<16xf32>,
      %add3A_222 = arith.addf %get3A_218, %get3A_221 : vector<16xf32>
      %get3A_223 = arith.index_cast %scan3A_132 : i32 to index
      %get3A_224 = arith.constant 96 : index
      %get3A_225 = tpu.vector_load %arg9[%get3A_223, %get3A_224] {strides = array<i32>} : memref<16x768xf32, #tpu.memory_space<vmem>>, vector<16xf32>,
      %add3A_226 = arith.addf %add3A_222, %get3A_225 : vector<16xf32>
      %swap3A_227 = arith.index_cast %scan3A_132 : i32 to index
      %swap3A_228 = arith.constant 96 : index
      %swap3A_229 = tpu.vector_load %arg10[%swap3A_227, %swap3A_228] {strides = array<i32>} : memref<16x768xf32, #tpu.memory_space<vmem>>, vector<16xf32>,
      tpu.vector_store %arg10[%swap3A_227, %swap3A_228], %add3A_226 {strides = array<i32>} : memref<16x768xf32, #tpu.memory_space<vmem>>, vector<16xf32>,
      %get3A_230 = arith.index_cast %scan3A_132 : i32 to index
      %get3A_231 = arith.constant 112 : index
      %get3A_232 = tpu.vector_load %arg10[%get3A_230, %get3A_231] {strides = array<i32>} : memref<16x768xf32, #tpu.memory_space<vmem>>, vector<16xf32>,
      %get3A_233 = arith.index_cast %scan3A_132 : i32 to index
      %get3A_234 = arith.constant 112 : index
      %get3A_235 = tpu.vector_load %arg8[%get3A_233, %get3A_234] {strides = array<i32>} : memref<16x768xf32, #tpu.memory_space<vmem>>, vector<16xf32>,
      %add3A_236 = arith.addf %get3A_232, %get3A_235 : vector<16xf32>
      %get3A_237 = arith.index_cast %scan3A_132 : i32 to index
      %get3A_238 = arith.constant 112 : index
      %get3A_239 = tpu.vector_load %arg9[%get3A_237, %get3A_238] {strides = array<i32>} : memref<16x768xf32, #tpu.memory_space<vmem>>, vector<16xf32>,
      %add3A_240 = arith.addf %add3A_236, %get3A_239 : vector<16xf32>
      %swap3A_241 = arith.index_cast %scan3A_132 : i32 to index
      %swap3A_242 = arith.constant 112 : index
      %swap3A_243 = tpu.vector_load %arg10[%swap3A_241, %swap3A_242] {strides = array<i32>} : memref<16x768xf32, #tpu.memory_space<vmem>>, vector<16xf32>,
      tpu.vector_store %arg10[%swap3A_241, %swap3A_242], %add3A_240 {strides = array<i32>} : memref<16x768xf32, #tpu.memory_space<vmem>>, vector<16xf32>,
      %get3A_244 = arith.index_cast %scan3A_132 : i32 to index
      %get3A_245 = arith.constant 128 : index
      %get3A_246 = tpu.vector_load %arg10[%get3A_244, %get3A_245] {strides = array<i32>} : memref<16x768xf32, #tpu.memory_space<vmem>>, vector<16xf32>,
      %get3A_247 = arith.index_cast %scan3A_132 : i32 to index
      %get3A_248 = arith.constant 128 : index
      %get3A_249 = tpu.vector_load %arg8[%get3A_247, %get3A_248] {strides = array<i32>} : memref<16x768xf32, #tpu.memory_space<vmem>>, vector<16xf32>,
      %add3A_250 = arith.addf %get3A_246, %get3A_249 : vector<16xf32>
      %get3A_251 = arith.index_cast %scan3A_132 : i32 to index
      %get3A_252 = arith.constant 128 : index
      %get3A_253 = tpu.vector_load %arg9[%get3A_251, %get3A_252] {strides = array<i32>} : memref<16x768xf32, #tpu.memory_space<vmem>>, vector<16xf32>,
      %add3A_254 = arith.addf %add3A_250, %get3A_253 : vector<16xf32>
      %swap3A_255 = arith.index_cast %scan3A_132 : i32 to index
      %swap3A_256 = arith.constant 128 : index
      %swap3A_257 = tpu.vector_load %arg10[%swap3A_255, %swap3A_256] {strides = array<i32>} : memref<16x768xf32, #tpu.memory_space<vmem>>, vector<16xf32>,
      tpu.vector_store %arg10[%swap3A_255, %swap3A_256], %add3A_254 {strides = array<i32>} : memref<16x768xf32, #tpu.memory_space<vmem>>, vector<16xf32>,
      %get3A_258 = arith.index_cast %scan3A_132 : i32 to index
      %get3A_259 = arith.constant 144 : index
      %get3A_260 = tpu.vector_load %arg10[%get3A_258, %get3A_259] {strides = array<i32>} : memref<16x768xf32, #tpu.memory_space<vmem>>, vector<16xf32>,
      %get3A_261 = arith.index_cast %scan3A_132 : i32 to index
      %get3A_262 = arith.constant 144 : index
      %get3A_263 = tpu.vector_load %arg8[%get3A_261, %get3A_262] {strides = array<i32>} : memref<16x768xf32, #tpu.memory_space<vmem>>, vector<16xf32>,
      %add3A_264 = arith.addf %get3A_260, %get3A_263 : vector<16xf32>
      %get3A_265 = arith.index_cast %scan3A_132 : i32 to index
      %get3A_266 = arith.constant 144 : index
      %get3A_267 = tpu.vector_load %arg9[%get3A_265, %get3A_266] {strides = array<i32>} : memref<16x768xf32, #tpu.memory_space<vmem>>, vector<16xf32>,
      %add3A_268 = arith.addf %add3A_264, %get3A_267 : vector<16xf32>
      %swap3A_269 = arith.index_cast %scan3A_132 : i32 to index
      %swap3A_270 = arith.constant 144 : index
      %swap3A_271 = tpu.vector_load %arg10[%swap3A_269, %swap3A_270] {strides = array<i32>} : memref<16x768xf32, #tpu.memory_space<vmem>>, vector<16xf32>,
      tpu.vector_store %arg10[%swap3A_269, %swap3A_270], %add3A_268 {strides = array<i32>} : memref<16x768xf32, #tpu.memory_space<vmem>>, vector<16xf32>,
      %get3A_272 = arith.index_cast %scan3A_132 : i32 to index
      %get3A_273 = arith.constant 160 : index
      %get3A_274 = tpu.vector_load %arg10[%get3A_272, %get3A_273] {strides = array<i32>} : memref<16x768xf32, #tpu.memory_space<vmem>>, vector<16xf32>,
      %get3A_275 = arith.index_cast %scan3A_132 : i32 to index
      %get3A_276 = arith.constant 160 : index
      %get3A_277 = tpu.vector_load %arg8[%get3A_275, %get3A_276] {strides = array<i32>} : memref<16x768xf32, #tpu.memory_space<vmem>>, vector<16xf32>,
      %add3A_278 = arith.addf %get3A_274, %get3A_277 : vector<16xf32>
      %get3A_279 = arith.index_cast %scan3A_132 : i32 to index
      %get3A_280 = arith.constant 160 : index
      %get3A_281 = tpu.vector_load %arg9[%get3A_279, %get3A_280] {strides = array<i32>} : memref<16x768xf32, #tpu.memory_space<vmem>>, vector<16xf32>,
      %add3A_282 = arith.addf %add3A_278, %get3A_281 : vector<16xf32>
      %swap3A_283 = arith.index_cast %scan3A_132 : i32 to index
      %swap3A_284 = arith.constant 160 : index
      %swap3A_285 = tpu.vector_load %arg10[%swap3A_283, %swap3A_284] {strides = array<i32>} : memref<16x768xf32, #tpu.memory_space<vmem>>, vector<16xf32>,
      tpu.vector_store %arg10[%swap3A_283, %swap3A_284], %add3A_282 {strides = array<i32>} : memref<16x768xf32, #tpu.memory_space<vmem>>, vector<16xf32>,
      %get3A_286 = arith.index_cast %scan3A_132 : i32 to index
      %get3A_287 = arith.constant 176 : index
      %get3A_288 = tpu.vector_load %arg10[%get3A_286, %get3A_287] {strides = array<i32>} : memref<16x768xf32, #tpu.memory_space<vmem>>, vector<16xf32>,
      %get3A_289 = arith.index_cast %scan3A_132 : i32 to index
      %get3A_290 = arith.constant 176 : index
      %get3A_291 = tpu.vector_load %arg8[%get3A_289, %get3A_290] {strides = array<i32>} : memref<16x768xf32, #tpu.memory_space<vmem>>, vector<16xf32>,
      %add3A_292 = arith.addf %get3A_288, %get3A_291 : vector<16xf32>
      %get3A_293 = arith.index_cast %scan3A_132 : i32 to index
      %get3A_294 = arith.constant 176 : index
      %get3A_295 = tpu.vector_load %arg9[%get3A_293, %get3A_294] {strides = array<i32>} : memref<16x768xf32, #tpu.memory_space<vmem>>, vector<16xf32>,
      %add3A_296 = arith.addf %add3A_292, %get3A_295 : vector<16xf32>
      %swap3A_297 = arith.index_cast %scan3A_132 : i32 to index
      %swap3A_298 = arith.constant 176 : index
      %swap3A_299 = tpu.vector_load %arg10[%swap3A_297, %swap3A_298] {strides = array<i32>} : memref<16x768xf32, #tpu.memory_space<vmem>>, vector<16xf32>,
      tpu.vector_store %arg10[%swap3A_297, %swap3A_298], %add3A_296 {strides = array<i32>} : memref<16x768xf32, #tpu.memory_space<vmem>>, vector<16xf32>,
      %get3A_300 = arith.index_cast %scan3A_132 : i32 to index
      %get3A_301 = arith.constant 192 : index
      %get3A_302 = tpu.vector_load %arg10[%get3A_300, %get3A_301] {strides = array<i32>} : memref<16x768xf32, #tpu.memory_space<vmem>>, vector<16xf32>,
      %get3A_303 = arith.index_cast %scan3A_132 : i32 to index
      %get3A_304 = arith.constant 192 : index
      %get3A_305 = tpu.vector_load %arg8[%get3A_303, %get3A_304] {strides = array<i32>} : memref<16x768xf32, #tpu.memory_space<vmem>>, vector<16xf32>,
      %add3A_306 = arith.addf %get3A_302, %get3A_305 : vector<16xf32>
      %get3A_307 = arith.index_cast %scan3A_132 : i32 to index
      %get3A_308 = arith.constant 192 : index
      %get3A_309 = tpu.vector_load %arg9[%get3A_307, %get3A_308] {strides = array<i32>} : memref<16x768xf32, #tpu.memory_space<vmem>>, vector<16xf32>,
      %add3A_310 = arith.addf %add3A_306, %get3A_309 : vector<16xf32>
      %swap3A_311 = arith.index_cast %scan3A_132 : i32 to index
      %swap3A_312 = arith.constant 192 : index
      %swap3A_313 = tpu.vector_load %arg10[%swap3A_311, %swap3A_312] {strides = array<i32>} : memref<16x768xf32, #tpu.memory_space<vmem>>, vector<16xf32>,
      tpu.vector_store %arg10[%swap3A_311, %swap3A_312], %add3A_310 {strides = array<i32>} : memref<16x768xf32, #tpu.memory_space<vmem>>, vector<16xf32>,
      %get3A_314 = arith.index_cast %scan3A_132 : i32 to index
      %get3A_315 = arith.constant 208 : index
      %get3A_316 = tpu.vector_load %arg10[%get3A_314, %get3A_315] {strides = array<i32>} : memref<16x768xf32, #tpu.memory_space<vmem>>, vector<16xf32>,
      %get3A_317 = arith.index_cast %scan3A_132 : i32 to index
      %get3A_318 = arith.constant 208 : index
      %get3A_319 = tpu.vector_load %arg8[%get3A_317, %get3A_318] {strides = array<i32>} : memref<16x768xf32, #tpu.memory_space<vmem>>, vector<16xf32>,
      %add3A_320 = arith.addf %get3A_316, %get3A_319 : vector<16xf32>
      %get3A_321 = arith.index_cast %scan3A_132 : i32 to index
      %get3A_322 = arith.constant 208 : index
      %get3A_323 = tpu.vector_load %arg9[%get3A_321, %get3A_322] {strides = array<i32>} : memref<16x768xf32, #tpu.memory_space<vmem>>, vector<16xf32>,
      %add3A_324 = arith.addf %add3A_320, %get3A_323 : vector<16xf32>
      %swap3A_325 = arith.index_cast %scan3A_132 : i32 to index
      %swap3A_326 = arith.constant 208 : index
      %swap3A_327 = tpu.vector_load %arg10[%swap3A_325, %swap3A_326] {strides = array<i32>} : memref<16x768xf32, #tpu.memory_space<vmem>>, vector<16xf32>,
      tpu.vector_store %arg10[%swap3A_325, %swap3A_326], %add3A_324 {strides = array<i32>} : memref<16x768xf32, #tpu.memory_space<vmem>>, vector<16xf32>,
      %get3A_328 = arith.index_cast %scan3A_132 : i32 to index
      %get3A_329 = arith.constant 224 : index
      %get3A_330 = tpu.vector_load %arg10[%get3A_328, %get3A_329] {strides = array<i32>} : memref<16x768xf32, #tpu.memory_space<vmem>>, vector<16xf32>,
      %get3A_331 = arith.index_cast %scan3A_132 : i32 to index
      %get3A_332 = arith.constant 224 : index
      %get3A_333 = tpu.vector_load %arg8[%get3A_331, %get3A_332] {strides = array<i32>} : memref<16x768xf32, #tpu.memory_space<vmem>>, vector<16xf32>,
      %add3A_334 = arith.addf %get3A_330, %get3A_333 : vector<16xf32>
      %get3A_335 = arith.index_cast %scan3A_132 : i32 to index
      %get3A_336 = arith.constant 224 : index
      %get3A_337 = tpu.vector_load %arg9[%get3A_335, %get3A_336] {strides = array<i32>} : memref<16x768xf32, #tpu.memory_space<vmem>>, vector<16xf32>,
      %add3A_338 = arith.addf %add3A_334, %get3A_337 : vector<16xf32>
      %swap3A_339 = arith.index_cast %scan3A_132 : i32 to index
      %swap3A_340 = arith.constant 224 : index
      %swap3A_341 = tpu.vector_load %arg10[%swap3A_339, %swap3A_340] {strides = array<i32>} : memref<16x768xf32, #tpu.memory_space<vmem>>, vector<16xf32>,
      tpu.vector_store %arg10[%swap3A_339, %swap3A_340], %add3A_338 {strides = array<i32>} : memref<16x768xf32, #tpu.memory_space<vmem>>, vector<16xf32>,
      %get3A_342 = arith.index_cast %scan3A_132 : i32 to index
      %get3A_343 = arith.constant 240 : index
      %get3A_344 = tpu.vector_load %arg10[%get3A_342, %get3A_343] {strides = array<i32>} : memref<16x768xf32, #tpu.memory_space<vmem>>, vector<16xf32>,
      %get3A_345 = arith.index_cast %scan3A_132 : i32 to index
      %get3A_346 = arith.constant 240 : index
      %get3A_347 = tpu.vector_load %arg8[%get3A_345, %get3A_346] {strides = array<i32>} : memref<16x768xf32, #tpu.memory_space<vmem>>, vector<16xf32>,
      %add3A_348 = arith.addf %get3A_344, %get3A_347 : vector<16xf32>
      %get3A_349 = arith.index_cast %scan3A_132 : i32 to index
      %get3A_350 = arith.constant 240 : index
      %get3A_351 = tpu.vector_load %arg9[%get3A_349, %get3A_350] {strides = array<i32>} : memref<16x768xf32, #tpu.memory_space<vmem>>, vector<16xf32>,
      %add3A_352 = arith.addf %add3A_348, %get3A_351 : vector<16xf32>
      %swap3A_353 = arith.index_cast %scan3A_132 : i32 to index
      %swap3A_354 = arith.constant 240 : index
      %swap3A_355 = tpu.vector_load %arg10[%swap3A_353, %swap3A_354] {strides = array<i32>} : memref<16x768xf32, #tpu.memory_space<vmem>>, vector<16xf32>,
      tpu.vector_store %arg10[%swap3A_353, %swap3A_354], %add3A_352 {strides = array<i32>} : memref<16x768xf32, #tpu.memory_space<vmem>>, vector<16xf32>,
      %get3A_356 = arith.index_cast %scan3A_132 : i32 to index
      %get3A_357 = arith.constant 256 : index
      %get3A_358 = tpu.vector_load %arg10[%get3A_356, %get3A_357] {strides = array<i32>} : memref<16x768xf32, #tpu.memory_space<vmem>>, vector<16xf32>,
      %get3A_359 = arith.index_cast %scan3A_132 : i32 to index
      %get3A_360 = arith.constant 256 : index
      %get3A_361 = tpu.vector_load %arg8[%get3A_359, %get3A_360] {strides = array<i32>} : memref<16x768xf32, #tpu.memory_space<vmem>>, vector<16xf32>,
      %add3A_362 = arith.addf %get3A_358, %get3A_361 : vector<16xf32>
      %get3A_363 = arith.index_cast %scan3A_132 : i32 to index
      %get3A_364 = arith.constant 256 : index
      %get3A_365 = tpu.vector_load %arg9[%get3A_363, %get3A_364] {strides = array<i32>} : memref<16x768xf32, #tpu.memory_space<vmem>>, vector<16xf32>,
      %add3A_366 = arith.addf %add3A_362, %get3A_365 : vector<16xf32>
      %swap3A_367 = arith.index_cast %scan3A_132 : i32 to index
      %swap3A_368 = arith.constant 256 : index
      %swap3A_369 = tpu.vector_load %arg10[%swap3A_367, %swap3A_368] {strides = array<i32>} : memref<16x768xf32, #tpu.memory_space<vmem>>, vector<16xf32>,
      tpu.vector_store %arg10[%swap3A_367, %swap3A_368], %add3A_366 {strides = array<i32>} : memref<16x768xf32, #tpu.memory_space<vmem>>, vector<16xf32>,
      %get3A_370 = arith.index_cast %scan3A_132 : i32 to index
      %get3A_371 = arith.constant 272 : index
      %get3A_372 = tpu.vector_load %arg10[%get3A_370, %get3A_371] {strides = array<i32>} : memref<16x768xf32, #tpu.memory_space<vmem>>, vector<16xf32>,
      %get3A_373 = arith.index_cast %scan3A_132 : i32 to index
      %get3A_374 = arith.constant 272 : index
      %get3A_375 = tpu.vector_load %arg8[%get3A_373, %get3A_374] {strides = array<i32>} : memref<16x768xf32, #tpu.memory_space<vmem>>, vector<16xf32>,
      %add3A_376 = arith.addf %get3A_372, %get3A_375 : vector<16xf32>
      %get3A_377 = arith.index_cast %scan3A_132 : i32 to index
      %get3A_378 = arith.constant 272 : index
      %get3A_379 = tpu.vector_load %arg9[%get3A_377, %get3A_378] {strides = array<i32>} : memref<16x768xf32, #tpu.memory_space<vmem>>, vector<16xf32>,
      %add3A_380 = arith.addf %add3A_376, %get3A_379 : vector<16xf32>
      %swap3A_381 = arith.index_cast %scan3A_132 : i32 to index
      %swap3A_382 = arith.constant 272 : index
      %swap3A_383 = tpu.vector_load %arg10[%swap3A_381, %swap3A_382] {strides = array<i32>} : memref<16x768xf32, #tpu.memory_space<vmem>>, vector<16xf32>,
      tpu.vector_store %arg10[%swap3A_381, %swap3A_382], %add3A_380 {strides = array<i32>} : memref<16x768xf32, #tpu.memory_space<vmem>>, vector<16xf32>,
      %get3A_384 = arith.index_cast %scan3A_132 : i32 to index
      %get3A_385 = arith.constant 288 : index
      %get3A_386 = tpu.vector_load %arg10[%get3A_384, %get3A_385] {strides = array<i32>} : memref<16x768xf32, #tpu.memory_space<vmem>>, vector<16xf32>,
      %get3A_387 = arith.index_cast %scan3A_132 : i32 to index
      %get3A_388 = arith.constant 288 : index
      %get3A_389 = tpu.vector_load %arg8[%get3A_387, %get3A_388] {strides = array<i32>} : memref<16x768xf32, #tpu.memory_space<vmem>>, vector<16xf32>,
      %add3A_390 = arith.addf %get3A_386, %get3A_389 : vector<16xf32>
      %get3A_391 = arith.index_cast %scan3A_132 : i32 to index
      %get3A_392 = arith.constant 288 : index
      %get3A_393 = tpu.vector_load %arg9[%get3A_391, %get3A_392] {strides = array<i32>} : memref<16x768xf32, #tpu.memory_space<vmem>>, vector<16xf32>,
      %add3A_394 = arith.addf %add3A_390, %get3A_393 : vector<16xf32>
      %swap3A_395 = arith.index_cast %scan3A_132 : i32 to index
      %swap3A_396 = arith.constant 288 : index
      %swap3A_397 = tpu.vector_load %arg10[%swap3A_395, %swap3A_396] {strides = array<i32>} : memref<16x768xf32, #tpu.memory_space<vmem>>, vector<16xf32>,
      tpu.vector_store %arg10[%swap3A_395, %swap3A_396], %add3A_394 {strides = array<i32>} : memref<16x768xf32, #tpu.memory_space<vmem>>, vector<16xf32>,
      %get3A_398 = arith.index_cast %scan3A_132 : i32 to index
      %get3A_399 = arith.constant 304 : index
      %get3A_400 = tpu.vector_load %arg10[%get3A_398, %get3A_399] {strides = array<i32>} : memref<16x768xf32, #tpu.memory_space<vmem>>, vector<16xf32>,
      %get3A_401 = arith.index_cast %scan3A_132 : i32 to index
      %get3A_402 = arith.constant 304 : index
      %get3A_403 = tpu.vector_load %arg8[%get3A_401, %get3A_402] {strides = array<i32>} : memref<16x768xf32, #tpu.memory_space<vmem>>, vector<16xf32>,
      %add3A_404 = arith.addf %get3A_400, %get3A_403 : vector<16xf32>
      %get3A_405 = arith.index_cast %scan3A_132 : i32 to index
      %get3A_406 = arith.constant 304 : index
      %get3A_407 = tpu.vector_load %arg9[%get3A_405, %get3A_406] {strides = array<i32>} : memref<16x768xf32, #tpu.memory_space<vmem>>, vector<16xf32>,
      %add3A_408 = arith.addf %add3A_404, %get3A_407 : vector<16xf32>
      %swap3A_409 = arith.index_cast %scan3A_132 : i32 to index
      %swap3A_410 = arith.constant 304 : index
      %swap3A_411 = tpu.vector_load %arg10[%swap3A_409, %swap3A_410] {strides = array<i32>} : memref<16x768xf32, #tpu.memory_space<vmem>>, vector<16xf32>,
      tpu.vector_store %arg10[%swap3A_409, %swap3A_410], %add3A_408 {strides = array<i32>} : memref<16x768xf32, #tpu.memory_space<vmem>>, vector<16xf32>,
      %get3A_412 = arith.index_cast %scan3A_132 : i32 to index
      %get3A_413 = arith.constant 320 : index
      %get3A_414 = tpu.vector_load %arg10[%get3A_412, %get3A_413] {strides = array<i32>} : memref<16x768xf32, #tpu.memory_space<vmem>>, vector<16xf32>,
      %get3A_415 = arith.index_cast %scan3A_132 : i32 to index
      %get3A_416 = arith.constant 320 : index
      %get3A_417 = tpu.vector_load %arg8[%get3A_415, %get3A_416] {strides = array<i32>} : memref<16x768xf32, #tpu.memory_space<vmem>>, vector<16xf32>,
      %add3A_418 = arith.addf %get3A_414, %get3A_417 : vector<16xf32>
      %get3A_419 = arith.index_cast %scan3A_132 : i32 to index
      %get3A_420 = arith.constant 320 : index
      %get3A_421 = tpu.vector_load %arg9[%get3A_419, %get3A_420] {strides = array<i32>} : memref<16x768xf32, #tpu.memory_space<vmem>>, vector<16xf32>,
      %add3A_422 = arith.addf %add3A_418, %get3A_421 : vector<16xf32>
      %swap3A_423 = arith.index_cast %scan3A_132 : i32 to index
      %swap3A_424 = arith.constant 320 : index
      %swap3A_425 = tpu.vector_load %arg10[%swap3A_423, %swap3A_424] {strides = array<i32>} : memref<16x768xf32, #tpu.memory_space<vmem>>, vector<16xf32>,
      tpu.vector_store %arg10[%swap3A_423, %swap3A_424], %add3A_422 {strides = array<i32>} : memref<16x768xf32, #tpu.memory_space<vmem>>, vector<16xf32>,
      %get3A_426 = arith.index_cast %scan3A_132 : i32 to index
      %get3A_427 = arith.constant 336 : index
      %get3A_428 = tpu.vector_load %arg10[%get3A_426, %get3A_427] {strides = array<i32>} : memref<16x768xf32, #tpu.memory_space<vmem>>, vector<16xf32>,
      %get3A_429 = arith.index_cast %scan3A_132 : i32 to index
      %get3A_430 = arith.constant 336 : index
      %get3A_431 = tpu.vector_load %arg8[%get3A_429, %get3A_430] {strides = array<i32>} : memref<16x768xf32, #tpu.memory_space<vmem>>, vector<16xf32>,
      %add3A_432 = arith.addf %get3A_428, %get3A_431 : vector<16xf32>
      %get3A_433 = arith.index_cast %scan3A_132 : i32 to index
      %get3A_434 = arith.constant 336 : index
      %get3A_435 = tpu.vector_load %arg9[%get3A_433, %get3A_434] {strides = array<i32>} : memref<16x768xf32, #tpu.memory_space<vmem>>, vector<16xf32>,
      %add3A_436 = arith.addf %add3A_432, %get3A_435 : vector<16xf32>
      %swap3A_437 = arith.index_cast %scan3A_132 : i32 to index
      %swap3A_438 = arith.constant 336 : index
      %swap3A_439 = tpu.vector_load %arg10[%swap3A_437, %swap3A_438] {strides = array<i32>} : memref<16x768xf32, #tpu.memory_space<vmem>>, vector<16xf32>,
      tpu.vector_store %arg10[%swap3A_437, %swap3A_438], %add3A_436 {strides = array<i32>} : memref<16x768xf32, #tpu.memory_space<vmem>>, vector<16xf32>,
      %get3A_440 = arith.index_cast %scan3A_132 : i32 to index
      %get3A_441 = arith.constant 352 : index
      %get3A_442 = tpu.vector_load %arg10[%get3A_440, %get3A_441] {strides = array<i32>} : memref<16x768xf32, #tpu.memory_space<vmem>>, vector<16xf32>,
      %get3A_443 = arith.index_cast %scan3A_132 : i32 to index
      %get3A_444 = arith.constant 352 : index
      %get3A_445 = tpu.vector_load %arg8[%get3A_443, %get3A_444] {strides = array<i32>} : memref<16x768xf32, #tpu.memory_space<vmem>>, vector<16xf32>,
      %add3A_446 = arith.addf %get3A_442, %get3A_445 : vector<16xf32>
      %get3A_447 = arith.index_cast %scan3A_132 : i32 to index
      %get3A_448 = arith.constant 352 : index
      %get3A_449 = tpu.vector_load %arg9[%get3A_447, %get3A_448] {strides = array<i32>} : memref<16x768xf32, #tpu.memory_space<vmem>>, vector<16xf32>,
      %add3A_450 = arith.addf %add3A_446, %get3A_449 : vector<16xf32>
      %swap3A_451 = arith.index_cast %scan3A_132 : i32 to index
      %swap3A_452 = arith.constant 352 : index
      %swap3A_453 = tpu.vector_load %arg10[%swap3A_451, %swap3A_452] {strides = array<i32>} : memref<16x768xf32, #tpu.memory_space<vmem>>, vector<16xf32>,
      tpu.vector_store %arg10[%swap3A_451, %swap3A_452], %add3A_450 {strides = array<i32>} : memref<16x768xf32, #tpu.memory_space<vmem>>, vector<16xf32>,
      %get3A_454 = arith.index_cast %scan3A_132 : i32 to index
      %get3A_455 = arith.constant 368 : index
      %get3A_456 = tpu.vector_load %arg10[%get3A_454, %get3A_455] {strides = array<i32>} : memref<16x768xf32, #tpu.memory_space<vmem>>, vector<16xf32>,
      %get3A_457 = arith.index_cast %scan3A_132 : i32 to index
      %get3A_458 = arith.constant 368 : index
      %get3A_459 = tpu.vector_load %arg8[%get3A_457, %get3A_458] {strides = array<i32>} : memref<16x768xf32, #tpu.memory_space<vmem>>, vector<16xf32>,
      %add3A_460 = arith.addf %get3A_456, %get3A_459 : vector<16xf32>
      %get3A_461 = arith.index_cast %scan3A_132 : i32 to index
      %get3A_462 = arith.constant 368 : index
      %get3A_463 = tpu.vector_load %arg9[%get3A_461, %get3A_462] {strides = array<i32>} : memref<16x768xf32, #tpu.memory_space<vmem>>, vector<16xf32>,
      %add3A_464 = arith.addf %add3A_460, %get3A_463 : vector<16xf32>
      %swap3A_465 = arith.index_cast %scan3A_132 : i32 to index
      %swap3A_466 = arith.constant 368 : index
      %swap3A_467 = tpu.vector_load %arg10[%swap3A_465, %swap3A_466] {strides = array<i32>} : memref<16x768xf32, #tpu.memory_space<vmem>>, vector<16xf32>,
      tpu.vector_store %arg10[%swap3A_465, %swap3A_466], %add3A_464 {strides = array<i32>} : memref<16x768xf32, #tpu.memory_space<vmem>>, vector<16xf32>,
      %get3A_468 = arith.index_cast %scan3A_132 : i32 to index
      %get3A_469 = arith.constant 384 : index
      %get3A_470 = tpu.vector_load %arg10[%get3A_468, %get3A_469] {strides = array<i32>} : memref<16x768xf32, #tpu.memory_space<vmem>>, vector<16xf32>,
      %get3A_471 = arith.index_cast %scan3A_132 : i32 to index
      %get3A_472 = arith.constant 384 : index
      %get3A_473 = tpu.vector_load %arg8[%get3A_471, %get3A_472] {strides = array<i32>} : memref<16x768xf32, #tpu.memory_space<vmem>>, vector<16xf32>,
      %add3A_474 = arith.addf %get3A_470, %get3A_473 : vector<16xf32>
      %get3A_475 = arith.index_cast %scan3A_132 : i32 to index
      %get3A_476 = arith.constant 384 : index
      %get3A_477 = tpu.vector_load %arg9[%get3A_475, %get3A_476] {strides = array<i32>} : memref<16x768xf32, #tpu.memory_space<vmem>>, vector<16xf32>,
      %add3A_478 = arith.addf %add3A_474, %get3A_477 : vector<16xf32>
      %swap3A_479 = arith.index_cast %scan3A_132 : i32 to index
      %swap3A_480 = arith.constant 384 : index
      %swap3A_481 = tpu.vector_load %arg10[%swap3A_479, %swap3A_480] {strides = array<i32>} : memref<16x768xf32, #tpu.memory_space<vmem>>, vector<16xf32>,
      tpu.vector_store %arg10[%swap3A_479, %swap3A_480], %add3A_478 {strides = array<i32>} : memref<16x768xf32, #tpu.memory_space<vmem>>, vector<16xf32>,
      %get3A_482 = arith.index_cast %scan3A_132 : i32 to index
      %get3A_483 = arith.constant 400 : index
      %get3A_484 = tpu.vector_load %arg10[%get3A_482, %get3A_483] {strides = array<i32>} : memref<16x768xf32, #tpu.memory_space<vmem>>, vector<16xf32>,
      %get3A_485 = arith.index_cast %scan3A_132 : i32 to index
      %get3A_486 = arith.constant 400 : index
      %get3A_487 = tpu.vector_load %arg8[%get3A_485, %get3A_486] {strides = array<i32>} : memref<16x768xf32, #tpu.memory_space<vmem>>, vector<16xf32>,
      %add3A_488 = arith.addf %get3A_484, %get3A_487 : vector<16xf32>
      %get3A_489 = arith.index_cast %scan3A_132 : i32 to index
      %get3A_490 = arith.constant 400 : index
      %get3A_491 = tpu.vector_load %arg9[%get3A_489, %get3A_490] {strides = array<i32>} : memref<16x768xf32, #tpu.memory_space<vmem>>, vector<16xf32>,
      %add3A_492 = arith.addf %add3A_488, %get3A_491 : vector<16xf32>
      %swap3A_493 = arith.index_cast %scan3A_132 : i32 to index
      %swap3A_494 = arith.constant 400 : index
      %swap3A_495 = tpu.vector_load %arg10[%swap3A_493, %swap3A_494] {strides = array<i32>} : memref<16x768xf32, #tpu.memory_space<vmem>>, vector<16xf32>,
      tpu.vector_store %arg10[%swap3A_493, %swap3A_494], %add3A_492 {strides = array<i32>} : memref<16x768xf32, #tpu.memory_space<vmem>>, vector<16xf32>,
      %get3A_496 = arith.index_cast %scan3A_132 : i32 to index
      %get3A_497 = arith.constant 416 : index
      %get3A_498 = tpu.vector_load %arg10[%get3A_496, %get3A_497] {strides = array<i32>} : memref<16x768xf32, #tpu.memory_space<vmem>>, vector<16xf32>,
      %get3A_499 = arith.index_cast %scan3A_132 : i32 to index
      %get3A_500 = arith.constant 416 : index
      %get3A_501 = tpu.vector_load %arg8[%get3A_499, %get3A_500] {strides = array<i32>} : memref<16x768xf32, #tpu.memory_space<vmem>>, vector<16xf32>,
      %add3A_502 = arith.addf %get3A_498, %get3A_501 : vector<16xf32>
      %get3A_503 = arith.index_cast %scan3A_132 : i32 to index
      %get3A_504 = arith.constant 416 : index
      %get3A_505 = tpu.vector_load %arg9[%get3A_503, %get3A_504] {strides = array<i32>} : memref<16x768xf32, #tpu.memory_space<vmem>>, vector<16xf32>,
      %add3A_506 = arith.addf %add3A_502, %get3A_505 : vector<16xf32>
      %swap3A_507 = arith.index_cast %scan3A_132 : i32 to index
      %swap3A_508 = arith.constant 416 : index
      %swap3A_509 = tpu.vector_load %arg10[%swap3A_507, %swap3A_508] {strides = array<i32>} : memref<16x768xf32, #tpu.memory_space<vmem>>, vector<16xf32>,
      tpu.vector_store %arg10[%swap3A_507, %swap3A_508], %add3A_506 {strides = array<i32>} : memref<16x768xf32, #tpu.memory_space<vmem>>, vector<16xf32>,
      %get3A_510 = arith.index_cast %scan3A_132 : i32 to index
      %get3A_511 = arith.constant 432 : index
      %get3A_512 = tpu.vector_load %arg10[%get3A_510, %get3A_511] {strides = array<i32>} : memref<16x768xf32, #tpu.memory_space<vmem>>, vector<16xf32>,
      %get3A_513 = arith.index_cast %scan3A_132 : i32 to index
      %get3A_514 = arith.constant 432 : index
      %get3A_515 = tpu.vector_load %arg8[%get3A_513, %get3A_514] {strides = array<i32>} : memref<16x768xf32, #tpu.memory_space<vmem>>, vector<16xf32>,
      %add3A_516 = arith.addf %get3A_512, %get3A_515 : vector<16xf32>
      %get3A_517 = arith.index_cast %scan3A_132 : i32 to index
      %get3A_518 = arith.constant 432 : index
      %get3A_519 = tpu.vector_load %arg9[%get3A_517, %get3A_518] {strides = array<i32>} : memref<16x768xf32, #tpu.memory_space<vmem>>, vector<16xf32>,
      %add3A_520 = arith.addf %add3A_516, %get3A_519 : vector<16xf32>
      %swap3A_521 = arith.index_cast %scan3A_132 : i32 to index
      %swap3A_522 = arith.constant 432 : index
      %swap3A_523 = tpu.vector_load %arg10[%swap3A_521, %swap3A_522] {strides = array<i32>} : memref<16x768xf32, #tpu.memory_space<vmem>>, vector<16xf32>,
      tpu.vector_store %arg10[%swap3A_521, %swap3A_522], %add3A_520 {strides = array<i32>} : memref<16x768xf32, #tpu.memory_space<vmem>>, vector<16xf32>,
      %get3A_524 = arith.index_cast %scan3A_132 : i32 to index
      %get3A_525 = arith.constant 448 : index
      %get3A_526 = tpu.vector_load %arg10[%get3A_524, %get3A_525] {strides = array<i32>} : memref<16x768xf32, #tpu.memory_space<vmem>>, vector<16xf32>,
      %get3A_527 = arith.index_cast %scan3A_132 : i32 to index
      %get3A_528 = arith.constant 448 : index
      %get3A_529 = tpu.vector_load %arg8[%get3A_527, %get3A_528] {strides = array<i32>} : memref<16x768xf32, #tpu.memory_space<vmem>>, vector<16xf32>,
      %add3A_530 = arith.addf %get3A_526, %get3A_529 : vector<16xf32>
      %get3A_531 = arith.index_cast %scan3A_132 : i32 to index
      %get3A_532 = arith.constant 448 : index
      %get3A_533 = tpu.vector_load %arg9[%get3A_531, %get3A_532] {strides = array<i32>} : memref<16x768xf32, #tpu.memory_space<vmem>>, vector<16xf32>,
      %add3A_534 = arith.addf %add3A_530, %get3A_533 : vector<16xf32>
      %swap3A_535 = arith.index_cast %scan3A_132 : i32 to index
      %swap3A_536 = arith.constant 448 : index
      %swap3A_537 = tpu.vector_load %arg10[%swap3A_535, %swap3A_536] {strides = array<i32>} : memref<16x768xf32, #tpu.memory_space<vmem>>, vector<16xf32>,
      tpu.vector_store %arg10[%swap3A_535, %swap3A_536], %add3A_534 {strides = array<i32>} : memref<16x768xf32, #tpu.memory_space<vmem>>, vector<16xf32>,
      %get3A_538 = arith.index_cast %scan3A_132 : i32 to index
      %get3A_539 = arith.constant 464 : index
      %get3A_540 = tpu.vector_load %arg10[%get3A_538, %get3A_539] {strides = array<i32>} : memref<16x768xf32, #tpu.memory_space<vmem>>, vector<16xf32>,
      %get3A_541 = arith.index_cast %scan3A_132 : i32 to index
      %get3A_542 = arith.constant 464 : index
      %get3A_543 = tpu.vector_load %arg8[%get3A_541, %get3A_542] {strides = array<i32>} : memref<16x768xf32, #tpu.memory_space<vmem>>, vector<16xf32>,
      %add3A_544 = arith.addf %get3A_540, %get3A_543 : vector<16xf32>
      %get3A_545 = arith.index_cast %scan3A_132 : i32 to index
      %get3A_546 = arith.constant 464 : index
      %get3A_547 = tpu.vector_load %arg9[%get3A_545, %get3A_546] {strides = array<i32>} : memref<16x768xf32, #tpu.memory_space<vmem>>, vector<16xf32>,
      %add3A_548 = arith.addf %add3A_544, %get3A_547 : vector<16xf32>
      %swap3A_549 = arith.index_cast %scan3A_132 : i32 to index
      %swap3A_550 = arith.constant 464 : index
      %swap3A_551 = tpu.vector_load %arg10[%swap3A_549, %swap3A_550] {strides = array<i32>} : memref<16x768xf32, #tpu.memory_space<vmem>>, vector<16xf32>,
      tpu.vector_store %arg10[%swap3A_549, %swap3A_550], %add3A_548 {strides = array<i32>} : memref<16x768xf32, #tpu.memory_space<vmem>>, vector<16xf32>,
      %get3A_552 = arith.index_cast %scan3A_132 : i32 to index
      %get3A_553 = arith.constant 480 : index
      %get3A_554 = tpu.vector_load %arg10[%get3A_552, %get3A_553] {strides = array<i32>} : memref<16x768xf32, #tpu.memory_space<vmem>>, vector<16xf32>,
      %get3A_555 = arith.index_cast %scan3A_132 : i32 to index
      %get3A_556 = arith.constant 480 : index
      %get3A_557 = tpu.vector_load %arg8[%get3A_555, %get3A_556] {strides = array<i32>} : memref<16x768xf32, #tpu.memory_space<vmem>>, vector<16xf32>,
      %add3A_558 = arith.addf %get3A_554, %get3A_557 : vector<16xf32>
      %get3A_559 = arith.index_cast %scan3A_132 : i32 to index
      %get3A_560 = arith.constant 480 : index
      %get3A_561 = tpu.vector_load %arg9[%get3A_559, %get3A_560] {strides = array<i32>} : memref<16x768xf32, #tpu.memory_space<vmem>>, vector<16xf32>,
      %add3A_562 = arith.addf %add3A_558, %get3A_561 : vector<16xf32>
      %swap3A_563 = arith.index_cast %scan3A_132 : i32 to index
      %swap3A_564 = arith.constant 480 : index
      %swap3A_565 = tpu.vector_load %arg10[%swap3A_563, %swap3A_564] {strides = array<i32>} : memref<16x768xf32, #tpu.memory_space<vmem>>, vector<16xf32>,
      tpu.vector_store %arg10[%swap3A_563, %swap3A_564], %add3A_562 {strides = array<i32>} : memref<16x768xf32, #tpu.memory_space<vmem>>, vector<16xf32>,
      %get3A_566 = arith.index_cast %scan3A_132 : i32 to index
      %get3A_567 = arith.constant 496 : index
      %get3A_568 = tpu.vector_load %arg10[%get3A_566, %get3A_567] {strides = array<i32>} : memref<16x768xf32, #tpu.memory_space<vmem>>, vector<16xf32>,
      %get3A_569 = arith.index_cast %scan3A_132 : i32 to index
      %get3A_570 = arith.constant 496 : index
      %get3A_571 = tpu.vector_load %arg8[%get3A_569, %get3A_570] {strides = array<i32>} : memref<16x768xf32, #tpu.memory_space<vmem>>, vector<16xf32>,
      %add3A_572 = arith.addf %get3A_568, %get3A_571 : vector<16xf32>
      %get3A_573 = arith.index_cast %scan3A_132 : i32 to index
      %get3A_574 = arith.constant 496 : index
      %get3A_575 = tpu.vector_load %arg9[%get3A_573, %get3A_574] {strides = array<i32>} : memref<16x768xf32, #tpu.memory_space<vmem>>, vector<16xf32>,
      %add3A_576 = arith.addf %add3A_572, %get3A_575 : vector<16xf32>
      %swap3A_577 = arith.index_cast %scan3A_132 : i32 to index
      %swap3A_578 = arith.constant 496 : index
      %swap3A_579 = tpu.vector_load %arg10[%swap3A_577, %swap3A_578] {strides = array<i32>} : memref<16x768xf32, #tpu.memory_space<vmem>>, vector<16xf32>,
      tpu.vector_store %arg10[%swap3A_577, %swap3A_578], %add3A_576 {strides = array<i32>} : memref<16x768xf32, #tpu.memory_space<vmem>>, vector<16xf32>,
      %get3A_580 = arith.index_cast %scan3A_132 : i32 to index
      %get3A_581 = arith.constant 512 : index
      %get3A_582 = tpu.vector_load %arg10[%get3A_580, %get3A_581] {strides = array<i32>} : memref<16x768xf32, #tpu.memory_space<vmem>>, vector<16xf32>,
      %get3A_583 = arith.index_cast %scan3A_132 : i32 to index
      %get3A_584 = arith.constant 512 : index
      %get3A_585 = tpu.vector_load %arg8[%get3A_583, %get3A_584] {strides = array<i32>} : memref<16x768xf32, #tpu.memory_space<vmem>>, vector<16xf32>,
      %add3A_586 = arith.addf %get3A_582, %get3A_585 : vector<16xf32>
      %get3A_587 = arith.index_cast %scan3A_132 : i32 to index
      %get3A_588 = arith.constant 512 : index
      %get3A_589 = tpu.vector_load %arg9[%get3A_587, %get3A_588] {strides = array<i32>} : memref<16x768xf32, #tpu.memory_space<vmem>>, vector<16xf32>,
      %add3A_590 = arith.addf %add3A_586, %get3A_589 : vector<16xf32>
      %swap3A_591 = arith.index_cast %scan3A_132 : i32 to index
      %swap3A_592 = arith.constant 512 : index
      %swap3A_593 = tpu.vector_load %arg10[%swap3A_591, %swap3A_592] {strides = array<i32>} : memref<16x768xf32, #tpu.memory_space<vmem>>, vector<16xf32>,
      tpu.vector_store %arg10[%swap3A_591, %swap3A_592], %add3A_590 {strides = array<i32>} : memref<16x768xf32, #tpu.memory_space<vmem>>, vector<16xf32>,
      %get3A_594 = arith.index_cast %scan3A_132 : i32 to index
      %get3A_595 = arith.constant 528 : index
      %get3A_596 = tpu.vector_load %arg10[%get3A_594, %get3A_595] {strides = array<i32>} : memref<16x768xf32, #tpu.memory_space<vmem>>, vector<16xf32>,
      %get3A_597 = arith.index_cast %scan3A_132 : i32 to index
      %get3A_598 = arith.constant 528 : index
      %get3A_599 = tpu.vector_load %arg8[%get3A_597, %get3A_598] {strides = array<i32>} : memref<16x768xf32, #tpu.memory_space<vmem>>, vector<16xf32>,
      %add3A_600 = arith.addf %get3A_596, %get3A_599 : vector<16xf32>
      %get3A_601 = arith.index_cast %scan3A_132 : i32 to index
      %get3A_602 = arith.constant 528 : index
      %get3A_603 = tpu.vector_load %arg9[%get3A_601, %get3A_602] {strides = array<i32>} : memref<16x768xf32, #tpu.memory_space<vmem>>, vector<16xf32>,
      %add3A_604 = arith.addf %add3A_600, %get3A_603 : vector<16xf32>
      %swap3A_605 = arith.index_cast %scan3A_132 : i32 to index
      %swap3A_606 = arith.constant 528 : index
      %swap3A_607 = tpu.vector_load %arg10[%swap3A_605, %swap3A_606] {strides = array<i32>} : memref<16x768xf32, #tpu.memory_space<vmem>>, vector<16xf32>,
      tpu.vector_store %arg10[%swap3A_605, %swap3A_606], %add3A_604 {strides = array<i32>} : memref<16x768xf32, #tpu.memory_space<vmem>>, vector<16xf32>,
      %get3A_608 = arith.index_cast %scan3A_132 : i32 to index
      %get3A_609 = arith.constant 544 : index
      %get3A_610 = tpu.vector_load %arg10[%get3A_608, %get3A_609] {strides = array<i32>} : memref<16x768xf32, #tpu.memory_space<vmem>>, vector<16xf32>,
      %get3A_611 = arith.index_cast %scan3A_132 : i32 to index
      %get3A_612 = arith.constant 544 : index
      %get3A_613 = tpu.vector_load %arg8[%get3A_611, %get3A_612] {strides = array<i32>} : memref<16x768xf32, #tpu.memory_space<vmem>>, vector<16xf32>,
      %add3A_614 = arith.addf %get3A_610, %get3A_613 : vector<16xf32>
      %get3A_615 = arith.index_cast %scan3A_132 : i32 to index
      %get3A_616 = arith.constant 544 : index
      %get3A_617 = tpu.vector_load %arg9[%get3A_615, %get3A_616] {strides = array<i32>} : memref<16x768xf32, #tpu.memory_space<vmem>>, vector<16xf32>,
      %add3A_618 = arith.addf %add3A_614, %get3A_617 : vector<16xf32>
      %swap3A_619 = arith.index_cast %scan3A_132 : i32 to index
      %swap3A_620 = arith.constant 544 : index
      %swap3A_621 = tpu.vector_load %arg10[%swap3A_619, %swap3A_620] {strides = array<i32>} : memref<16x768xf32, #tpu.memory_space<vmem>>, vector<16xf32>,
      tpu.vector_store %arg10[%swap3A_619, %swap3A_620], %add3A_618 {strides = array<i32>} : memref<16x768xf32, #tpu.memory_space<vmem>>, vector<16xf32>,
      %get3A_622 = arith.index_cast %scan3A_132 : i32 to index
      %get3A_623 = arith.constant 560 : index
      %get3A_624 = tpu.vector_load %arg10[%get3A_622, %get3A_623] {strides = array<i32>} : memref<16x768xf32, #tpu.memory_space<vmem>>, vector<16xf32>,
      %get3A_625 = arith.index_cast %scan3A_132 : i32 to index
      %get3A_626 = arith.constant 560 : index
      %get3A_627 = tpu.vector_load %arg8[%get3A_625, %get3A_626] {strides = array<i32>} : memref<16x768xf32, #tpu.memory_space<vmem>>, vector<16xf32>,
      %add3A_628 = arith.addf %get3A_624, %get3A_627 : vector<16xf32>
      %get3A_629 = arith.index_cast %scan3A_132 : i32 to index
      %get3A_630 = arith.constant 560 : index
      %get3A_631 = tpu.vector_load %arg9[%get3A_629, %get3A_630] {strides = array<i32>} : memref<16x768xf32, #tpu.memory_space<vmem>>, vector<16xf32>,
      %add3A_632 = arith.addf %add3A_628, %get3A_631 : vector<16xf32>
      %swap3A_633 = arith.index_cast %scan3A_132 : i32 to index
      %swap3A_634 = arith.constant 560 : index
      %swap3A_635 = tpu.vector_load %arg10[%swap3A_633, %swap3A_634] {strides = array<i32>} : memref<16x768xf32, #tpu.memory_space<vmem>>, vector<16xf32>,
      tpu.vector_store %arg10[%swap3A_633, %swap3A_634], %add3A_632 {strides = array<i32>} : memref<16x768xf32, #tpu.memory_space<vmem>>, vector<16xf32>,
      %get3A_636 = arith.index_cast %scan3A_132 : i32 to index
      %get3A_637 = arith.constant 576 : index
      %get3A_638 = tpu.vector_load %arg10[%get3A_636, %get3A_637] {strides = array<i32>} : memref<16x768xf32, #tpu.memory_space<vmem>>, vector<16xf32>,
      %get3A_639 = arith.index_cast %scan3A_132 : i32 to index
      %get3A_640 = arith.constant 576 : index
      %get3A_641 = tpu.vector_load %arg8[%get3A_639, %get3A_640] {strides = array<i32>} : memref<16x768xf32, #tpu.memory_space<vmem>>, vector<16xf32>,
      %add3A_642 = arith.addf %get3A_638, %get3A_641 : vector<16xf32>
      %get3A_643 = arith.index_cast %scan3A_132 : i32 to index
      %get3A_644 = arith.constant 576 : index
      %get3A_645 = tpu.vector_load %arg9[%get3A_643, %get3A_644] {strides = array<i32>} : memref<16x768xf32, #tpu.memory_space<vmem>>, vector<16xf32>,
      %add3A_646 = arith.addf %add3A_642, %get3A_645 : vector<16xf32>
      %swap3A_647 = arith.index_cast %scan3A_132 : i32 to index
      %swap3A_648 = arith.constant 576 : index
      %swap3A_649 = tpu.vector_load %arg10[%swap3A_647, %swap3A_648] {strides = array<i32>} : memref<16x768xf32, #tpu.memory_space<vmem>>, vector<16xf32>,
      tpu.vector_store %arg10[%swap3A_647, %swap3A_648], %add3A_646 {strides = array<i32>} : memref<16x768xf32, #tpu.memory_space<vmem>>, vector<16xf32>,
      %get3A_650 = arith.index_cast %scan3A_132 : i32 to index
      %get3A_651 = arith.constant 592 : index
      %get3A_652 = tpu.vector_load %arg10[%get3A_650, %get3A_651] {strides = array<i32>} : memref<16x768xf32, #tpu.memory_space<vmem>>, vector<16xf32>,
      %get3A_653 = arith.index_cast %scan3A_132 : i32 to index
      %get3A_654 = arith.constant 592 : index
      %get3A_655 = tpu.vector_load %arg8[%get3A_653, %get3A_654] {strides = array<i32>} : memref<16x768xf32, #tpu.memory_space<vmem>>, vector<16xf32>,
      %add3A_656 = arith.addf %get3A_652, %get3A_655 : vector<16xf32>
      %get3A_657 = arith.index_cast %scan3A_132 : i32 to index
      %get3A_658 = arith.constant 592 : index
      %get3A_659 = tpu.vector_load %arg9[%get3A_657, %get3A_658] {strides = array<i32>} : memref<16x768xf32, #tpu.memory_space<vmem>>, vector<16xf32>,
      %add3A_660 = arith.addf %add3A_656, %get3A_659 : vector<16xf32>
      %swap3A_661 = arith.index_cast %scan3A_132 : i32 to index
      %swap3A_662 = arith.constant 592 : index
      %swap3A_663 = tpu.vector_load %arg10[%swap3A_661, %swap3A_662] {strides = array<i32>} : memref<16x768xf32, #tpu.memory_space<vmem>>, vector<16xf32>,
      tpu.vector_store %arg10[%swap3A_661, %swap3A_662], %add3A_660 {strides = array<i32>} : memref<16x768xf32, #tpu.memory_space<vmem>>, vector<16xf32>,
      %get3A_664 = arith.index_cast %scan3A_132 : i32 to index
      %get3A_665 = arith.constant 608 : index
      %get3A_666 = tpu.vector_load %arg10[%get3A_664, %get3A_665] {strides = array<i32>} : memref<16x768xf32, #tpu.memory_space<vmem>>, vector<16xf32>,
      %get3A_667 = arith.index_cast %scan3A_132 : i32 to index
      %get3A_668 = arith.constant 608 : index
      %get3A_669 = tpu.vector_load %arg8[%get3A_667, %get3A_668] {strides = array<i32>} : memref<16x768xf32, #tpu.memory_space<vmem>>, vector<16xf32>,
      %add3A_670 = arith.addf %get3A_666, %get3A_669 : vector<16xf32>
      %get3A_671 = arith.index_cast %scan3A_132 : i32 to index
      %get3A_672 = arith.constant 608 : index
      %get3A_673 = tpu.vector_load %arg9[%get3A_671, %get3A_672] {strides = array<i32>} : memref<16x768xf32, #tpu.memory_space<vmem>>, vector<16xf32>,
      %add3A_674 = arith.addf %add3A_670, %get3A_673 : vector<16xf32>
      %swap3A_675 = arith.index_cast %scan3A_132 : i32 to index
      %swap3A_676 = arith.constant 608 : index
      %swap3A_677 = tpu.vector_load %arg10[%swap3A_675, %swap3A_676] {strides = array<i32>} : memref<16x768xf32, #tpu.memory_space<vmem>>, vector<16xf32>,
      tpu.vector_store %arg10[%swap3A_675, %swap3A_676], %add3A_674 {strides = array<i32>} : memref<16x768xf32, #tpu.memory_space<vmem>>, vector<16xf32>,
      %get3A_678 = arith.index_cast %scan3A_132 : i32 to index
      %get3A_679 = arith.constant 624 : index
      %get3A_680 = tpu.vector_load %arg10[%get3A_678, %get3A_679] {strides = array<i32>} : memref<16x768xf32, #tpu.memory_space<vmem>>, vector<16xf32>,
      %get3A_681 = arith.index_cast %scan3A_132 : i32 to index
      %get3A_682 = arith.constant 624 : index
      %get3A_683 = tpu.vector_load %arg8[%get3A_681, %get3A_682] {strides = array<i32>} : memref<16x768xf32, #tpu.memory_space<vmem>>, vector<16xf32>,
      %add3A_684 = arith.addf %get3A_680, %get3A_683 : vector<16xf32>
      %get3A_685 = arith.index_cast %scan3A_132 : i32 to index
      %get3A_686 = arith.constant 624 : index
      %get3A_687 = tpu.vector_load %arg9[%get3A_685, %get3A_686] {strides = array<i32>} : memref<16x768xf32, #tpu.memory_space<vmem>>, vector<16xf32>,
      %add3A_688 = arith.addf %add3A_684, %get3A_687 : vector<16xf32>
      %swap3A_689 = arith.index_cast %scan3A_132 : i32 to index
      %swap3A_690 = arith.constant 624 : index
      %swap3A_691 = tpu.vector_load %arg10[%swap3A_689, %swap3A_690] {strides = array<i32>} : memref<16x768xf32, #tpu.memory_space<vmem>>, vector<16xf32>,
      tpu.vector_store %arg10[%swap3A_689, %swap3A_690], %add3A_688 {strides = array<i32>} : memref<16x768xf32, #tpu.memory_space<vmem>>, vector<16xf32>,
      %get3A_692 = arith.index_cast %scan3A_132 : i32 to index
      %get3A_693 = arith.constant 640 : index
      %get3A_694 = tpu.vector_load %arg10[%get3A_692, %get3A_693] {strides = array<i32>} : memref<16x768xf32, #tpu.memory_space<vmem>>, vector<16xf32>,
      %get3A_695 = arith.index_cast %scan3A_132 : i32 to index
      %get3A_696 = arith.constant 640 : index
      %get3A_697 = tpu.vector_load %arg8[%get3A_695, %get3A_696] {strides = array<i32>} : memref<16x768xf32, #tpu.memory_space<vmem>>, vector<16xf32>,
      %add3A_698 = arith.addf %get3A_694, %get3A_697 : vector<16xf32>
      %get3A_699 = arith.index_cast %scan3A_132 : i32 to index
      %get3A_700 = arith.constant 640 : index
      %get3A_701 = tpu.vector_load %arg9[%get3A_699, %get3A_700] {strides = array<i32>} : memref<16x768xf32, #tpu.memory_space<vmem>>, vector<16xf32>,
      %add3A_702 = arith.addf %add3A_698, %get3A_701 : vector<16xf32>
      %swap3A_703 = arith.index_cast %scan3A_132 : i32 to index
      %swap3A_704 = arith.constant 640 : index
      %swap3A_705 = tpu.vector_load %arg10[%swap3A_703, %swap3A_704] {strides = array<i32>} : memref<16x768xf32, #tpu.memory_space<vmem>>, vector<16xf32>,
      tpu.vector_store %arg10[%swap3A_703, %swap3A_704], %add3A_702 {strides = array<i32>} : memref<16x768xf32, #tpu.memory_space<vmem>>, vector<16xf32>,
      %get3A_706 = arith.index_cast %scan3A_132 : i32 to index
      %get3A_707 = arith.constant 656 : index
      %get3A_708 = tpu.vector_load %arg10[%get3A_706, %get3A_707] {strides = array<i32>} : memref<16x768xf32, #tpu.memory_space<vmem>>, vector<16xf32>,
      %get3A_709 = arith.index_cast %scan3A_132 : i32 to index
      %get3A_710 = arith.constant 656 : index
      %get3A_711 = tpu.vector_load %arg8[%get3A_709, %get3A_710] {strides = array<i32>} : memref<16x768xf32, #tpu.memory_space<vmem>>, vector<16xf32>,
      %add3A_712 = arith.addf %get3A_708, %get3A_711 : vector<16xf32>
      %get3A_713 = arith.index_cast %scan3A_132 : i32 to index
      %get3A_714 = arith.constant 656 : index
      %get3A_715 = tpu.vector_load %arg9[%get3A_713, %get3A_714] {strides = array<i32>} : memref<16x768xf32, #tpu.memory_space<vmem>>, vector<16xf32>,
      %add3A_716 = arith.addf %add3A_712, %get3A_715 : vector<16xf32>
      %swap3A_717 = arith.index_cast %scan3A_132 : i32 to index
      %swap3A_718 = arith.constant 656 : index
      %swap3A_719 = tpu.vector_load %arg10[%swap3A_717, %swap3A_718] {strides = array<i32>} : memref<16x768xf32, #tpu.memory_space<vmem>>, vector<16xf32>,
      tpu.vector_store %arg10[%swap3A_717, %swap3A_718], %add3A_716 {strides = array<i32>} : memref<16x768xf32, #tpu.memory_space<vmem>>, vector<16xf32>,
      %get3A_720 = arith.index_cast %scan3A_132 : i32 to index
      %get3A_721 = arith.constant 672 : index
      %get3A_722 = tpu.vector_load %arg10[%get3A_720, %get3A_721] {strides = array<i32>} : memref<16x768xf32, #tpu.memory_space<vmem>>, vector<16xf32>,
      %get3A_723 = arith.index_cast %scan3A_132 : i32 to index
      %get3A_724 = arith.constant 672 : index
      %get3A_725 = tpu.vector_load %arg8[%get3A_723, %get3A_724] {strides = array<i32>} : memref<16x768xf32, #tpu.memory_space<vmem>>, vector<16xf32>,
      %add3A_726 = arith.addf %get3A_722, %get3A_725 : vector<16xf32>
      %get3A_727 = arith.index_cast %scan3A_132 : i32 to index
      %get3A_728 = arith.constant 672 : index
      %get3A_729 = tpu.vector_load %arg9[%get3A_727, %get3A_728] {strides = array<i32>} : memref<16x768xf32, #tpu.memory_space<vmem>>, vector<16xf32>,
      %add3A_730 = arith.addf %add3A_726, %get3A_729 : vector<16xf32>
      %swap3A_731 = arith.index_cast %scan3A_132 : i32 to index
      %swap3A_732 = arith.constant 672 : index
      %swap3A_733 = tpu.vector_load %arg10[%swap3A_731, %swap3A_732] {strides = array<i32>} : memref<16x768xf32, #tpu.memory_space<vmem>>, vector<16xf32>,
      tpu.vector_store %arg10[%swap3A_731, %swap3A_732], %add3A_730 {strides = array<i32>} : memref<16x768xf32, #tpu.memory_space<vmem>>, vector<16xf32>,
      %get3A_734 = arith.index_cast %scan3A_132 : i32 to index
      %get3A_735 = arith.constant 688 : index
      %get3A_736 = tpu.vector_load %arg10[%get3A_734, %get3A_735] {strides = array<i32>} : memref<16x768xf32, #tpu.memory_space<vmem>>, vector<16xf32>,
      %get3A_737 = arith.index_cast %scan3A_132 : i32 to index
      %get3A_738 = arith.constant 688 : index
      %get3A_739 = tpu.vector_load %arg8[%get3A_737, %get3A_738] {strides = array<i32>} : memref<16x768xf32, #tpu.memory_space<vmem>>, vector<16xf32>,
      %add3A_740 = arith.addf %get3A_736, %get3A_739 : vector<16xf32>
      %get3A_741 = arith.index_cast %scan3A_132 : i32 to index
      %get3A_742 = arith.constant 688 : index
      %get3A_743 = tpu.vector_load %arg9[%get3A_741, %get3A_742] {strides = array<i32>} : memref<16x768xf32, #tpu.memory_space<vmem>>, vector<16xf32>,
      %add3A_744 = arith.addf %add3A_740, %get3A_743 : vector<16xf32>
      %swap3A_745 = arith.index_cast %scan3A_132 : i32 to index
      %swap3A_746 = arith.constant 688 : index
      %swap3A_747 = tpu.vector_load %arg10[%swap3A_745, %swap3A_746] {strides = array<i32>} : memref<16x768xf32, #tpu.memory_space<vmem>>, vector<16xf32>,
      tpu.vector_store %arg10[%swap3A_745, %swap3A_746], %add3A_744 {strides = array<i32>} : memref<16x768xf32, #tpu.memory_space<vmem>>, vector<16xf32>,
      %get3A_748 = arith.index_cast %scan3A_132 : i32 to index
      %get3A_749 = arith.constant 704 : index
      %get3A_750 = tpu.vector_load %arg10[%get3A_748, %get3A_749] {strides = array<i32>} : memref<16x768xf32, #tpu.memory_space<vmem>>, vector<16xf32>,
      %get3A_751 = arith.index_cast %scan3A_132 : i32 to index
      %get3A_752 = arith.constant 704 : index
      %get3A_753 = tpu.vector_load %arg8[%get3A_751, %get3A_752] {strides = array<i32>} : memref<16x768xf32, #tpu.memory_space<vmem>>, vector<16xf32>,
      %add3A_754 = arith.addf %get3A_750, %get3A_753 : vector<16xf32>
      %get3A_755 = arith.index_cast %scan3A_132 : i32 to index
      %get3A_756 = arith.constant 704 : index
      %get3A_757 = tpu.vector_load %arg9[%get3A_755, %get3A_756] {strides = array<i32>} : memref<16x768xf32, #tpu.memory_space<vmem>>, vector<16xf32>,
      %add3A_758 = arith.addf %add3A_754, %get3A_757 : vector<16xf32>
      %swap3A_759 = arith.index_cast %scan3A_132 : i32 to index
      %swap3A_760 = arith.constant 704 : index
      %swap3A_761 = tpu.vector_load %arg10[%swap3A_759, %swap3A_760] {strides = array<i32>} : memref<16x768xf32, #tpu.memory_space<vmem>>, vector<16xf32>,
      tpu.vector_store %arg10[%swap3A_759, %swap3A_760], %add3A_758 {strides = array<i32>} : memref<16x768xf32, #tpu.memory_space<vmem>>, vector<16xf32>,
      %get3A_762 = arith.index_cast %scan3A_132 : i32 to index
      %get3A_763 = arith.constant 720 : index
      %get3A_764 = tpu.vector_load %arg10[%get3A_762, %get3A_763] {strides = array<i32>} : memref<16x768xf32, #tpu.memory_space<vmem>>, vector<16xf32>,
      %get3A_765 = arith.index_cast %scan3A_132 : i32 to index
      %get3A_766 = arith.constant 720 : index
      %get3A_767 = tpu.vector_load %arg8[%get3A_765, %get3A_766] {strides = array<i32>} : memref<16x768xf32, #tpu.memory_space<vmem>>, vector<16xf32>,
      %add3A_768 = arith.addf %get3A_764, %get3A_767 : vector<16xf32>
      %get3A_769 = arith.index_cast %scan3A_132 : i32 to index
      %get3A_770 = arith.constant 720 : index
      %get3A_771 = tpu.vector_load %arg9[%get3A_769, %get3A_770] {strides = array<i32>} : memref<16x768xf32, #tpu.memory_space<vmem>>, vector<16xf32>,
      %add3A_772 = arith.addf %add3A_768, %get3A_771 : vector<16xf32>
      %swap3A_773 = arith.index_cast %scan3A_132 : i32 to index
      %swap3A_774 = arith.constant 720 : index
      %swap3A_775 = tpu.vector_load %arg10[%swap3A_773, %swap3A_774] {strides = array<i32>} : memref<16x768xf32, #tpu.memory_space<vmem>>, vector<16xf32>,
      tpu.vector_store %arg10[%swap3A_773, %swap3A_774], %add3A_772 {strides = array<i32>} : memref<16x768xf32, #tpu.memory_space<vmem>>, vector<16xf32>,
      %get3A_776 = arith.index_cast %scan3A_132 : i32 to index
      %get3A_777 = arith.constant 736 : index
      %get3A_778 = tpu.vector_load %arg10[%get3A_776, %get3A_777] {strides = array<i32>} : memref<16x768xf32, #tpu.memory_space<vmem>>, vector<16xf32>,
      %get3A_779 = arith.index_cast %scan3A_132 : i32 to index
      %get3A_780 = arith.constant 736 : index
      %get3A_781 = tpu.vector_load %arg8[%get3A_779, %get3A_780] {strides = array<i32>} : memref<16x768xf32, #tpu.memory_space<vmem>>, vector<16xf32>,
      %add3A_782 = arith.addf %get3A_778, %get3A_781 : vector<16xf32>
      %get3A_783 = arith.index_cast %scan3A_132 : i32 to index
      %get3A_784 = arith.constant 736 : index
      %get3A_785 = tpu.vector_load %arg9[%get3A_783, %get3A_784] {strides = array<i32>} : memref<16x768xf32, #tpu.memory_space<vmem>>, vector<16xf32>,
      %add3A_786 = arith.addf %add3A_782, %get3A_785 : vector<16xf32>
      %swap3A_787 = arith.index_cast %scan3A_132 : i32 to index
      %swap3A_788 = arith.constant 736 : index
      %swap3A_789 = tpu.vector_load %arg10[%swap3A_787, %swap3A_788] {strides = array<i32>} : memref<16x768xf32, #tpu.memory_space<vmem>>, vector<16xf32>,
      tpu.vector_store %arg10[%swap3A_787, %swap3A_788], %add3A_786 {strides = array<i32>} : memref<16x768xf32, #tpu.memory_space<vmem>>, vector<16xf32>,
      %get3A_790 = arith.index_cast %scan3A_132 : i32 to index
      %get3A_791 = arith.constant 752 : index
      %get3A_792 = tpu.vector_load %arg10[%get3A_790, %get3A_791] {strides = array<i32>} : memref<16x768xf32, #tpu.memory_space<vmem>>, vector<16xf32>,
      %get3A_793 = arith.index_cast %scan3A_132 : i32 to index
      %get3A_794 = arith.constant 752 : index
      %get3A_795 = tpu.vector_load %arg8[%get3A_793, %get3A_794] {strides = array<i32>} : memref<16x768xf32, #tpu.memory_space<vmem>>, vector<16xf32>,
      %add3A_796 = arith.addf %get3A_792, %get3A_795 : vector<16xf32>
      %get3A_797 = arith.index_cast %scan3A_132 : i32 to index
      %get3A_798 = arith.constant 752 : index
      %get3A_799 = tpu.vector_load %arg9[%get3A_797, %get3A_798] {strides = array<i32>} : memref<16x768xf32, #tpu.memory_space<vmem>>, vector<16xf32>,
      %add3A_800 = arith.addf %add3A_796, %get3A_799 : vector<16xf32>
      %swap3A_801 = arith.index_cast %scan3A_132 : i32 to index
      %swap3A_802 = arith.constant 752 : index
      %swap3A_803 = tpu.vector_load %arg10[%swap3A_801, %swap3A_802] {strides = array<i32>} : memref<16x768xf32, #tpu.memory_space<vmem>>, vector<16xf32>,
      tpu.vector_store %arg10[%swap3A_801, %swap3A_802], %add3A_800 {strides = array<i32>} : memref<16x768xf32, #tpu.memory_space<vmem>>, vector<16xf32>,
      %scan3A_804 = arith.constant 0 : i32
      scf.yield %scan3A_804 : i32
    }
    %scan3A_110 = arith.constant 16 : i32
    %add3A_111 = arith.constant 32 : i32
    %add3A_112 = arith.addi %mul3A_2, %add3A_111 : i32
    "tpu.region"() ({
      %run_scoped3A = tpu.sem_alloc : memref<!tpu.dma_semaphore, #tpu.memory_space<semaphore_mem>>
      %dma_start3A_132 = arith.constant 0 : i32
      %dma_start3A_133 = tpu.memref_slice %arg5[%add3A_112, %dma_start3A_132] : memref<2048x768xf32, #tpu.memory_space<hbm>> -> memref<16x768xf32, #tpu.memory_space<hbm>>
      %dma_start3A_134 = arith.constant 0 : i32
      %dma_start3A_135 = tpu.memref_slice %arg5[%add3A_112, %dma_start3A_134] : memref<2048x768xf32, #tpu.memory_space<hbm>> -> memref<16x768xf32, #tpu.memory_space<hbm>>
      tpu.enqueue_dma source(%arg10 : memref<16x768xf32, #tpu.memory_space<vmem>>) target(%dma_start3A_135 : memref<16x768xf32, #tpu.memory_space<hbm>>) target_semaphore(%run_scoped3A : memref<!tpu.dma_semaphore, #tpu.memory_space<semaphore_mem>>)
      %dma_wait3A_136 = arith.constant 0 : i32
      %dma_wait3A_137 = tpu.memref_slice %arg5[%add3A_112, %dma_wait3A_136] : memref<2048x768xf32, #tpu.memory_space<hbm>> -> memref<16x768xf32, #tpu.memory_space<hbm>>
      %dma_wait3A_138 = arith.constant 0 : i32
      %dma_wait3A_139 = tpu.memref_slice %arg5[%add3A_112, %dma_wait3A_138] : memref<2048x768xf32, #tpu.memory_space<hbm>> -> memref<16x768xf32, #tpu.memory_space<hbm>>
      tpu.wait_dma2 semaphore(%run_scoped3A : memref<!tpu.dma_semaphore, #tpu.memory_space<semaphore_mem>>) src(%arg10 : memref<16x768xf32, #tpu.memory_space<vmem>>) dst(%dma_wait3A_139 : memref<16x768xf32, #tpu.memory_space<hbm>>)
      tpu.yield
    }) : () -> ()
    %dma_wait3A_113 = arith.constant 0 : i32
    %dma_wait3A_114 = arith.constant 0 : i32
    %dma_wait3A_115 = tpu.memref_slice %arg3[%dma_wait3A_113, %dma_wait3A_114] : memref<12416x768xf32, #tpu.memory_space<hbm>> -> memref<12416x768xf32, #tpu.memory_space<hbm>>
    tpu.wait_indirect_dma semaphore(%arg17 : memref<!tpu.dma_semaphore, #tpu.memory_space<semaphore_mem>>) src(%dma_wait3A_115 : memref<12416x768xf32, #tpu.memory_space<hbm>>) dst(%arg14 : memref<16x768xf32, #tpu.memory_space<vmem>>)
    %dma_wait3A_116 = arith.constant 0 : i32
    %dma_wait3A_117 = arith.constant 0 : i32
    %dma_wait3A_118 = tpu.memref_slice %arg3[%dma_wait3A_116, %dma_wait3A_117] : memref<12416x768xf32, #tpu.memory_space<hbm>> -> memref<12416x768xf32, #tpu.memory_space<hbm>>
    tpu.wait_indirect_dma semaphore(%arg17 : memref<!tpu.dma_semaphore, #tpu.memory_space<semaphore_mem>>) src(%dma_wait3A_118 : memref<12416x768xf32, #tpu.memory_space<hbm>>) dst(%arg15 : memref<16x768xf32, #tpu.memory_space<vmem>>)
    %dma_wait3A_119 = arith.constant 0 : i32
    %dma_wait3A_120 = tpu.memref_slice %arg2[%add3A_81, %dma_wait3A_119] : memref<2048x768xf32, #tpu.memory_space<hbm>> -> memref<16x768xf32, #tpu.memory_space<hbm>>
    %dma_wait3A_121 = arith.constant 0 : i32
    %dma_wait3A_122 = tpu.memref_slice %arg2[%add3A_81, %dma_wait3A_121] : memref<2048x768xf32, #tpu.memory_space<hbm>> -> memref<16x768xf32, #tpu.memory_space<hbm>>
    tpu.wait_dma2 semaphore(%arg17 : memref<!tpu.dma_semaphore, #tpu.memory_space<semaphore_mem>>) src(%dma_wait3A_122 : memref<16x768xf32, #tpu.memory_space<hbm>>) dst(%arg16 : memref<16x768xf32, #tpu.memory_space<vmem>>)
    %scan3A_123 = arith.constant 0 : i32
    %scan3A_124 = arith.constant 0 : i32
    %scan3A_125 = arith.constant 16 : i32
    %scan3A_126 = arith.addi %scan3A_124, %scan3A_125 : i32
    %scan3A_127 = arith.constant 1 : i32
    %scan3A_128 = scf.for %scan3A_132 = %scan3A_124 to %scan3A_126 step %scan3A_127 iter_args(%scan3A_133 = %scan3A_123) -> (i32)  : i32 {
      %get3A = arith.index_cast %scan3A_132 : i32 to index
      %get3A_134 = arith.constant 0 : index
      %get3A_135 = tpu.vector_load %arg16[%get3A, %get3A_134] {strides = array<i32>} : memref<16x768xf32, #tpu.memory_space<vmem>>, vector<16xf32>,
      %get3A_136 = arith.index_cast %scan3A_132 : i32 to index
      %get3A_137 = arith.constant 0 : index
      %get3A_138 = tpu.vector_load %arg14[%get3A_136, %get3A_137] {strides = array<i32>} : memref<16x768xf32, #tpu.memory_space<vmem>>, vector<16xf32>,
      %add3A_139 = arith.addf %get3A_135, %get3A_138 : vector<16xf32>
      %get3A_140 = arith.index_cast %scan3A_132 : i32 to index
      %get3A_141 = arith.constant 0 : index
      %get3A_142 = tpu.vector_load %arg15[%get3A_140, %get3A_141] {strides = array<i32>} : memref<16x768xf32, #tpu.memory_space<vmem>>, vector<16xf32>,
      %add3A_143 = arith.addf %add3A_139, %get3A_142 : vector<16xf32>
      %swap3A = arith.index_cast %scan3A_132 : i32 to index
      %swap3A_144 = arith.constant 0 : index
      %swap3A_145 = tpu.vector_load %arg16[%swap3A, %swap3A_144] {strides = array<i32>} : memref<16x768xf32, #tpu.memory_space<vmem>>, vector<16xf32>,
      tpu.vector_store %arg16[%swap3A, %swap3A_144], %add3A_143 {strides = array<i32>} : memref<16x768xf32, #tpu.memory_space<vmem>>, vector<16xf32>,
      %get3A_146 = arith.index_cast %scan3A_132 : i32 to index
      %get3A_147 = arith.constant 16 : index
      %get3A_148 = tpu.vector_load %arg16[%get3A_146, %get3A_147] {strides = array<i32>} : memref<16x768xf32, #tpu.memory_space<vmem>>, vector<16xf32>,
      %get3A_149 = arith.index_cast %scan3A_132 : i32 to index
      %get3A_150 = arith.constant 16 : index
      %get3A_151 = tpu.vector_load %arg14[%get3A_149, %get3A_150] {strides = array<i32>} : memref<16x768xf32, #tpu.memory_space<vmem>>, vector<16xf32>,
      %add3A_152 = arith.addf %get3A_148, %get3A_151 : vector<16xf32>
      %get3A_153 = arith.index_cast %scan3A_132 : i32 to index
      %get3A_154 = arith.constant 16 : index
      %get3A_155 = tpu.vector_load %arg15[%get3A_153, %get3A_154] {strides = array<i32>} : memref<16x768xf32, #tpu.memory_space<vmem>>, vector<16xf32>,
      %add3A_156 = arith.addf %add3A_152, %get3A_155 : vector<16xf32>
      %swap3A_157 = arith.index_cast %scan3A_132 : i32 to index
      %swap3A_158 = arith.constant 16 : index
      %swap3A_159 = tpu.vector_load %arg16[%swap3A_157, %swap3A_158] {strides = array<i32>} : memref<16x768xf32, #tpu.memory_space<vmem>>, vector<16xf32>,
      tpu.vector_store %arg16[%swap3A_157, %swap3A_158], %add3A_156 {strides = array<i32>} : memref<16x768xf32, #tpu.memory_space<vmem>>, vector<16xf32>,
      %get3A_160 = arith.index_cast %scan3A_132 : i32 to index
      %get3A_161 = arith.constant 32 : index
      %get3A_162 = tpu.vector_load %arg16[%get3A_160, %get3A_161] {strides = array<i32>} : memref<16x768xf32, #tpu.memory_space<vmem>>, vector<16xf32>,
      %get3A_163 = arith.index_cast %scan3A_132 : i32 to index
      %get3A_164 = arith.constant 32 : index
      %get3A_165 = tpu.vector_load %arg14[%get3A_163, %get3A_164] {strides = array<i32>} : memref<16x768xf32, #tpu.memory_space<vmem>>, vector<16xf32>,
      %add3A_166 = arith.addf %get3A_162, %get3A_165 : vector<16xf32>
      %get3A_167 = arith.index_cast %scan3A_132 : i32 to index
      %get3A_168 = arith.constant 32 : index
      %get3A_169 = tpu.vector_load %arg15[%get3A_167, %get3A_168] {strides = array<i32>} : memref<16x768xf32, #tpu.memory_space<vmem>>, vector<16xf32>,
      %add3A_170 = arith.addf %add3A_166, %get3A_169 : vector<16xf32>
      %swap3A_171 = arith.index_cast %scan3A_132 : i32 to index
      %swap3A_172 = arith.constant 32 : index
      %swap3A_173 = tpu.vector_load %arg16[%swap3A_171, %swap3A_172] {strides = array<i32>} : memref<16x768xf32, #tpu.memory_space<vmem>>, vector<16xf32>,
      tpu.vector_store %arg16[%swap3A_171, %swap3A_172], %add3A_170 {strides = array<i32>} : memref<16x768xf32, #tpu.memory_space<vmem>>, vector<16xf32>,
      %get3A_174 = arith.index_cast %scan3A_132 : i32 to index
      %get3A_175 = arith.constant 48 : index
      %get3A_176 = tpu.vector_load %arg16[%get3A_174, %get3A_175] {strides = array<i32>} : memref<16x768xf32, #tpu.memory_space<vmem>>, vector<16xf32>,
      %get3A_177 = arith.index_cast %scan3A_132 : i32 to index
      %get3A_178 = arith.constant 48 : index
      %get3A_179 = tpu.vector_load %arg14[%get3A_177, %get3A_178] {strides = array<i32>} : memref<16x768xf32, #tpu.memory_space<vmem>>, vector<16xf32>,
      %add3A_180 = arith.addf %get3A_176, %get3A_179 : vector<16xf32>
      %get3A_181 = arith.index_cast %scan3A_132 : i32 to index
      %get3A_182 = arith.constant 48 : index
      %get3A_183 = tpu.vector_load %arg15[%get3A_181, %get3A_182] {strides = array<i32>} : memref<16x768xf32, #tpu.memory_space<vmem>>, vector<16xf32>,
      %add3A_184 = arith.addf %add3A_180, %get3A_183 : vector<16xf32>
      %swap3A_185 = arith.index_cast %scan3A_132 : i32 to index
      %swap3A_186 = arith.constant 48 : index
      %swap3A_187 = tpu.vector_load %arg16[%swap3A_185, %swap3A_186] {strides = array<i32>} : memref<16x768xf32, #tpu.memory_space<vmem>>, vector<16xf32>,
      tpu.vector_store %arg16[%swap3A_185, %swap3A_186], %add3A_184 {strides = array<i32>} : memref<16x768xf32, #tpu.memory_space<vmem>>, vector<16xf32>,
      %get3A_188 = arith.index_cast %scan3A_132 : i32 to index
      %get3A_189 = arith.constant 64 : index
      %get3A_190 = tpu.vector_load %arg16[%get3A_188, %get3A_189] {strides = array<i32>} : memref<16x768xf32, #tpu.memory_space<vmem>>, vector<16xf32>,
      %get3A_191 = arith.index_cast %scan3A_132 : i32 to index
      %get3A_192 = arith.constant 64 : index
      %get3A_193 = tpu.vector_load %arg14[%get3A_191, %get3A_192] {strides = array<i32>} : memref<16x768xf32, #tpu.memory_space<vmem>>, vector<16xf32>,
      %add3A_194 = arith.addf %get3A_190, %get3A_193 : vector<16xf32>
      %get3A_195 = arith.index_cast %scan3A_132 : i32 to index
      %get3A_196 = arith.constant 64 : index
      %get3A_197 = tpu.vector_load %arg15[%get3A_195, %get3A_196] {strides = array<i32>} : memref<16x768xf32, #tpu.memory_space<vmem>>, vector<16xf32>,
      %add3A_198 = arith.addf %add3A_194, %get3A_197 : vector<16xf32>
      %swap3A_199 = arith.index_cast %scan3A_132 : i32 to index
      %swap3A_200 = arith.constant 64 : index
      %swap3A_201 = tpu.vector_load %arg16[%swap3A_199, %swap3A_200] {strides = array<i32>} : memref<16x768xf32, #tpu.memory_space<vmem>>, vector<16xf32>,
      tpu.vector_store %arg16[%swap3A_199, %swap3A_200], %add3A_198 {strides = array<i32>} : memref<16x768xf32, #tpu.memory_space<vmem>>, vector<16xf32>,
      %get3A_202 = arith.index_cast %scan3A_132 : i32 to index
      %get3A_203 = arith.constant 80 : index
      %get3A_204 = tpu.vector_load %arg16[%get3A_202, %get3A_203] {strides = array<i32>} : memref<16x768xf32, #tpu.memory_space<vmem>>, vector<16xf32>,
      %get3A_205 = arith.index_cast %scan3A_132 : i32 to index
      %get3A_206 = arith.constant 80 : index
      %get3A_207 = tpu.vector_load %arg14[%get3A_205, %get3A_206] {strides = array<i32>} : memref<16x768xf32, #tpu.memory_space<vmem>>, vector<16xf32>,
      %add3A_208 = arith.addf %get3A_204, %get3A_207 : vector<16xf32>
      %get3A_209 = arith.index_cast %scan3A_132 : i32 to index
      %get3A_210 = arith.constant 80 : index
      %get3A_211 = tpu.vector_load %arg15[%get3A_209, %get3A_210] {strides = array<i32>} : memref<16x768xf32, #tpu.memory_space<vmem>>, vector<16xf32>,
      %add3A_212 = arith.addf %add3A_208, %get3A_211 : vector<16xf32>
      %swap3A_213 = arith.index_cast %scan3A_132 : i32 to index
      %swap3A_214 = arith.constant 80 : index
      %swap3A_215 = tpu.vector_load %arg16[%swap3A_213, %swap3A_214] {strides = array<i32>} : memref<16x768xf32, #tpu.memory_space<vmem>>, vector<16xf32>,
      tpu.vector_store %arg16[%swap3A_213, %swap3A_214], %add3A_212 {strides = array<i32>} : memref<16x768xf32, #tpu.memory_space<vmem>>, vector<16xf32>,
      %get3A_216 = arith.index_cast %scan3A_132 : i32 to index
      %get3A_217 = arith.constant 96 : index
      %get3A_218 = tpu.vector_load %arg16[%get3A_216, %get3A_217] {strides = array<i32>} : memref<16x768xf32, #tpu.memory_space<vmem>>, vector<16xf32>,
      %get3A_219 = arith.index_cast %scan3A_132 : i32 to index
      %get3A_220 = arith.constant 96 : index
      %get3A_221 = tpu.vector_load %arg14[%get3A_219, %get3A_220] {strides = array<i32>} : memref<16x768xf32, #tpu.memory_space<vmem>>, vector<16xf32>,
      %add3A_222 = arith.addf %get3A_218, %get3A_221 : vector<16xf32>
      %get3A_223 = arith.index_cast %scan3A_132 : i32 to index
      %get3A_224 = arith.constant 96 : index
      %get3A_225 = tpu.vector_load %arg15[%get3A_223, %get3A_224] {strides = array<i32>} : memref<16x768xf32, #tpu.memory_space<vmem>>, vector<16xf32>,
      %add3A_226 = arith.addf %add3A_222, %get3A_225 : vector<16xf32>
      %swap3A_227 = arith.index_cast %scan3A_132 : i32 to index
      %swap3A_228 = arith.constant 96 : index
      %swap3A_229 = tpu.vector_load %arg16[%swap3A_227, %swap3A_228] {strides = array<i32>} : memref<16x768xf32, #tpu.memory_space<vmem>>, vector<16xf32>,
      tpu.vector_store %arg16[%swap3A_227, %swap3A_228], %add3A_226 {strides = array<i32>} : memref<16x768xf32, #tpu.memory_space<vmem>>, vector<16xf32>,
      %get3A_230 = arith.index_cast %scan3A_132 : i32 to index
      %get3A_231 = arith.constant 112 : index
      %get3A_232 = tpu.vector_load %arg16[%get3A_230, %get3A_231] {strides = array<i32>} : memref<16x768xf32, #tpu.memory_space<vmem>>, vector<16xf32>,
      %get3A_233 = arith.index_cast %scan3A_132 : i32 to index
      %get3A_234 = arith.constant 112 : index
      %get3A_235 = tpu.vector_load %arg14[%get3A_233, %get3A_234] {strides = array<i32>} : memref<16x768xf32, #tpu.memory_space<vmem>>, vector<16xf32>,
      %add3A_236 = arith.addf %get3A_232, %get3A_235 : vector<16xf32>
      %get3A_237 = arith.index_cast %scan3A_132 : i32 to index
      %get3A_238 = arith.constant 112 : index
      %get3A_239 = tpu.vector_load %arg15[%get3A_237, %get3A_238] {strides = array<i32>} : memref<16x768xf32, #tpu.memory_space<vmem>>, vector<16xf32>,
      %add3A_240 = arith.addf %add3A_236, %get3A_239 : vector<16xf32>
      %swap3A_241 = arith.index_cast %scan3A_132 : i32 to index
      %swap3A_242 = arith.constant 112 : index
      %swap3A_243 = tpu.vector_load %arg16[%swap3A_241, %swap3A_242] {strides = array<i32>} : memref<16x768xf32, #tpu.memory_space<vmem>>, vector<16xf32>,
      tpu.vector_store %arg16[%swap3A_241, %swap3A_242], %add3A_240 {strides = array<i32>} : memref<16x768xf32, #tpu.memory_space<vmem>>, vector<16xf32>,
      %get3A_244 = arith.index_cast %scan3A_132 : i32 to index
      %get3A_245 = arith.constant 128 : index
      %get3A_246 = tpu.vector_load %arg16[%get3A_244, %get3A_245] {strides = array<i32>} : memref<16x768xf32, #tpu.memory_space<vmem>>, vector<16xf32>,
      %get3A_247 = arith.index_cast %scan3A_132 : i32 to index
      %get3A_248 = arith.constant 128 : index
      %get3A_249 = tpu.vector_load %arg14[%get3A_247, %get3A_248] {strides = array<i32>} : memref<16x768xf32, #tpu.memory_space<vmem>>, vector<16xf32>,
      %add3A_250 = arith.addf %get3A_246, %get3A_249 : vector<16xf32>
      %get3A_251 = arith.index_cast %scan3A_132 : i32 to index
      %get3A_252 = arith.constant 128 : index
      %get3A_253 = tpu.vector_load %arg15[%get3A_251, %get3A_252] {strides = array<i32>} : memref<16x768xf32, #tpu.memory_space<vmem>>, vector<16xf32>,
      %add3A_254 = arith.addf %add3A_250, %get3A_253 : vector<16xf32>
      %swap3A_255 = arith.index_cast %scan3A_132 : i32 to index
      %swap3A_256 = arith.constant 128 : index
      %swap3A_257 = tpu.vector_load %arg16[%swap3A_255, %swap3A_256] {strides = array<i32>} : memref<16x768xf32, #tpu.memory_space<vmem>>, vector<16xf32>,
      tpu.vector_store %arg16[%swap3A_255, %swap3A_256], %add3A_254 {strides = array<i32>} : memref<16x768xf32, #tpu.memory_space<vmem>>, vector<16xf32>,
      %get3A_258 = arith.index_cast %scan3A_132 : i32 to index
      %get3A_259 = arith.constant 144 : index
      %get3A_260 = tpu.vector_load %arg16[%get3A_258, %get3A_259] {strides = array<i32>} : memref<16x768xf32, #tpu.memory_space<vmem>>, vector<16xf32>,
      %get3A_261 = arith.index_cast %scan3A_132 : i32 to index
      %get3A_262 = arith.constant 144 : index
      %get3A_263 = tpu.vector_load %arg14[%get3A_261, %get3A_262] {strides = array<i32>} : memref<16x768xf32, #tpu.memory_space<vmem>>, vector<16xf32>,
      %add3A_264 = arith.addf %get3A_260, %get3A_263 : vector<16xf32>
      %get3A_265 = arith.index_cast %scan3A_132 : i32 to index
      %get3A_266 = arith.constant 144 : index
      %get3A_267 = tpu.vector_load %arg15[%get3A_265, %get3A_266] {strides = array<i32>} : memref<16x768xf32, #tpu.memory_space<vmem>>, vector<16xf32>,
      %add3A_268 = arith.addf %add3A_264, %get3A_267 : vector<16xf32>
      %swap3A_269 = arith.index_cast %scan3A_132 : i32 to index
      %swap3A_270 = arith.constant 144 : index
      %swap3A_271 = tpu.vector_load %arg16[%swap3A_269, %swap3A_270] {strides = array<i32>} : memref<16x768xf32, #tpu.memory_space<vmem>>, vector<16xf32>,
      tpu.vector_store %arg16[%swap3A_269, %swap3A_270], %add3A_268 {strides = array<i32>} : memref<16x768xf32, #tpu.memory_space<vmem>>, vector<16xf32>,
      %get3A_272 = arith.index_cast %scan3A_132 : i32 to index
      %get3A_273 = arith.constant 160 : index
      %get3A_274 = tpu.vector_load %arg16[%get3A_272, %get3A_273] {strides = array<i32>} : memref<16x768xf32, #tpu.memory_space<vmem>>, vector<16xf32>,
      %get3A_275 = arith.index_cast %scan3A_132 : i32 to index
      %get3A_276 = arith.constant 160 : index
      %get3A_277 = tpu.vector_load %arg14[%get3A_275, %get3A_276] {strides = array<i32>} : memref<16x768xf32, #tpu.memory_space<vmem>>, vector<16xf32>,
      %add3A_278 = arith.addf %get3A_274, %get3A_277 : vector<16xf32>
      %get3A_279 = arith.index_cast %scan3A_132 : i32 to index
      %get3A_280 = arith.constant 160 : index
      %get3A_281 = tpu.vector_load %arg15[%get3A_279, %get3A_280] {strides = array<i32>} : memref<16x768xf32, #tpu.memory_space<vmem>>, vector<16xf32>,
      %add3A_282 = arith.addf %add3A_278, %get3A_281 : vector<16xf32>
      %swap3A_283 = arith.index_cast %scan3A_132 : i32 to index
      %swap3A_284 = arith.constant 160 : index
      %swap3A_285 = tpu.vector_load %arg16[%swap3A_283, %swap3A_284] {strides = array<i32>} : memref<16x768xf32, #tpu.memory_space<vmem>>, vector<16xf32>,
      tpu.vector_store %arg16[%swap3A_283, %swap3A_284], %add3A_282 {strides = array<i32>} : memref<16x768xf32, #tpu.memory_space<vmem>>, vector<16xf32>,
      %get3A_286 = arith.index_cast %scan3A_132 : i32 to index
      %get3A_287 = arith.constant 176 : index
      %get3A_288 = tpu.vector_load %arg16[%get3A_286, %get3A_287] {strides = array<i32>} : memref<16x768xf32, #tpu.memory_space<vmem>>, vector<16xf32>,
      %get3A_289 = arith.index_cast %scan3A_132 : i32 to index
      %get3A_290 = arith.constant 176 : index
      %get3A_291 = tpu.vector_load %arg14[%get3A_289, %get3A_290] {strides = array<i32>} : memref<16x768xf32, #tpu.memory_space<vmem>>, vector<16xf32>,
      %add3A_292 = arith.addf %get3A_288, %get3A_291 : vector<16xf32>
      %get3A_293 = arith.index_cast %scan3A_132 : i32 to index
      %get3A_294 = arith.constant 176 : index
      %get3A_295 = tpu.vector_load %arg15[%get3A_293, %get3A_294] {strides = array<i32>} : memref<16x768xf32, #tpu.memory_space<vmem>>, vector<16xf32>,
      %add3A_296 = arith.addf %add3A_292, %get3A_295 : vector<16xf32>
      %swap3A_297 = arith.index_cast %scan3A_132 : i32 to index
      %swap3A_298 = arith.constant 176 : index
      %swap3A_299 = tpu.vector_load %arg16[%swap3A_297, %swap3A_298] {strides = array<i32>} : memref<16x768xf32, #tpu.memory_space<vmem>>, vector<16xf32>,
      tpu.vector_store %arg16[%swap3A_297, %swap3A_298], %add3A_296 {strides = array<i32>} : memref<16x768xf32, #tpu.memory_space<vmem>>, vector<16xf32>,
      %get3A_300 = arith.index_cast %scan3A_132 : i32 to index
      %get3A_301 = arith.constant 192 : index
      %get3A_302 = tpu.vector_load %arg16[%get3A_300, %get3A_301] {strides = array<i32>} : memref<16x768xf32, #tpu.memory_space<vmem>>, vector<16xf32>,
      %get3A_303 = arith.index_cast %scan3A_132 : i32 to index
      %get3A_304 = arith.constant 192 : index
      %get3A_305 = tpu.vector_load %arg14[%get3A_303, %get3A_304] {strides = array<i32>} : memref<16x768xf32, #tpu.memory_space<vmem>>, vector<16xf32>,
      %add3A_306 = arith.addf %get3A_302, %get3A_305 : vector<16xf32>
      %get3A_307 = arith.index_cast %scan3A_132 : i32 to index
      %get3A_308 = arith.constant 192 : index
      %get3A_309 = tpu.vector_load %arg15[%get3A_307, %get3A_308] {strides = array<i32>} : memref<16x768xf32, #tpu.memory_space<vmem>>, vector<16xf32>,
      %add3A_310 = arith.addf %add3A_306, %get3A_309 : vector<16xf32>
      %swap3A_311 = arith.index_cast %scan3A_132 : i32 to index
      %swap3A_312 = arith.constant 192 : index
      %swap3A_313 = tpu.vector_load %arg16[%swap3A_311, %swap3A_312] {strides = array<i32>} : memref<16x768xf32, #tpu.memory_space<vmem>>, vector<16xf32>,
      tpu.vector_store %arg16[%swap3A_311, %swap3A_312], %add3A_310 {strides = array<i32>} : memref<16x768xf32, #tpu.memory_space<vmem>>, vector<16xf32>,
      %get3A_314 = arith.index_cast %scan3A_132 : i32 to index
      %get3A_315 = arith.constant 208 : index
      %get3A_316 = tpu.vector_load %arg16[%get3A_314, %get3A_315] {strides = array<i32>} : memref<16x768xf32, #tpu.memory_space<vmem>>, vector<16xf32>,
      %get3A_317 = arith.index_cast %scan3A_132 : i32 to index
      %get3A_318 = arith.constant 208 : index
      %get3A_319 = tpu.vector_load %arg14[%get3A_317, %get3A_318] {strides = array<i32>} : memref<16x768xf32, #tpu.memory_space<vmem>>, vector<16xf32>,
      %add3A_320 = arith.addf %get3A_316, %get3A_319 : vector<16xf32>
      %get3A_321 = arith.index_cast %scan3A_132 : i32 to index
      %get3A_322 = arith.constant 208 : index
      %get3A_323 = tpu.vector_load %arg15[%get3A_321, %get3A_322] {strides = array<i32>} : memref<16x768xf32, #tpu.memory_space<vmem>>, vector<16xf32>,
      %add3A_324 = arith.addf %add3A_320, %get3A_323 : vector<16xf32>
      %swap3A_325 = arith.index_cast %scan3A_132 : i32 to index
      %swap3A_326 = arith.constant 208 : index
      %swap3A_327 = tpu.vector_load %arg16[%swap3A_325, %swap3A_326] {strides = array<i32>} : memref<16x768xf32, #tpu.memory_space<vmem>>, vector<16xf32>,
      tpu.vector_store %arg16[%swap3A_325, %swap3A_326], %add3A_324 {strides = array<i32>} : memref<16x768xf32, #tpu.memory_space<vmem>>, vector<16xf32>,
      %get3A_328 = arith.index_cast %scan3A_132 : i32 to index
      %get3A_329 = arith.constant 224 : index
      %get3A_330 = tpu.vector_load %arg16[%get3A_328, %get3A_329] {strides = array<i32>} : memref<16x768xf32, #tpu.memory_space<vmem>>, vector<16xf32>,
      %get3A_331 = arith.index_cast %scan3A_132 : i32 to index
      %get3A_332 = arith.constant 224 : index
      %get3A_333 = tpu.vector_load %arg14[%get3A_331, %get3A_332] {strides = array<i32>} : memref<16x768xf32, #tpu.memory_space<vmem>>, vector<16xf32>,
      %add3A_334 = arith.addf %get3A_330, %get3A_333 : vector<16xf32>
      %get3A_335 = arith.index_cast %scan3A_132 : i32 to index
      %get3A_336 = arith.constant 224 : index
      %get3A_337 = tpu.vector_load %arg15[%get3A_335, %get3A_336] {strides = array<i32>} : memref<16x768xf32, #tpu.memory_space<vmem>>, vector<16xf32>,
      %add3A_338 = arith.addf %add3A_334, %get3A_337 : vector<16xf32>
      %swap3A_339 = arith.index_cast %scan3A_132 : i32 to index
      %swap3A_340 = arith.constant 224 : index
      %swap3A_341 = tpu.vector_load %arg16[%swap3A_339, %swap3A_340] {strides = array<i32>} : memref<16x768xf32, #tpu.memory_space<vmem>>, vector<16xf32>,
      tpu.vector_store %arg16[%swap3A_339, %swap3A_340], %add3A_338 {strides = array<i32>} : memref<16x768xf32, #tpu.memory_space<vmem>>, vector<16xf32>,
      %get3A_342 = arith.index_cast %scan3A_132 : i32 to index
      %get3A_343 = arith.constant 240 : index
      %get3A_344 = tpu.vector_load %arg16[%get3A_342, %get3A_343] {strides = array<i32>} : memref<16x768xf32, #tpu.memory_space<vmem>>, vector<16xf32>,
      %get3A_345 = arith.index_cast %scan3A_132 : i32 to index
      %get3A_346 = arith.constant 240 : index
      %get3A_347 = tpu.vector_load %arg14[%get3A_345, %get3A_346] {strides = array<i32>} : memref<16x768xf32, #tpu.memory_space<vmem>>, vector<16xf32>,
      %add3A_348 = arith.addf %get3A_344, %get3A_347 : vector<16xf32>
      %get3A_349 = arith.index_cast %scan3A_132 : i32 to index
      %get3A_350 = arith.constant 240 : index
      %get3A_351 = tpu.vector_load %arg15[%get3A_349, %get3A_350] {strides = array<i32>} : memref<16x768xf32, #tpu.memory_space<vmem>>, vector<16xf32>,
      %add3A_352 = arith.addf %add3A_348, %get3A_351 : vector<16xf32>
      %swap3A_353 = arith.index_cast %scan3A_132 : i32 to index
      %swap3A_354 = arith.constant 240 : index
      %swap3A_355 = tpu.vector_load %arg16[%swap3A_353, %swap3A_354] {strides = array<i32>} : memref<16x768xf32, #tpu.memory_space<vmem>>, vector<16xf32>,
      tpu.vector_store %arg16[%swap3A_353, %swap3A_354], %add3A_352 {strides = array<i32>} : memref<16x768xf32, #tpu.memory_space<vmem>>, vector<16xf32>,
      %get3A_356 = arith.index_cast %scan3A_132 : i32 to index
      %get3A_357 = arith.constant 256 : index
      %get3A_358 = tpu.vector_load %arg16[%get3A_356, %get3A_357] {strides = array<i32>} : memref<16x768xf32, #tpu.memory_space<vmem>>, vector<16xf32>,
      %get3A_359 = arith.index_cast %scan3A_132 : i32 to index
      %get3A_360 = arith.constant 256 : index
      %get3A_361 = tpu.vector_load %arg14[%get3A_359, %get3A_360] {strides = array<i32>} : memref<16x768xf32, #tpu.memory_space<vmem>>, vector<16xf32>,
      %add3A_362 = arith.addf %get3A_358, %get3A_361 : vector<16xf32>
      %get3A_363 = arith.index_cast %scan3A_132 : i32 to index
      %get3A_364 = arith.constant 256 : index
      %get3A_365 = tpu.vector_load %arg15[%get3A_363, %get3A_364] {strides = array<i32>} : memref<16x768xf32, #tpu.memory_space<vmem>>, vector<16xf32>,
      %add3A_366 = arith.addf %add3A_362, %get3A_365 : vector<16xf32>
      %swap3A_367 = arith.index_cast %scan3A_132 : i32 to index
      %swap3A_368 = arith.constant 256 : index
      %swap3A_369 = tpu.vector_load %arg16[%swap3A_367, %swap3A_368] {strides = array<i32>} : memref<16x768xf32, #tpu.memory_space<vmem>>, vector<16xf32>,
      tpu.vector_store %arg16[%swap3A_367, %swap3A_368], %add3A_366 {strides = array<i32>} : memref<16x768xf32, #tpu.memory_space<vmem>>, vector<16xf32>,
      %get3A_370 = arith.index_cast %scan3A_132 : i32 to index
      %get3A_371 = arith.constant 272 : index
      %get3A_372 = tpu.vector_load %arg16[%get3A_370, %get3A_371] {strides = array<i32>} : memref<16x768xf32, #tpu.memory_space<vmem>>, vector<16xf32>,
      %get3A_373 = arith.index_cast %scan3A_132 : i32 to index
      %get3A_374 = arith.constant 272 : index
      %get3A_375 = tpu.vector_load %arg14[%get3A_373, %get3A_374] {strides = array<i32>} : memref<16x768xf32, #tpu.memory_space<vmem>>, vector<16xf32>,
      %add3A_376 = arith.addf %get3A_372, %get3A_375 : vector<16xf32>
      %get3A_377 = arith.index_cast %scan3A_132 : i32 to index
      %get3A_378 = arith.constant 272 : index
      %get3A_379 = tpu.vector_load %arg15[%get3A_377, %get3A_378] {strides = array<i32>} : memref<16x768xf32, #tpu.memory_space<vmem>>, vector<16xf32>,
      %add3A_380 = arith.addf %add3A_376, %get3A_379 : vector<16xf32>
      %swap3A_381 = arith.index_cast %scan3A_132 : i32 to index
      %swap3A_382 = arith.constant 272 : index
      %swap3A_383 = tpu.vector_load %arg16[%swap3A_381, %swap3A_382] {strides = array<i32>} : memref<16x768xf32, #tpu.memory_space<vmem>>, vector<16xf32>,
      tpu.vector_store %arg16[%swap3A_381, %swap3A_382], %add3A_380 {strides = array<i32>} : memref<16x768xf32, #tpu.memory_space<vmem>>, vector<16xf32>,
      %get3A_384 = arith.index_cast %scan3A_132 : i32 to index
      %get3A_385 = arith.constant 288 : index
      %get3A_386 = tpu.vector_load %arg16[%get3A_384, %get3A_385] {strides = array<i32>} : memref<16x768xf32, #tpu.memory_space<vmem>>, vector<16xf32>,
      %get3A_387 = arith.index_cast %scan3A_132 : i32 to index
      %get3A_388 = arith.constant 288 : index
      %get3A_389 = tpu.vector_load %arg14[%get3A_387, %get3A_388] {strides = array<i32>} : memref<16x768xf32, #tpu.memory_space<vmem>>, vector<16xf32>,
      %add3A_390 = arith.addf %get3A_386, %get3A_389 : vector<16xf32>
      %get3A_391 = arith.index_cast %scan3A_132 : i32 to index
      %get3A_392 = arith.constant 288 : index
      %get3A_393 = tpu.vector_load %arg15[%get3A_391, %get3A_392] {strides = array<i32>} : memref<16x768xf32, #tpu.memory_space<vmem>>, vector<16xf32>,
      %add3A_394 = arith.addf %add3A_390, %get3A_393 : vector<16xf32>
      %swap3A_395 = arith.index_cast %scan3A_132 : i32 to index
      %swap3A_396 = arith.constant 288 : index
      %swap3A_397 = tpu.vector_load %arg16[%swap3A_395, %swap3A_396] {strides = array<i32>} : memref<16x768xf32, #tpu.memory_space<vmem>>, vector<16xf32>,
      tpu.vector_store %arg16[%swap3A_395, %swap3A_396], %add3A_394 {strides = array<i32>} : memref<16x768xf32, #tpu.memory_space<vmem>>, vector<16xf32>,
      %get3A_398 = arith.index_cast %scan3A_132 : i32 to index
      %get3A_399 = arith.constant 304 : index
      %get3A_400 = tpu.vector_load %arg16[%get3A_398, %get3A_399] {strides = array<i32>} : memref<16x768xf32, #tpu.memory_space<vmem>>, vector<16xf32>,
      %get3A_401 = arith.index_cast %scan3A_132 : i32 to index
      %get3A_402 = arith.constant 304 : index
      %get3A_403 = tpu.vector_load %arg14[%get3A_401, %get3A_402] {strides = array<i32>} : memref<16x768xf32, #tpu.memory_space<vmem>>, vector<16xf32>,
      %add3A_404 = arith.addf %get3A_400, %get3A_403 : vector<16xf32>
      %get3A_405 = arith.index_cast %scan3A_132 : i32 to index
      %get3A_406 = arith.constant 304 : index
      %get3A_407 = tpu.vector_load %arg15[%get3A_405, %get3A_406] {strides = array<i32>} : memref<16x768xf32, #tpu.memory_space<vmem>>, vector<16xf32>,
      %add3A_408 = arith.addf %add3A_404, %get3A_407 : vector<16xf32>
      %swap3A_409 = arith.index_cast %scan3A_132 : i32 to index
      %swap3A_410 = arith.constant 304 : index
      %swap3A_411 = tpu.vector_load %arg16[%swap3A_409, %swap3A_410] {strides = array<i32>} : memref<16x768xf32, #tpu.memory_space<vmem>>, vector<16xf32>,
      tpu.vector_store %arg16[%swap3A_409, %swap3A_410], %add3A_408 {strides = array<i32>} : memref<16x768xf32, #tpu.memory_space<vmem>>, vector<16xf32>,
      %get3A_412 = arith.index_cast %scan3A_132 : i32 to index
      %get3A_413 = arith.constant 320 : index
      %get3A_414 = tpu.vector_load %arg16[%get3A_412, %get3A_413] {strides = array<i32>} : memref<16x768xf32, #tpu.memory_space<vmem>>, vector<16xf32>,
      %get3A_415 = arith.index_cast %scan3A_132 : i32 to index
      %get3A_416 = arith.constant 320 : index
      %get3A_417 = tpu.vector_load %arg14[%get3A_415, %get3A_416] {strides = array<i32>} : memref<16x768xf32, #tpu.memory_space<vmem>>, vector<16xf32>,
      %add3A_418 = arith.addf %get3A_414, %get3A_417 : vector<16xf32>
      %get3A_419 = arith.index_cast %scan3A_132 : i32 to index
      %get3A_420 = arith.constant 320 : index
      %get3A_421 = tpu.vector_load %arg15[%get3A_419, %get3A_420] {strides = array<i32>} : memref<16x768xf32, #tpu.memory_space<vmem>>, vector<16xf32>,
      %add3A_422 = arith.addf %add3A_418, %get3A_421 : vector<16xf32>
      %swap3A_423 = arith.index_cast %scan3A_132 : i32 to index
      %swap3A_424 = arith.constant 320 : index
      %swap3A_425 = tpu.vector_load %arg16[%swap3A_423, %swap3A_424] {strides = array<i32>} : memref<16x768xf32, #tpu.memory_space<vmem>>, vector<16xf32>,
      tpu.vector_store %arg16[%swap3A_423, %swap3A_424], %add3A_422 {strides = array<i32>} : memref<16x768xf32, #tpu.memory_space<vmem>>, vector<16xf32>,
      %get3A_426 = arith.index_cast %scan3A_132 : i32 to index
      %get3A_427 = arith.constant 336 : index
      %get3A_428 = tpu.vector_load %arg16[%get3A_426, %get3A_427] {strides = array<i32>} : memref<16x768xf32, #tpu.memory_space<vmem>>, vector<16xf32>,
      %get3A_429 = arith.index_cast %scan3A_132 : i32 to index
      %get3A_430 = arith.constant 336 : index
      %get3A_431 = tpu.vector_load %arg14[%get3A_429, %get3A_430] {strides = array<i32>} : memref<16x768xf32, #tpu.memory_space<vmem>>, vector<16xf32>,
      %add3A_432 = arith.addf %get3A_428, %get3A_431 : vector<16xf32>
      %get3A_433 = arith.index_cast %scan3A_132 : i32 to index
      %get3A_434 = arith.constant 336 : index
      %get3A_435 = tpu.vector_load %arg15[%get3A_433, %get3A_434] {strides = array<i32>} : memref<16x768xf32, #tpu.memory_space<vmem>>, vector<16xf32>,
      %add3A_436 = arith.addf %add3A_432, %get3A_435 : vector<16xf32>
      %swap3A_437 = arith.index_cast %scan3A_132 : i32 to index
      %swap3A_438 = arith.constant 336 : index
      %swap3A_439 = tpu.vector_load %arg16[%swap3A_437, %swap3A_438] {strides = array<i32>} : memref<16x768xf32, #tpu.memory_space<vmem>>, vector<16xf32>,
      tpu.vector_store %arg16[%swap3A_437, %swap3A_438], %add3A_436 {strides = array<i32>} : memref<16x768xf32, #tpu.memory_space<vmem>>, vector<16xf32>,
      %get3A_440 = arith.index_cast %scan3A_132 : i32 to index
      %get3A_441 = arith.constant 352 : index
      %get3A_442 = tpu.vector_load %arg16[%get3A_440, %get3A_441] {strides = array<i32>} : memref<16x768xf32, #tpu.memory_space<vmem>>, vector<16xf32>,
      %get3A_443 = arith.index_cast %scan3A_132 : i32 to index
      %get3A_444 = arith.constant 352 : index
      %get3A_445 = tpu.vector_load %arg14[%get3A_443, %get3A_444] {strides = array<i32>} : memref<16x768xf32, #tpu.memory_space<vmem>>, vector<16xf32>,
      %add3A_446 = arith.addf %get3A_442, %get3A_445 : vector<16xf32>
      %get3A_447 = arith.index_cast %scan3A_132 : i32 to index
      %get3A_448 = arith.constant 352 : index
      %get3A_449 = tpu.vector_load %arg15[%get3A_447, %get3A_448] {strides = array<i32>} : memref<16x768xf32, #tpu.memory_space<vmem>>, vector<16xf32>,
      %add3A_450 = arith.addf %add3A_446, %get3A_449 : vector<16xf32>
      %swap3A_451 = arith.index_cast %scan3A_132 : i32 to index
      %swap3A_452 = arith.constant 352 : index
      %swap3A_453 = tpu.vector_load %arg16[%swap3A_451, %swap3A_452] {strides = array<i32>} : memref<16x768xf32, #tpu.memory_space<vmem>>, vector<16xf32>,
      tpu.vector_store %arg16[%swap3A_451, %swap3A_452], %add3A_450 {strides = array<i32>} : memref<16x768xf32, #tpu.memory_space<vmem>>, vector<16xf32>,
      %get3A_454 = arith.index_cast %scan3A_132 : i32 to index
      %get3A_455 = arith.constant 368 : index
      %get3A_456 = tpu.vector_load %arg16[%get3A_454, %get3A_455] {strides = array<i32>} : memref<16x768xf32, #tpu.memory_space<vmem>>, vector<16xf32>,
      %get3A_457 = arith.index_cast %scan3A_132 : i32 to index
      %get3A_458 = arith.constant 368 : index
      %get3A_459 = tpu.vector_load %arg14[%get3A_457, %get3A_458] {strides = array<i32>} : memref<16x768xf32, #tpu.memory_space<vmem>>, vector<16xf32>,
      %add3A_460 = arith.addf %get3A_456, %get3A_459 : vector<16xf32>
      %get3A_461 = arith.index_cast %scan3A_132 : i32 to index
      %get3A_462 = arith.constant 368 : index
      %get3A_463 = tpu.vector_load %arg15[%get3A_461, %get3A_462] {strides = array<i32>} : memref<16x768xf32, #tpu.memory_space<vmem>>, vector<16xf32>,
      %add3A_464 = arith.addf %add3A_460, %get3A_463 : vector<16xf32>
      %swap3A_465 = arith.index_cast %scan3A_132 : i32 to index
      %swap3A_466 = arith.constant 368 : index
      %swap3A_467 = tpu.vector_load %arg16[%swap3A_465, %swap3A_466] {strides = array<i32>} : memref<16x768xf32, #tpu.memory_space<vmem>>, vector<16xf32>,
      tpu.vector_store %arg16[%swap3A_465, %swap3A_466], %add3A_464 {strides = array<i32>} : memref<16x768xf32, #tpu.memory_space<vmem>>, vector<16xf32>,
      %get3A_468 = arith.index_cast %scan3A_132 : i32 to index
      %get3A_469 = arith.constant 384 : index
      %get3A_470 = tpu.vector_load %arg16[%get3A_468, %get3A_469] {strides = array<i32>} : memref<16x768xf32, #tpu.memory_space<vmem>>, vector<16xf32>,
      %get3A_471 = arith.index_cast %scan3A_132 : i32 to index
      %get3A_472 = arith.constant 384 : index
      %get3A_473 = tpu.vector_load %arg14[%get3A_471, %get3A_472] {strides = array<i32>} : memref<16x768xf32, #tpu.memory_space<vmem>>, vector<16xf32>,
      %add3A_474 = arith.addf %get3A_470, %get3A_473 : vector<16xf32>
      %get3A_475 = arith.index_cast %scan3A_132 : i32 to index
      %get3A_476 = arith.constant 384 : index
      %get3A_477 = tpu.vector_load %arg15[%get3A_475, %get3A_476] {strides = array<i32>} : memref<16x768xf32, #tpu.memory_space<vmem>>, vector<16xf32>,
      %add3A_478 = arith.addf %add3A_474, %get3A_477 : vector<16xf32>
      %swap3A_479 = arith.index_cast %scan3A_132 : i32 to index
      %swap3A_480 = arith.constant 384 : index
      %swap3A_481 = tpu.vector_load %arg16[%swap3A_479, %swap3A_480] {strides = array<i32>} : memref<16x768xf32, #tpu.memory_space<vmem>>, vector<16xf32>,
      tpu.vector_store %arg16[%swap3A_479, %swap3A_480], %add3A_478 {strides = array<i32>} : memref<16x768xf32, #tpu.memory_space<vmem>>, vector<16xf32>,
      %get3A_482 = arith.index_cast %scan3A_132 : i32 to index
      %get3A_483 = arith.constant 400 : index
      %get3A_484 = tpu.vector_load %arg16[%get3A_482, %get3A_483] {strides = array<i32>} : memref<16x768xf32, #tpu.memory_space<vmem>>, vector<16xf32>,
      %get3A_485 = arith.index_cast %scan3A_132 : i32 to index
      %get3A_486 = arith.constant 400 : index
      %get3A_487 = tpu.vector_load %arg14[%get3A_485, %get3A_486] {strides = array<i32>} : memref<16x768xf32, #tpu.memory_space<vmem>>, vector<16xf32>,
      %add3A_488 = arith.addf %get3A_484, %get3A_487 : vector<16xf32>
      %get3A_489 = arith.index_cast %scan3A_132 : i32 to index
      %get3A_490 = arith.constant 400 : index
      %get3A_491 = tpu.vector_load %arg15[%get3A_489, %get3A_490] {strides = array<i32>} : memref<16x768xf32, #tpu.memory_space<vmem>>, vector<16xf32>,
      %add3A_492 = arith.addf %add3A_488, %get3A_491 : vector<16xf32>
      %swap3A_493 = arith.index_cast %scan3A_132 : i32 to index
      %swap3A_494 = arith.constant 400 : index
      %swap3A_495 = tpu.vector_load %arg16[%swap3A_493, %swap3A_494] {strides = array<i32>} : memref<16x768xf32, #tpu.memory_space<vmem>>, vector<16xf32>,
      tpu.vector_store %arg16[%swap3A_493, %swap3A_494], %add3A_492 {strides = array<i32>} : memref<16x768xf32, #tpu.memory_space<vmem>>, vector<16xf32>,
      %get3A_496 = arith.index_cast %scan3A_132 : i32 to index
      %get3A_497 = arith.constant 416 : index
      %get3A_498 = tpu.vector_load %arg16[%get3A_496, %get3A_497] {strides = array<i32>} : memref<16x768xf32, #tpu.memory_space<vmem>>, vector<16xf32>,
      %get3A_499 = arith.index_cast %scan3A_132 : i32 to index
      %get3A_500 = arith.constant 416 : index
      %get3A_501 = tpu.vector_load %arg14[%get3A_499, %get3A_500] {strides = array<i32>} : memref<16x768xf32, #tpu.memory_space<vmem>>, vector<16xf32>,
      %add3A_502 = arith.addf %get3A_498, %get3A_501 : vector<16xf32>
      %get3A_503 = arith.index_cast %scan3A_132 : i32 to index
      %get3A_504 = arith.constant 416 : index
      %get3A_505 = tpu.vector_load %arg15[%get3A_503, %get3A_504] {strides = array<i32>} : memref<16x768xf32, #tpu.memory_space<vmem>>, vector<16xf32>,
      %add3A_506 = arith.addf %add3A_502, %get3A_505 : vector<16xf32>
      %swap3A_507 = arith.index_cast %scan3A_132 : i32 to index
      %swap3A_508 = arith.constant 416 : index
      %swap3A_509 = tpu.vector_load %arg16[%swap3A_507, %swap3A_508] {strides = array<i32>} : memref<16x768xf32, #tpu.memory_space<vmem>>, vector<16xf32>,
      tpu.vector_store %arg16[%swap3A_507, %swap3A_508], %add3A_506 {strides = array<i32>} : memref<16x768xf32, #tpu.memory_space<vmem>>, vector<16xf32>,
      %get3A_510 = arith.index_cast %scan3A_132 : i32 to index
      %get3A_511 = arith.constant 432 : index
      %get3A_512 = tpu.vector_load %arg16[%get3A_510, %get3A_511] {strides = array<i32>} : memref<16x768xf32, #tpu.memory_space<vmem>>, vector<16xf32>,
      %get3A_513 = arith.index_cast %scan3A_132 : i32 to index
      %get3A_514 = arith.constant 432 : index
      %get3A_515 = tpu.vector_load %arg14[%get3A_513, %get3A_514] {strides = array<i32>} : memref<16x768xf32, #tpu.memory_space<vmem>>, vector<16xf32>,
      %add3A_516 = arith.addf %get3A_512, %get3A_515 : vector<16xf32>
      %get3A_517 = arith.index_cast %scan3A_132 : i32 to index
      %get3A_518 = arith.constant 432 : index
      %get3A_519 = tpu.vector_load %arg15[%get3A_517, %get3A_518] {strides = array<i32>} : memref<16x768xf32, #tpu.memory_space<vmem>>, vector<16xf32>,
      %add3A_520 = arith.addf %add3A_516, %get3A_519 : vector<16xf32>
      %swap3A_521 = arith.index_cast %scan3A_132 : i32 to index
      %swap3A_522 = arith.constant 432 : index
      %swap3A_523 = tpu.vector_load %arg16[%swap3A_521, %swap3A_522] {strides = array<i32>} : memref<16x768xf32, #tpu.memory_space<vmem>>, vector<16xf32>,
      tpu.vector_store %arg16[%swap3A_521, %swap3A_522], %add3A_520 {strides = array<i32>} : memref<16x768xf32, #tpu.memory_space<vmem>>, vector<16xf32>,
      %get3A_524 = arith.index_cast %scan3A_132 : i32 to index
      %get3A_525 = arith.constant 448 : index
      %get3A_526 = tpu.vector_load %arg16[%get3A_524, %get3A_525] {strides = array<i32>} : memref<16x768xf32, #tpu.memory_space<vmem>>, vector<16xf32>,
      %get3A_527 = arith.index_cast %scan3A_132 : i32 to index
      %get3A_528 = arith.constant 448 : index
      %get3A_529 = tpu.vector_load %arg14[%get3A_527, %get3A_528] {strides = array<i32>} : memref<16x768xf32, #tpu.memory_space<vmem>>, vector<16xf32>,
      %add3A_530 = arith.addf %get3A_526, %get3A_529 : vector<16xf32>
      %get3A_531 = arith.index_cast %scan3A_132 : i32 to index
      %get3A_532 = arith.constant 448 : index
      %get3A_533 = tpu.vector_load %arg15[%get3A_531, %get3A_532] {strides = array<i32>} : memref<16x768xf32, #tpu.memory_space<vmem>>, vector<16xf32>,
      %add3A_534 = arith.addf %add3A_530, %get3A_533 : vector<16xf32>
      %swap3A_535 = arith.index_cast %scan3A_132 : i32 to index
      %swap3A_536 = arith.constant 448 : index
      %swap3A_537 = tpu.vector_load %arg16[%swap3A_535, %swap3A_536] {strides = array<i32>} : memref<16x768xf32, #tpu.memory_space<vmem>>, vector<16xf32>,
      tpu.vector_store %arg16[%swap3A_535, %swap3A_536], %add3A_534 {strides = array<i32>} : memref<16x768xf32, #tpu.memory_space<vmem>>, vector<16xf32>,
      %get3A_538 = arith.index_cast %scan3A_132 : i32 to index
      %get3A_539 = arith.constant 464 : index
      %get3A_540 = tpu.vector_load %arg16[%get3A_538, %get3A_539] {strides = array<i32>} : memref<16x768xf32, #tpu.memory_space<vmem>>, vector<16xf32>,
      %get3A_541 = arith.index_cast %scan3A_132 : i32 to index
      %get3A_542 = arith.constant 464 : index
      %get3A_543 = tpu.vector_load %arg14[%get3A_541, %get3A_542] {strides = array<i32>} : memref<16x768xf32, #tpu.memory_space<vmem>>, vector<16xf32>,
      %add3A_544 = arith.addf %get3A_540, %get3A_543 : vector<16xf32>
      %get3A_545 = arith.index_cast %scan3A_132 : i32 to index
      %get3A_546 = arith.constant 464 : index
      %get3A_547 = tpu.vector_load %arg15[%get3A_545, %get3A_546] {strides = array<i32>} : memref<16x768xf32, #tpu.memory_space<vmem>>, vector<16xf32>,
      %add3A_548 = arith.addf %add3A_544, %get3A_547 : vector<16xf32>
      %swap3A_549 = arith.index_cast %scan3A_132 : i32 to index
      %swap3A_550 = arith.constant 464 : index
      %swap3A_551 = tpu.vector_load %arg16[%swap3A_549, %swap3A_550] {strides = array<i32>} : memref<16x768xf32, #tpu.memory_space<vmem>>, vector<16xf32>,
      tpu.vector_store %arg16[%swap3A_549, %swap3A_550], %add3A_548 {strides = array<i32>} : memref<16x768xf32, #tpu.memory_space<vmem>>, vector<16xf32>,
      %get3A_552 = arith.index_cast %scan3A_132 : i32 to index
      %get3A_553 = arith.constant 480 : index
      %get3A_554 = tpu.vector_load %arg16[%get3A_552, %get3A_553] {strides = array<i32>} : memref<16x768xf32, #tpu.memory_space<vmem>>, vector<16xf32>,
      %get3A_555 = arith.index_cast %scan3A_132 : i32 to index
      %get3A_556 = arith.constant 480 : index
      %get3A_557 = tpu.vector_load %arg14[%get3A_555, %get3A_556] {strides = array<i32>} : memref<16x768xf32, #tpu.memory_space<vmem>>, vector<16xf32>,
      %add3A_558 = arith.addf %get3A_554, %get3A_557 : vector<16xf32>
      %get3A_559 = arith.index_cast %scan3A_132 : i32 to index
      %get3A_560 = arith.constant 480 : index
      %get3A_561 = tpu.vector_load %arg15[%get3A_559, %get3A_560] {strides = array<i32>} : memref<16x768xf32, #tpu.memory_space<vmem>>, vector<16xf32>,
      %add3A_562 = arith.addf %add3A_558, %get3A_561 : vector<16xf32>
      %swap3A_563 = arith.index_cast %scan3A_132 : i32 to index
      %swap3A_564 = arith.constant 480 : index
      %swap3A_565 = tpu.vector_load %arg16[%swap3A_563, %swap3A_564] {strides = array<i32>} : memref<16x768xf32, #tpu.memory_space<vmem>>, vector<16xf32>,
      tpu.vector_store %arg16[%swap3A_563, %swap3A_564], %add3A_562 {strides = array<i32>} : memref<16x768xf32, #tpu.memory_space<vmem>>, vector<16xf32>,
      %get3A_566 = arith.index_cast %scan3A_132 : i32 to index
      %get3A_567 = arith.constant 496 : index
      %get3A_568 = tpu.vector_load %arg16[%get3A_566, %get3A_567] {strides = array<i32>} : memref<16x768xf32, #tpu.memory_space<vmem>>, vector<16xf32>,
      %get3A_569 = arith.index_cast %scan3A_132 : i32 to index
      %get3A_570 = arith.constant 496 : index
      %get3A_571 = tpu.vector_load %arg14[%get3A_569, %get3A_570] {strides = array<i32>} : memref<16x768xf32, #tpu.memory_space<vmem>>, vector<16xf32>,
      %add3A_572 = arith.addf %get3A_568, %get3A_571 : vector<16xf32>
      %get3A_573 = arith.index_cast %scan3A_132 : i32 to index
      %get3A_574 = arith.constant 496 : index
      %get3A_575 = tpu.vector_load %arg15[%get3A_573, %get3A_574] {strides = array<i32>} : memref<16x768xf32, #tpu.memory_space<vmem>>, vector<16xf32>,
      %add3A_576 = arith.addf %add3A_572, %get3A_575 : vector<16xf32>
      %swap3A_577 = arith.index_cast %scan3A_132 : i32 to index
      %swap3A_578 = arith.constant 496 : index
      %swap3A_579 = tpu.vector_load %arg16[%swap3A_577, %swap3A_578] {strides = array<i32>} : memref<16x768xf32, #tpu.memory_space<vmem>>, vector<16xf32>,
      tpu.vector_store %arg16[%swap3A_577, %swap3A_578], %add3A_576 {strides = array<i32>} : memref<16x768xf32, #tpu.memory_space<vmem>>, vector<16xf32>,
      %get3A_580 = arith.index_cast %scan3A_132 : i32 to index
      %get3A_581 = arith.constant 512 : index
      %get3A_582 = tpu.vector_load %arg16[%get3A_580, %get3A_581] {strides = array<i32>} : memref<16x768xf32, #tpu.memory_space<vmem>>, vector<16xf32>,
      %get3A_583 = arith.index_cast %scan3A_132 : i32 to index
      %get3A_584 = arith.constant 512 : index
      %get3A_585 = tpu.vector_load %arg14[%get3A_583, %get3A_584] {strides = array<i32>} : memref<16x768xf32, #tpu.memory_space<vmem>>, vector<16xf32>,
      %add3A_586 = arith.addf %get3A_582, %get3A_585 : vector<16xf32>
      %get3A_587 = arith.index_cast %scan3A_132 : i32 to index
      %get3A_588 = arith.constant 512 : index
      %get3A_589 = tpu.vector_load %arg15[%get3A_587, %get3A_588] {strides = array<i32>} : memref<16x768xf32, #tpu.memory_space<vmem>>, vector<16xf32>,
      %add3A_590 = arith.addf %add3A_586, %get3A_589 : vector<16xf32>
      %swap3A_591 = arith.index_cast %scan3A_132 : i32 to index
      %swap3A_592 = arith.constant 512 : index
      %swap3A_593 = tpu.vector_load %arg16[%swap3A_591, %swap3A_592] {strides = array<i32>} : memref<16x768xf32, #tpu.memory_space<vmem>>, vector<16xf32>,
      tpu.vector_store %arg16[%swap3A_591, %swap3A_592], %add3A_590 {strides = array<i32>} : memref<16x768xf32, #tpu.memory_space<vmem>>, vector<16xf32>,
      %get3A_594 = arith.index_cast %scan3A_132 : i32 to index
      %get3A_595 = arith.constant 528 : index
      %get3A_596 = tpu.vector_load %arg16[%get3A_594, %get3A_595] {strides = array<i32>} : memref<16x768xf32, #tpu.memory_space<vmem>>, vector<16xf32>,
      %get3A_597 = arith.index_cast %scan3A_132 : i32 to index
      %get3A_598 = arith.constant 528 : index
      %get3A_599 = tpu.vector_load %arg14[%get3A_597, %get3A_598] {strides = array<i32>} : memref<16x768xf32, #tpu.memory_space<vmem>>, vector<16xf32>,
      %add3A_600 = arith.addf %get3A_596, %get3A_599 : vector<16xf32>
      %get3A_601 = arith.index_cast %scan3A_132 : i32 to index
      %get3A_602 = arith.constant 528 : index
      %get3A_603 = tpu.vector_load %arg15[%get3A_601, %get3A_602] {strides = array<i32>} : memref<16x768xf32, #tpu.memory_space<vmem>>, vector<16xf32>,
      %add3A_604 = arith.addf %add3A_600, %get3A_603 : vector<16xf32>
      %swap3A_605 = arith.index_cast %scan3A_132 : i32 to index
      %swap3A_606 = arith.constant 528 : index
      %swap3A_607 = tpu.vector_load %arg16[%swap3A_605, %swap3A_606] {strides = array<i32>} : memref<16x768xf32, #tpu.memory_space<vmem>>, vector<16xf32>,
      tpu.vector_store %arg16[%swap3A_605, %swap3A_606], %add3A_604 {strides = array<i32>} : memref<16x768xf32, #tpu.memory_space<vmem>>, vector<16xf32>,
      %get3A_608 = arith.index_cast %scan3A_132 : i32 to index
      %get3A_609 = arith.constant 544 : index
      %get3A_610 = tpu.vector_load %arg16[%get3A_608, %get3A_609] {strides = array<i32>} : memref<16x768xf32, #tpu.memory_space<vmem>>, vector<16xf32>,
      %get3A_611 = arith.index_cast %scan3A_132 : i32 to index
      %get3A_612 = arith.constant 544 : index
      %get3A_613 = tpu.vector_load %arg14[%get3A_611, %get3A_612] {strides = array<i32>} : memref<16x768xf32, #tpu.memory_space<vmem>>, vector<16xf32>,
      %add3A_614 = arith.addf %get3A_610, %get3A_613 : vector<16xf32>
      %get3A_615 = arith.index_cast %scan3A_132 : i32 to index
      %get3A_616 = arith.constant 544 : index
      %get3A_617 = tpu.vector_load %arg15[%get3A_615, %get3A_616] {strides = array<i32>} : memref<16x768xf32, #tpu.memory_space<vmem>>, vector<16xf32>,
      %add3A_618 = arith.addf %add3A_614, %get3A_617 : vector<16xf32>
      %swap3A_619 = arith.index_cast %scan3A_132 : i32 to index
      %swap3A_620 = arith.constant 544 : index
      %swap3A_621 = tpu.vector_load %arg16[%swap3A_619, %swap3A_620] {strides = array<i32>} : memref<16x768xf32, #tpu.memory_space<vmem>>, vector<16xf32>,
      tpu.vector_store %arg16[%swap3A_619, %swap3A_620], %add3A_618 {strides = array<i32>} : memref<16x768xf32, #tpu.memory_space<vmem>>, vector<16xf32>,
      %get3A_622 = arith.index_cast %scan3A_132 : i32 to index
      %get3A_623 = arith.constant 560 : index
      %get3A_624 = tpu.vector_load %arg16[%get3A_622, %get3A_623] {strides = array<i32>} : memref<16x768xf32, #tpu.memory_space<vmem>>, vector<16xf32>,
      %get3A_625 = arith.index_cast %scan3A_132 : i32 to index
      %get3A_626 = arith.constant 560 : index
      %get3A_627 = tpu.vector_load %arg14[%get3A_625, %get3A_626] {strides = array<i32>} : memref<16x768xf32, #tpu.memory_space<vmem>>, vector<16xf32>,
      %add3A_628 = arith.addf %get3A_624, %get3A_627 : vector<16xf32>
      %get3A_629 = arith.index_cast %scan3A_132 : i32 to index
      %get3A_630 = arith.constant 560 : index
      %get3A_631 = tpu.vector_load %arg15[%get3A_629, %get3A_630] {strides = array<i32>} : memref<16x768xf32, #tpu.memory_space<vmem>>, vector<16xf32>,
      %add3A_632 = arith.addf %add3A_628, %get3A_631 : vector<16xf32>
      %swap3A_633 = arith.index_cast %scan3A_132 : i32 to index
      %swap3A_634 = arith.constant 560 : index
      %swap3A_635 = tpu.vector_load %arg16[%swap3A_633, %swap3A_634] {strides = array<i32>} : memref<16x768xf32, #tpu.memory_space<vmem>>, vector<16xf32>,
      tpu.vector_store %arg16[%swap3A_633, %swap3A_634], %add3A_632 {strides = array<i32>} : memref<16x768xf32, #tpu.memory_space<vmem>>, vector<16xf32>,
      %get3A_636 = arith.index_cast %scan3A_132 : i32 to index
      %get3A_637 = arith.constant 576 : index
      %get3A_638 = tpu.vector_load %arg16[%get3A_636, %get3A_637] {strides = array<i32>} : memref<16x768xf32, #tpu.memory_space<vmem>>, vector<16xf32>,
      %get3A_639 = arith.index_cast %scan3A_132 : i32 to index
      %get3A_640 = arith.constant 576 : index
      %get3A_641 = tpu.vector_load %arg14[%get3A_639, %get3A_640] {strides = array<i32>} : memref<16x768xf32, #tpu.memory_space<vmem>>, vector<16xf32>,
      %add3A_642 = arith.addf %get3A_638, %get3A_641 : vector<16xf32>
      %get3A_643 = arith.index_cast %scan3A_132 : i32 to index
      %get3A_644 = arith.constant 576 : index
      %get3A_645 = tpu.vector_load %arg15[%get3A_643, %get3A_644] {strides = array<i32>} : memref<16x768xf32, #tpu.memory_space<vmem>>, vector<16xf32>,
      %add3A_646 = arith.addf %add3A_642, %get3A_645 : vector<16xf32>
      %swap3A_647 = arith.index_cast %scan3A_132 : i32 to index
      %swap3A_648 = arith.constant 576 : index
      %swap3A_649 = tpu.vector_load %arg16[%swap3A_647, %swap3A_648] {strides = array<i32>} : memref<16x768xf32, #tpu.memory_space<vmem>>, vector<16xf32>,
      tpu.vector_store %arg16[%swap3A_647, %swap3A_648], %add3A_646 {strides = array<i32>} : memref<16x768xf32, #tpu.memory_space<vmem>>, vector<16xf32>,
      %get3A_650 = arith.index_cast %scan3A_132 : i32 to index
      %get3A_651 = arith.constant 592 : index
      %get3A_652 = tpu.vector_load %arg16[%get3A_650, %get3A_651] {strides = array<i32>} : memref<16x768xf32, #tpu.memory_space<vmem>>, vector<16xf32>,
      %get3A_653 = arith.index_cast %scan3A_132 : i32 to index
      %get3A_654 = arith.constant 592 : index
      %get3A_655 = tpu.vector_load %arg14[%get3A_653, %get3A_654] {strides = array<i32>} : memref<16x768xf32, #tpu.memory_space<vmem>>, vector<16xf32>,
      %add3A_656 = arith.addf %get3A_652, %get3A_655 : vector<16xf32>
      %get3A_657 = arith.index_cast %scan3A_132 : i32 to index
      %get3A_658 = arith.constant 592 : index
      %get3A_659 = tpu.vector_load %arg15[%get3A_657, %get3A_658] {strides = array<i32>} : memref<16x768xf32, #tpu.memory_space<vmem>>, vector<16xf32>,
      %add3A_660 = arith.addf %add3A_656, %get3A_659 : vector<16xf32>
      %swap3A_661 = arith.index_cast %scan3A_132 : i32 to index
      %swap3A_662 = arith.constant 592 : index
      %swap3A_663 = tpu.vector_load %arg16[%swap3A_661, %swap3A_662] {strides = array<i32>} : memref<16x768xf32, #tpu.memory_space<vmem>>, vector<16xf32>,
      tpu.vector_store %arg16[%swap3A_661, %swap3A_662], %add3A_660 {strides = array<i32>} : memref<16x768xf32, #tpu.memory_space<vmem>>, vector<16xf32>,
      %get3A_664 = arith.index_cast %scan3A_132 : i32 to index
      %get3A_665 = arith.constant 608 : index
      %get3A_666 = tpu.vector_load %arg16[%get3A_664, %get3A_665] {strides = array<i32>} : memref<16x768xf32, #tpu.memory_space<vmem>>, vector<16xf32>,
      %get3A_667 = arith.index_cast %scan3A_132 : i32 to index
      %get3A_668 = arith.constant 608 : index
      %get3A_669 = tpu.vector_load %arg14[%get3A_667, %get3A_668] {strides = array<i32>} : memref<16x768xf32, #tpu.memory_space<vmem>>, vector<16xf32>,
      %add3A_670 = arith.addf %get3A_666, %get3A_669 : vector<16xf32>
      %get3A_671 = arith.index_cast %scan3A_132 : i32 to index
      %get3A_672 = arith.constant 608 : index
      %get3A_673 = tpu.vector_load %arg15[%get3A_671, %get3A_672] {strides = array<i32>} : memref<16x768xf32, #tpu.memory_space<vmem>>, vector<16xf32>,
      %add3A_674 = arith.addf %add3A_670, %get3A_673 : vector<16xf32>
      %swap3A_675 = arith.index_cast %scan3A_132 : i32 to index
      %swap3A_676 = arith.constant 608 : index
      %swap3A_677 = tpu.vector_load %arg16[%swap3A_675, %swap3A_676] {strides = array<i32>} : memref<16x768xf32, #tpu.memory_space<vmem>>, vector<16xf32>,
      tpu.vector_store %arg16[%swap3A_675, %swap3A_676], %add3A_674 {strides = array<i32>} : memref<16x768xf32, #tpu.memory_space<vmem>>, vector<16xf32>,
      %get3A_678 = arith.index_cast %scan3A_132 : i32 to index
      %get3A_679 = arith.constant 624 : index
      %get3A_680 = tpu.vector_load %arg16[%get3A_678, %get3A_679] {strides = array<i32>} : memref<16x768xf32, #tpu.memory_space<vmem>>, vector<16xf32>,
      %get3A_681 = arith.index_cast %scan3A_132 : i32 to index
      %get3A_682 = arith.constant 624 : index
      %get3A_683 = tpu.vector_load %arg14[%get3A_681, %get3A_682] {strides = array<i32>} : memref<16x768xf32, #tpu.memory_space<vmem>>, vector<16xf32>,
      %add3A_684 = arith.addf %get3A_680, %get3A_683 : vector<16xf32>
      %get3A_685 = arith.index_cast %scan3A_132 : i32 to index
      %get3A_686 = arith.constant 624 : index
      %get3A_687 = tpu.vector_load %arg15[%get3A_685, %get3A_686] {strides = array<i32>} : memref<16x768xf32, #tpu.memory_space<vmem>>, vector<16xf32>,
      %add3A_688 = arith.addf %add3A_684, %get3A_687 : vector<16xf32>
      %swap3A_689 = arith.index_cast %scan3A_132 : i32 to index
      %swap3A_690 = arith.constant 624 : index
      %swap3A_691 = tpu.vector_load %arg16[%swap3A_689, %swap3A_690] {strides = array<i32>} : memref<16x768xf32, #tpu.memory_space<vmem>>, vector<16xf32>,
      tpu.vector_store %arg16[%swap3A_689, %swap3A_690], %add3A_688 {strides = array<i32>} : memref<16x768xf32, #tpu.memory_space<vmem>>, vector<16xf32>,
      %get3A_692 = arith.index_cast %scan3A_132 : i32 to index
      %get3A_693 = arith.constant 640 : index
      %get3A_694 = tpu.vector_load %arg16[%get3A_692, %get3A_693] {strides = array<i32>} : memref<16x768xf32, #tpu.memory_space<vmem>>, vector<16xf32>,
      %get3A_695 = arith.index_cast %scan3A_132 : i32 to index
      %get3A_696 = arith.constant 640 : index
      %get3A_697 = tpu.vector_load %arg14[%get3A_695, %get3A_696] {strides = array<i32>} : memref<16x768xf32, #tpu.memory_space<vmem>>, vector<16xf32>,
      %add3A_698 = arith.addf %get3A_694, %get3A_697 : vector<16xf32>
      %get3A_699 = arith.index_cast %scan3A_132 : i32 to index
      %get3A_700 = arith.constant 640 : index
      %get3A_701 = tpu.vector_load %arg15[%get3A_699, %get3A_700] {strides = array<i32>} : memref<16x768xf32, #tpu.memory_space<vmem>>, vector<16xf32>,
      %add3A_702 = arith.addf %add3A_698, %get3A_701 : vector<16xf32>
      %swap3A_703 = arith.index_cast %scan3A_132 : i32 to index
      %swap3A_704 = arith.constant 640 : index
      %swap3A_705 = tpu.vector_load %arg16[%swap3A_703, %swap3A_704] {strides = array<i32>} : memref<16x768xf32, #tpu.memory_space<vmem>>, vector<16xf32>,
      tpu.vector_store %arg16[%swap3A_703, %swap3A_704], %add3A_702 {strides = array<i32>} : memref<16x768xf32, #tpu.memory_space<vmem>>, vector<16xf32>,
      %get3A_706 = arith.index_cast %scan3A_132 : i32 to index
      %get3A_707 = arith.constant 656 : index
      %get3A_708 = tpu.vector_load %arg16[%get3A_706, %get3A_707] {strides = array<i32>} : memref<16x768xf32, #tpu.memory_space<vmem>>, vector<16xf32>,
      %get3A_709 = arith.index_cast %scan3A_132 : i32 to index
      %get3A_710 = arith.constant 656 : index
      %get3A_711 = tpu.vector_load %arg14[%get3A_709, %get3A_710] {strides = array<i32>} : memref<16x768xf32, #tpu.memory_space<vmem>>, vector<16xf32>,
      %add3A_712 = arith.addf %get3A_708, %get3A_711 : vector<16xf32>
      %get3A_713 = arith.index_cast %scan3A_132 : i32 to index
      %get3A_714 = arith.constant 656 : index
      %get3A_715 = tpu.vector_load %arg15[%get3A_713, %get3A_714] {strides = array<i32>} : memref<16x768xf32, #tpu.memory_space<vmem>>, vector<16xf32>,
      %add3A_716 = arith.addf %add3A_712, %get3A_715 : vector<16xf32>
      %swap3A_717 = arith.index_cast %scan3A_132 : i32 to index
      %swap3A_718 = arith.constant 656 : index
      %swap3A_719 = tpu.vector_load %arg16[%swap3A_717, %swap3A_718] {strides = array<i32>} : memref<16x768xf32, #tpu.memory_space<vmem>>, vector<16xf32>,
      tpu.vector_store %arg16[%swap3A_717, %swap3A_718], %add3A_716 {strides = array<i32>} : memref<16x768xf32, #tpu.memory_space<vmem>>, vector<16xf32>,
      %get3A_720 = arith.index_cast %scan3A_132 : i32 to index
      %get3A_721 = arith.constant 672 : index
      %get3A_722 = tpu.vector_load %arg16[%get3A_720, %get3A_721] {strides = array<i32>} : memref<16x768xf32, #tpu.memory_space<vmem>>, vector<16xf32>,
      %get3A_723 = arith.index_cast %scan3A_132 : i32 to index
      %get3A_724 = arith.constant 672 : index
      %get3A_725 = tpu.vector_load %arg14[%get3A_723, %get3A_724] {strides = array<i32>} : memref<16x768xf32, #tpu.memory_space<vmem>>, vector<16xf32>,
      %add3A_726 = arith.addf %get3A_722, %get3A_725 : vector<16xf32>
      %get3A_727 = arith.index_cast %scan3A_132 : i32 to index
      %get3A_728 = arith.constant 672 : index
      %get3A_729 = tpu.vector_load %arg15[%get3A_727, %get3A_728] {strides = array<i32>} : memref<16x768xf32, #tpu.memory_space<vmem>>, vector<16xf32>,
      %add3A_730 = arith.addf %add3A_726, %get3A_729 : vector<16xf32>
      %swap3A_731 = arith.index_cast %scan3A_132 : i32 to index
      %swap3A_732 = arith.constant 672 : index
      %swap3A_733 = tpu.vector_load %arg16[%swap3A_731, %swap3A_732] {strides = array<i32>} : memref<16x768xf32, #tpu.memory_space<vmem>>, vector<16xf32>,
      tpu.vector_store %arg16[%swap3A_731, %swap3A_732], %add3A_730 {strides = array<i32>} : memref<16x768xf32, #tpu.memory_space<vmem>>, vector<16xf32>,
      %get3A_734 = arith.index_cast %scan3A_132 : i32 to index
      %get3A_735 = arith.constant 688 : index
      %get3A_736 = tpu.vector_load %arg16[%get3A_734, %get3A_735] {strides = array<i32>} : memref<16x768xf32, #tpu.memory_space<vmem>>, vector<16xf32>,
      %get3A_737 = arith.index_cast %scan3A_132 : i32 to index
      %get3A_738 = arith.constant 688 : index
      %get3A_739 = tpu.vector_load %arg14[%get3A_737, %get3A_738] {strides = array<i32>} : memref<16x768xf32, #tpu.memory_space<vmem>>, vector<16xf32>,
      %add3A_740 = arith.addf %get3A_736, %get3A_739 : vector<16xf32>
      %get3A_741 = arith.index_cast %scan3A_132 : i32 to index
      %get3A_742 = arith.constant 688 : index
      %get3A_743 = tpu.vector_load %arg15[%get3A_741, %get3A_742] {strides = array<i32>} : memref<16x768xf32, #tpu.memory_space<vmem>>, vector<16xf32>,
      %add3A_744 = arith.addf %add3A_740, %get3A_743 : vector<16xf32>
      %swap3A_745 = arith.index_cast %scan3A_132 : i32 to index
      %swap3A_746 = arith.constant 688 : index
      %swap3A_747 = tpu.vector_load %arg16[%swap3A_745, %swap3A_746] {strides = array<i32>} : memref<16x768xf32, #tpu.memory_space<vmem>>, vector<16xf32>,
      tpu.vector_store %arg16[%swap3A_745, %swap3A_746], %add3A_744 {strides = array<i32>} : memref<16x768xf32, #tpu.memory_space<vmem>>, vector<16xf32>,
      %get3A_748 = arith.index_cast %scan3A_132 : i32 to index
      %get3A_749 = arith.constant 704 : index
      %get3A_750 = tpu.vector_load %arg16[%get3A_748, %get3A_749] {strides = array<i32>} : memref<16x768xf32, #tpu.memory_space<vmem>>, vector<16xf32>,
      %get3A_751 = arith.index_cast %scan3A_132 : i32 to index
      %get3A_752 = arith.constant 704 : index
      %get3A_753 = tpu.vector_load %arg14[%get3A_751, %get3A_752] {strides = array<i32>} : memref<16x768xf32, #tpu.memory_space<vmem>>, vector<16xf32>,
      %add3A_754 = arith.addf %get3A_750, %get3A_753 : vector<16xf32>
      %get3A_755 = arith.index_cast %scan3A_132 : i32 to index
      %get3A_756 = arith.constant 704 : index
      %get3A_757 = tpu.vector_load %arg15[%get3A_755, %get3A_756] {strides = array<i32>} : memref<16x768xf32, #tpu.memory_space<vmem>>, vector<16xf32>,
      %add3A_758 = arith.addf %add3A_754, %get3A_757 : vector<16xf32>
      %swap3A_759 = arith.index_cast %scan3A_132 : i32 to index
      %swap3A_760 = arith.constant 704 : index
      %swap3A_761 = tpu.vector_load %arg16[%swap3A_759, %swap3A_760] {strides = array<i32>} : memref<16x768xf32, #tpu.memory_space<vmem>>, vector<16xf32>,
      tpu.vector_store %arg16[%swap3A_759, %swap3A_760], %add3A_758 {strides = array<i32>} : memref<16x768xf32, #tpu.memory_space<vmem>>, vector<16xf32>,
      %get3A_762 = arith.index_cast %scan3A_132 : i32 to index
      %get3A_763 = arith.constant 720 : index
      %get3A_764 = tpu.vector_load %arg16[%get3A_762, %get3A_763] {strides = array<i32>} : memref<16x768xf32, #tpu.memory_space<vmem>>, vector<16xf32>,
      %get3A_765 = arith.index_cast %scan3A_132 : i32 to index
      %get3A_766 = arith.constant 720 : index
      %get3A_767 = tpu.vector_load %arg14[%get3A_765, %get3A_766] {strides = array<i32>} : memref<16x768xf32, #tpu.memory_space<vmem>>, vector<16xf32>,
      %add3A_768 = arith.addf %get3A_764, %get3A_767 : vector<16xf32>
      %get3A_769 = arith.index_cast %scan3A_132 : i32 to index
      %get3A_770 = arith.constant 720 : index
      %get3A_771 = tpu.vector_load %arg15[%get3A_769, %get3A_770] {strides = array<i32>} : memref<16x768xf32, #tpu.memory_space<vmem>>, vector<16xf32>,
      %add3A_772 = arith.addf %add3A_768, %get3A_771 : vector<16xf32>
      %swap3A_773 = arith.index_cast %scan3A_132 : i32 to index
      %swap3A_774 = arith.constant 720 : index
      %swap3A_775 = tpu.vector_load %arg16[%swap3A_773, %swap3A_774] {strides = array<i32>} : memref<16x768xf32, #tpu.memory_space<vmem>>, vector<16xf32>,
      tpu.vector_store %arg16[%swap3A_773, %swap3A_774], %add3A_772 {strides = array<i32>} : memref<16x768xf32, #tpu.memory_space<vmem>>, vector<16xf32>,
      %get3A_776 = arith.index_cast %scan3A_132 : i32 to index
      %get3A_777 = arith.constant 736 : index
      %get3A_778 = tpu.vector_load %arg16[%get3A_776, %get3A_777] {strides = array<i32>} : memref<16x768xf32, #tpu.memory_space<vmem>>, vector<16xf32>,
      %get3A_779 = arith.index_cast %scan3A_132 : i32 to index
      %get3A_780 = arith.constant 736 : index
      %get3A_781 = tpu.vector_load %arg14[%get3A_779, %get3A_780] {strides = array<i32>} : memref<16x768xf32, #tpu.memory_space<vmem>>, vector<16xf32>,
      %add3A_782 = arith.addf %get3A_778, %get3A_781 : vector<16xf32>
      %get3A_783 = arith.index_cast %scan3A_132 : i32 to index
      %get3A_784 = arith.constant 736 : index
      %get3A_785 = tpu.vector_load %arg15[%get3A_783, %get3A_784] {strides = array<i32>} : memref<16x768xf32, #tpu.memory_space<vmem>>, vector<16xf32>,
      %add3A_786 = arith.addf %add3A_782, %get3A_785 : vector<16xf32>
      %swap3A_787 = arith.index_cast %scan3A_132 : i32 to index
      %swap3A_788 = arith.constant 736 : index
      %swap3A_789 = tpu.vector_load %arg16[%swap3A_787, %swap3A_788] {strides = array<i32>} : memref<16x768xf32, #tpu.memory_space<vmem>>, vector<16xf32>,
      tpu.vector_store %arg16[%swap3A_787, %swap3A_788], %add3A_786 {strides = array<i32>} : memref<16x768xf32, #tpu.memory_space<vmem>>, vector<16xf32>,
      %get3A_790 = arith.index_cast %scan3A_132 : i32 to index
      %get3A_791 = arith.constant 752 : index
      %get3A_792 = tpu.vector_load %arg16[%get3A_790, %get3A_791] {strides = array<i32>} : memref<16x768xf32, #tpu.memory_space<vmem>>, vector<16xf32>,
      %get3A_793 = arith.index_cast %scan3A_132 : i32 to index
      %get3A_794 = arith.constant 752 : index
      %get3A_795 = tpu.vector_load %arg14[%get3A_793, %get3A_794] {strides = array<i32>} : memref<16x768xf32, #tpu.memory_space<vmem>>, vector<16xf32>,
      %add3A_796 = arith.addf %get3A_792, %get3A_795 : vector<16xf32>
      %get3A_797 = arith.index_cast %scan3A_132 : i32 to index
      %get3A_798 = arith.constant 752 : index
      %get3A_799 = tpu.vector_load %arg15[%get3A_797, %get3A_798] {strides = array<i32>} : memref<16x768xf32, #tpu.memory_space<vmem>>, vector<16xf32>,
      %add3A_800 = arith.addf %add3A_796, %get3A_799 : vector<16xf32>
      %swap3A_801 = arith.index_cast %scan3A_132 : i32 to index
      %swap3A_802 = arith.constant 752 : index
      %swap3A_803 = tpu.vector_load %arg16[%swap3A_801, %swap3A_802] {strides = array<i32>} : memref<16x768xf32, #tpu.memory_space<vmem>>, vector<16xf32>,
      tpu.vector_store %arg16[%swap3A_801, %swap3A_802], %add3A_800 {strides = array<i32>} : memref<16x768xf32, #tpu.memory_space<vmem>>, vector<16xf32>,
      %scan3A_804 = arith.constant 0 : i32
      scf.yield %scan3A_804 : i32
    }
    %scan3A_129 = arith.constant 16 : i32
    %add3A_130 = arith.constant 48 : i32
    %add3A_131 = arith.addi %mul3A_2, %add3A_130 : i32
    "tpu.region"() ({
      %run_scoped3A = tpu.sem_alloc : memref<!tpu.dma_semaphore, #tpu.memory_space<semaphore_mem>>
      %dma_start3A_132 = arith.constant 0 : i32
      %dma_start3A_133 = tpu.memref_slice %arg5[%add3A_131, %dma_start3A_132] : memref<2048x768xf32, #tpu.memory_space<hbm>> -> memref<16x768xf32, #tpu.memory_space<hbm>>
      %dma_start3A_134 = arith.constant 0 : i32
      %dma_start3A_135 = tpu.memref_slice %arg5[%add3A_131, %dma_start3A_134] : memref<2048x768xf32, #tpu.memory_space<hbm>> -> memref<16x768xf32, #tpu.memory_space<hbm>>
      tpu.enqueue_dma source(%arg16 : memref<16x768xf32, #tpu.memory_space<vmem>>) target(%dma_start3A_135 : memref<16x768xf32, #tpu.memory_space<hbm>>) target_semaphore(%run_scoped3A : memref<!tpu.dma_semaphore, #tpu.memory_space<semaphore_mem>>)
      %dma_wait3A_136 = arith.constant 0 : i32
      %dma_wait3A_137 = tpu.memref_slice %arg5[%add3A_131, %dma_wait3A_136] : memref<2048x768xf32, #tpu.memory_space<hbm>> -> memref<16x768xf32, #tpu.memory_space<hbm>>
      %dma_wait3A_138 = arith.constant 0 : i32
      %dma_wait3A_139 = tpu.memref_slice %arg5[%add3A_131, %dma_wait3A_138] : memref<2048x768xf32, #tpu.memory_space<hbm>> -> memref<16x768xf32, #tpu.memory_space<hbm>>
      tpu.wait_dma2 semaphore(%run_scoped3A : memref<!tpu.dma_semaphore, #tpu.memory_space<semaphore_mem>>) src(%arg16 : memref<16x768xf32, #tpu.memory_space<vmem>>) dst(%dma_wait3A_139 : memref<16x768xf32, #tpu.memory_space<hbm>>)
      tpu.yield
    }) : () -> ()
    return
  }
}

module attributes {stable_mosaic.version = 14 : i64} {
  func.func @_shared_body(%arg0: i32, %arg1: memref<256x768xf32, #tpu.memory_space<vmem>>, %arg2: memref<768x4096xf32, #tpu.memory_space<vmem>>, %arg3: memref<2048x768xf32, #tpu.memory_space<vmem>>, %arg4: memref<1x768xf32, #tpu.memory_space<vmem>>, %arg5: memref<256x768xf32, #tpu.memory_space<vmem>>) attributes {dimension_semantics = [#tpu.dimension_semantics<arbitrary>], iteration_bounds = array<i64: 8>, scalar_prefetch = 0 : i64, scratch_operands = 0 : i64, tpu.core_type = #tpu.core_type<tc>, window_params = [{transform_indices = @transform_0, window_bounds = array<i64: 256, 768>}, {pipeline_mode = #tpu.pipeline_mode<synchronous>, transform_indices = @transform_1, window_bounds = array<i64: 768, 4096>}, {pipeline_mode = #tpu.pipeline_mode<synchronous>, transform_indices = @transform_2, window_bounds = array<i64: 2048, 768>}, {pipeline_mode = #tpu.pipeline_mode<synchronous>, transform_indices = @transform_3, window_bounds = array<i64: 1, 768>}, {transform_indices = @transform_4, window_bounds = array<i64: 256, 768>}]} {
    %get3A = arith.constant 0 : index
    %get3A_0 = arith.constant 0 : index
    %get3A_1 = vector.load %arg1[%get3A, %get3A_0] : memref<256x768xf32, #tpu.memory_space<vmem>>, vector<256x768xf32>
    %convert_element_type3A = arith.truncf %get3A_1 : vector<256x768xf32> to vector<256x768xbf16>
    %get3A_2 = arith.constant 0 : index
    %get3A_3 = arith.constant 0 : index
    %get3A_4 = vector.load %arg2[%get3A_2, %get3A_3] : memref<768x4096xf32, #tpu.memory_space<vmem>>, vector<768x4096xf32>
    %convert_element_type3A_5 = arith.truncf %get3A_4 : vector<768x4096xf32> to vector<768x4096xbf16>
    %dot_general3A = arith.constant dense<0.000000e+00> : vector<256x4096xf32>
    %dot_general3A_6 = tpu.matmul %convert_element_type3A, %convert_element_type3A_5, %dot_general3A {dimension_numbers = #tpu.dot_dimension_numbers<[1], [0], [0], [1], [0, 0, 1, 1], [], []>, transpose_lhs_hint = false} : vector<256x768xbf16>, vector<768x4096xbf16>, vector<256x4096xf32> -> vector<256x4096xf32>
    %slice3A = vector.extract_strided_slice %dot_general3A_6 {offsets = [0, 0], sizes = [256, 2048], strides = [1, 1]} : vector<256x4096xf32> to vector<256x2048xf32>
    %slice3A_7 = vector.extract_strided_slice %dot_general3A_6 {offsets = [0, 2048], sizes = [256, 2048], strides = [1, 1]} : vector<256x4096xf32> to vector<256x2048xf32>
    %logistic3A = arith.negf %slice3A : vector<256x2048xf32>
    %logistic3A_8 = math.exp %logistic3A : vector<256x2048xf32>
    %logistic3A_9 = arith.constant 1.000000e+00 : f32
    %logistic3A_10 = vector.broadcast %logistic3A_9 : f32 to vector<256x2048xf32>
    %logistic3A_11 = arith.addf %logistic3A_10, %logistic3A_8 : vector<256x2048xf32>
    %logistic3A_12 = arith.divf %logistic3A_10, %logistic3A_11 : vector<256x2048xf32>
    %mul3A = arith.mulf %slice3A, %logistic3A_12 : vector<256x2048xf32>
    %mul3A_13 = arith.mulf %mul3A, %slice3A_7 : vector<256x2048xf32>
    %convert_element_type3A_14 = arith.truncf %mul3A_13 : vector<256x2048xf32> to vector<256x2048xbf16>
    %get3A_15 = arith.constant 0 : index
    %get3A_16 = arith.constant 0 : index
    %get3A_17 = vector.load %arg3[%get3A_15, %get3A_16] : memref<2048x768xf32, #tpu.memory_space<vmem>>, vector<2048x768xf32>
    %convert_element_type3A_18 = arith.truncf %get3A_17 : vector<2048x768xf32> to vector<2048x768xbf16>
    %dot_general3A_19 = arith.constant dense<0.000000e+00> : vector<256x768xf32>
    %dot_general3A_20 = tpu.matmul %convert_element_type3A_14, %convert_element_type3A_18, %dot_general3A_19 {dimension_numbers = #tpu.dot_dimension_numbers<[1], [0], [0], [1], [0, 0, 1, 1], [], []>, transpose_lhs_hint = false} : vector<256x2048xbf16>, vector<2048x768xbf16>, vector<256x768xf32> -> vector<256x768xf32>
    %get3A_21 = arith.constant 0 : index
    %get3A_22 = arith.constant 0 : index
    %get3A_23 = vector.load %arg4[%get3A_21, %get3A_22] : memref<1x768xf32, #tpu.memory_space<vmem>>, vector<1x768xf32>
    %mul3A_24 = vector.broadcast %get3A_23 : vector<1x768xf32> to vector<256x768xf32>
    %mul3A_25 = arith.mulf %get3A_1, %mul3A_24 : vector<256x768xf32>
    %reduce_sum3A = arith.constant dense<0.000000e+00> : vector<256xf32>
    %reduce_sum3A_26 = vector.multi_reduction <add>, %mul3A_25, %reduce_sum3A [1] : vector<256x768xf32> to vector<256xf32>
    %broadcast_in_dim3A = vector.shape_cast %reduce_sum3A_26 : vector<256xf32> to vector<256x1xf32>
    %logistic3A_27 = arith.negf %broadcast_in_dim3A : vector<256x1xf32>
    %logistic3A_28 = math.exp %logistic3A_27 : vector<256x1xf32>
    %logistic3A_29 = arith.constant 1.000000e+00 : f32
    %logistic3A_30 = vector.broadcast %logistic3A_29 : f32 to vector<256x1xf32>
    %logistic3A_31 = arith.addf %logistic3A_30, %logistic3A_28 : vector<256x1xf32>
    %logistic3A_32 = arith.divf %logistic3A_30, %logistic3A_31 : vector<256x1xf32>
    %mul3A_33 = vector.broadcast %logistic3A_32 : vector<256x1xf32> to vector<256x768xf32>
    %mul3A_34 = arith.mulf %mul3A_33, %dot_general3A_20 : vector<256x768xf32>
    %swap3A = arith.constant 0 : index
    %swap3A_35 = arith.constant 0 : index
    %swap3A_36 = vector.load %arg5[%swap3A, %swap3A_35] : memref<256x768xf32, #tpu.memory_space<vmem>>, vector<256x768xf32>
    tpu.vector_store %arg5[%swap3A, %swap3A_35], %mul3A_34 {strides = array<i32>} : memref<256x768xf32, #tpu.memory_space<vmem>>, vector<256x768xf32>,
    return
  }
  func.func @transform_0(%arg0: i32) -> (i32, i32) {
    %c0_i32 = arith.constant 0 : i32
    %c0_i32_0 = arith.constant 0 : i32
    return %arg0, %c0_i32 : i32, i32
  }
  func.func @transform_1(%arg0: i32) -> (i32, i32) {
    %c0_i32 = arith.constant 0 : i32
    %c0_i32_0 = arith.constant 0 : i32
    %c0_i32_1 = arith.constant 0 : i32
    return %c0_i32, %c0_i32_0 : i32, i32
  }
  func.func @transform_2(%arg0: i32) -> (i32, i32) {
    %c0_i32 = arith.constant 0 : i32
    %c0_i32_0 = arith.constant 0 : i32
    %c0_i32_1 = arith.constant 0 : i32
    return %c0_i32, %c0_i32_0 : i32, i32
  }
  func.func @transform_3(%arg0: i32) -> (i32, i32) {
    %c0_i32 = arith.constant 0 : i32
    %c0_i32_0 = arith.constant 0 : i32
    %c0_i32_1 = arith.constant 0 : i32
    return %c0_i32, %c0_i32_0 : i32, i32
  }
  func.func @transform_4(%arg0: i32) -> (i32, i32) {
    %c0_i32 = arith.constant 0 : i32
    %c0_i32_0 = arith.constant 0 : i32
    return %arg0, %c0_i32 : i32, i32
  }
}

module attributes {stable_mosaic.version = 14 : i64} {
  func.func @_route_body(%arg0: memref<2048x768xf32, #tpu.memory_space<vmem>>, %arg1: memref<768x64xf32, #tpu.memory_space<vmem>>, %arg2: memref<4096xi32, #tpu.memory_space<vmem>>, %arg3: memref<4096xf32, #tpu.memory_space<vmem>>, %arg4: memref<128xi32, #tpu.memory_space<vmem>>, %arg5: memref<128xi32, #tpu.memory_space<vmem>>) attributes {dimension_semantics = [], scalar_prefetch = 0 : i64, scratch_operands = 0 : i64, tpu.core_type = #tpu.core_type<tc>} {
    %get3A = arith.constant 0 : index
    %get3A_0 = arith.constant 0 : index
    %get3A_1 = vector.load %arg0[%get3A, %get3A_0] : memref<2048x768xf32, #tpu.memory_space<vmem>>, vector<2048x768xf32>
    %get3A_2 = arith.constant 0 : index
    %get3A_3 = arith.constant 0 : index
    %get3A_4 = vector.load %arg1[%get3A_2, %get3A_3] : memref<768x64xf32, #tpu.memory_space<vmem>>, vector<768x64xf32>
    %dot_general3A = arith.constant dense<0.000000e+00> : vector<2048x64xf32>
    %dot_general3A_5 = tpu.matmul %get3A_1, %get3A_4, %dot_general3A {dimension_numbers = #tpu.dot_dimension_numbers<[1], [0], [0], [1], [0, 0, 1, 1], [], []>, transpose_lhs_hint = false} : vector<2048x768xf32>, vector<768x64xf32>, vector<2048x64xf32> -> vector<2048x64xf32>
    %reduce_max3A = arith.constant dense<0xFF800000> : vector<2048xf32>
    %reduce_max3A_6 = vector.multi_reduction <maximumf>, %dot_general3A_5, %reduce_max3A [1] : vector<2048x64xf32> to vector<2048xf32>
    %broadcast_in_dim3A = vector.shape_cast %reduce_max3A_6 : vector<2048xf32> to vector<2048x1xf32>
    %sub3A = vector.broadcast %broadcast_in_dim3A : vector<2048x1xf32> to vector<2048x64xf32>
    %sub3A_7 = arith.subf %dot_general3A_5, %sub3A : vector<2048x64xf32>
    %exp3A = math.exp %sub3A_7 : vector<2048x64xf32>
    %reduce_sum3A = arith.constant dense<0.000000e+00> : vector<2048xf32>
    %reduce_sum3A_8 = vector.multi_reduction <add>, %exp3A, %reduce_sum3A [1] : vector<2048x64xf32> to vector<2048xf32>
    %broadcast_in_dim3A_9 = vector.shape_cast %reduce_sum3A_8 : vector<2048xf32> to vector<2048x1xf32>
    %div3A = vector.broadcast %broadcast_in_dim3A_9 : vector<2048x1xf32> to vector<2048x64xf32>
    %div3A_10 = arith.divf %exp3A, %div3A : vector<2048x64xf32>
    %iota3A = tpu.iota {dimensions = array<i32: 1>} : vector<2048x64xi32>
    %reduce_max3A_11 = arith.constant dense<0xFF800000> : vector<2048xf32>
    %reduce_max3A_12 = vector.multi_reduction <maximumf>, %div3A_10, %reduce_max3A_11 [1] : vector<2048x64xf32> to vector<2048xf32>
    %broadcast_in_dim3A_13 = vector.shape_cast %reduce_max3A_12 : vector<2048xf32> to vector<2048x1xf32>
    %eq3A = vector.broadcast %broadcast_in_dim3A_13 : vector<2048x1xf32> to vector<2048x64xf32>
    %eq3A_14 = arith.cmpf oeq, %div3A_10, %eq3A : vector<2048x64xf32>
    %jit3A = arith.constant 64 : i32
    %broadcast_in_dim3A_15 = vector.broadcast %jit3A : i32 to vector<2048x64xi32>
    %select_n3A = arith.select %eq3A_14, %iota3A, %broadcast_in_dim3A_15 : vector<2048x64xi1>, vector<2048x64xi32>
    %reduce_min3A = arith.constant dense<2147483647> : vector<2048xi32>
    %reduce_min3A_16 = vector.multi_reduction <minsi>, %select_n3A, %reduce_min3A [1] : vector<2048x64xi32> to vector<2048xi32>
    %broadcast_in_dim3A_17 = vector.shape_cast %reduce_min3A_16 : vector<2048xi32> to vector<2048x1xi32>
    %eq3A_18 = vector.broadcast %broadcast_in_dim3A_17 : vector<2048x1xi32> to vector<2048x64xi32>
    %eq3A_19 = arith.cmpi eq, %iota3A, %eq3A_18 : vector<2048x64xi32>
    %jit3A_20 = arith.constant -1.000000e+00 : f32
    %broadcast_in_dim3A_21 = vector.broadcast %jit3A_20 : f32 to vector<2048x64xf32>
    %select_n3A_22 = arith.select %eq3A_19, %broadcast_in_dim3A_21, %div3A_10 : vector<2048x64xi1>, vector<2048x64xf32>
    %reduce_max3A_23 = arith.constant dense<0xFF800000> : vector<2048xf32>
    %reduce_max3A_24 = vector.multi_reduction <maximumf>, %select_n3A_22, %reduce_max3A_23 [1] : vector<2048x64xf32> to vector<2048xf32>
    %broadcast_in_dim3A_25 = vector.shape_cast %reduce_max3A_24 : vector<2048xf32> to vector<2048x1xf32>
    %eq3A_26 = vector.broadcast %broadcast_in_dim3A_25 : vector<2048x1xf32> to vector<2048x64xf32>
    %eq3A_27 = arith.cmpf oeq, %select_n3A_22, %eq3A_26 : vector<2048x64xf32>
    %jit3A_28 = arith.constant 64 : i32
    %broadcast_in_dim3A_29 = vector.broadcast %jit3A_28 : i32 to vector<2048x64xi32>
    %select_n3A_30 = arith.select %eq3A_27, %iota3A, %broadcast_in_dim3A_29 : vector<2048x64xi1>, vector<2048x64xi32>
    %reduce_min3A_31 = arith.constant dense<2147483647> : vector<2048xi32>
    %reduce_min3A_32 = vector.multi_reduction <minsi>, %select_n3A_30, %reduce_min3A_31 [1] : vector<2048x64xi32> to vector<2048xi32>
    %broadcast_in_dim3A_33 = vector.shape_cast %reduce_min3A_32 : vector<2048xi32> to vector<2048x1xi32>
    %eq3A_34 = vector.broadcast %broadcast_in_dim3A_17 : vector<2048x1xi32> to vector<2048x64xi32>
    %eq3A_35 = arith.cmpi eq, %iota3A, %eq3A_34 : vector<2048x64xi32>
    %convert_element_type3A = arith.extui %eq3A_35 : vector<2048x64xi1> to vector<2048x64xi32>
    %convert_element_type3A_36 = arith.sitofp %convert_element_type3A : vector<2048x64xi32> to vector<2048x64xf32>
    %eq3A_37 = vector.broadcast %broadcast_in_dim3A_33 : vector<2048x1xi32> to vector<2048x64xi32>
    %eq3A_38 = arith.cmpi eq, %iota3A, %eq3A_37 : vector<2048x64xi32>
    %convert_element_type3A_39 = arith.extui %eq3A_38 : vector<2048x64xi1> to vector<2048x64xi32>
    %convert_element_type3A_40 = arith.sitofp %convert_element_type3A_39 : vector<2048x64xi32> to vector<2048x64xf32>
    %concatenate3A = tpu.concatenate %convert_element_type3A_36, %convert_element_type3A_40 in 0 : vector<2048x64xf32>, vector<2048x64xf32> -> vector<4096x64xf32>
    %iota3A_41 = tpu.iota {dimensions = array<i32: 0>} : vector<128x128xi32>
    %iota3A_42 = tpu.iota {dimensions = array<i32: 1>} : vector<128x128xi32>
    %gt3A = arith.cmpi sgt, %iota3A_41, %iota3A_42 : vector<128x128xi32>
    %convert_element_type3A_43 = arith.extui %gt3A : vector<128x128xi1> to vector<128x128xi32>
    %convert_element_type3A_44 = arith.sitofp %convert_element_type3A_43 : vector<128x128xi32> to vector<128x128xf32>
    %slice3A = vector.extract_strided_slice %concatenate3A {offsets = [0, 0], sizes = [128, 64], strides = [1, 1]} : vector<4096x64xf32> to vector<128x64xf32>
    %dot_general3A_45 = arith.constant dense<0.000000e+00> : vector<128x64xf32>
    %dot_general3A_46 = tpu.matmul %convert_element_type3A_44, %slice3A, %dot_general3A_45 {dimension_numbers = #tpu.dot_dimension_numbers<[1], [0], [0], [1], [0, 0, 1, 1], [], []>, transpose_lhs_hint = false} : vector<128x128xf32>, vector<128x64xf32>, vector<128x64xf32> -> vector<128x64xf32>
    %reduce_sum3A_47 = arith.constant dense<0.000000e+00> : vector<64xf32>
    %reduce_sum3A_48 = vector.multi_reduction <add>, %slice3A, %reduce_sum3A_47 [0] : vector<128x64xf32> to vector<64xf32>
    %broadcast_in_dim3A_49 = vector.shape_cast %reduce_sum3A_48 : vector<64xf32> to vector<1x64xf32>
    %slice3A_50 = vector.extract_strided_slice %concatenate3A {offsets = [128, 0], sizes = [128, 64], strides = [1, 1]} : vector<4096x64xf32> to vector<128x64xf32>
    %dot_general3A_51 = arith.constant dense<0.000000e+00> : vector<128x64xf32>
    %dot_general3A_52 = tpu.matmul %convert_element_type3A_44, %slice3A_50, %dot_general3A_51 {dimension_numbers = #tpu.dot_dimension_numbers<[1], [0], [0], [1], [0, 0, 1, 1], [], []>, transpose_lhs_hint = false} : vector<128x128xf32>, vector<128x64xf32>, vector<128x64xf32> -> vector<128x64xf32>
    %reduce_sum3A_53 = arith.constant dense<0.000000e+00> : vector<64xf32>
    %reduce_sum3A_54 = vector.multi_reduction <add>, %slice3A_50, %reduce_sum3A_53 [0] : vector<128x64xf32> to vector<64xf32>
    %broadcast_in_dim3A_55 = vector.shape_cast %reduce_sum3A_54 : vector<64xf32> to vector<1x64xf32>
    %slice3A_56 = vector.extract_strided_slice %concatenate3A {offsets = [256, 0], sizes = [128, 64], strides = [1, 1]} : vector<4096x64xf32> to vector<128x64xf32>
    %dot_general3A_57 = arith.constant dense<0.000000e+00> : vector<128x64xf32>
    %dot_general3A_58 = tpu.matmul %convert_element_type3A_44, %slice3A_56, %dot_general3A_57 {dimension_numbers = #tpu.dot_dimension_numbers<[1], [0], [0], [1], [0, 0, 1, 1], [], []>, transpose_lhs_hint = false} : vector<128x128xf32>, vector<128x64xf32>, vector<128x64xf32> -> vector<128x64xf32>
    %reduce_sum3A_59 = arith.constant dense<0.000000e+00> : vector<64xf32>
    %reduce_sum3A_60 = vector.multi_reduction <add>, %slice3A_56, %reduce_sum3A_59 [0] : vector<128x64xf32> to vector<64xf32>
    %broadcast_in_dim3A_61 = vector.shape_cast %reduce_sum3A_60 : vector<64xf32> to vector<1x64xf32>
    %slice3A_62 = vector.extract_strided_slice %concatenate3A {offsets = [384, 0], sizes = [128, 64], strides = [1, 1]} : vector<4096x64xf32> to vector<128x64xf32>
    %dot_general3A_63 = arith.constant dense<0.000000e+00> : vector<128x64xf32>
    %dot_general3A_64 = tpu.matmul %convert_element_type3A_44, %slice3A_62, %dot_general3A_63 {dimension_numbers = #tpu.dot_dimension_numbers<[1], [0], [0], [1], [0, 0, 1, 1], [], []>, transpose_lhs_hint = false} : vector<128x128xf32>, vector<128x64xf32>, vector<128x64xf32> -> vector<128x64xf32>
    %reduce_sum3A_65 = arith.constant dense<0.000000e+00> : vector<64xf32>
    %reduce_sum3A_66 = vector.multi_reduction <add>, %slice3A_62, %reduce_sum3A_65 [0] : vector<128x64xf32> to vector<64xf32>
    %broadcast_in_dim3A_67 = vector.shape_cast %reduce_sum3A_66 : vector<64xf32> to vector<1x64xf32>
    %slice3A_68 = vector.extract_strided_slice %concatenate3A {offsets = [512, 0], sizes = [128, 64], strides = [1, 1]} : vector<4096x64xf32> to vector<128x64xf32>
    %dot_general3A_69 = arith.constant dense<0.000000e+00> : vector<128x64xf32>
    %dot_general3A_70 = tpu.matmul %convert_element_type3A_44, %slice3A_68, %dot_general3A_69 {dimension_numbers = #tpu.dot_dimension_numbers<[1], [0], [0], [1], [0, 0, 1, 1], [], []>, transpose_lhs_hint = false} : vector<128x128xf32>, vector<128x64xf32>, vector<128x64xf32> -> vector<128x64xf32>
    %reduce_sum3A_71 = arith.constant dense<0.000000e+00> : vector<64xf32>
    %reduce_sum3A_72 = vector.multi_reduction <add>, %slice3A_68, %reduce_sum3A_71 [0] : vector<128x64xf32> to vector<64xf32>
    %broadcast_in_dim3A_73 = vector.shape_cast %reduce_sum3A_72 : vector<64xf32> to vector<1x64xf32>
    %slice3A_74 = vector.extract_strided_slice %concatenate3A {offsets = [640, 0], sizes = [128, 64], strides = [1, 1]} : vector<4096x64xf32> to vector<128x64xf32>
    %dot_general3A_75 = arith.constant dense<0.000000e+00> : vector<128x64xf32>
    %dot_general3A_76 = tpu.matmul %convert_element_type3A_44, %slice3A_74, %dot_general3A_75 {dimension_numbers = #tpu.dot_dimension_numbers<[1], [0], [0], [1], [0, 0, 1, 1], [], []>, transpose_lhs_hint = false} : vector<128x128xf32>, vector<128x64xf32>, vector<128x64xf32> -> vector<128x64xf32>
    %reduce_sum3A_77 = arith.constant dense<0.000000e+00> : vector<64xf32>
    %reduce_sum3A_78 = vector.multi_reduction <add>, %slice3A_74, %reduce_sum3A_77 [0] : vector<128x64xf32> to vector<64xf32>
    %broadcast_in_dim3A_79 = vector.shape_cast %reduce_sum3A_78 : vector<64xf32> to vector<1x64xf32>
    %slice3A_80 = vector.extract_strided_slice %concatenate3A {offsets = [768, 0], sizes = [128, 64], strides = [1, 1]} : vector<4096x64xf32> to vector<128x64xf32>
    %dot_general3A_81 = arith.constant dense<0.000000e+00> : vector<128x64xf32>
    %dot_general3A_82 = tpu.matmul %convert_element_type3A_44, %slice3A_80, %dot_general3A_81 {dimension_numbers = #tpu.dot_dimension_numbers<[1], [0], [0], [1], [0, 0, 1, 1], [], []>, transpose_lhs_hint = false} : vector<128x128xf32>, vector<128x64xf32>, vector<128x64xf32> -> vector<128x64xf32>
    %reduce_sum3A_83 = arith.constant dense<0.000000e+00> : vector<64xf32>
    %reduce_sum3A_84 = vector.multi_reduction <add>, %slice3A_80, %reduce_sum3A_83 [0] : vector<128x64xf32> to vector<64xf32>
    %broadcast_in_dim3A_85 = vector.shape_cast %reduce_sum3A_84 : vector<64xf32> to vector<1x64xf32>
    %slice3A_86 = vector.extract_strided_slice %concatenate3A {offsets = [896, 0], sizes = [128, 64], strides = [1, 1]} : vector<4096x64xf32> to vector<128x64xf32>
    %dot_general3A_87 = arith.constant dense<0.000000e+00> : vector<128x64xf32>
    %dot_general3A_88 = tpu.matmul %convert_element_type3A_44, %slice3A_86, %dot_general3A_87 {dimension_numbers = #tpu.dot_dimension_numbers<[1], [0], [0], [1], [0, 0, 1, 1], [], []>, transpose_lhs_hint = false} : vector<128x128xf32>, vector<128x64xf32>, vector<128x64xf32> -> vector<128x64xf32>
    %reduce_sum3A_89 = arith.constant dense<0.000000e+00> : vector<64xf32>
    %reduce_sum3A_90 = vector.multi_reduction <add>, %slice3A_86, %reduce_sum3A_89 [0] : vector<128x64xf32> to vector<64xf32>
    %broadcast_in_dim3A_91 = vector.shape_cast %reduce_sum3A_90 : vector<64xf32> to vector<1x64xf32>
    %slice3A_92 = vector.extract_strided_slice %concatenate3A {offsets = [1024, 0], sizes = [128, 64], strides = [1, 1]} : vector<4096x64xf32> to vector<128x64xf32>
    %dot_general3A_93 = arith.constant dense<0.000000e+00> : vector<128x64xf32>
    %dot_general3A_94 = tpu.matmul %convert_element_type3A_44, %slice3A_92, %dot_general3A_93 {dimension_numbers = #tpu.dot_dimension_numbers<[1], [0], [0], [1], [0, 0, 1, 1], [], []>, transpose_lhs_hint = false} : vector<128x128xf32>, vector<128x64xf32>, vector<128x64xf32> -> vector<128x64xf32>
    %reduce_sum3A_95 = arith.constant dense<0.000000e+00> : vector<64xf32>
    %reduce_sum3A_96 = vector.multi_reduction <add>, %slice3A_92, %reduce_sum3A_95 [0] : vector<128x64xf32> to vector<64xf32>
    %broadcast_in_dim3A_97 = vector.shape_cast %reduce_sum3A_96 : vector<64xf32> to vector<1x64xf32>
    %slice3A_98 = vector.extract_strided_slice %concatenate3A {offsets = [1152, 0], sizes = [128, 64], strides = [1, 1]} : vector<4096x64xf32> to vector<128x64xf32>
    %dot_general3A_99 = arith.constant dense<0.000000e+00> : vector<128x64xf32>
    %dot_general3A_100 = tpu.matmul %convert_element_type3A_44, %slice3A_98, %dot_general3A_99 {dimension_numbers = #tpu.dot_dimension_numbers<[1], [0], [0], [1], [0, 0, 1, 1], [], []>, transpose_lhs_hint = false} : vector<128x128xf32>, vector<128x64xf32>, vector<128x64xf32> -> vector<128x64xf32>
    %reduce_sum3A_101 = arith.constant dense<0.000000e+00> : vector<64xf32>
    %reduce_sum3A_102 = vector.multi_reduction <add>, %slice3A_98, %reduce_sum3A_101 [0] : vector<128x64xf32> to vector<64xf32>
    %broadcast_in_dim3A_103 = vector.shape_cast %reduce_sum3A_102 : vector<64xf32> to vector<1x64xf32>
    %slice3A_104 = vector.extract_strided_slice %concatenate3A {offsets = [1280, 0], sizes = [128, 64], strides = [1, 1]} : vector<4096x64xf32> to vector<128x64xf32>
    %dot_general3A_105 = arith.constant dense<0.000000e+00> : vector<128x64xf32>
    %dot_general3A_106 = tpu.matmul %convert_element_type3A_44, %slice3A_104, %dot_general3A_105 {dimension_numbers = #tpu.dot_dimension_numbers<[1], [0], [0], [1], [0, 0, 1, 1], [], []>, transpose_lhs_hint = false} : vector<128x128xf32>, vector<128x64xf32>, vector<128x64xf32> -> vector<128x64xf32>
    %reduce_sum3A_107 = arith.constant dense<0.000000e+00> : vector<64xf32>
    %reduce_sum3A_108 = vector.multi_reduction <add>, %slice3A_104, %reduce_sum3A_107 [0] : vector<128x64xf32> to vector<64xf32>
    %broadcast_in_dim3A_109 = vector.shape_cast %reduce_sum3A_108 : vector<64xf32> to vector<1x64xf32>
    %slice3A_110 = vector.extract_strided_slice %concatenate3A {offsets = [1408, 0], sizes = [128, 64], strides = [1, 1]} : vector<4096x64xf32> to vector<128x64xf32>
    %dot_general3A_111 = arith.constant dense<0.000000e+00> : vector<128x64xf32>
    %dot_general3A_112 = tpu.matmul %convert_element_type3A_44, %slice3A_110, %dot_general3A_111 {dimension_numbers = #tpu.dot_dimension_numbers<[1], [0], [0], [1], [0, 0, 1, 1], [], []>, transpose_lhs_hint = false} : vector<128x128xf32>, vector<128x64xf32>, vector<128x64xf32> -> vector<128x64xf32>
    %reduce_sum3A_113 = arith.constant dense<0.000000e+00> : vector<64xf32>
    %reduce_sum3A_114 = vector.multi_reduction <add>, %slice3A_110, %reduce_sum3A_113 [0] : vector<128x64xf32> to vector<64xf32>
    %broadcast_in_dim3A_115 = vector.shape_cast %reduce_sum3A_114 : vector<64xf32> to vector<1x64xf32>
    %slice3A_116 = vector.extract_strided_slice %concatenate3A {offsets = [1536, 0], sizes = [128, 64], strides = [1, 1]} : vector<4096x64xf32> to vector<128x64xf32>
    %dot_general3A_117 = arith.constant dense<0.000000e+00> : vector<128x64xf32>
    %dot_general3A_118 = tpu.matmul %convert_element_type3A_44, %slice3A_116, %dot_general3A_117 {dimension_numbers = #tpu.dot_dimension_numbers<[1], [0], [0], [1], [0, 0, 1, 1], [], []>, transpose_lhs_hint = false} : vector<128x128xf32>, vector<128x64xf32>, vector<128x64xf32> -> vector<128x64xf32>
    %reduce_sum3A_119 = arith.constant dense<0.000000e+00> : vector<64xf32>
    %reduce_sum3A_120 = vector.multi_reduction <add>, %slice3A_116, %reduce_sum3A_119 [0] : vector<128x64xf32> to vector<64xf32>
    %broadcast_in_dim3A_121 = vector.shape_cast %reduce_sum3A_120 : vector<64xf32> to vector<1x64xf32>
    %slice3A_122 = vector.extract_strided_slice %concatenate3A {offsets = [1664, 0], sizes = [128, 64], strides = [1, 1]} : vector<4096x64xf32> to vector<128x64xf32>
    %dot_general3A_123 = arith.constant dense<0.000000e+00> : vector<128x64xf32>
    %dot_general3A_124 = tpu.matmul %convert_element_type3A_44, %slice3A_122, %dot_general3A_123 {dimension_numbers = #tpu.dot_dimension_numbers<[1], [0], [0], [1], [0, 0, 1, 1], [], []>, transpose_lhs_hint = false} : vector<128x128xf32>, vector<128x64xf32>, vector<128x64xf32> -> vector<128x64xf32>
    %reduce_sum3A_125 = arith.constant dense<0.000000e+00> : vector<64xf32>
    %reduce_sum3A_126 = vector.multi_reduction <add>, %slice3A_122, %reduce_sum3A_125 [0] : vector<128x64xf32> to vector<64xf32>
    %broadcast_in_dim3A_127 = vector.shape_cast %reduce_sum3A_126 : vector<64xf32> to vector<1x64xf32>
    %slice3A_128 = vector.extract_strided_slice %concatenate3A {offsets = [1792, 0], sizes = [128, 64], strides = [1, 1]} : vector<4096x64xf32> to vector<128x64xf32>
    %dot_general3A_129 = arith.constant dense<0.000000e+00> : vector<128x64xf32>
    %dot_general3A_130 = tpu.matmul %convert_element_type3A_44, %slice3A_128, %dot_general3A_129 {dimension_numbers = #tpu.dot_dimension_numbers<[1], [0], [0], [1], [0, 0, 1, 1], [], []>, transpose_lhs_hint = false} : vector<128x128xf32>, vector<128x64xf32>, vector<128x64xf32> -> vector<128x64xf32>
    %reduce_sum3A_131 = arith.constant dense<0.000000e+00> : vector<64xf32>
    %reduce_sum3A_132 = vector.multi_reduction <add>, %slice3A_128, %reduce_sum3A_131 [0] : vector<128x64xf32> to vector<64xf32>
    %broadcast_in_dim3A_133 = vector.shape_cast %reduce_sum3A_132 : vector<64xf32> to vector<1x64xf32>
    %slice3A_134 = vector.extract_strided_slice %concatenate3A {offsets = [1920, 0], sizes = [128, 64], strides = [1, 1]} : vector<4096x64xf32> to vector<128x64xf32>
    %dot_general3A_135 = arith.constant dense<0.000000e+00> : vector<128x64xf32>
    %dot_general3A_136 = tpu.matmul %convert_element_type3A_44, %slice3A_134, %dot_general3A_135 {dimension_numbers = #tpu.dot_dimension_numbers<[1], [0], [0], [1], [0, 0, 1, 1], [], []>, transpose_lhs_hint = false} : vector<128x128xf32>, vector<128x64xf32>, vector<128x64xf32> -> vector<128x64xf32>
    %reduce_sum3A_137 = arith.constant dense<0.000000e+00> : vector<64xf32>
    %reduce_sum3A_138 = vector.multi_reduction <add>, %slice3A_134, %reduce_sum3A_137 [0] : vector<128x64xf32> to vector<64xf32>
    %broadcast_in_dim3A_139 = vector.shape_cast %reduce_sum3A_138 : vector<64xf32> to vector<1x64xf32>
    %slice3A_140 = vector.extract_strided_slice %concatenate3A {offsets = [2048, 0], sizes = [128, 64], strides = [1, 1]} : vector<4096x64xf32> to vector<128x64xf32>
    %dot_general3A_141 = arith.constant dense<0.000000e+00> : vector<128x64xf32>
    %dot_general3A_142 = tpu.matmul %convert_element_type3A_44, %slice3A_140, %dot_general3A_141 {dimension_numbers = #tpu.dot_dimension_numbers<[1], [0], [0], [1], [0, 0, 1, 1], [], []>, transpose_lhs_hint = false} : vector<128x128xf32>, vector<128x64xf32>, vector<128x64xf32> -> vector<128x64xf32>
    %reduce_sum3A_143 = arith.constant dense<0.000000e+00> : vector<64xf32>
    %reduce_sum3A_144 = vector.multi_reduction <add>, %slice3A_140, %reduce_sum3A_143 [0] : vector<128x64xf32> to vector<64xf32>
    %broadcast_in_dim3A_145 = vector.shape_cast %reduce_sum3A_144 : vector<64xf32> to vector<1x64xf32>
    %slice3A_146 = vector.extract_strided_slice %concatenate3A {offsets = [2176, 0], sizes = [128, 64], strides = [1, 1]} : vector<4096x64xf32> to vector<128x64xf32>
    %dot_general3A_147 = arith.constant dense<0.000000e+00> : vector<128x64xf32>
    %dot_general3A_148 = tpu.matmul %convert_element_type3A_44, %slice3A_146, %dot_general3A_147 {dimension_numbers = #tpu.dot_dimension_numbers<[1], [0], [0], [1], [0, 0, 1, 1], [], []>, transpose_lhs_hint = false} : vector<128x128xf32>, vector<128x64xf32>, vector<128x64xf32> -> vector<128x64xf32>
    %reduce_sum3A_149 = arith.constant dense<0.000000e+00> : vector<64xf32>
    %reduce_sum3A_150 = vector.multi_reduction <add>, %slice3A_146, %reduce_sum3A_149 [0] : vector<128x64xf32> to vector<64xf32>
    %broadcast_in_dim3A_151 = vector.shape_cast %reduce_sum3A_150 : vector<64xf32> to vector<1x64xf32>
    %slice3A_152 = vector.extract_strided_slice %concatenate3A {offsets = [2304, 0], sizes = [128, 64], strides = [1, 1]} : vector<4096x64xf32> to vector<128x64xf32>
    %dot_general3A_153 = arith.constant dense<0.000000e+00> : vector<128x64xf32>
    %dot_general3A_154 = tpu.matmul %convert_element_type3A_44, %slice3A_152, %dot_general3A_153 {dimension_numbers = #tpu.dot_dimension_numbers<[1], [0], [0], [1], [0, 0, 1, 1], [], []>, transpose_lhs_hint = false} : vector<128x128xf32>, vector<128x64xf32>, vector<128x64xf32> -> vector<128x64xf32>
    %reduce_sum3A_155 = arith.constant dense<0.000000e+00> : vector<64xf32>
    %reduce_sum3A_156 = vector.multi_reduction <add>, %slice3A_152, %reduce_sum3A_155 [0] : vector<128x64xf32> to vector<64xf32>
    %broadcast_in_dim3A_157 = vector.shape_cast %reduce_sum3A_156 : vector<64xf32> to vector<1x64xf32>
    %slice3A_158 = vector.extract_strided_slice %concatenate3A {offsets = [2432, 0], sizes = [128, 64], strides = [1, 1]} : vector<4096x64xf32> to vector<128x64xf32>
    %dot_general3A_159 = arith.constant dense<0.000000e+00> : vector<128x64xf32>
    %dot_general3A_160 = tpu.matmul %convert_element_type3A_44, %slice3A_158, %dot_general3A_159 {dimension_numbers = #tpu.dot_dimension_numbers<[1], [0], [0], [1], [0, 0, 1, 1], [], []>, transpose_lhs_hint = false} : vector<128x128xf32>, vector<128x64xf32>, vector<128x64xf32> -> vector<128x64xf32>
    %reduce_sum3A_161 = arith.constant dense<0.000000e+00> : vector<64xf32>
    %reduce_sum3A_162 = vector.multi_reduction <add>, %slice3A_158, %reduce_sum3A_161 [0] : vector<128x64xf32> to vector<64xf32>
    %broadcast_in_dim3A_163 = vector.shape_cast %reduce_sum3A_162 : vector<64xf32> to vector<1x64xf32>
    %slice3A_164 = vector.extract_strided_slice %concatenate3A {offsets = [2560, 0], sizes = [128, 64], strides = [1, 1]} : vector<4096x64xf32> to vector<128x64xf32>
    %dot_general3A_165 = arith.constant dense<0.000000e+00> : vector<128x64xf32>
    %dot_general3A_166 = tpu.matmul %convert_element_type3A_44, %slice3A_164, %dot_general3A_165 {dimension_numbers = #tpu.dot_dimension_numbers<[1], [0], [0], [1], [0, 0, 1, 1], [], []>, transpose_lhs_hint = false} : vector<128x128xf32>, vector<128x64xf32>, vector<128x64xf32> -> vector<128x64xf32>
    %reduce_sum3A_167 = arith.constant dense<0.000000e+00> : vector<64xf32>
    %reduce_sum3A_168 = vector.multi_reduction <add>, %slice3A_164, %reduce_sum3A_167 [0] : vector<128x64xf32> to vector<64xf32>
    %broadcast_in_dim3A_169 = vector.shape_cast %reduce_sum3A_168 : vector<64xf32> to vector<1x64xf32>
    %slice3A_170 = vector.extract_strided_slice %concatenate3A {offsets = [2688, 0], sizes = [128, 64], strides = [1, 1]} : vector<4096x64xf32> to vector<128x64xf32>
    %dot_general3A_171 = arith.constant dense<0.000000e+00> : vector<128x64xf32>
    %dot_general3A_172 = tpu.matmul %convert_element_type3A_44, %slice3A_170, %dot_general3A_171 {dimension_numbers = #tpu.dot_dimension_numbers<[1], [0], [0], [1], [0, 0, 1, 1], [], []>, transpose_lhs_hint = false} : vector<128x128xf32>, vector<128x64xf32>, vector<128x64xf32> -> vector<128x64xf32>
    %reduce_sum3A_173 = arith.constant dense<0.000000e+00> : vector<64xf32>
    %reduce_sum3A_174 = vector.multi_reduction <add>, %slice3A_170, %reduce_sum3A_173 [0] : vector<128x64xf32> to vector<64xf32>
    %broadcast_in_dim3A_175 = vector.shape_cast %reduce_sum3A_174 : vector<64xf32> to vector<1x64xf32>
    %slice3A_176 = vector.extract_strided_slice %concatenate3A {offsets = [2816, 0], sizes = [128, 64], strides = [1, 1]} : vector<4096x64xf32> to vector<128x64xf32>
    %dot_general3A_177 = arith.constant dense<0.000000e+00> : vector<128x64xf32>
    %dot_general3A_178 = tpu.matmul %convert_element_type3A_44, %slice3A_176, %dot_general3A_177 {dimension_numbers = #tpu.dot_dimension_numbers<[1], [0], [0], [1], [0, 0, 1, 1], [], []>, transpose_lhs_hint = false} : vector<128x128xf32>, vector<128x64xf32>, vector<128x64xf32> -> vector<128x64xf32>
    %reduce_sum3A_179 = arith.constant dense<0.000000e+00> : vector<64xf32>
    %reduce_sum3A_180 = vector.multi_reduction <add>, %slice3A_176, %reduce_sum3A_179 [0] : vector<128x64xf32> to vector<64xf32>
    %broadcast_in_dim3A_181 = vector.shape_cast %reduce_sum3A_180 : vector<64xf32> to vector<1x64xf32>
    %slice3A_182 = vector.extract_strided_slice %concatenate3A {offsets = [2944, 0], sizes = [128, 64], strides = [1, 1]} : vector<4096x64xf32> to vector<128x64xf32>
    %dot_general3A_183 = arith.constant dense<0.000000e+00> : vector<128x64xf32>
    %dot_general3A_184 = tpu.matmul %convert_element_type3A_44, %slice3A_182, %dot_general3A_183 {dimension_numbers = #tpu.dot_dimension_numbers<[1], [0], [0], [1], [0, 0, 1, 1], [], []>, transpose_lhs_hint = false} : vector<128x128xf32>, vector<128x64xf32>, vector<128x64xf32> -> vector<128x64xf32>
    %reduce_sum3A_185 = arith.constant dense<0.000000e+00> : vector<64xf32>
    %reduce_sum3A_186 = vector.multi_reduction <add>, %slice3A_182, %reduce_sum3A_185 [0] : vector<128x64xf32> to vector<64xf32>
    %broadcast_in_dim3A_187 = vector.shape_cast %reduce_sum3A_186 : vector<64xf32> to vector<1x64xf32>
    %slice3A_188 = vector.extract_strided_slice %concatenate3A {offsets = [3072, 0], sizes = [128, 64], strides = [1, 1]} : vector<4096x64xf32> to vector<128x64xf32>
    %dot_general3A_189 = arith.constant dense<0.000000e+00> : vector<128x64xf32>
    %dot_general3A_190 = tpu.matmul %convert_element_type3A_44, %slice3A_188, %dot_general3A_189 {dimension_numbers = #tpu.dot_dimension_numbers<[1], [0], [0], [1], [0, 0, 1, 1], [], []>, transpose_lhs_hint = false} : vector<128x128xf32>, vector<128x64xf32>, vector<128x64xf32> -> vector<128x64xf32>
    %reduce_sum3A_191 = arith.constant dense<0.000000e+00> : vector<64xf32>
    %reduce_sum3A_192 = vector.multi_reduction <add>, %slice3A_188, %reduce_sum3A_191 [0] : vector<128x64xf32> to vector<64xf32>
    %broadcast_in_dim3A_193 = vector.shape_cast %reduce_sum3A_192 : vector<64xf32> to vector<1x64xf32>
    %slice3A_194 = vector.extract_strided_slice %concatenate3A {offsets = [3200, 0], sizes = [128, 64], strides = [1, 1]} : vector<4096x64xf32> to vector<128x64xf32>
    %dot_general3A_195 = arith.constant dense<0.000000e+00> : vector<128x64xf32>
    %dot_general3A_196 = tpu.matmul %convert_element_type3A_44, %slice3A_194, %dot_general3A_195 {dimension_numbers = #tpu.dot_dimension_numbers<[1], [0], [0], [1], [0, 0, 1, 1], [], []>, transpose_lhs_hint = false} : vector<128x128xf32>, vector<128x64xf32>, vector<128x64xf32> -> vector<128x64xf32>
    %reduce_sum3A_197 = arith.constant dense<0.000000e+00> : vector<64xf32>
    %reduce_sum3A_198 = vector.multi_reduction <add>, %slice3A_194, %reduce_sum3A_197 [0] : vector<128x64xf32> to vector<64xf32>
    %broadcast_in_dim3A_199 = vector.shape_cast %reduce_sum3A_198 : vector<64xf32> to vector<1x64xf32>
    %slice3A_200 = vector.extract_strided_slice %concatenate3A {offsets = [3328, 0], sizes = [128, 64], strides = [1, 1]} : vector<4096x64xf32> to vector<128x64xf32>
    %dot_general3A_201 = arith.constant dense<0.000000e+00> : vector<128x64xf32>
    %dot_general3A_202 = tpu.matmul %convert_element_type3A_44, %slice3A_200, %dot_general3A_201 {dimension_numbers = #tpu.dot_dimension_numbers<[1], [0], [0], [1], [0, 0, 1, 1], [], []>, transpose_lhs_hint = false} : vector<128x128xf32>, vector<128x64xf32>, vector<128x64xf32> -> vector<128x64xf32>
    %reduce_sum3A_203 = arith.constant dense<0.000000e+00> : vector<64xf32>
    %reduce_sum3A_204 = vector.multi_reduction <add>, %slice3A_200, %reduce_sum3A_203 [0] : vector<128x64xf32> to vector<64xf32>
    %broadcast_in_dim3A_205 = vector.shape_cast %reduce_sum3A_204 : vector<64xf32> to vector<1x64xf32>
    %slice3A_206 = vector.extract_strided_slice %concatenate3A {offsets = [3456, 0], sizes = [128, 64], strides = [1, 1]} : vector<4096x64xf32> to vector<128x64xf32>
    %dot_general3A_207 = arith.constant dense<0.000000e+00> : vector<128x64xf32>
    %dot_general3A_208 = tpu.matmul %convert_element_type3A_44, %slice3A_206, %dot_general3A_207 {dimension_numbers = #tpu.dot_dimension_numbers<[1], [0], [0], [1], [0, 0, 1, 1], [], []>, transpose_lhs_hint = false} : vector<128x128xf32>, vector<128x64xf32>, vector<128x64xf32> -> vector<128x64xf32>
    %reduce_sum3A_209 = arith.constant dense<0.000000e+00> : vector<64xf32>
    %reduce_sum3A_210 = vector.multi_reduction <add>, %slice3A_206, %reduce_sum3A_209 [0] : vector<128x64xf32> to vector<64xf32>
    %broadcast_in_dim3A_211 = vector.shape_cast %reduce_sum3A_210 : vector<64xf32> to vector<1x64xf32>
    %slice3A_212 = vector.extract_strided_slice %concatenate3A {offsets = [3584, 0], sizes = [128, 64], strides = [1, 1]} : vector<4096x64xf32> to vector<128x64xf32>
    %dot_general3A_213 = arith.constant dense<0.000000e+00> : vector<128x64xf32>
    %dot_general3A_214 = tpu.matmul %convert_element_type3A_44, %slice3A_212, %dot_general3A_213 {dimension_numbers = #tpu.dot_dimension_numbers<[1], [0], [0], [1], [0, 0, 1, 1], [], []>, transpose_lhs_hint = false} : vector<128x128xf32>, vector<128x64xf32>, vector<128x64xf32> -> vector<128x64xf32>
    %reduce_sum3A_215 = arith.constant dense<0.000000e+00> : vector<64xf32>
    %reduce_sum3A_216 = vector.multi_reduction <add>, %slice3A_212, %reduce_sum3A_215 [0] : vector<128x64xf32> to vector<64xf32>
    %broadcast_in_dim3A_217 = vector.shape_cast %reduce_sum3A_216 : vector<64xf32> to vector<1x64xf32>
    %slice3A_218 = vector.extract_strided_slice %concatenate3A {offsets = [3712, 0], sizes = [128, 64], strides = [1, 1]} : vector<4096x64xf32> to vector<128x64xf32>
    %dot_general3A_219 = arith.constant dense<0.000000e+00> : vector<128x64xf32>
    %dot_general3A_220 = tpu.matmul %convert_element_type3A_44, %slice3A_218, %dot_general3A_219 {dimension_numbers = #tpu.dot_dimension_numbers<[1], [0], [0], [1], [0, 0, 1, 1], [], []>, transpose_lhs_hint = false} : vector<128x128xf32>, vector<128x64xf32>, vector<128x64xf32> -> vector<128x64xf32>
    %reduce_sum3A_221 = arith.constant dense<0.000000e+00> : vector<64xf32>
    %reduce_sum3A_222 = vector.multi_reduction <add>, %slice3A_218, %reduce_sum3A_221 [0] : vector<128x64xf32> to vector<64xf32>
    %broadcast_in_dim3A_223 = vector.shape_cast %reduce_sum3A_222 : vector<64xf32> to vector<1x64xf32>
    %slice3A_224 = vector.extract_strided_slice %concatenate3A {offsets = [3840, 0], sizes = [128, 64], strides = [1, 1]} : vector<4096x64xf32> to vector<128x64xf32>
    %dot_general3A_225 = arith.constant dense<0.000000e+00> : vector<128x64xf32>
    %dot_general3A_226 = tpu.matmul %convert_element_type3A_44, %slice3A_224, %dot_general3A_225 {dimension_numbers = #tpu.dot_dimension_numbers<[1], [0], [0], [1], [0, 0, 1, 1], [], []>, transpose_lhs_hint = false} : vector<128x128xf32>, vector<128x64xf32>, vector<128x64xf32> -> vector<128x64xf32>
    %reduce_sum3A_227 = arith.constant dense<0.000000e+00> : vector<64xf32>
    %reduce_sum3A_228 = vector.multi_reduction <add>, %slice3A_224, %reduce_sum3A_227 [0] : vector<128x64xf32> to vector<64xf32>
    %broadcast_in_dim3A_229 = vector.shape_cast %reduce_sum3A_228 : vector<64xf32> to vector<1x64xf32>
    %slice3A_230 = vector.extract_strided_slice %concatenate3A {offsets = [3968, 0], sizes = [128, 64], strides = [1, 1]} : vector<4096x64xf32> to vector<128x64xf32>
    %dot_general3A_231 = arith.constant dense<0.000000e+00> : vector<128x64xf32>
    %dot_general3A_232 = tpu.matmul %convert_element_type3A_44, %slice3A_230, %dot_general3A_231 {dimension_numbers = #tpu.dot_dimension_numbers<[1], [0], [0], [1], [0, 0, 1, 1], [], []>, transpose_lhs_hint = false} : vector<128x128xf32>, vector<128x64xf32>, vector<128x64xf32> -> vector<128x64xf32>
    %reduce_sum3A_233 = arith.constant dense<0.000000e+00> : vector<64xf32>
    %reduce_sum3A_234 = vector.multi_reduction <add>, %slice3A_230, %reduce_sum3A_233 [0] : vector<128x64xf32> to vector<64xf32>
    %broadcast_in_dim3A_235 = vector.shape_cast %reduce_sum3A_234 : vector<64xf32> to vector<1x64xf32>
    %concatenate3A_236 = tpu.concatenate %broadcast_in_dim3A_49, %broadcast_in_dim3A_55, %broadcast_in_dim3A_61, %broadcast_in_dim3A_67, %broadcast_in_dim3A_73, %broadcast_in_dim3A_79, %broadcast_in_dim3A_85, %broadcast_in_dim3A_91, %broadcast_in_dim3A_97, %broadcast_in_dim3A_103, %broadcast_in_dim3A_109, %broadcast_in_dim3A_115, %broadcast_in_dim3A_121, %broadcast_in_dim3A_127, %broadcast_in_dim3A_133, %broadcast_in_dim3A_139, %broadcast_in_dim3A_145, %broadcast_in_dim3A_151, %broadcast_in_dim3A_157, %broadcast_in_dim3A_163, %broadcast_in_dim3A_169, %broadcast_in_dim3A_175, %broadcast_in_dim3A_181, %broadcast_in_dim3A_187, %broadcast_in_dim3A_193, %broadcast_in_dim3A_199, %broadcast_in_dim3A_205, %broadcast_in_dim3A_211, %broadcast_in_dim3A_217, %broadcast_in_dim3A_223, %broadcast_in_dim3A_229, %broadcast_in_dim3A_235 in 0 : vector<1x64xf32>, vector<1x64xf32>, vector<1x64xf32>, vector<1x64xf32>, vector<1x64xf32>, vector<1x64xf32>, vector<1x64xf32>, vector<1x64xf32>, vector<1x64xf32>, vector<1x64xf32>, vector<1x64xf32>, vector<1x64xf32>, vector<1x64xf32>, vector<1x64xf32>, vector<1x64xf32>, vector<1x64xf32>, vector<1x64xf32>, vector<1x64xf32>, vector<1x64xf32>, vector<1x64xf32>, vector<1x64xf32>, vector<1x64xf32>, vector<1x64xf32>, vector<1x64xf32>, vector<1x64xf32>, vector<1x64xf32>, vector<1x64xf32>, vector<1x64xf32>, vector<1x64xf32>, vector<1x64xf32>, vector<1x64xf32>, vector<1x64xf32> -> vector<32x64xf32>
    %iota3A_237 = tpu.iota {dimensions = array<i32: 0>} : vector<32x32xi32>
    %iota3A_238 = tpu.iota {dimensions = array<i32: 1>} : vector<32x32xi32>
    %gt3A_239 = arith.cmpi sgt, %iota3A_237, %iota3A_238 : vector<32x32xi32>
    %convert_element_type3A_240 = arith.extui %gt3A_239 : vector<32x32xi1> to vector<32x32xi32>
    %convert_element_type3A_241 = arith.sitofp %convert_element_type3A_240 : vector<32x32xi32> to vector<32x32xf32>
    %dot_general3A_242 = arith.constant dense<0.000000e+00> : vector<32x64xf32>
    %dot_general3A_243 = tpu.matmul %convert_element_type3A_241, %concatenate3A_236, %dot_general3A_242 {dimension_numbers = #tpu.dot_dimension_numbers<[1], [0], [0], [1], [0, 0, 1, 1], [], []>, transpose_lhs_hint = false} : vector<32x32xf32>, vector<32x64xf32>, vector<32x64xf32> -> vector<32x64xf32>
    %slice3A_244 = vector.extract_strided_slice %dot_general3A_243 {offsets = [0, 0], sizes = [1, 64], strides = [1, 1]} : vector<32x64xf32> to vector<1x64xf32>
    %add3A = vector.broadcast %slice3A_244 : vector<1x64xf32> to vector<128x64xf32>
    %add3A_245 = arith.addf %dot_general3A_46, %add3A : vector<128x64xf32>
    %slice3A_246 = vector.extract_strided_slice %dot_general3A_243 {offsets = [1, 0], sizes = [1, 64], strides = [1, 1]} : vector<32x64xf32> to vector<1x64xf32>
    %add3A_247 = vector.broadcast %slice3A_246 : vector<1x64xf32> to vector<128x64xf32>
    %add3A_248 = arith.addf %dot_general3A_52, %add3A_247 : vector<128x64xf32>
    %slice3A_249 = vector.extract_strided_slice %dot_general3A_243 {offsets = [2, 0], sizes = [1, 64], strides = [1, 1]} : vector<32x64xf32> to vector<1x64xf32>
    %add3A_250 = vector.broadcast %slice3A_249 : vector<1x64xf32> to vector<128x64xf32>
    %add3A_251 = arith.addf %dot_general3A_58, %add3A_250 : vector<128x64xf32>
    %slice3A_252 = vector.extract_strided_slice %dot_general3A_243 {offsets = [3, 0], sizes = [1, 64], strides = [1, 1]} : vector<32x64xf32> to vector<1x64xf32>
    %add3A_253 = vector.broadcast %slice3A_252 : vector<1x64xf32> to vector<128x64xf32>
    %add3A_254 = arith.addf %dot_general3A_64, %add3A_253 : vector<128x64xf32>
    %slice3A_255 = vector.extract_strided_slice %dot_general3A_243 {offsets = [4, 0], sizes = [1, 64], strides = [1, 1]} : vector<32x64xf32> to vector<1x64xf32>
    %add3A_256 = vector.broadcast %slice3A_255 : vector<1x64xf32> to vector<128x64xf32>
    %add3A_257 = arith.addf %dot_general3A_70, %add3A_256 : vector<128x64xf32>
    %slice3A_258 = vector.extract_strided_slice %dot_general3A_243 {offsets = [5, 0], sizes = [1, 64], strides = [1, 1]} : vector<32x64xf32> to vector<1x64xf32>
    %add3A_259 = vector.broadcast %slice3A_258 : vector<1x64xf32> to vector<128x64xf32>
    %add3A_260 = arith.addf %dot_general3A_76, %add3A_259 : vector<128x64xf32>
    %slice3A_261 = vector.extract_strided_slice %dot_general3A_243 {offsets = [6, 0], sizes = [1, 64], strides = [1, 1]} : vector<32x64xf32> to vector<1x64xf32>
    %add3A_262 = vector.broadcast %slice3A_261 : vector<1x64xf32> to vector<128x64xf32>
    %add3A_263 = arith.addf %dot_general3A_82, %add3A_262 : vector<128x64xf32>
    %slice3A_264 = vector.extract_strided_slice %dot_general3A_243 {offsets = [7, 0], sizes = [1, 64], strides = [1, 1]} : vector<32x64xf32> to vector<1x64xf32>
    %add3A_265 = vector.broadcast %slice3A_264 : vector<1x64xf32> to vector<128x64xf32>
    %add3A_266 = arith.addf %dot_general3A_88, %add3A_265 : vector<128x64xf32>
    %slice3A_267 = vector.extract_strided_slice %dot_general3A_243 {offsets = [8, 0], sizes = [1, 64], strides = [1, 1]} : vector<32x64xf32> to vector<1x64xf32>
    %add3A_268 = vector.broadcast %slice3A_267 : vector<1x64xf32> to vector<128x64xf32>
    %add3A_269 = arith.addf %dot_general3A_94, %add3A_268 : vector<128x64xf32>
    %slice3A_270 = vector.extract_strided_slice %dot_general3A_243 {offsets = [9, 0], sizes = [1, 64], strides = [1, 1]} : vector<32x64xf32> to vector<1x64xf32>
    %add3A_271 = vector.broadcast %slice3A_270 : vector<1x64xf32> to vector<128x64xf32>
    %add3A_272 = arith.addf %dot_general3A_100, %add3A_271 : vector<128x64xf32>
    %slice3A_273 = vector.extract_strided_slice %dot_general3A_243 {offsets = [10, 0], sizes = [1, 64], strides = [1, 1]} : vector<32x64xf32> to vector<1x64xf32>
    %add3A_274 = vector.broadcast %slice3A_273 : vector<1x64xf32> to vector<128x64xf32>
    %add3A_275 = arith.addf %dot_general3A_106, %add3A_274 : vector<128x64xf32>
    %slice3A_276 = vector.extract_strided_slice %dot_general3A_243 {offsets = [11, 0], sizes = [1, 64], strides = [1, 1]} : vector<32x64xf32> to vector<1x64xf32>
    %add3A_277 = vector.broadcast %slice3A_276 : vector<1x64xf32> to vector<128x64xf32>
    %add3A_278 = arith.addf %dot_general3A_112, %add3A_277 : vector<128x64xf32>
    %slice3A_279 = vector.extract_strided_slice %dot_general3A_243 {offsets = [12, 0], sizes = [1, 64], strides = [1, 1]} : vector<32x64xf32> to vector<1x64xf32>
    %add3A_280 = vector.broadcast %slice3A_279 : vector<1x64xf32> to vector<128x64xf32>
    %add3A_281 = arith.addf %dot_general3A_118, %add3A_280 : vector<128x64xf32>
    %slice3A_282 = vector.extract_strided_slice %dot_general3A_243 {offsets = [13, 0], sizes = [1, 64], strides = [1, 1]} : vector<32x64xf32> to vector<1x64xf32>
    %add3A_283 = vector.broadcast %slice3A_282 : vector<1x64xf32> to vector<128x64xf32>
    %add3A_284 = arith.addf %dot_general3A_124, %add3A_283 : vector<128x64xf32>
    %slice3A_285 = vector.extract_strided_slice %dot_general3A_243 {offsets = [14, 0], sizes = [1, 64], strides = [1, 1]} : vector<32x64xf32> to vector<1x64xf32>
    %add3A_286 = vector.broadcast %slice3A_285 : vector<1x64xf32> to vector<128x64xf32>
    %add3A_287 = arith.addf %dot_general3A_130, %add3A_286 : vector<128x64xf32>
    %slice3A_288 = vector.extract_strided_slice %dot_general3A_243 {offsets = [15, 0], sizes = [1, 64], strides = [1, 1]} : vector<32x64xf32> to vector<1x64xf32>
    %add3A_289 = vector.broadcast %slice3A_288 : vector<1x64xf32> to vector<128x64xf32>
    %add3A_290 = arith.addf %dot_general3A_136, %add3A_289 : vector<128x64xf32>
    %slice3A_291 = vector.extract_strided_slice %dot_general3A_243 {offsets = [16, 0], sizes = [1, 64], strides = [1, 1]} : vector<32x64xf32> to vector<1x64xf32>
    %add3A_292 = vector.broadcast %slice3A_291 : vector<1x64xf32> to vector<128x64xf32>
    %add3A_293 = arith.addf %dot_general3A_142, %add3A_292 : vector<128x64xf32>
    %slice3A_294 = vector.extract_strided_slice %dot_general3A_243 {offsets = [17, 0], sizes = [1, 64], strides = [1, 1]} : vector<32x64xf32> to vector<1x64xf32>
    %add3A_295 = vector.broadcast %slice3A_294 : vector<1x64xf32> to vector<128x64xf32>
    %add3A_296 = arith.addf %dot_general3A_148, %add3A_295 : vector<128x64xf32>
    %slice3A_297 = vector.extract_strided_slice %dot_general3A_243 {offsets = [18, 0], sizes = [1, 64], strides = [1, 1]} : vector<32x64xf32> to vector<1x64xf32>
    %add3A_298 = vector.broadcast %slice3A_297 : vector<1x64xf32> to vector<128x64xf32>
    %add3A_299 = arith.addf %dot_general3A_154, %add3A_298 : vector<128x64xf32>
    %slice3A_300 = vector.extract_strided_slice %dot_general3A_243 {offsets = [19, 0], sizes = [1, 64], strides = [1, 1]} : vector<32x64xf32> to vector<1x64xf32>
    %add3A_301 = vector.broadcast %slice3A_300 : vector<1x64xf32> to vector<128x64xf32>
    %add3A_302 = arith.addf %dot_general3A_160, %add3A_301 : vector<128x64xf32>
    %slice3A_303 = vector.extract_strided_slice %dot_general3A_243 {offsets = [20, 0], sizes = [1, 64], strides = [1, 1]} : vector<32x64xf32> to vector<1x64xf32>
    %add3A_304 = vector.broadcast %slice3A_303 : vector<1x64xf32> to vector<128x64xf32>
    %add3A_305 = arith.addf %dot_general3A_166, %add3A_304 : vector<128x64xf32>
    %slice3A_306 = vector.extract_strided_slice %dot_general3A_243 {offsets = [21, 0], sizes = [1, 64], strides = [1, 1]} : vector<32x64xf32> to vector<1x64xf32>
    %add3A_307 = vector.broadcast %slice3A_306 : vector<1x64xf32> to vector<128x64xf32>
    %add3A_308 = arith.addf %dot_general3A_172, %add3A_307 : vector<128x64xf32>
    %slice3A_309 = vector.extract_strided_slice %dot_general3A_243 {offsets = [22, 0], sizes = [1, 64], strides = [1, 1]} : vector<32x64xf32> to vector<1x64xf32>
    %add3A_310 = vector.broadcast %slice3A_309 : vector<1x64xf32> to vector<128x64xf32>
    %add3A_311 = arith.addf %dot_general3A_178, %add3A_310 : vector<128x64xf32>
    %slice3A_312 = vector.extract_strided_slice %dot_general3A_243 {offsets = [23, 0], sizes = [1, 64], strides = [1, 1]} : vector<32x64xf32> to vector<1x64xf32>
    %add3A_313 = vector.broadcast %slice3A_312 : vector<1x64xf32> to vector<128x64xf32>
    %add3A_314 = arith.addf %dot_general3A_184, %add3A_313 : vector<128x64xf32>
    %slice3A_315 = vector.extract_strided_slice %dot_general3A_243 {offsets = [24, 0], sizes = [1, 64], strides = [1, 1]} : vector<32x64xf32> to vector<1x64xf32>
    %add3A_316 = vector.broadcast %slice3A_315 : vector<1x64xf32> to vector<128x64xf32>
    %add3A_317 = arith.addf %dot_general3A_190, %add3A_316 : vector<128x64xf32>
    %slice3A_318 = vector.extract_strided_slice %dot_general3A_243 {offsets = [25, 0], sizes = [1, 64], strides = [1, 1]} : vector<32x64xf32> to vector<1x64xf32>
    %add3A_319 = vector.broadcast %slice3A_318 : vector<1x64xf32> to vector<128x64xf32>
    %add3A_320 = arith.addf %dot_general3A_196, %add3A_319 : vector<128x64xf32>
    %slice3A_321 = vector.extract_strided_slice %dot_general3A_243 {offsets = [26, 0], sizes = [1, 64], strides = [1, 1]} : vector<32x64xf32> to vector<1x64xf32>
    %add3A_322 = vector.broadcast %slice3A_321 : vector<1x64xf32> to vector<128x64xf32>
    %add3A_323 = arith.addf %dot_general3A_202, %add3A_322 : vector<128x64xf32>
    %slice3A_324 = vector.extract_strided_slice %dot_general3A_243 {offsets = [27, 0], sizes = [1, 64], strides = [1, 1]} : vector<32x64xf32> to vector<1x64xf32>
    %add3A_325 = vector.broadcast %slice3A_324 : vector<1x64xf32> to vector<128x64xf32>
    %add3A_326 = arith.addf %dot_general3A_208, %add3A_325 : vector<128x64xf32>
    %slice3A_327 = vector.extract_strided_slice %dot_general3A_243 {offsets = [28, 0], sizes = [1, 64], strides = [1, 1]} : vector<32x64xf32> to vector<1x64xf32>
    %add3A_328 = vector.broadcast %slice3A_327 : vector<1x64xf32> to vector<128x64xf32>
    %add3A_329 = arith.addf %dot_general3A_214, %add3A_328 : vector<128x64xf32>
    %slice3A_330 = vector.extract_strided_slice %dot_general3A_243 {offsets = [29, 0], sizes = [1, 64], strides = [1, 1]} : vector<32x64xf32> to vector<1x64xf32>
    %add3A_331 = vector.broadcast %slice3A_330 : vector<1x64xf32> to vector<128x64xf32>
    %add3A_332 = arith.addf %dot_general3A_220, %add3A_331 : vector<128x64xf32>
    %slice3A_333 = vector.extract_strided_slice %dot_general3A_243 {offsets = [30, 0], sizes = [1, 64], strides = [1, 1]} : vector<32x64xf32> to vector<1x64xf32>
    %add3A_334 = vector.broadcast %slice3A_333 : vector<1x64xf32> to vector<128x64xf32>
    %add3A_335 = arith.addf %dot_general3A_226, %add3A_334 : vector<128x64xf32>
    %slice3A_336 = vector.extract_strided_slice %dot_general3A_243 {offsets = [31, 0], sizes = [1, 64], strides = [1, 1]} : vector<32x64xf32> to vector<1x64xf32>
    %add3A_337 = vector.broadcast %slice3A_336 : vector<1x64xf32> to vector<128x64xf32>
    %add3A_338 = arith.addf %dot_general3A_232, %add3A_337 : vector<128x64xf32>
    %concatenate3A_339 = tpu.concatenate %add3A_245, %add3A_248, %add3A_251, %add3A_254, %add3A_257, %add3A_260, %add3A_263, %add3A_266, %add3A_269, %add3A_272, %add3A_275, %add3A_278, %add3A_281, %add3A_284, %add3A_287, %add3A_290, %add3A_293, %add3A_296, %add3A_299, %add3A_302, %add3A_305, %add3A_308, %add3A_311, %add3A_314, %add3A_317, %add3A_320, %add3A_323, %add3A_326, %add3A_329, %add3A_332, %add3A_335, %add3A_338 in 0 : vector<128x64xf32>, vector<128x64xf32>, vector<128x64xf32>, vector<128x64xf32>, vector<128x64xf32>, vector<128x64xf32>, vector<128x64xf32>, vector<128x64xf32>, vector<128x64xf32>, vector<128x64xf32>, vector<128x64xf32>, vector<128x64xf32>, vector<128x64xf32>, vector<128x64xf32>, vector<128x64xf32>, vector<128x64xf32>, vector<128x64xf32>, vector<128x64xf32>, vector<128x64xf32>, vector<128x64xf32>, vector<128x64xf32>, vector<128x64xf32>, vector<128x64xf32>, vector<128x64xf32>, vector<128x64xf32>, vector<128x64xf32>, vector<128x64xf32>, vector<128x64xf32>, vector<128x64xf32>, vector<128x64xf32>, vector<128x64xf32>, vector<128x64xf32> -> vector<4096x64xf32>
    %reduce_sum3A_340 = arith.constant dense<0.000000e+00> : vector<64xf32>
    %reduce_sum3A_341 = vector.multi_reduction <add>, %concatenate3A_236, %reduce_sum3A_340 [0] : vector<32x64xf32> to vector<64xf32>
    %broadcast_in_dim3A_342 = vector.shape_cast %reduce_sum3A_341 : vector<64xf32> to vector<1x64xf32>
    %add3A_343 = arith.constant 1.270000e+02 : f32
    %add3A_344 = vector.broadcast %add3A_343 : f32 to vector<1x64xf32>
    %add3A_345 = arith.addf %broadcast_in_dim3A_342, %add3A_344 : vector<1x64xf32>
    %div3A_346 = arith.constant 1.280000e+02 : f32
    %div3A_347 = vector.broadcast %div3A_346 : f32 to vector<1x64xf32>
    %div3A_348 = arith.divf %add3A_345, %div3A_347 : vector<1x64xf32>
    %floor3A = math.floor %div3A_348 : vector<1x64xf32>
    %mul3A = arith.constant 1.280000e+02 : f32
    %mul3A_349 = vector.broadcast %mul3A : f32 to vector<1x64xf32>
    %mul3A_350 = arith.mulf %floor3A, %mul3A_349 : vector<1x64xf32>
    %iota3A_351 = tpu.iota {dimensions = array<i32: 0>} : vector<64x64xi32>
    %iota3A_352 = tpu.iota {dimensions = array<i32: 1>} : vector<64x64xi32>
    %gt3A_353 = arith.cmpi sgt, %iota3A_351, %iota3A_352 : vector<64x64xi32>
    %convert_element_type3A_354 = arith.extui %gt3A_353 : vector<64x64xi1> to vector<64x64xi32>
    %convert_element_type3A_355 = arith.sitofp %convert_element_type3A_354 : vector<64x64xi32> to vector<64x64xf32>
    %sub3A_356 = arith.constant 1.000000e+00 : f32
    %sub3A_357 = vector.broadcast %sub3A_356 : f32 to vector<64x64xf32>
    %sub3A_358 = arith.subf %sub3A_357, %convert_element_type3A_355 : vector<64x64xf32>
    %iota3A_359 = tpu.iota {dimensions = array<i32: 0>} : vector<64x64xi32>
    %iota3A_360 = tpu.iota {dimensions = array<i32: 1>} : vector<64x64xi32>
    %add3A_361 = arith.constant 0 : i32
    %add3A_362 = vector.broadcast %add3A_361 : i32 to vector<64x64xi32>
    %add3A_363 = arith.addi %iota3A_359, %add3A_362 : vector<64x64xi32>
    %eq3A_364 = arith.cmpi eq, %add3A_363, %iota3A_360 : vector<64x64xi32>
    %convert_element_type3A_365 = arith.extui %eq3A_364 : vector<64x64xi1> to vector<64x64xi32>
    %convert_element_type3A_366 = arith.sitofp %convert_element_type3A_365 : vector<64x64xi32> to vector<64x64xf32>
    %sub3A_367 = arith.subf %sub3A_358, %convert_element_type3A_366 : vector<64x64xf32>
    %dot_general3A_368 = arith.constant dense<0.000000e+00> : vector<1x64xf32>
    %dot_general3A_369 = tpu.matmul %mul3A_350, %sub3A_367, %dot_general3A_368 {dimension_numbers = #tpu.dot_dimension_numbers<[1], [0], [0], [1], [0, 0, 1, 1], [], []>, transpose_lhs_hint = false} : vector<1x64xf32>, vector<64x64xf32>, vector<1x64xf32> -> vector<1x64xf32>
    %add3A_370 = vector.broadcast %dot_general3A_369 : vector<1x64xf32> to vector<4096x64xf32>
    %add3A_371 = arith.addf %concatenate3A_339, %add3A_370 : vector<4096x64xf32>
    %mul3A_372 = arith.mulf %concatenate3A, %add3A_371 : vector<4096x64xf32>
    %reduce_sum3A_373 = arith.constant dense<0.000000e+00> : vector<4096xf32>
    %reduce_sum3A_374 = vector.multi_reduction <add>, %mul3A_372, %reduce_sum3A_373 [1] : vector<4096x64xf32> to vector<4096xf32>
    %convert_element_type3A_375 = arith.fptosi %reduce_sum3A_374 : vector<4096xf32> to vector<4096xi32>
    %swap3A = arith.constant 0 : index
    %swap3A_376 = vector.load %arg2[%swap3A] : memref<4096xi32, #tpu.memory_space<vmem>>, vector<4096xi32>
    tpu.vector_store %arg2[%swap3A], %convert_element_type3A_375 {strides = array<i32>} : memref<4096xi32, #tpu.memory_space<vmem>>, vector<4096xi32>,
    %squeeze3A = vector.shape_cast %broadcast_in_dim3A_13 : vector<2048x1xf32> to vector<2048xf32>
    %squeeze3A_377 = vector.shape_cast %broadcast_in_dim3A_25 : vector<2048x1xf32> to vector<2048xf32>
    %concatenate3A_378 = tpu.concatenate %squeeze3A, %squeeze3A_377 in 0 : vector<2048xf32>, vector<2048xf32> -> vector<4096xf32>
    %swap3A_379 = arith.constant 0 : index
    %swap3A_380 = vector.load %arg3[%swap3A_379] : memref<4096xf32, #tpu.memory_space<vmem>>, vector<4096xf32>
    tpu.vector_store %arg3[%swap3A_379], %concatenate3A_378 {strides = array<i32>} : memref<4096xf32, #tpu.memory_space<vmem>>, vector<4096xf32>,
    %iota3A_381 = tpu.iota {dimensions = array<i32: 0>} : vector<128x64xi32>
    %mul3A_382 = arith.constant 128 : i32
    %mul3A_383 = vector.broadcast %mul3A_382 : i32 to vector<128x64xi32>
    %mul3A_384 = arith.muli %iota3A_381, %mul3A_383 : vector<128x64xi32>
    %convert_element_type3A_385 = arith.sitofp %mul3A_384 : vector<128x64xi32> to vector<128x64xf32>
    %le3A = vector.broadcast %dot_general3A_369 : vector<1x64xf32> to vector<128x64xf32>
    %le3A_386 = arith.cmpf ole, %le3A, %convert_element_type3A_385 : vector<128x64xf32>
    %convert_element_type3A_387 = arith.extui %le3A_386 : vector<128x64xi1> to vector<128x64xi32>
    %reduce_sum3A_388 = arith.constant dense<0> : vector<128xi32>
    %reduce_sum3A_389 = vector.multi_reduction <add>, %convert_element_type3A_387, %reduce_sum3A_388 [1] : vector<128x64xi32> to vector<128xi32>
    %sub3A_390 = arith.constant 1 : i32
    %sub3A_391 = vector.broadcast %sub3A_390 : i32 to vector<128xi32>
    %sub3A_392 = arith.subi %reduce_sum3A_389, %sub3A_391 : vector<128xi32>
    %jit3A_393 = arith.constant 0 : i32
    %jit3A_394 = arith.constant 63 : i32
    %max3A = vector.broadcast %jit3A_393 : i32 to vector<128xi32>
    %max3A_395 = arith.maxsi %max3A, %sub3A_392 : vector<128xi32>
    %min3A = vector.broadcast %jit3A_394 : i32 to vector<128xi32>
    %min3A_396 = arith.minsi %min3A, %max3A_395 : vector<128xi32>
    %swap3A_397 = arith.constant 0 : index
    %swap3A_398 = vector.load %arg4[%swap3A_397] : memref<128xi32, #tpu.memory_space<vmem>>, vector<128xi32>
    tpu.vector_store %arg4[%swap3A_397], %min3A_396 {strides = array<i32>} : memref<128xi32, #tpu.memory_space<vmem>>, vector<128xi32>,
    %reduce_sum3A_399 = vector.shape_cast %mul3A_350 : vector<1x64xf32> to vector<1x1x64xf32>
    %reduce_sum3A_400 = arith.constant dense<0.000000e+00> : vector<1xf32>
    %reduce_sum3A_401 = vector.multi_reduction <add>, %reduce_sum3A_399, %reduce_sum3A_400 [1, 2] : vector<1x1x64xf32> to vector<1xf32>
    %reduce_sum3A_402 = vector.shape_cast %reduce_sum3A_401 : vector<1xf32> to vector<1x1x1xf32>
    %reduce_sum3A_403 = vector.extract %reduce_sum3A_402[0, 0, 0] : f32 from vector<1x1x1xf32>
    %iota3A_404 = tpu.iota {dimensions = array<i32: 1>} : vector<1x128xi32>
    %iota3A_405 = vector.shape_cast %iota3A_404 : vector<1x128xi32> to vector<128xi32>
    %mul3A_406 = arith.constant 128 : i32
    %mul3A_407 = vector.broadcast %mul3A_406 : i32 to vector<128xi32>
    %mul3A_408 = arith.muli %iota3A_405, %mul3A_407 : vector<128xi32>
    %convert_element_type3A_409 = arith.sitofp %mul3A_408 : vector<128xi32> to vector<128xf32>
    %lt3A = vector.broadcast %reduce_sum3A_403 : f32 to vector<128xf32>
    %lt3A_410 = arith.cmpf olt, %convert_element_type3A_409, %lt3A : vector<128xf32>
    %jit3A_411 = arith.constant 96 : i32
    %broadcast_in_dim3A_412 = vector.broadcast %jit3A_411 : i32 to vector<128xi32>
    %select_n3A_413 = arith.select %lt3A_410, %iota3A_405, %broadcast_in_dim3A_412 : vector<128xi1>, vector<128xi32>
    %swap3A_414 = arith.constant 0 : index
    %swap3A_415 = vector.load %arg5[%swap3A_414] : memref<128xi32, #tpu.memory_space<vmem>>, vector<128xi32>
    tpu.vector_store %arg5[%swap3A_414], %select_n3A_413 {strides = array<i32>} : memref<128xi32, #tpu.memory_space<vmem>>, vector<128xi32>,
    return
  }
}

module attributes {stable_mosaic.version = 14 : i64} {
  func.func @_expert_body(%arg0: i32, %arg1: memref<128xi32, #tpu.memory_space<smem>>, %arg2: memref<128xi32, #tpu.memory_space<smem>>, %arg3: memref<128x768xf32, #tpu.memory_space<vmem>>, %arg4: memref<1x768x1024xf32, #tpu.memory_space<vmem>>, %arg5: memref<1x512x768xf32, #tpu.memory_space<vmem>>, %arg6: memref<128x1xf32, #tpu.memory_space<vmem>>, %arg7: memref<128x768xf32, #tpu.memory_space<vmem>>) attributes {dimension_semantics = [#tpu.dimension_semantics<arbitrary>], iteration_bounds = array<i64: 96>, scalar_prefetch = 2 : i64, scratch_operands = 0 : i64, tpu.core_type = #tpu.core_type<tc>, window_params = [{transform_indices = @transform_0, window_bounds = array<i64: 128, 768>}, {transform_indices = @transform_1, window_bounds = array<i64: 1, 768, 1024>}, {transform_indices = @transform_2, window_bounds = array<i64: 1, 512, 768>}, {transform_indices = @transform_3, window_bounds = array<i64: 128, 1>}, {transform_indices = @transform_4, window_bounds = array<i64: 128, 768>}]} {
    %get3A = arith.constant 0 : index
    %get3A_0 = arith.constant 0 : index
    %get3A_1 = vector.load %arg3[%get3A, %get3A_0] : memref<128x768xf32, #tpu.memory_space<vmem>>, vector<128x768xf32>
    %convert_element_type3A = arith.truncf %get3A_1 : vector<128x768xf32> to vector<128x768xbf16>
    %get3A_2 = arith.constant 0 : index
    %get3A_3 = arith.constant 0 : index
    %get3A_4 = arith.constant 0 : index
    %get3A_5 = vector.load %arg4[%get3A_2, %get3A_3, %get3A_4] : memref<1x768x1024xf32, #tpu.memory_space<vmem>>, vector<1x768x1024xf32>
    %get3A_6 = vector.shape_cast %get3A_5 : vector<1x768x1024xf32> to vector<768x1024xf32>
    %convert_element_type3A_7 = arith.truncf %get3A_6 : vector<768x1024xf32> to vector<768x1024xbf16>
    %dot_general3A = arith.constant dense<0.000000e+00> : vector<128x1024xf32>
    %dot_general3A_8 = tpu.matmul %convert_element_type3A, %convert_element_type3A_7, %dot_general3A {dimension_numbers = #tpu.dot_dimension_numbers<[1], [0], [0], [1], [0, 0, 1, 1], [], []>, transpose_lhs_hint = false} : vector<128x768xbf16>, vector<768x1024xbf16>, vector<128x1024xf32> -> vector<128x1024xf32>
    %slice3A = vector.extract_strided_slice %dot_general3A_8 {offsets = [0, 0], sizes = [128, 512], strides = [1, 1]} : vector<128x1024xf32> to vector<128x512xf32>
    %slice3A_9 = vector.extract_strided_slice %dot_general3A_8 {offsets = [0, 512], sizes = [128, 512], strides = [1, 1]} : vector<128x1024xf32> to vector<128x512xf32>
    %logistic3A = arith.negf %slice3A : vector<128x512xf32>
    %logistic3A_10 = math.exp %logistic3A : vector<128x512xf32>
    %logistic3A_11 = arith.constant 1.000000e+00 : f32
    %logistic3A_12 = vector.broadcast %logistic3A_11 : f32 to vector<128x512xf32>
    %logistic3A_13 = arith.addf %logistic3A_12, %logistic3A_10 : vector<128x512xf32>
    %logistic3A_14 = arith.divf %logistic3A_12, %logistic3A_13 : vector<128x512xf32>
    %mul3A = arith.mulf %slice3A, %logistic3A_14 : vector<128x512xf32>
    %mul3A_15 = arith.mulf %mul3A, %slice3A_9 : vector<128x512xf32>
    %convert_element_type3A_16 = arith.truncf %mul3A_15 : vector<128x512xf32> to vector<128x512xbf16>
    %get3A_17 = arith.constant 0 : index
    %get3A_18 = arith.constant 0 : index
    %get3A_19 = arith.constant 0 : index
    %get3A_20 = vector.load %arg5[%get3A_17, %get3A_18, %get3A_19] : memref<1x512x768xf32, #tpu.memory_space<vmem>>, vector<1x512x768xf32>
    %get3A_21 = vector.shape_cast %get3A_20 : vector<1x512x768xf32> to vector<512x768xf32>
    %convert_element_type3A_22 = arith.truncf %get3A_21 : vector<512x768xf32> to vector<512x768xbf16>
    %dot_general3A_23 = arith.constant dense<0.000000e+00> : vector<128x768xf32>
    %dot_general3A_24 = tpu.matmul %convert_element_type3A_16, %convert_element_type3A_22, %dot_general3A_23 {dimension_numbers = #tpu.dot_dimension_numbers<[1], [0], [0], [1], [0, 0, 1, 1], [], []>, transpose_lhs_hint = false} : vector<128x512xbf16>, vector<512x768xbf16>, vector<128x768xf32> -> vector<128x768xf32>
    %get3A_25 = arith.constant 0 : index
    %get3A_26 = arith.constant 0 : index
    %get3A_27 = vector.load %arg6[%get3A_25, %get3A_26] : memref<128x1xf32, #tpu.memory_space<vmem>>, vector<128x1xf32>
    %mul3A_28 = vector.broadcast %get3A_27 : vector<128x1xf32> to vector<128x768xf32>
    %mul3A_29 = arith.mulf %dot_general3A_24, %mul3A_28 : vector<128x768xf32>
    %swap3A = arith.constant 0 : index
    %swap3A_30 = arith.constant 0 : index
    %swap3A_31 = vector.load %arg7[%swap3A, %swap3A_30] : memref<128x768xf32, #tpu.memory_space<vmem>>, vector<128x768xf32>
    tpu.vector_store %arg7[%swap3A, %swap3A_30], %mul3A_29 {strides = array<i32>} : memref<128x768xf32, #tpu.memory_space<vmem>>, vector<128x768xf32>,
    return
  }
  func.func @transform_0(%arg0: i32, %arg1: memref<128xi32, #tpu.memory_space<smem>>, %arg2: memref<128xi32, #tpu.memory_space<smem>>) -> (i32, i32) {
    %get3A = arith.index_cast %arg0 : i32 to index
    %get3A_0 = memref.load %arg2[%get3A] : memref<128xi32, #tpu.memory_space<smem>>
    %c0_i32 = arith.constant 0 : i32
    %c0_i32_1 = arith.constant 0 : i32
    return %get3A_0, %c0_i32 : i32, i32
  }
  func.func @transform_1(%arg0: i32, %arg1: memref<128xi32, #tpu.memory_space<smem>>, %arg2: memref<128xi32, #tpu.memory_space<smem>>) -> (i32, i32, i32) {
    %get3A = arith.index_cast %arg0 : i32 to index
    %get3A_0 = memref.load %arg1[%get3A] : memref<128xi32, #tpu.memory_space<smem>>
    %c0_i32 = arith.constant 0 : i32
    %c0_i32_1 = arith.constant 0 : i32
    %c0_i32_2 = arith.constant 0 : i32
    return %get3A_0, %c0_i32, %c0_i32_1 : i32, i32, i32
  }
  func.func @transform_2(%arg0: i32, %arg1: memref<128xi32, #tpu.memory_space<smem>>, %arg2: memref<128xi32, #tpu.memory_space<smem>>) -> (i32, i32, i32) {
    %get3A = arith.index_cast %arg0 : i32 to index
    %get3A_0 = memref.load %arg1[%get3A] : memref<128xi32, #tpu.memory_space<smem>>
    %c0_i32 = arith.constant 0 : i32
    %c0_i32_1 = arith.constant 0 : i32
    %c0_i32_2 = arith.constant 0 : i32
    return %get3A_0, %c0_i32, %c0_i32_1 : i32, i32, i32
  }
  func.func @transform_3(%arg0: i32, %arg1: memref<128xi32, #tpu.memory_space<smem>>, %arg2: memref<128xi32, #tpu.memory_space<smem>>) -> (i32, i32) {
    %c0_i32 = arith.constant 0 : i32
    %c0_i32_0 = arith.constant 0 : i32
    return %arg0, %c0_i32 : i32, i32
  }
  func.func @transform_4(%arg0: i32, %arg1: memref<128xi32, #tpu.memory_space<smem>>, %arg2: memref<128xi32, #tpu.memory_space<smem>>) -> (i32, i32) {
    %get3A = arith.index_cast %arg0 : i32 to index
    %get3A_0 = memref.load %arg2[%get3A] : memref<128xi32, #tpu.memory_space<smem>>
    %c0_i32 = arith.constant 0 : i32
    %c0_i32_1 = arith.constant 0 : i32
    return %get3A_0, %c0_i32 : i32, i32
  }
}

</mosaic_0001>

<sc_bundles>
// kernel: kernel.10.cloned.1.call-start
scs
__scs_entry_jumppad:
0x0: {  	(pc) =	sbr.rel $0x88, $3  }
0x1: {  	(tag) =	ssettag $0x0;
	lr =	simm.s32 $0x1  }
0x2: {  	[smem:$0x3F9A] =	sst lr;
	_ =	strace $0xD0000000  }
0x3: {  	_ = 	snop  }
0x4: {  	_ = 	snop  }
0x5: {  	_ = 	snop  }
0x6: {  	_ = 	snop  }
0x7: {  	_ = 	snop  }
__scs_overlays_trampoline_lowered:
0x8: {  	[smem:$0x3FA9] =	sst s0  }
0x9: {  	[smem:$0x3FAA] =	sst s1  }
0xa: {  	[smem:$0x3FAB] =	sst s2  }
0xb: {  	[smem:$0x3FAC] =	sst s3  }
0xc: {  	[smem:$0x3FAD] =	sst s4  }
0xd: {  	[smem:$0x3FAE] =	sst s5  }
0xe: {  	[smem:$0x3FAF] =	sst s6  }
0xf: {  	[smem:$0x3FB0] =	sst s7  }
0x10: {  	[smem:$0x3FB1] =	sst s8  }
0x11: {  	[smem:$0x3FB2] =	sst s9;
	s0 =	simm.s32 @!p0 $0x0  }
0x12: {  	s1 =	sld [smem:$0x3F98];
	s0 =	simm.s32 @p0 $0x1  }
0x13: {  	[smem:$0x3FB3] =	sst s0;
	s0 =	simm.s32 @!p1 $0x0  }
0x14: {  	s2 =	sld [smem:$0x3F97];
	s0 =	simm.s32 @p1 $0x1  }
0x15: {  	[smem:$0x3FB4] =	sst s0;
	s0 =	simm.s32 @!p2 $0x0  }
0x16: {  	s3 =	sld [smem:$0x3FDB];
	s0 =	simm.s32 @p2 $0x1  }
0x17: {  	s4 =	simm.s32 $0x1BF5;
	[smem:$0x3FB6] =	sst s0  }
0x18: {  	s0 =	sld [smem:$0x3F99];
	_ =	swait.ge [sflag:s4], $0x0  }
0x19: {  	s7 =	sld [smem:$0x3F9A]  }
0x1a: {  	s8 =	sadd.s32 $0xFFFFE003, lr  }
0x1b: {  	s9 =	sadd.s32 $0xFFFFFEF7, lr;
	s5 =	simm.s32 $0xFFFFFFFF;
	p2 =	slt.u32 s8, $0xFFFFF086  }
0x1c: {  	p1 =	slt.u32 s9, $0xF7A;
	s5 =	simm.s32 @!p2 $0x0  }
0x1d: {  	s5 =	simm.s32 @p1 $0x1;
	p0 =	seq.s32 s7, s2  }
0x1e: {  	s7 =	smul.u32 @!p0 $0xF7A, s2;
	p2 =	seq.s32 @!p0 s5, $0x0  }
0x1f: {  	s9 =	smul.u32 $0xF7A, s1;
	s8 =	simm.s32 @!p0 $0x1BF5;
	p2 =	por !p2, p0  }
0x20: {  	[sflag:s8] =	ssyncset.s32 @!p0 $0xFFFFF086;
	s6 =	sadd.s32 @!p0 s3, s7;
	s7 =	simm.s32 @!p0 $0x108  }
0x21: {  	s3 =	sadd.s32 s3, s9;
	s6 =	sadd.s32 @!p0 $0x88, s6;
	s7 =	simm.s32 @p2 $0x1082  }
0x22: {  	[simem:s7], [sflag:s8] =	dma.local @!p0 [hbm:s6], $0xF7A  }
0x23: {  	s9 =	sor.u32 $0xD0000000, s2;
	s6 =	simm.s32 $0x108;
	_ =	swait.ge @!p0 [sflag:s8], $0x0  }
0x24: {  	s3 =	sadd.s32 $0x88, s3;
	s6 =	simm.s32 @!p1 $0x1082;
	[sflag:s4] =	ssyncset.s32 $0xFFFFF086  }
0x25: {  	[simem:s6], [sflag:s4] =	dma.local [hbm:s3], $0xF7A  }
0x26: {  	[smem:$0x3F9A] =	sst s1;
	(tag) =	ssettag s2;
	_ =	strace s9  }
0x27: {  	s1 =	sld [smem:$0x3FAA]  }
0x28: {  	s2 =	sld [smem:$0x3FAB]  }
0x29: {  	s4 =	sld [smem:$0x3FAD]  }
0x2a: {  	p0 =	seq.s32 s5, $0x0;
	s5 =	sld [smem:$0x3FAE]  }
0x2b: {  	s6 =	sld [smem:$0x3FAF]  }
0x2c: {  	s7 =	sld [smem:$0x3FB0]  }
0x2d: {  	s3 =	simm.s32 $0x108;
	s8 =	sld [smem:$0x3FB1]  }
0x2e: {  	s3 =	simm.s32 @!p0 $0x1082;
	s9 =	sld [smem:$0x3FB2]  }
0x2f: {  	lr =	sadd.s32 s0, s3;
	s0 =	sld [smem:$0x3FA9]  }
0x30: {  	s3 =	sld [smem:$0x3FAC]  }
0x31: {  	[smem:$0x3FB5] =	sst s10  }
0x32: {  	s10 =	sld [smem:$0x3FB3];
	_ =	sdelay $0x3  }
0x33: {  	p0 =	seq.s32 s10, $0x1;
	s10 =	sld [smem:$0x3FB5];
	_ =	sdelay $0x3  }
0x34: {  	[smem:$0x3FB5] =	sst s10  }
0x35: {  	s10 =	sld [smem:$0x3FB4];
	_ =	sdelay $0x3  }
0x36: {  	p1 =	seq.s32 s10, $0x1;
	s10 =	sld [smem:$0x3FB5];
	_ =	sdelay $0x3  }
0x37: {  	[smem:$0x3FB5] =	sst s10  }
0x38: {  	s10 =	sld [smem:$0x3FB6]  }
0x39: {  	_ = 	snop;
	(pc) =	sbr.ind lr, $3  }
0x3a: {  	_ = 	snop  }
0x3b: {  	_ = 	snop  }
0x3c: {  	p2 =	seq.s32 s10, $0x1;
	s10 =	sld [smem:$0x3FB5]  }
0x3d: {  	_ =	shalt  }
0x3e: {  	_ =	shalt  }
0x3f: {  	_ =	shalt  }
0x40: {  	_ =	shalt  }
0x41: {  	_ =	shalt  }
0x42: {  	_ =	shalt  }
0x43: {  	_ =	shalt  }
0x44: {  	_ =	shalt  }
0x45: {  	_ =	shalt  }
0x46: {  	_ =	shalt  }
0x47: {  	_ =	shalt  }
0x48: {  	_ =	shalt  }
0x49: {  	_ =	shalt  }
0x4a: {  	_ =	shalt  }
0x4b: {  	_ =	shalt  }
0x4c: {  	_ =	shalt  }
0x4d: {  	_ =	shalt  }
0x4e: {  	_ =	shalt  }
0x4f: {  	_ =	shalt  }
0x50: {  	_ =	shalt  }
0x51: {  	_ =	shalt  }
0x52: {  	_ =	shalt  }
0x53: {  	_ =	shalt  }
0x54: {  	_ =	shalt  }
0x55: {  	_ =	shalt  }
0x56: {  	_ =	shalt  }
0x57: {  	_ =	shalt  }
0x58: {  	_ =	shalt  }
0x59: {  	_ =	shalt  }
0x5a: {  	_ =	shalt  }
0x5b: {  	_ =	shalt  }
0x5c: {  	_ =	shalt  }
0x5d: {  	_ =	shalt  }
0x5e: {  	_ =	shalt  }
0x5f: {  	_ =	shalt  }
0x60: {  	_ =	shalt  }
0x61: {  	_ =	shalt  }
0x62: {  	_ =	shalt  }
0x63: {  	_ =	shalt  }
0x64: {  	_ =	shalt  }
0x65: {  	_ =	shalt  }
0x66: {  	_ =	shalt  }
0x67: {  	_ =	shalt  }
0x68: {  	_ =	shalt  }
0x69: {  	_ =	shalt  }
0x6a: {  	_ =	shalt  }
0x6b: {  	_ =	shalt  }
0x6c: {  	_ =	shalt  }
0x6d: {  	_ =	shalt  }
0x6e: {  	_ =	shalt  }
0x6f: {  	_ =	shalt  }
0x70: {  	_ =	shalt  }
0x71: {  	_ =	shalt  }
0x72: {  	_ =	shalt  }
0x73: {  	_ =	shalt  }
0x74: {  	_ =	shalt  }
0x75: {  	_ =	shalt  }
0x76: {  	_ =	shalt  }
0x77: {  	_ =	shalt  }
0x78: {  	_ =	shalt  }
0x79: {  	_ =	shalt  }
0x7a: {  	_ =	shalt  }
0x7b: {  	_ =	shalt  }
0x7c: {  	_ =	shalt  }
0x7d: {  	_ =	shalt  }
0x7e: {  	_ =	shalt  }
0x7f: {  	_ =	shalt  }
0x80: {  	_ =	shalt  }
0x81: {  	_ =	shalt  }
0x82: {  	_ =	shalt  }
0x83: {  	_ =	shalt  }
0x84: {  	_ =	shalt  }
0x85: {  	_ =	shalt  }
0x86: {  	_ =	shalt  }
0x87: {  	_ =	shalt  }
.Lfunc_end0:
.L_simem_size_0:
called_computation.1_lowered:
.L_overlay_start_0:
0x88: {  	s2 =	sld [smem:$0x3FD9]  }
0x89: {  	s3 =	sld [smem:$0x3FFE];
	_ =	sdelay $0x1  }
0x8a: {  	s1 =	srdreg.scid  }
0x8b: {  	s0 =	sand.u32 $0x1, s1  }
0x8c: {  	s17 =	sshll.u32 s0, $0xA;
	s2 =	sadd.s32 s3, s2  }
0x8d: {  	s2 =	sadd.s32 s2, s17  }
0x8e: {  	[smem:$0x3FC1] =	sst s2  }
0x8f: {  	_ = 	snop  }
0x90: {  	s2 =	sld [smem:$0x3FD0];
	(tm) =	ssettm $0x1  }
0x91: {  	s18 =	sld [smem:$0x3FFB];
	_ =	sdelay $0x3  }
0x92: {  	_ =	strace s18  }
0x93: {  	s3 =	sld [smem:$0x3FFC];
	_ =	sdelay $0x3  }
0x94: {  	_ =	strace s3  }
0x95: {  	s3 =	sld [smem:$0x3FFD];
	_ =	sdelay $0x3  }
0x96: {  	_ =	strace s3  }
0x97: {  	_ =	strace $0x8FFFFFFF  }
0x98: {  	s19 =	sld [smem:$0x3FDB];
	_ =	sdelay $0x1  }
0x99: {  	s4 =	simm.s32 $_scs_section_size  }
0x9a: {  	s5 =	simm.s32 $_size__tile_overlayer_lowered;
	s6 =	simm.s32 $_tile_overlayer_lowered  }
0x9b: {  	s22 =	simm.s32 $0x1BFF;
	s21 =	sshll.u32 s6, $0x1;
	s3 =	sadd.s32 s4, s19  }
0x9c: {  	s7 =	simm.s32 $0x0;
	s20 =	sshll.u32 s5, $0x1;
	s5 =	sadd.s32 s21, s3  }
0x9d: {  	[timem:s7], [sflag:s22] =	dma.local [hbm:s5], s20  }
0x9e: {  	_ =	swait.ge [sflag:s22], s20  }
0x9f: {  	s4 =	ssub.s32 $0x0, s20;
	[sflag:s22] =	ssyncset.done $0x0  }
0xa0: {  	[sflag:s22] =	ssyncadd.s32 s4;
	_ =	sdelay $0x1  }
0xa1: {  	s23 =	simm.s32 $0x1B8B  }
0xa2: {  	_ =	swait.ge [sflag:s23], $0x1  }
0xa3: {  	[sflag:s23] =	ssyncset.done $0x0  }
0xa4: {  	s25 =	simm.s32 $0x1B8E;
	s24 =	sld [smem:$0x3FFE];
	[sflag:s23] =	ssyncadd.s32 $0xFFFFFFFF  }
0xa5: {  	s26 =	simm.s32 $execute0_lowered;
	[smem:$0x3FD2] =	sst s25  }
0xa6: {  	s5 =	sshll.u32 s26, $0x1;
	_ =	strace $0x80000049;
	[dreg:$0x1] =	wrdreg $0xFFFFFFFF  }
0xa7: {  	s28 =	simm.s32 $_size_execute0_lowered;
	s3 =	sadd.s32 s3, s5;
	[dreg:$0x0] =	wrdreg $0x0  }
0xa8: {  	s5 =	sshll.u32 s28, $0x1;
	[dreg:$0x2] =	wrdreg s3  }
0xa9: {  	[dreg:$0x3] =	wrdreg s5  }
0xaa: {  	[dreg:$0x4] =	wrdreg $0xC0  }
0xab: {  	_ =	task [dreg:s7], $0x5FFFF  }
0xac: {  	[dreg:$0x1] =	wrdreg $0xFFFFFFFF  }
0xad: {  	[dreg:$0x0] =	wrdreg $0x60  }
0xae: {  	[dreg:$0x2] =	wrdreg s24  }
0xaf: {  	[dreg:$0x3] =	wrdreg s2  }
0xb0: {  	[dreg:$0x4] =	wrdreg $0x9  }
0xb1: {  	_ =	task.clear_ibuf [dreg:s7], $0x5FFFF;
	_ =	strace $0x90000049  }
0xb2: {  	s29 =	simm.s32 $0x9;
	_ =	strace $0x8000004B  }
0xb3: {  	_ =	swait.ge [sflag:s29], $0x1  }
0xb4: {  	[sflag:s29] =	ssyncadd.s32 $0xFFFFFFFF  }
0xb5: {  	_ =	strace $0x9000004B  }
0xb6: {  	_ =	sfence  }
0xb7: {  	s30 =	sld [smem:$0x0];
	_ =	sdelay $0x2  }
0xb8: {  	s31 =	sshll.u32 s1, $0xD;
	s1 =	sshrl.u32 s1, $0x2  }
0xb9: {  	s3 =	sand.u32 $0x4000, s31;
	s1 =	sadd.s32 s1, s30  }
0xba: {  	s0 =	sor.u32 s3, s0;
	s1 =	sshll.u32 s1, $0x11  }
0xbb: {  	s0 =	sor.u32 s1, s0  }
0xbc: {  	s0 =	sadd.s32 $0x8F2B, s0  }
0xbd: {  	[sflag:s0] =	ssyncadd.remote.s32 $0x1  }
0xbe: {  	_ =	sfence.sel $0xFFFF  }
0xbf: {  	[dreg:$0x0] =	wrdreg $0xFFFFFFFF;
	(pc) =	sbr.abs _section_cstart, $3  }
0xc0: {  	[dreg:$0x1] =	wrdreg $0xFFFFFFFF  }
0xc1: {  	_ =	task.clear_ibuf [dreg:s7], $0x2FFFF;
	_ =	strace $0x9FFFFFFF  }
0xc2: {  	(tm) =	ssettm $0x7FFFFFFF  }
0xc3: {  	_ =	shalt  }
tec
execute0_lowered:
.L_overlay_start_1:
0x0: {  	(tag) =	ssettag $0x1  }
0x1: {  	s0 =	rddreg [dreg:$0x0]  }
0x2: {  	s2 =	rddreg [dreg:$0x1];
	s1 =	simm.s32 $0x0  }
0x3: {  	s4 =	srdreg.scid;
	s7 =	stileid.u32;
	s29 =	simm.s32 $0x6100  }
0x4: {  	s30 =	simm.s32 $0xCA00;
	s31 =	simm.s32 $0xD200;
	[smem:$0x7FF] =	sst s1  }
0x5: {  	s5 =	sadd.s32 $0x125C00, s0;
	s3 =	sadd.s32 $0x155C00, s0;
	s4 =	sand.u32 $0x1, s4  }
0x6: {  	s7 =	sshll.u32 s7, $0x4;
	s8 =	sadd.s32 $0x2800, s0;
	s6 =	ssub.s32 $0x2, s4  }
0x7: {  	_ =	strace $0x8000004A;
	s4 =	sshll.u32 s4, $0x3;
	s9 =	sshrl.u32 s6, $0x1  }
0x8: {  	s10 =	sor.u32 s4, s7;
	s7 =	sadd.s32 $0x155E00, s0;
	s9 =	ssub.s32 s6, s9  }
0x9: {  	s4 =	sadd.s32 s8, s10;
	s11 =	smul.u32 $0x300, s10;
	s6 =	sadd.s32 $0x155D00, s0  }
0xa: {  	s12 =	sor.u32 $0x2, s10;
	s13 =	sor.u32 $0x4, s10;
	s10 =	sor.u32 $0x6, s10  }
0xb: {  	s0 =	simm.s32 $0xE200;
	s22 =	sadd.s32 $0x100, s4;
	s24 =	smul.u32 $0x300, s12  }
0xc: {  	s12 =	sadd.s32 s8, s12;
	s25 =	sadd.s32 $0x102, s4;
	s20 =	smul.u32 $0x300, s13  }
0xd: {  	s13 =	sadd.s32 s8, s13;
	s28 =	smul.u32 $0x300, s10;
	s14 =	sadd.s32 $0x104, s4  }
0xe: {  	s17 =	sadd.s32 s8, s10;
	s18 =	sadd.s32 $0x106, s4;
	[dreg:$0x3] =	wrdreg s22  }
0xf: {  	s8 =	simm.s32 $0xDA00;
	s10 =	simm.s32 $0x1;
	[dreg:$0x5] =	wrdreg s12  }
0x10: {  	s23 =	sadd.s32 s5, s11;
	[dreg:$0x6] =	wrdreg s25;
	s11 =	sadd.s32 s2, s11  }
0x11: {  	v0 =	vlaneseq.u32;
	s22 =	smax.u32 s9, $0x1;
	s9 =	simm.s32 $0xF200;
	[dreg:$0x4] =	wrdreg s23  }
0x12: {  	v1 =	vand.u32 $0x7, v0;
	v63 =	vshrl.u32 v0, $0x3;
	s25 =	simm.s32 $0x0;
	s26 =	sadd.s32 s5, s24;
	[dreg:$0x8] =	wrdreg s11  }
0x13: {  	v0 =	vor.u32 $0x8, v0;
	[tilespmem:$0x1FFD0] =	vst v1;
	v1 =	vmul.u32 $0x8, v63;
	s15 =	sadd.s32 s5, s20;
	s16 =	sadd.s32 s2, s24;
	s19 =	sadd.s32 s5, s28  }
0x14: {  	[tilespmem:$0x1FFF0] =	vst v0;
	s20 =	sadd.s32 s2, s20;
	s21 =	sadd.s32 s2, s28;
	s23 =	simm.s32 $0x3  }
0x15: {  	vm0 =	vmmov $0xffff;
	[tilespmem:$0x1FFE0] =	vst v1;
	s2 =	simm.s32 $0xEA00;
	s24 =	simm.s32 $0x2;
	[dreg:$0x7] =	wrdreg s26  }
.LBB2_1:
0x16: {  	[tilespmem:s1], [sflag:$0x3] =	stream.linear.gather [hbm4b:s4+s1], $0x10, $0x38;
	[tilespmem:$0x12200] =	vst v63  }
0x17: {  	_ =	swait.ge [sflag:s23], $0x10  }
0x18: {  	[sflag:s23] =	ssyncset.done $0x0  }
0x19: {  	s11 =	simm.s32 $0x80;
	s5 =	rddreg [dreg:$0x3];
	[sflag:s23] =	ssyncadd.s32 $0xFFFFFFF0  }
0x1a: {  	[tilespmem:s11], [sflag:$0x3] =	stream.linear.gather [hbm4b:s5+s1], $0x10, $0x38;
	[tilespmem:$0x12200] =	vst v63  }
0x1b: {  	_ =	swait.ge [sflag:s23], $0x10  }
0x1c: {  	[sflag:s23] =	ssyncset.done $0x0  }
0x1d: {  	[sflag:s23] =	ssyncadd.s32 $0xFFFFFFF0  }
0x1e: {  	v0 =	vld [tilespmem:$0x0];
	_ =	sdelay $0x3  }
0x1f: {  	v2 =	vld [tilespmem:$0x1FFD0]  }
0x20: {  	v1 =	vshrl.u32 v0, $0x3  }
0x21: {  	v3 =	vld [tilespmem:$0x1FFE0];
	v1 =	vmul.u32 $0x30, v1  }
0x22: {  	v0 =	vand.u32 $0x7, v0  }
0x23: {  	v0 =	vor.u32 v0, v1  }
0x24: {  	v1 =	vperm.xlane v0, v2  }
0x25: {  	v4 =	vld [tilespmem:$0x1FFF0]  }
0x26: {  	v1 =	vadd.s32 v3, v1;
	_ =	sdelay $0x3  }
0x27: {  	s12 =	simm.s32 $0x100;
	v0 =	vperm.xlane v0, v4  }
0x28: {  	[tilespmem:s12], [sflag:$0x1] =	stream.indirect_vreg.gather [hbm4b:s3+s1], $0x80, v1, vm0, $0xb8;
	[tilespmem:$0x12200] =	vst v63  }
0x29: {  	s26 =	simm.s32 $0x900;
	v0 =	vadd.s32 v3, v0  }
0x2a: {  	[tilespmem:s26], [sflag:$0x1] =	stream.indirect_vreg.gather [hbm4b:s6+s1], $0x80, v1, vm0, $0xb8;
	[tilespmem:$0x12200] =	vst v63  }
0x2b: {  	s28 =	simm.s32 $0x1100  }
0x2c: {  	[tilespmem:s28], [sflag:$0x1] =	stream.indirect_vreg.gather [hbm4b:s7+s1], $0x80, v1, vm0, $0xb8;
	[tilespmem:$0x12200] =	vst v63  }
0x2d: {  	s11 =	simm.s32 $0x1900  }
0x2e: {  	[tilespmem:s11], [sflag:$0x1] =	stream.indirect_vreg.gather [hbm4b:s3+s1], $0x80, v0, vm0, $0xb8;
	[tilespmem:$0x12200] =	vst v63  }
0x2f: {  	s12 =	simm.s32 $0x2100  }
0x30: {  	[tilespmem:s12], [sflag:$0x1] =	stream.indirect_vreg.gather [hbm4b:s6+s1], $0x80, v0, vm0, $0xb8;
	[tilespmem:$0x12200] =	vst v63  }
0x31: {  	s26 =	simm.s32 $0x2900  }
0x32: {  	[tilespmem:s26], [sflag:$0x1] =	stream.indirect_vreg.gather [hbm4b:s7+s1], $0x80, v0, vm0, $0xb8;
	[tilespmem:$0x12200] =	vst v63  }
0x33: {  	v0 =	vld [tilespmem:$0x80];
	_ =	sdelay $0x4  }
0x34: {  	v1 =	vshrl.u32 v0, $0x3  }
0x35: {  	v1 =	vmul.u32 $0x30, v1  }
0x36: {  	v0 =	vand.u32 $0x7, v0  }
0x37: {  	v0 =	vor.u32 v0, v1  }
0x38: {  	v1 =	vperm.xlane v0, v2;
	_ =	sdelay $0x1  }
0x39: {  	v1 =	vadd.s32 v3, v1;
	_ =	sdelay $0x3  }
0x3a: {  	s28 =	simm.s32 $0x3100;
	v0 =	vperm.xlane v0, v4  }
0x3b: {  	[tilespmem:s28], [sflag:$0x1] =	stream.indirect_vreg.gather [hbm4b:s3+s1], $0x80, v1, vm0, $0xb8;
	[tilespmem:$0x12200] =	vst v63  }
0x3c: {  	s11 =	simm.s32 $0x3900;
	v0 =	vadd.s32 v3, v0  }
0x3d: {  	[tilespmem:s11], [sflag:$0x1] =	stream.indirect_vreg.gather [hbm4b:s6+s1], $0x80, v1, vm0, $0xb8;
	[tilespmem:$0x12200] =	vst v63  }
0x3e: {  	s12 =	simm.s32 $0x4100  }
0x3f: {  	[tilespmem:s12], [sflag:$0x1] =	stream.indirect_vreg.gather [hbm4b:s7+s1], $0x80, v1, vm0, $0xb8;
	[tilespmem:$0x12200] =	vst v63  }
0x40: {  	s26 =	simm.s32 $0x4900  }
0x41: {  	[tilespmem:s26], [sflag:$0x1] =	stream.indirect_vreg.gather [hbm4b:s3+s1], $0x80, v0, vm0, $0xb8;
	[tilespmem:$0x12200] =	vst v63  }
0x42: {  	s28 =	simm.s32 $0x5100  }
0x43: {  	[tilespmem:s28], [sflag:$0x1] =	stream.indirect_vreg.gather [hbm4b:s6+s1], $0x80, v0, vm0, $0xb8;
	[tilespmem:$0x12200] =	vst v63  }
0x44: {  	s11 =	simm.s32 $0x5900  }
0x45: {  	[tilespmem:s11], [sflag:$0x1] =	stream.indirect_vreg.gather [hbm4b:s7+s1], $0x80, v0, vm0, $0xb8;
	[tilespmem:$0x12200] =	vst v63  }
0x46: {  	s12 =	rddreg [dreg:$0x4]  }
0x47: {  	[tilespmem:s29], [sflag:$0x1] =	stream.linear.gather [hbm4b:s12+s1], $0x3000, $0x38;
	[tilespmem:$0x12200] =	vst v63  }
0x48: {  	s26 =	rddreg [dreg:$0x5];
	s28 =	simm.s32 $0x9100  }
0x49: {  	[tilespmem:s28], [sflag:$0x3] =	stream.linear.gather [hbm4b:s26+s1], $0x10, $0x38;
	[tilespmem:$0x12200] =	vst v63  }
0x4a: {  	_ =	swait.ge [sflag:s23], $0x10  }
0x4b: {  	[sflag:s23] =	ssyncset.done $0x0  }
0x4c: {  	s12 =	simm.s32 $0x9180;
	s11 =	rddreg [dreg:$0x6];
	[sflag:s23] =	ssyncadd.s32 $0xFFFFFFF0  }
0x4d: {  	[tilespmem:s12], [sflag:$0x3] =	stream.linear.gather [hbm4b:s11+s1], $0x10, $0x38;
	[tilespmem:$0x12200] =	vst v63  }
0x4e: {  	_ =	swait.ge [sflag:s23], $0x10  }
0x4f: {  	[sflag:s23] =	ssyncset.done $0x0  }
0x50: {  	[sflag:s23] =	ssyncadd.s32 $0xFFFFFFF0  }
0x51: {  	v0 =	vld [tilespmem:$0x9100];
	_ =	sdelay $0x4  }
0x52: {  	v1 =	vshrl.u32 v0, $0x3  }
0x53: {  	v1 =	vmul.u32 $0x30, v1  }
0x54: {  	v0 =	vand.u32 $0x7, v0  }
0x55: {  	v0 =	vor.u32 v0, v1  }
0x56: {  	v1 =	vperm.xlane v0, v2;
	_ =	sdelay $0x1  }
0x57: {  	v1 =	vadd.s32 v3, v1;
	_ =	sdelay $0x3  }
0x58: {  	s26 =	simm.s32 $0x9200;
	v0 =	vperm.xlane v0, v4  }
0x59: {  	[tilespmem:s26], [sflag:$0x2] =	stream.indirect_vreg.gather [hbm4b:s3+s1], $0x80, v1, vm0, $0xb8;
	[tilespmem:$0x12200] =	vst v63  }
0x5a: {  	s28 =	simm.s32 $0x9A00;
	v0 =	vadd.s32 v3, v0  }
0x5b: {  	[tilespmem:s28], [sflag:$0x2] =	stream.indirect_vreg.gather [hbm4b:s6+s1], $0x80, v1, vm0, $0xb8;
	[tilespmem:$0x12200] =	vst v63  }
0x5c: {  	s11 =	simm.s32 $0xA200  }
0x5d: {  	[tilespmem:s11], [sflag:$0x2] =	stream.indirect_vreg.gather [hbm4b:s7+s1], $0x80, v1, vm0, $0xb8;
	[tilespmem:$0x12200] =	vst v63  }
0x5e: {  	s12 =	simm.s32 $0xAA00  }
0x5f: {  	[tilespmem:s12], [sflag:$0x2] =	stream.indirect_vreg.gather [hbm4b:s3+s1], $0x80, v0, vm0, $0xb8;
	[tilespmem:$0x12200] =	vst v63  }
0x60: {  	s26 =	simm.s32 $0xB200  }
0x61: {  	[tilespmem:s26], [sflag:$0x2] =	stream.indirect_vreg.gather [hbm4b:s6+s1], $0x80, v0, vm0, $0xb8;
	[tilespmem:$0x12200] =	vst v63  }
0x62: {  	s28 =	simm.s32 $0xBA00  }
0x63: {  	[tilespmem:s28], [sflag:$0x2] =	stream.indirect_vreg.gather [hbm4b:s7+s1], $0x80, v0, vm0, $0xb8;
	[tilespmem:$0x12200] =	vst v63  }
0x64: {  	v0 =	vld [tilespmem:$0x9180];
	_ =	sdelay $0x4  }
0x65: {  	v1 =	vshrl.u32 v0, $0x3  }
0x66: {  	v1 =	vmul.u32 $0x30, v1  }
0x67: {  	v0 =	vand.u32 $0x7, v0  }
0x68: {  	v0 =	vor.u32 v0, v1  }
0x69: {  	v1 =	vperm.xlane v0, v2;
	_ =	sdelay $0x1  }
0x6a: {  	v1 =	vadd.s32 v3, v1;
	_ =	sdelay $0x3  }
0x6b: {  	s11 =	simm.s32 $0xC200;
	v0 =	vperm.xlane v0, v4  }
0x6c: {  	[tilespmem:s11], [sflag:$0x2] =	stream.indirect_vreg.gather [hbm4b:s3+s1], $0x80, v1, vm0, $0xb8;
	[tilespmem:$0x12200] =	vst v63  }
0x6d: {  	v0 =	vadd.s32 v3, v0  }
0x6e: {  	[tilespmem:s30], [sflag:$0x2] =	stream.indirect_vreg.gather [hbm4b:s6+s1], $0x80, v1, vm0, $0xb8;
	[tilespmem:$0x12200] =	vst v63  }
0x6f: {  	_ = 	snop  }
0x70: {  	[tilespmem:s31], [sflag:$0x2] =	stream.indirect_vreg.gather [hbm4b:s7+s1], $0x80, v1, vm0, $0xb8;
	[tilespmem:$0x12200] =	vst v63  }
0x71: {  	_ = 	snop  }
0x72: {  	[tilespmem:s8], [sflag:$0x2] =	stream.indirect_vreg.gather [hbm4b:s3+s1], $0x80, v0, vm0, $0xb8;
	[tilespmem:$0x12200] =	vst v63  }
0x73: {  	_ = 	snop  }
0x74: {  	[tilespmem:s0], [sflag:$0x2] =	stream.indirect_vreg.gather [hbm4b:s6+s1], $0x80, v0, vm0, $0xb8;
	[tilespmem:$0x12200] =	vst v63  }
0x75: {  	_ = 	snop  }
0x76: {  	[tilespmem:s2], [sflag:$0x2] =	stream.indirect_vreg.gather [hbm4b:s7+s1], $0x80, v0, vm0, $0xb8;
	[tilespmem:$0x12200] =	vst v63  }
0x77: {  	s12 =	rddreg [dreg:$0x7]  }
0x78: {  	[tilespmem:s9], [sflag:$0x2] =	stream.linear.gather [hbm4b:s12+s1], $0x3000, $0x38;
	[tilespmem:$0x12200] =	vst v63  }
0x79: {  	_ =	swait.ge [sflag:s10], $0x3000  }
0x7a: {  	[sflag:s10] =	ssyncset.done $0x0  }
0x7b: {  	[sflag:s10] =	ssyncadd.s32 $0xFFFFD000  }
0x7c: {  	_ =	swait.ge [sflag:s10], $0x3000  }
0x7d: {  	[sflag:s10] =	ssyncset.done $0x0  }
0x7e: {  	s26 =	simm.s32 $0x0;
	[sflag:s10] =	ssyncadd.s32 $0xFFFFD000  }
0x7f: {  	s5 =	smul.u32 $0x1800, s26;
	_ =	swait.ge [sflag:s10], $0x3000  }
0x80: {  	s28 =	sand.u32 $0x380, s1;
	[sflag:s10] =	ssyncset.done $0x0  }
0x81: {  	s11 =	sor.u32 s28, s5;
	[sflag:s10] =	ssyncadd.s32 $0xFFFFD000  }
0x82: {  	v0 =	vld [tilespmem:s11+$0x3570];
	_ =	sdelay $0x4  }
0x83: {  	[tilespmem:$0x1FE00] =	vst v0;
	v0 =	vld [tilespmem:s11+$0x3900];
	_ =	sdelay $0x4  }
0x84: {  	[tilespmem:$0x1FE10] =	vst v0;
	v0 =	vld [tilespmem:s11+$0x3910];
	_ =	sdelay $0x4  }
0x85: {  	[tilespmem:$0x1FE20] =	vst v0;
	v0 =	vld [tilespmem:s11+$0x3920];
	_ =	sdelay $0x4  }
0x86: {  	[tilespmem:$0x1FE30] =	vst v0;
	v0 =	vld [tilespmem:s11+$0x3930];
	_ =	sdelay $0x4  }
0x87: {  	[tilespmem:$0x1FE40] =	vst v0;
	v0 =	vld [tilespmem:s11+$0x3940];
	_ =	sdelay $0x4  }
0x88: {  	[tilespmem:$0x1FE50] =	vst v0;
	v0 =	vld [tilespmem:s11+$0x3950];
	_ =	sdelay $0x4  }
0x89: {  	[tilespmem:$0x1FE60] =	vst v0;
	v0 =	vld [tilespmem:s11+$0x3960];
	_ =	sdelay $0x4  }
0x8a: {  	[tilespmem:$0x1FE70] =	vst v0;
	v0 =	vld [tilespmem:s11+$0x3970];
	_ =	sdelay $0x4  }
0x8b: {  	[tilespmem:$0x1FE80] =	vst v0;
	v0 =	vld [tilespmem:s11+$0x3D00];
	_ =	sdelay $0x4  }
0x8c: {  	[tilespmem:$0x1FE90] =	vst v0;
	v0 =	vld [tilespmem:s11+$0x3D10];
	_ =	sdelay $0x4  }
0x8d: {  	[tilespmem:$0x1FEA0] =	vst v0;
	v0 =	vld [tilespmem:s11+$0x3D20];
	_ =	sdelay $0x4  }
0x8e: {  	[tilespmem:$0x1FEB0] =	vst v0;
	v0 =	vld [tilespmem:s11+$0x3D30];
	_ =	sdelay $0x4  }
0x8f: {  	[tilespmem:$0x1FEC0] =	vst v0;
	v0 =	vld [tilespmem:s11+$0x3D40];
	_ =	sdelay $0x4  }
0x90: {  	[tilespmem:$0x1FED0] =	vst v0;
	v0 =	vld [tilespmem:s11+$0x3D50];
	_ =	sdelay $0x4  }
0x91: {  	[tilespmem:$0x1FEE0] =	vst v0;
	v0 =	vld [tilespmem:s11+$0x3D60];
	_ =	sdelay $0x4  }
0x92: {  	[tilespmem:$0x1FEF0] =	vst v0;
	v0 =	vld [tilespmem:s11+$0x3D70];
	_ =	sdelay $0x4  }
0x93: {  	[tilespmem:$0x1FF10] =	vst v0;
	v0 =	vld [tilespmem:s11+$0x4100];
	_ =	sdelay $0x4  }
0x94: {  	[tilespmem:$0x1FF30] =	vst v0;
	v0 =	vld [tilespmem:s11+$0x4110];
	_ =	sdelay $0x4  }
0x95: {  	[tilespmem:$0x1FF50] =	vst v0;
	v0 =	vld [tilespmem:s11+$0x4120];
	_ =	sdelay $0x4  }
0x96: {  	[tilespmem:$0x1FF70] =	vst v0;
	v0 =	vld [tilespmem:s11+$0x4130];
	_ =	sdelay $0x4  }
0x97: {  	[tilespmem:$0x1FF90] =	vst v0;
	v0 =	vld [tilespmem:s11+$0x4140];
	_ =	sdelay $0x4  }
0x98: {  	[tilespmem:$0x1FFB0] =	vst v0;
	v0 =	vld [tilespmem:s11+$0x4150];
	_ =	sdelay $0x2  }
0x99: {  	v14 =	vld [tilespmem:s11+$0x3100]  }
0x9a: {  	v53 =	vld [tilespmem:s11+$0x3110]  }
0x9b: {  	[tilespmem:$0x1FDB0] =	vst v0;
	v0 =	vld [tilespmem:s11+$0x4160]  }
0x9c: {  	v54 =	vld [tilespmem:s11+$0x3120]  }
0x9d: {  	v55 =	vld [tilespmem:s11+$0x3130]  }
0x9e: {  	v56 =	vld [tilespmem:s11+$0x3140]  }
0x9f: {  	v57 =	vld [tilespmem:s11+$0x3150]  }
0xa0: {  	[tilespmem:$0x1FDC0] =	vst v0;
	v0 =	vld [tilespmem:s11+$0x4170]  }
0xa1: {  	v58 =	vld [tilespmem:s11+$0x3160]  }
0xa2: {  	v59 =	vld [tilespmem:s11+$0x3170]  }
0xa3: {  	v60 =	vld [tilespmem:s11+$0x3500]  }
0xa4: {  	v61 =	vld [tilespmem:s11+$0x3510]  }
0xa5: {  	[tilespmem:$0x1FDD0] =	vst v0;
	v0 =	vld [tilespmem:s11+$0x4500]  }
0xa6: {  	v51 =	vld [tilespmem:s11+$0x3520]  }
0xa7: {  	v37 =	vld [tilespmem:s11+$0x3530]  }
0xa8: {  	v38 =	vld [tilespmem:s11+$0x3540]  }
0xa9: {  	v41 =	vld [tilespmem:s11+$0x3550]  }
0xaa: {  	[tilespmem:$0x1FDE0] =	vst v0;
	v0 =	vld [tilespmem:s11+$0x4510]  }
0xab: {  	v39 =	vld [tilespmem:s11+$0x3560]  }
0xac: {  	v48 =	vld [tilespmem:s11+$0x4520]  }
0xad: {  	v46 =	vld [tilespmem:s11+$0x4530]  }
0xae: {  	v44 =	vld [tilespmem:s11+$0x4540]  }
0xaf: {  	[tilespmem:$0x1FDF0] =	vst v0;
	v0 =	vld [tilespmem:s11+$0x1100]  }
0xb0: {  	v42 =	vld [tilespmem:s11+$0x4550]  }
0xb1: {  	v62 =	vld [tilespmem:s11+$0x100]  }
0xb2: {  	v63 =	vld [tilespmem:s11+$0x110]  }
0xb3: {  	v5 =	vld [tilespmem:s11+$0x120]  }
0xb4: {  	[tilespmem:$0x1FF00] =	vst v0;
	v0 =	vld [tilespmem:s11+$0x1110]  }
0xb5: {  	v6 =	vld [tilespmem:s11+$0x130]  }
0xb6: {  	v7 =	vld [tilespmem:s11+$0x140]  }
0xb7: {  	v8 =	vld [tilespmem:s11+$0x150]  }
0xb8: {  	v21 =	vld [tilespmem:s11+$0x160]  }
0xb9: {  	[tilespmem:$0x1FF20] =	vst v0;
	v0 =	vld [tilespmem:s11+$0x1120]  }
0xba: {  	v22 =	vld [tilespmem:s11+$0x170]  }
0xbb: {  	v23 =	vld [tilespmem:s11+$0x500]  }
0xbc: {  	v24 =	vld [tilespmem:s11+$0x510]  }
0xbd: {  	v25 =	vld [tilespmem:s11+$0x520]  }
0xbe: {  	[tilespmem:$0x1FF40] =	vst v0;
	v0 =	vld [tilespmem:s11+$0x1130]  }
0xbf: {  	v26 =	vld [tilespmem:s11+$0x530]  }
0xc0: {  	v27 =	vld [tilespmem:s11+$0x540]  }
0xc1: {  	v28 =	vld [tilespmem:s11+$0x550]  }
0xc2: {  	v29 =	vld [tilespmem:s11+$0x560]  }
0xc3: {  	[tilespmem:$0x1FF60] =	vst v0;
	v0 =	vld [tilespmem:s11+$0x1140]  }
0xc4: {  	v30 =	vld [tilespmem:s11+$0x570]  }
0xc5: {  	v31 =	vld [tilespmem:s11+$0x900]  }
0xc6: {  	v32 =	vld [tilespmem:s11+$0x910]  }
0xc7: {  	v33 =	vld [tilespmem:s11+$0x920]  }
0xc8: {  	[tilespmem:$0x1FF80] =	vst v0;
	v0 =	vld [tilespmem:s11+$0x1150]  }
0xc9: {  	v34 =	vld [tilespmem:s11+$0x930]  }
0xca: {  	v35 =	vld [tilespmem:s11+$0x940]  }
0xcb: {  	v9 =	vld [tilespmem:s11+$0x950]  }
0xcc: {  	v10 =	vld [tilespmem:s11+$0x960]  }
0xcd: {  	[tilespmem:$0x1FFA0] =	vst v0;
	v0 =	vld [tilespmem:s11+$0x1160]  }
0xce: {  	v11 =	vld [tilespmem:s11+$0x970]  }
0xcf: {  	v12 =	vld [tilespmem:s11+$0xD00]  }
0xd0: {  	v36 =	vld [tilespmem:s11+$0xD10]  }
0xd1: {  	v52 =	vld [tilespmem:s11+$0xD20]  }
0xd2: {  	[tilespmem:$0x1FFC0] =	vst v0;
	v0 =	vld [tilespmem:s11+$0x6100]  }
0xd3: {  	v1 =	vld [tilespmem:s11+$0x6110]  }
0xd4: {  	v2 =	vld [tilespmem:s11+$0x6120]  }
0xd5: {  	v49 =	vld [tilespmem:s11+$0xD30]  }
0xd6: {  	v4 =	vld [tilespmem:s11+$0x6140]  }
0xd7: {  	v47 =	vld [tilespmem:s11+$0xD40];
	v0 =	vadd.f32 v62, v0  }
0xd8: {  	v1 =	vadd.f32 v63, v1;
	v63 =	vld [tilespmem:s11+$0x6160]  }
0xd9: {  	v45 =	vld [tilespmem:s11+$0xD50];
	v2 =	vadd.f32 v5, v2;
	v0 =	vadd.f32 v14, v0  }
0xda: {  	v3 =	vld [tilespmem:s11+$0x6130]  }
0xdb: {  	v43 =	vld [tilespmem:s11+$0xD60];
	[tilespmem:s11+$0x6100] =	vst v0;
	v0 =	vadd.f32 v54, v2;
	v2 =	vadd.f32 v7, v4  }
0xdc: {  	v62 =	vld [tilespmem:s11+$0x6150]  }
0xdd: {  	v40 =	vld [tilespmem:s11+$0xD70];
	[tilespmem:s11+$0x6120] =	vst v0;
	v0 =	vadd.f32 v56, v2;
	v2 =	vadd.f32 v21, v63  }
0xde: {  	v5 =	vld [tilespmem:s11+$0x6170];
	v1 =	vadd.f32 v53, v1  }
0xdf: {  	v20 =	vld [tilespmem:s11+$0x1170];
	v3 =	vadd.f32 v6, v3;
	[tilespmem:s11+$0x6140] =	vst v0;
	v0 =	vadd.f32 v58, v2  }
0xe0: {  	v6 =	vld [tilespmem:s11+$0x6510];
	[tilespmem:s11+$0x6110] =	vst v1  }
0xe1: {  	v1 =	vadd.f32 v55, v3;
	v3 =	vadd.f32 v8, v62;
	[tilespmem:s11+$0x6160] =	vst v0;
	v0 =	vld [tilespmem:s11+$0x6530]  }
0xe2: {  	v19 =	vld [tilespmem:s11+$0x1500]  }
0xe3: {  	v18 =	vld [tilespmem:s11+$0x1510];
	[tilespmem:s11+$0x6130] =	vst v1;
	v1 =	vadd.f32 v57, v3;
	v3 =	vadd.f32 v22, v5  }
0xe4: {  	v4 =	vld [tilespmem:s11+$0x6500]  }
0xe5: {  	v17 =	vld [tilespmem:s11+$0x1520];
	[tilespmem:s11+$0x6150] =	vst v1;
	v1 =	vadd.f32 v59, v3;
	v3 =	vadd.f32 v24, v6  }
0xe6: {  	v16 =	vld [tilespmem:s11+$0x1530];
	v0 =	vadd.f32 v26, v0  }
0xe7: {  	v2 =	vld [tilespmem:s11+$0x6520];
	v3 =	vadd.f32 v61, v3  }
0xe8: {  	v15 =	vld [tilespmem:s11+$0x1540];
	v0 =	vadd.f32 v37, v0  }
0xe9: {  	v4 =	vadd.f32 v23, v4;
	[tilespmem:s11+$0x6510] =	vst v3;
	v3 =	vld [tilespmem:s11+$0x6560]  }
0xea: {  	[tilespmem:s11+$0x6530] =	vst v0;
	v0 =	vld [tilespmem:s11+$0x6940]  }
0xeb: {  	v13 =	vld [tilespmem:s11+$0x1550];
	v4 =	vadd.f32 v60, v4  }
0xec: {  	v53 =	vld [tilespmem:$0x1FE50];
	v2 =	vadd.f32 v25, v2  }
0xed: {  	[tilespmem:s11+$0x6500] =	vst v4;
	v4 =	vld [tilespmem:s11+$0x6550]  }
0xee: {  	v50 =	vld [tilespmem:s11+$0x1560];
	v2 =	vadd.f32 v51, v2;
	v3 =	vadd.f32 v29, v3  }
0xef: {  	v62 =	vld [tilespmem:$0x1FEE0];
	v0 =	vadd.f32 v35, v0  }
0xf0: {  	[tilespmem:s11+$0x6520] =	vst v2;
	v2 =	vld [tilespmem:s11+$0x6570];
	v3 =	vadd.f32 v39, v3  }
0xf1: {  	v21 =	vld [tilespmem:$0x1FE00];
	v0 =	vadd.f32 v53, v0  }
0xf2: {  	v4 =	vadd.f32 v28, v4;
	[tilespmem:s11+$0x6560] =	vst v3;
	v3 =	vld [tilespmem:s11+$0x6970]  }
0xf3: {  	[tilespmem:s11+$0x6940] =	vst v0;
	v0 =	vld [tilespmem:s11+$0x6D50]  }
0xf4: {  	v56 =	vld [tilespmem:$0x1FE80];
	v4 =	vadd.f32 v41, v4  }
0xf5: {  	v5 =	vld [tilespmem:s11+$0x6900];
	v2 =	vadd.f32 v30, v2  }
0xf6: {  	[tilespmem:s11+$0x6550] =	vst v4;
	v4 =	vld [tilespmem:s11+$0x6960]  }
0xf7: {  	v2 =	vadd.f32 v21, v2;
	v21 =	vld [tilespmem:$0x1FE10];
	v3 =	vadd.f32 v11, v3  }
0xf8: {  	v55 =	vld [tilespmem:$0x1FE70];
	v0 =	vadd.f32 v45, v0  }
0xf9: {  	v58 =	vld [tilespmem:$0x1FEA0];
	v3 =	vadd.f32 v56, v3  }
0xfa: {  	v6 =	vld [tilespmem:s11+$0x6910];
	v5 =	vadd.f32 v31, v5;
	v0 =	vadd.f32 v62, v0  }
0xfb: {  	v4 =	vadd.f32 v10, v4;
	[tilespmem:s11+$0x6970] =	vst v3;
	v3 =	vld [tilespmem:s11+$0x7100]  }
0xfc: {  	v5 =	vadd.f32 v21, v5;
	[tilespmem:s11+$0x6D50] =	vst v0;
	v0 =	vld [tilespmem:$0x1FF00]  }
0xfd: {  	v21 =	vld [tilespmem:$0x1FE20];
	v4 =	vadd.f32 v55, v4  }
0xfe: {  	[tilespmem:s11+$0x6900] =	vst v5;
	v5 =	vld [tilespmem:s11+$0x6D10]  }
0xff: {  	[tilespmem:s11+$0x6960] =	vst v4;
	v4 =	vld [tilespmem:s11+$0x6D70]  }
0x100: {  	[tilespmem:s11+$0x6570] =	vst v2;
	v2 =	vld [tilespmem:s11+$0x6D00]  }
0x101: {  	v0 =	vadd.f32 v0, v3;
	v3 =	vld [tilespmem:$0x1FF10]  }
0x102: {  	v7 =	vld [tilespmem:s11+$0x6920];
	v6 =	vadd.f32 v32, v6  }
0x103: {  	v57 =	vld [tilespmem:$0x1FE90];
	v5 =	vadd.f32 v36, v5  }
0x104: {  	v59 =	vld [tilespmem:$0x1FEB0];
	v6 =	vadd.f32 v21, v6;
	v4 =	vadd.f32 v40, v4  }
0x105: {  	[tilespmem:s11+$0x6170] =	vst v1;
	v1 =	vld [tilespmem:s11+$0x6540];
	v5 =	vadd.f32 v58, v5  }
0x106: {  	v2 =	vadd.f32 v12, v2;
	[tilespmem:s11+$0x6910] =	vst v6;
	v6 =	vld [tilespmem:s11+$0x6D20];
	v3 =	vadd.f32 v3, v4  }
0x107: {  	[tilespmem:s11+$0x6D10] =	vst v5;
	v5 =	vld [tilespmem:s11+$0x7120]  }
0x108: {  	v2 =	vadd.f32 v57, v2;
	[tilespmem:s11+$0x6D70] =	vst v3;
	v3 =	vld [tilespmem:$0x1FF40]  }
0x109: {  	v21 =	vld [tilespmem:$0x1FE30]  }
0x10a: {  	v1 =	vadd.f32 v27, v1;
	[tilespmem:s11+$0x6D00] =	vst v2;
	v2 =	vld [tilespmem:s11+$0x7110]  }
0x10b: {  	v4 =	vld [tilespmem:$0x1FF20]  }
0x10c: {  	v8 =	vld [tilespmem:s11+$0x6930];
	v7 =	vadd.f32 v33, v7;
	v1 =	vadd.f32 v38, v1  }
0x10d: {  	v6 =	vadd.f32 v52, v6;
	v3 =	vadd.f32 v3, v5;
	v5 =	vld [tilespmem:$0x1FF50]  }
0x10e: {  	[tilespmem:s11+$0x6540] =	vst v1;
	v1 =	vld [tilespmem:s11+$0x6950];
	v7 =	vadd.f32 v21, v7  }
0x10f: {  	v21 =	vld [tilespmem:$0x1FE40];
	v6 =	vadd.f32 v59, v6  }
0x110: {  	[tilespmem:s11+$0x6920] =	vst v7;
	v7 =	vld [tilespmem:s11+$0x6D30];
	v4 =	vadd.f32 v4, v2  }
0x111: {  	[tilespmem:s11+$0x6D20] =	vst v6;
	v6 =	vld [tilespmem:s11+$0x7130]  }
0x112: {  	v4 =	vadd.f32 v5, v4;
	v5 =	vld [tilespmem:$0x1FF60]  }
0x113: {  	v54 =	vld [tilespmem:$0x1FE60]  }
0x114: {  	v8 =	vadd.f32 v34, v8;
	v60 =	vld [tilespmem:$0x1FEC0]  }
0x115: {  	v14 =	vld [tilespmem:s11+$0x1570]  }
0x116: {  	v63 =	vld [tilespmem:$0x1FEF0];
	v1 =	vadd.f32 v9, v1;
	v8 =	vadd.f32 v21, v8  }
0x117: {  	v7 =	vadd.f32 v49, v7;
	v5 =	vadd.f32 v5, v6;
	v6 =	vld [tilespmem:$0x1FF70]  }
0x118: {  	v1 =	vadd.f32 v54, v1;
	[tilespmem:s11+$0x6930] =	vst v8;
	v8 =	vld [tilespmem:s11+$0x6D40]  }
0x119: {  	v61 =	vld [tilespmem:$0x1FED0];
	v7 =	vadd.f32 v60, v7  }
0x11a: {  	[tilespmem:s11+$0x6950] =	vst v1;
	v1 =	vld [tilespmem:s11+$0x6D60]  }
0x11b: {  	[tilespmem:s11+$0x6D30] =	vst v7;
	v7 =	vld [tilespmem:s11+$0x7140]  }
0x11c: {  	[tilespmem:s11+$0x7110] =	vst v4;
	v4 =	vld [tilespmem:$0x1FF80];
	v3 =	vadd.f32 v6, v3  }
0x11d: {  	v8 =	vadd.f32 v47, v8;
	v6 =	vld [tilespmem:$0x1FF90]  }
0x11e: {  	[tilespmem:s11+$0x7120] =	vst v3;
	v3 =	vld [tilespmem:$0x1FFB0]  }
0x11f: {  	v2 =	vld [tilespmem:$0x1FF30];
	v8 =	vadd.f32 v61, v8  }
0x120: {  	v22 =	vld [tilespmem:s11+$0x7160];
	v1 =	vadd.f32 v43, v1  }
0x121: {  	[tilespmem:s11+$0x6D40] =	vst v8;
	v8 =	vld [tilespmem:s11+$0x7150];
	v21 =	vadd.f32 v4, v7  }
0x122: {  	v1 =	vadd.f32 v63, v1;
	v7 =	vadd.f32 v6, v5;
	v5 =	vld [tilespmem:$0x1FFA0]  }
0x123: {  	v21 =	vadd.f32 v3, v21;
	v3 =	vld [tilespmem:$0x1FFC0]  }
0x124: {  	[tilespmem:s11+$0x6D60] =	vst v1;
	v1 =	vld [tilespmem:s11+$0x7170];
	v0 =	vadd.f32 v2, v0  }
0x125: {  	v2 =	vld [tilespmem:s11+$0x7500]  }
0x126: {  	[tilespmem:s11+$0x7100] =	vst v0;
	v0 =	vld [tilespmem:s11+$0x7510]  }
0x127: {  	v4 =	vld [tilespmem:s11+$0x7520]  }
0x128: {  	s26 =	simm.s32 $0x1;
	s5 =	simm.s32 $0x0;
	v6 =	vadd.f32 v5, v8;
	v5 =	vadd.f32 v3, v22;
	v3 =	vld [tilespmem:s11+$0x7530]  }
.LBB2_2:
0x129: {  	[tilespmem:s11+$0x7130] =	vst v7;
	v7 =	vld [tilespmem:$0x1FDB0];
	_ =	sdelay $0x4  }
0x12a: {  	v6 =	vadd.f32 v7, v6  }
0x12b: {  	v8 =	vld [tilespmem:$0x1FDC0]  }
0x12c: {  	[tilespmem:s11+$0x7150] =	vst v6;
	v6 =	vld [tilespmem:$0x1FDD0];
	_ =	sdelay $0x2  }
0x12d: {  	v1 =	vadd.f32 v20, v1  }
0x12e: {  	v5 =	vadd.f32 v8, v5  }
0x12f: {  	v1 =	vadd.f32 v6, v1  }
0x130: {  	[tilespmem:s11+$0x7160] =	vst v5;
	v5 =	vld [tilespmem:$0x1FDE0]  }
0x131: {  	[tilespmem:s11+$0x7170] =	vst v1;
	v1 =	vld [tilespmem:$0x1FDF0]  }
0x132: {  	v7 =	vld [tilespmem:s11+$0x7540]  }
0x133: {  	v2 =	vadd.f32 v19, v2;
	v8 =	vld [tilespmem:s11+$0x7550]  }
0x134: {  	s28 =	sshrl.u32 s26, $0x3;
	v0 =	vadd.f32 v18, v0;
	v6 =	vld [tilespmem:s11+$0x7560]  }
0x135: {  	s5 =	sadd.s32 $0x80, s5;
	s28 =	smul.u32 $0x1800, s28;
	v4 =	vadd.f32 v17, v4;
	v2 =	vadd.f32 v5, v2;
	v5 =	vld [tilespmem:s11+$0x7570]  }
0x136: {  	[tilespmem:s11+$0x7140] =	vst v21;
	s12 =	sand.u32 $0x380, s5;
	v0 =	vadd.f32 v1, v0;
	v1 =	vadd.f32 v16, v3;
	v3 =	vld [tilespmem:s11+$0x4560]  }
0x137: {  	s12 =	sor.u32 s12, s28;
	[tilespmem:s11+$0x7500] =	vst v2;
	v2 =	vadd.f32 v48, v4;
	v4 =	vadd.f32 v15, v7;
	v7 =	vld [tilespmem:s11+$0x4570]  }
0x138: {  	v53 =	vld [tilespmem:s12+$0x3100];
	[tilespmem:s11+$0x7510] =	vst v0;
	v0 =	vadd.f32 v46, v1;
	v1 =	vadd.f32 v13, v8  }
0x139: {  	v55 =	vld [tilespmem:s12+$0x3110];
	[tilespmem:s11+$0x7520] =	vst v2;
	v2 =	vadd.f32 v44, v4;
	v4 =	vadd.f32 v50, v6  }
0x13a: {  	v56 =	vld [tilespmem:s12+$0x3120];
	[tilespmem:s11+$0x7530] =	vst v0;
	v0 =	vadd.f32 v42, v1;
	v1 =	vadd.f32 v14, v5  }
0x13b: {  	v57 =	vld [tilespmem:s12+$0x3130];
	[tilespmem:s11+$0x7540] =	vst v2;
	v2 =	vadd.f32 v3, v4  }
0x13c: {  	v54 =	vld [tilespmem:s12+$0x3140];
	[tilespmem:s11+$0x7550] =	vst v0;
	v0 =	vadd.f32 v7, v1  }
0x13d: {  	v52 =	vld [tilespmem:s12+$0x3150];
	[tilespmem:s11+$0x7560] =	vst v2  }
0x13e: {  	v51 =	vld [tilespmem:s12+$0x3160];
	[tilespmem:s11+$0x7570] =	vst v0;
	s11 =	smov.u32 s12  }
0x13f: {  	v0 =	vld [tilespmem:s11+$0x3170];
	_ =	sdelay $0x4  }
0x140: {  	[tilespmem:$0x1FBD0] =	vst v0;
	v0 =	vld [tilespmem:s11+$0x3500];
	_ =	sdelay $0x4  }
0x141: {  	[tilespmem:$0x1FBE0] =	vst v0;
	v0 =	vld [tilespmem:s11+$0x3510];
	_ =	sdelay $0x4  }
0x142: {  	[tilespmem:$0x1FBF0] =	vst v0;
	v0 =	vld [tilespmem:s11+$0x3520];
	_ =	sdelay $0x4  }
0x143: {  	[tilespmem:$0x1FC00] =	vst v0;
	v0 =	vld [tilespmem:s11+$0x3530];
	_ =	sdelay $0x4  }
0x144: {  	[tilespmem:$0x1FC10] =	vst v0;
	v0 =	vld [tilespmem:s11+$0x3540];
	_ =	sdelay $0x4  }
0x145: {  	[tilespmem:$0x1FC20] =	vst v0;
	v0 =	vld [tilespmem:s11+$0x3550];
	_ =	sdelay $0x4  }
0x146: {  	[tilespmem:$0x1FC30] =	vst v0;
	v0 =	vld [tilespmem:s11+$0x3560];
	_ =	sdelay $0x4  }
0x147: {  	[tilespmem:$0x1FC40] =	vst v0;
	v0 =	vld [tilespmem:s11+$0x3570];
	_ =	sdelay $0x2  }
0x148: {  	v49 =	vld [tilespmem:s11+$0x4520]  }
0x149: {  	v48 =	vld [tilespmem:s11+$0x4530]  }
0x14a: {  	[tilespmem:$0x1FC50] =	vst v0;
	v0 =	vld [tilespmem:s11+$0x3900]  }
0x14b: {  	v47 =	vld [tilespmem:s11+$0x4540]  }
0x14c: {  	v46 =	vld [tilespmem:s11+$0x4550]  }
0x14d: {  	v36 =	vld [tilespmem:s11+$0x100]  }
0x14e: {  	v9 =	vld [tilespmem:s11+$0x110]  }
0x14f: {  	[tilespmem:$0x1FC60] =	vst v0;
	v0 =	vld [tilespmem:s11+$0x3910]  }
0x150: {  	v37 =	vld [tilespmem:s11+$0x120]  }
0x151: {  	v10 =	vld [tilespmem:s11+$0x130]  }
0x152: {  	v38 =	vld [tilespmem:s11+$0x140]  }
0x153: {  	v11 =	vld [tilespmem:s11+$0x150]  }
0x154: {  	[tilespmem:$0x1FC70] =	vst v0;
	v0 =	vld [tilespmem:s11+$0x3920]  }
0x155: {  	v39 =	vld [tilespmem:s11+$0x160]  }
0x156: {  	v12 =	vld [tilespmem:s11+$0x170]  }
0x157: {  	v40 =	vld [tilespmem:s11+$0x500]  }
0x158: {  	v35 =	vld [tilespmem:s11+$0x510]  }
0x159: {  	[tilespmem:$0x1FC80] =	vst v0;
	v0 =	vld [tilespmem:s11+$0x3930]  }
0x15a: {  	v8 =	vld [tilespmem:s11+$0x520]  }
0x15b: {  	v34 =	vld [tilespmem:s11+$0x530]  }
0x15c: {  	v7 =	vld [tilespmem:s11+$0x540]  }
0x15d: {  	v33 =	vld [tilespmem:s11+$0x550]  }
0x15e: {  	[tilespmem:$0x1FC90] =	vst v0;
	v0 =	vld [tilespmem:s11+$0x3940]  }
0x15f: {  	v6 =	vld [tilespmem:s11+$0x560]  }
0x160: {  	v32 =	vld [tilespmem:s11+$0x570]  }
0x161: {  	v5 =	vld [tilespmem:s11+$0x900]  }
0x162: {  	v4 =	vld [tilespmem:s11+$0x910]  }
0x163: {  	[tilespmem:$0x1FCA0] =	vst v0;
	v0 =	vld [tilespmem:s11+$0x3950]  }
0x164: {  	v31 =	vld [tilespmem:s11+$0x920]  }
0x165: {  	v30 =	vld [tilespmem:s11+$0x930]  }
0x166: {  	v29 =	vld [tilespmem:s11+$0x940]  }
0x167: {  	v28 =	vld [tilespmem:s11+$0x950]  }
0x168: {  	[tilespmem:$0x1FCB0] =	vst v0;
	v0 =	vld [tilespmem:s11+$0x3960]  }
0x169: {  	v41 =	vld [tilespmem:s11+$0x6100]  }
0x16a: {  	v42 =	vld [tilespmem:s11+$0x6110]  }
0x16b: {  	v43 =	vld [tilespmem:s11+$0x6120]  }
0x16c: {  	v44 =	vld [tilespmem:s11+$0x6130]  }
0x16d: {  	[tilespmem:$0x1FCC0] =	vst v0;
	v0 =	vld [tilespmem:s11+$0x3970]  }
0x16e: {  	v45 =	vld [tilespmem:s11+$0x6140]  }
0x16f: {  	v36 =	vadd.f32 v36, v41;
	v41 =	vld [tilespmem:s11+$0x6150]  }
0x170: {  	v27 =	vld [tilespmem:s11+$0x960]  }
0x171: {  	v26 =	vld [tilespmem:s11+$0x970];
	v9 =	vadd.f32 v9, v42  }
0x172: {  	v37 =	vadd.f32 v37, v43;
	v36 =	vadd.f32 v53, v36;
	[tilespmem:$0x1FCD0] =	vst v0;
	v0 =	vld [tilespmem:s11+$0x3D00]  }
0x173: {  	v25 =	vld [tilespmem:s11+$0xD00];
	v10 =	vadd.f32 v10, v44;
	v53 =	vadd.f32 v38, v45  }
0x174: {  	v44 =	vld [tilespmem:s11+$0x6500];
	[tilespmem:s11+$0x6100] =	vst v36;
	v36 =	vadd.f32 v56, v37;
	v56 =	vadd.f32 v11, v41  }
0x175: {  	v24 =	vld [tilespmem:s11+$0xD10];
	v9 =	vadd.f32 v55, v9;
	v55 =	vadd.f32 v57, v10  }
0x176: {  	v57 =	vadd.f32 v54, v53;
	v54 =	vadd.f32 v52, v56;
	v52 =	vld [tilespmem:$0x1FBE0]  }
0x177: {  	[tilespmem:$0x1FCE0] =	vst v0;
	v0 =	vld [tilespmem:s11+$0x3D10]  }
0x178: {  	v23 =	vld [tilespmem:s11+$0xD20]  }
0x179: {  	v43 =	vld [tilespmem:s11+$0x6170];
	[tilespmem:s11+$0x6140] =	vst v57;
	v57 =	vadd.f32 v40, v44  }
0x17a: {  	v11 =	vld [tilespmem:s11+$0x6520]  }
0x17b: {  	[tilespmem:s11+$0x6120] =	vst v36;
	v36 =	vadd.f32 v52, v57;
	v57 =	vld [tilespmem:$0x1FC00]  }
0x17c: {  	[tilespmem:$0x1FCF0] =	vst v0;
	v0 =	vld [tilespmem:s11+$0x3D20]  }
0x17d: {  	v22 =	vld [tilespmem:s11+$0xD30]  }
0x17e: {  	v21 =	vld [tilespmem:s11+$0xD40]  }
0x17f: {  	v42 =	vld [tilespmem:s11+$0x6160];
	v8 =	vadd.f32 v8, v11  }
0x180: {  	[tilespmem:s11+$0x6130] =	vst v55;
	v55 =	vadd.f32 v12, v43;
	v12 =	vld [tilespmem:s11+$0x6540]  }
0x181: {  	v8 =	vadd.f32 v57, v8;
	[tilespmem:$0x1FD00] =	vst v0;
	v0 =	vld [tilespmem:s11+$0x3D30]  }
0x182: {  	v3 =	vld [tilespmem:s11+$0xD50]  }
0x183: {  	[tilespmem:s11+$0x6520] =	vst v8;
	v8 =	vld [tilespmem:$0x1FC20]  }
0x184: {  	v1 =	vld [tilespmem:s11+$0xD60]  }
0x185: {  	v2 =	vld [tilespmem:s11+$0xD70]  }
0x186: {  	v53 =	vadd.f32 v39, v42;
	v7 =	vadd.f32 v7, v12;
	[tilespmem:$0x1FD10] =	vst v0;
	v0 =	vld [tilespmem:s11+$0x3D40]  }
0x187: {  	v63 =	vld [tilespmem:s11+$0x1110]  }
0x188: {  	v56 =	vadd.f32 v51, v53;
	v51 =	vld [tilespmem:s11+$0x6560];
	v7 =	vadd.f32 v8, v7  }
0x189: {  	v62 =	vld [tilespmem:s11+$0x1120]  }
0x18a: {  	[tilespmem:s11+$0x6540] =	vst v7;
	v7 =	vld [tilespmem:$0x1FC40]  }
0x18b: {  	[tilespmem:$0x1FD20] =	vst v0;
	v0 =	vld [tilespmem:s11+$0x3D50]  }
0x18c: {  	v61 =	vld [tilespmem:s11+$0x1130]  }
0x18d: {  	v45 =	vld [tilespmem:s11+$0x6550];
	v6 =	vadd.f32 v6, v51  }
0x18e: {  	[tilespmem:s11+$0x6160] =	vst v56;
	v56 =	vld [tilespmem:s11+$0x6900]  }
0x18f: {  	v12 =	vld [tilespmem:s11+$0x6910];
	v6 =	vadd.f32 v7, v6  }
0x190: {  	[tilespmem:$0x1FD30] =	vst v0;
	v0 =	vld [tilespmem:s11+$0x3D60]  }
0x191: {  	[tilespmem:s11+$0x6560] =	vst v6;
	v6 =	vld [tilespmem:$0x1FC60]  }
0x192: {  	v51 =	vld [tilespmem:$0x1FC70]  }
0x193: {  	v39 =	vld [tilespmem:s11+$0x6530]  }
0x194: {  	v44 =	vmov v47;
	v47 =	vld [tilespmem:$0x1FBD0];
	v5 =	vadd.f32 v5, v56  }
0x195: {  	v4 =	vadd.f32 v4, v12;
	[tilespmem:$0x1FD40] =	vst v0;
	v0 =	vld [tilespmem:s11+$0x3D70]  }
0x196: {  	v40 =	vld [tilespmem:s11+$0x6920];
	v5 =	vadd.f32 v6, v5  }
0x197: {  	v8 =	vld [tilespmem:s11+$0x6930];
	v4 =	vadd.f32 v51, v4  }
0x198: {  	[tilespmem:s11+$0x6900] =	vst v5;
	v5 =	vld [tilespmem:$0x1FC80]  }
0x199: {  	[tilespmem:s11+$0x6910] =	vst v4;
	v4 =	vld [tilespmem:$0x1FC90]  }
0x19a: {  	[tilespmem:$0x1FD50] =	vst v0;
	v0 =	vld [tilespmem:s11+$0x4100]  }
0x19b: {  	v38 =	vld [tilespmem:s11+$0x6510];
	[tilespmem:s11+$0x6110] =	vst v9;
	v9 =	vadd.f32 v47, v55  }
0x19c: {  	[tilespmem:s11+$0x6150] =	vst v54;
	v54 =	vld [tilespmem:$0x1FBF0];
	v55 =	vadd.f32 v34, v39;
	v6 =	vadd.f32 v31, v40  }
0x19d: {  	v39 =	vadd.f32 v33, v45;
	v45 =	vld [tilespmem:s11+$0x6940];
	v8 =	vadd.f32 v30, v8  }
0x19e: {  	v7 =	vld [tilespmem:s11+$0x6950];
	v5 =	vadd.f32 v5, v6  }
0x19f: {  	v4 =	vadd.f32 v4, v8;
	[tilespmem:$0x1FD60] =	vst v0;
	v0 =	vld [tilespmem:s11+$0x4110]  }
0x1a0: {  	[tilespmem:s11+$0x6920] =	vst v5;
	v5 =	vld [tilespmem:$0x1FCA0]  }
0x1a1: {  	[tilespmem:s11+$0x6930] =	vst v4;
	v4 =	vld [tilespmem:$0x1FCB0]  }
0x1a2: {  	v60 =	vld [tilespmem:s11+$0x1140]  }
0x1a3: {  	v42 =	vmov v46;
	v53 =	vld [tilespmem:s11+$0x6570];
	v6 =	vadd.f32 v29, v45  }
0x1a4: {  	v46 =	vmovc v48;
	v48 =	vmov v49;
	v49 =	vadd.f32 v35, v38;
	v7 =	vadd.f32 v28, v7;
	[tilespmem:$0x1FD70] =	vst v0;
	v0 =	vld [tilespmem:s11+$0x4120]  }
0x1a5: {  	v12 =	vld [tilespmem:s11+$0x6970];
	v5 =	vadd.f32 v5, v6  }
0x1a6: {  	[tilespmem:s11+$0x6170] =	vst v9;
	v9 =	vadd.f32 v54, v49;
	v49 =	vld [tilespmem:s11+$0x6960];
	v4 =	vadd.f32 v4, v7  }
0x1a7: {  	[tilespmem:s11+$0x6940] =	vst v5;
	v5 =	vld [tilespmem:$0x1FCC0]  }
0x1a8: {  	[tilespmem:s11+$0x6950] =	vst v4;
	v4 =	vld [tilespmem:$0x1FCD0]  }
0x1a9: {  	[tilespmem:$0x1FD80] =	vst v0;
	v0 =	vld [tilespmem:s11+$0x4130]  }
0x1aa: {  	v59 =	vld [tilespmem:s11+$0x1150]  }
0x1ab: {  	v58 =	vld [tilespmem:s11+$0x1160];
	v6 =	vadd.f32 v27, v49  }
0x1ac: {  	v52 =	vld [tilespmem:s11+$0x6D00];
	v7 =	vadd.f32 v26, v12  }
0x1ad: {  	v43 =	vadd.f32 v32, v53;
	v53 =	vld [tilespmem:s11+$0x6D10];
	v5 =	vadd.f32 v5, v6  }
0x1ae: {  	v4 =	vadd.f32 v4, v7;
	[tilespmem:$0x1FD90] =	vst v0;
	v0 =	vld [tilespmem:s11+$0x4140]  }
0x1af: {  	[tilespmem:s11+$0x6960] =	vst v5;
	v5 =	vld [tilespmem:$0x1FCE0]  }
0x1b0: {  	[tilespmem:s11+$0x6970] =	vst v4;
	v4 =	vld [tilespmem:$0x1FCF0]  }
0x1b1: {  	v20 =	vld [tilespmem:s11+$0x1170]  }
0x1b2: {  	v54 =	vld [tilespmem:s11+$0x6D30];
	v6 =	vadd.f32 v25, v52  }
0x1b3: {  	v7 =	vadd.f32 v24, v53;
	[tilespmem:$0x1FDA0] =	vst v0;
	v0 =	vld [tilespmem:s11+$0x4150]  }
0x1b4: {  	v38 =	vld [tilespmem:$0x1FC10];
	v5 =	vadd.f32 v5, v6  }
0x1b5: {  	v8 =	vld [tilespmem:s11+$0x6D20];
	v4 =	vadd.f32 v4, v7  }
0x1b6: {  	[tilespmem:s11+$0x6D00] =	vst v5;
	v5 =	vld [tilespmem:$0x1FD00]  }
0x1b7: {  	[tilespmem:s11+$0x6D10] =	vst v4;
	v4 =	vld [tilespmem:$0x1FD10]  }
0x1b8: {  	[tilespmem:$0x1FDB0] =	vst v0;
	v0 =	vld [tilespmem:s11+$0x4160]  }
0x1b9: {  	v19 =	vld [tilespmem:s11+$0x1500]  }
0x1ba: {  	v18 =	vld [tilespmem:s11+$0x1510];
	v6 =	vadd.f32 v23, v8  }
0x1bb: {  	[tilespmem:s11+$0x6510] =	vst v9;
	v9 =	vadd.f32 v38, v55;
	v55 =	vld [tilespmem:s11+$0x6D50];
	v7 =	vadd.f32 v22, v54  }
0x1bc: {  	v12 =	vld [tilespmem:s11+$0x6D40];
	v5 =	vadd.f32 v5, v6  }
0x1bd: {  	v4 =	vadd.f32 v4, v7;
	[tilespmem:$0x1FDC0] =	vst v0;
	v0 =	vld [tilespmem:s11+$0x4170]  }
0x1be: {  	[tilespmem:s11+$0x6D20] =	vst v5;
	v5 =	vld [tilespmem:$0x1FD20]  }
0x1bf: {  	[tilespmem:s11+$0x6D30] =	vst v4;
	v4 =	vld [tilespmem:$0x1FD30]  }
0x1c0: {  	v17 =	vld [tilespmem:s11+$0x1520]  }
0x1c1: {  	v16 =	vld [tilespmem:s11+$0x1530];
	v6 =	vadd.f32 v21, v12  }
0x1c2: {  	v3 =	vadd.f32 v3, v55;
	[tilespmem:$0x1FDD0] =	vst v0;
	v0 =	vld [tilespmem:s11+$0x4500]  }
0x1c3: {  	v56 =	vld [tilespmem:s11+$0x6D60];
	v5 =	vadd.f32 v5, v6  }
0x1c4: {  	v8 =	vld [tilespmem:s11+$0x6D70];
	v3 =	vadd.f32 v4, v3  }
0x1c5: {  	[tilespmem:s11+$0x6D40] =	vst v5;
	v5 =	vld [tilespmem:$0x1FD40]  }
0x1c6: {  	[tilespmem:s11+$0x6D50] =	vst v3;
	v3 =	vld [tilespmem:$0x1FD50]  }
0x1c7: {  	[tilespmem:$0x1FDE0] =	vst v0;
	v0 =	vld [tilespmem:s11+$0x4510]  }
0x1c8: {  	v15 =	vld [tilespmem:s11+$0x1540]  }
0x1c9: {  	v13 =	vld [tilespmem:s11+$0x1550];
	v2 =	vadd.f32 v2, v8  }
0x1ca: {  	v1 =	vadd.f32 v1, v56;
	v57 =	vld [tilespmem:s11+$0x7100]  }
0x1cb: {  	v12 =	vld [tilespmem:s11+$0x7110];
	v2 =	vadd.f32 v3, v2  }
0x1cc: {  	v1 =	vadd.f32 v5, v1;
	[tilespmem:$0x1FDF0] =	vst v0;
	v0 =	vld [tilespmem:s11+$0x1100]  }
0x1cd: {  	[tilespmem:s11+$0x6D70] =	vst v2;
	v2 =	vld [tilespmem:$0x1FD70]  }
0x1ce: {  	[tilespmem:s11+$0x6D60] =	vst v1;
	v1 =	vld [tilespmem:$0x1FD60]  }
0x1cf: {  	v50 =	vld [tilespmem:s11+$0x1560]  }
0x1d0: {  	v14 =	vld [tilespmem:s11+$0x1570];
	v3 =	vadd.f32 v63, v12  }
0x1d1: {  	v41 =	vld [tilespmem:$0x1FC30];
	v0 =	vadd.f32 v0, v57  }
0x1d2: {  	v7 =	vld [tilespmem:s11+$0x7120];
	v3 =	vadd.f32 v2, v3  }
0x1d3: {  	v6 =	vld [tilespmem:s11+$0x7130];
	v0 =	vadd.f32 v1, v0  }
0x1d4: {  	[tilespmem:s11+$0x7110] =	vst v3;
	v3 =	vld [tilespmem:$0x1FD90]  }
0x1d5: {  	[tilespmem:s11+$0x7100] =	vst v0;
	v0 =	vld [tilespmem:$0x1FD80]  }
0x1d6: {  	v4 =	vld [tilespmem:s11+$0x7140]  }
0x1d7: {  	v47 =	vld [tilespmem:$0x1FC50]  }
0x1d8: {  	v8 =	vld [tilespmem:s11+$0x7160];
	v7 =	vadd.f32 v62, v7;
	v6 =	vadd.f32 v61, v6  }
0x1d9: {  	[tilespmem:s11+$0x6530] =	vst v9;
	v9 =	vadd.f32 v41, v39;
	v5 =	vld [tilespmem:s11+$0x7150]  }
0x1da: {  	p0 =	sne.s32 s26, $0xF;
	v62 =	vadd.f32 v0, v7;
	v7 =	vadd.f32 v3, v6;
	v3 =	vld [tilespmem:$0x1FDA0]  }
.Ltmp0:
0x1db: {  	v63 =	vadd.f32 v60, v4;
	v4 =	vld [tilespmem:s11+$0x7520];
	(pc) =	sbr.rel @p0 .LBB2_2-.Ltmp0, $4  }
0x1dc: {  	[tilespmem:s11+$0x6550] =	vst v9;
	v9 =	vadd.f32 v47, v43;
	v2 =	vld [tilespmem:s11+$0x7500]  }
0x1dd: {  	[tilespmem:s11+$0x6500] =	vst v36;
	v1 =	vld [tilespmem:s11+$0x7170]  }
0x1de: {  	[tilespmem:s11+$0x6570] =	vst v9;
	v0 =	vld [tilespmem:s11+$0x7510];
	v6 =	vadd.f32 v59, v5  }
0x1df: {  	s26 =	sadd.s32 $0x1, s26;
	v5 =	vadd.f32 v58, v8;
	[tilespmem:s11+$0x7120] =	vst v62;
	v21 =	vadd.f32 v3, v63;
	v3 =	vld [tilespmem:s11+$0x7530]  }
0x1e0: {  	v35 =	vld [tilespmem:s11+$0x7540]  }
0x1e1: {  	v8 =	vld [tilespmem:$0x1FDB0]  }
0x1e2: {  	v9 =	vld [tilespmem:$0x1FDC0]  }
0x1e3: {  	v38 =	vld [tilespmem:$0x1FDD0]  }
0x1e4: {  	v40 =	vld [tilespmem:$0x1FDE0]  }
0x1e5: {  	v41 =	vadd.f32 v17, v4;
	v45 =	vld [tilespmem:$0x1FDF0]  }
0x1e6: {  	[tilespmem:s11+$0x7130] =	vst v7;
	v1 =	vadd.f32 v20, v1;
	v6 =	vadd.f32 v8, v6  }
0x1e7: {  	v36 =	vld [tilespmem:s11+$0x7550];
	[tilespmem:s11+$0x7140] =	vst v21;
	v2 =	vadd.f32 v19, v2;
	v5 =	vadd.f32 v9, v5  }
0x1e8: {  	v37 =	vld [tilespmem:s11+$0x7560];
	v0 =	vadd.f32 v18, v0;
	v1 =	vadd.f32 v38, v1;
	[tilespmem:s11+$0x7150] =	vst v6  }
0x1e9: {  	v39 =	vld [tilespmem:s11+$0x7570];
	v3 =	vadd.f32 v16, v3;
	v2 =	vadd.f32 v40, v2;
	[tilespmem:s11+$0x7160] =	vst v5  }
0x1ea: {  	v43 =	vld [tilespmem:s11+$0x4560];
	v0 =	vadd.f32 v45, v0;
	v47 =	vadd.f32 v15, v35;
	[tilespmem:s11+$0x7170] =	vst v1  }
0x1eb: {  	v49 =	vadd.f32 v46, v3;
	[tilespmem:s11+$0x7500] =	vst v2;
	v1 =	vadd.f32 v48, v41;
	v48 =	vld [tilespmem:s11+$0x4570]  }
0x1ec: {  	v51 =	vadd.f32 v13, v36;
	[tilespmem:s11+$0x7510] =	vst v0  }
0x1ed: {  	v53 =	vadd.f32 v50, v37;
	v52 =	vadd.f32 v44, v47;
	[tilespmem:s11+$0x7530] =	vst v49  }
0x1ee: {  	v55 =	vadd.f32 v14, v39;
	v54 =	vadd.f32 v42, v51;
	[tilespmem:s11+$0x7520] =	vst v1  }
0x1ef: {  	v56 =	vadd.f32 v43, v53;
	[tilespmem:s11+$0x7540] =	vst v52  }
0x1f0: {  	[tilespmem:s11+$0x7550] =	vst v54;
	v57 =	vadd.f32 v48, v55  }
0x1f1: {  	[tilespmem:s11+$0x7560] =	vst v56  }
0x1f2: {  	s5 =	simm.s32 $0x0;
	s26 =	rddreg [dreg:$0x8];
	[tilespmem:s11+$0x7570] =	vst v57  }
0x1f3: {  	[hbm4b:s26+s5] =	stream.linear.scatter [tilespmem:s29], [sflag:$0x3], $0x3000, $0x38;
	[tilespmem:$0x12200] =	vst v63  }
0x1f4: {  	_ =	swait.ge [sflag:s23], $0x3000  }
0x1f5: {  	[sflag:s23] =	ssyncset.done $0x0  }
0x1f6: {  	[sflag:s23] =	ssyncadd.s32 $0xFFFFD000  }
0x1f7: {  	[tilespmem:s5], [sflag:$0x3] =	stream.linear.gather [hbm4b:s13+s5], $0x10, $0x38;
	[tilespmem:$0x12200] =	vst v63  }
0x1f8: {  	_ =	swait.ge [sflag:s23], $0x10  }
0x1f9: {  	[sflag:s23] =	ssyncset.done $0x0  }
0x1fa: {  	s28 =	simm.s32 $0x80;
	[sflag:s23] =	ssyncadd.s32 $0xFFFFFFF0  }
0x1fb: {  	[tilespmem:s28], [sflag:$0x3] =	stream.linear.gather [hbm4b:s14+s5], $0x10, $0x38;
	[tilespmem:$0x12200] =	vst v63  }
0x1fc: {  	_ =	swait.ge [sflag:s23], $0x10  }
0x1fd: {  	[sflag:s23] =	ssyncset.done $0x0  }
0x1fe: {  	[sflag:s23] =	ssyncadd.s32 $0xFFFFFFF0  }
0x1ff: {  	v58 =	vld [tilespmem:$0x0];
	_ =	sdelay $0x3  }
0x200: {  	v60 =	vld [tilespmem:$0x1FFD0]  }
0x201: {  	v59 =	vshrl.u32 v58, $0x3  }
0x202: {  	v61 =	vld [tilespmem:$0x1FFE0];
	v1 =	vmul.u32 $0x30, v59  }
0x203: {  	v0 =	vand.u32 $0x7, v58  }
0x204: {  	v0 =	vor.u32 v0, v1  }
0x205: {  	v1 =	vperm.xlane v0, v60  }
0x206: {  	v62 =	vld [tilespmem:$0x1FFF0]  }
0x207: {  	v1 =	vadd.s32 v61, v1;
	_ =	sdelay $0x3  }
0x208: {  	s12 =	simm.s32 $0x100;
	v0 =	vperm.xlane v0, v62  }
0x209: {  	[tilespmem:s12], [sflag:$0x1] =	stream.indirect_vreg.gather [hbm4b:s3+s5], $0x80, v1, vm0, $0xb8;
	[tilespmem:$0x12200] =	vst v63  }
0x20a: {  	s26 =	simm.s32 $0x900;
	v0 =	vadd.s32 v61, v0  }
0x20b: {  	[tilespmem:s26], [sflag:$0x1] =	stream.indirect_vreg.gather [hbm4b:s6+s5], $0x80, v1, vm0, $0xb8;
	[tilespmem:$0x12200] =	vst v63  }
0x20c: {  	s28 =	simm.s32 $0x1100  }
0x20d: {  	[tilespmem:s28], [sflag:$0x1] =	stream.indirect_vreg.gather [hbm4b:s7+s5], $0x80, v1, vm0, $0xb8;
	[tilespmem:$0x12200] =	vst v63  }
0x20e: {  	s12 =	simm.s32 $0x1900  }
0x20f: {  	[tilespmem:s12], [sflag:$0x1] =	stream.indirect_vreg.gather [hbm4b:s3+s5], $0x80, v0, vm0, $0xb8;
	[tilespmem:$0x12200] =	vst v63  }
0x210: {  	s26 =	simm.s32 $0x2100  }
0x211: {  	[tilespmem:s26], [sflag:$0x1] =	stream.indirect_vreg.gather [hbm4b:s6+s5], $0x80, v0, vm0, $0xb8;
	[tilespmem:$0x12200] =	vst v63  }
0x212: {  	s28 =	simm.s32 $0x2900  }
0x213: {  	[tilespmem:s28], [sflag:$0x1] =	stream.indirect_vreg.gather [hbm4b:s7+s5], $0x80, v0, vm0, $0xb8;
	[tilespmem:$0x12200] =	vst v63  }
0x214: {  	v0 =	vld [tilespmem:$0x80];
	_ =	sdelay $0x4  }
0x215: {  	v63 =	vshrl.u32 v0, $0x3  }
0x216: {  	v1 =	vmul.u32 $0x30, v63  }
0x217: {  	v0 =	vand.u32 $0x7, v0  }
0x218: {  	v0 =	vor.u32 v0, v1  }
0x219: {  	v1 =	vperm.xlane v0, v60;
	_ =	sdelay $0x1  }
0x21a: {  	v1 =	vadd.s32 v61, v1;
	_ =	sdelay $0x3  }
0x21b: {  	s12 =	simm.s32 $0x3100;
	v0 =	vperm.xlane v0, v62  }
0x21c: {  	[tilespmem:s12], [sflag:$0x1] =	stream.indirect_vreg.gather [hbm4b:s3+s5], $0x80, v1, vm0, $0xb8;
	[tilespmem:$0x12200] =	vst v63  }
0x21d: {  	s26 =	simm.s32 $0x3900;
	v0 =	vadd.s32 v61, v0  }
0x21e: {  	[tilespmem:s26], [sflag:$0x1] =	stream.indirect_vreg.gather [hbm4b:s6+s5], $0x80, v1, vm0, $0xb8;
	[tilespmem:$0x12200] =	vst v63  }
0x21f: {  	s28 =	simm.s32 $0x4100  }
0x220: {  	[tilespmem:s28], [sflag:$0x1] =	stream.indirect_vreg.gather [hbm4b:s7+s5], $0x80, v1, vm0, $0xb8;
	[tilespmem:$0x12200] =	vst v63  }
0x221: {  	s12 =	simm.s32 $0x4900  }
0x222: {  	[tilespmem:s12], [sflag:$0x1] =	stream.indirect_vreg.gather [hbm4b:s3+s5], $0x80, v0, vm0, $0xb8;
	[tilespmem:$0x12200] =	vst v63  }
0x223: {  	s26 =	simm.s32 $0x5100  }
0x224: {  	[tilespmem:s26], [sflag:$0x1] =	stream.indirect_vreg.gather [hbm4b:s6+s5], $0x80, v0, vm0, $0xb8;
	[tilespmem:$0x12200] =	vst v63  }
0x225: {  	s28 =	simm.s32 $0x5900  }
0x226: {  	[tilespmem:s28], [sflag:$0x1] =	stream.indirect_vreg.gather [hbm4b:s7+s5], $0x80, v0, vm0, $0xb8;
	[tilespmem:$0x12200] =	vst v63  }
0x227: {  	_ = 	snop  }
0x228: {  	[tilespmem:s29], [sflag:$0x1] =	stream.linear.gather [hbm4b:s15+s5], $0x3000, $0x38;
	[tilespmem:$0x12200] =	vst v63  }
0x229: {  	_ =	swait.ge [sflag:s24], $0x3000  }
0x22a: {  	[sflag:s24] =	ssyncset.done $0x0  }
0x22b: {  	[sflag:s24] =	ssyncadd.s32 $0xFFFFD000  }
0x22c: {  	_ =	swait.ge [sflag:s24], $0x3000  }
0x22d: {  	[sflag:s24] =	ssyncset.done $0x0  }
0x22e: {  	[sflag:s24] =	ssyncadd.s32 $0xFFFFD000  }
0x22f: {  	_ =	swait.ge [sflag:s24], $0x3000  }
0x230: {  	[sflag:s24] =	ssyncset.done $0x0  }
0x231: {  	s11 =	simm.s32 $0x0;
	[sflag:s24] =	ssyncadd.s32 $0xFFFFD000  }
.LBB2_4:
0x232: {  	s12 =	sshrl.u32 s11, $0x3  }
0x233: {  	s12 =	smul.u32 $0x1800, s12  }
0x234: {  	s26 =	sand.u32 $0x380, s5  }
0x235: {  	s26 =	sor.u32 s26, s12  }
0x236: {  	v4 =	vld [tilespmem:s26+$0xF200]  }
0x237: {  	v5 =	vld [tilespmem:s26+$0x9200]  }
0x238: {  	v6 =	vld [tilespmem:s26+$0xC200]  }
0x239: {  	v7 =	vld [tilespmem:s26+$0xF210]  }
0x23a: {  	v8 =	vld [tilespmem:s26+$0x9210]  }
0x23b: {  	v9 =	vld [tilespmem:s26+$0xC210]  }
0x23c: {  	v10 =	vld [tilespmem:s26+$0xF220]  }
0x23d: {  	v11 =	vld [tilespmem:s26+$0x9220]  }
0x23e: {  	v12 =	vld [tilespmem:s26+$0xC220]  }
0x23f: {  	v13 =	vld [tilespmem:s26+$0xF230]  }
0x240: {  	v14 =	vld [tilespmem:s26+$0x9230]  }
0x241: {  	v15 =	vld [tilespmem:s26+$0xC230]  }
0x242: {  	v1 =	vld [tilespmem:s26+$0xF240]  }
0x243: {  	v2 =	vld [tilespmem:s26+$0x9240]  }
0x244: {  	v0 =	vld [tilespmem:s26+$0xC240]  }
0x245: {  	v16 =	vld [tilespmem:s26+$0xF250]  }
0x246: {  	v17 =	vld [tilespmem:s26+$0x9250]  }
0x247: {  	v18 =	vld [tilespmem:s26+$0xC250]  }
0x248: {  	v19 =	vld [tilespmem:s26+$0xF260]  }
0x249: {  	v20 =	vld [tilespmem:s26+$0x9260]  }
0x24a: {  	v21 =	vld [tilespmem:s26+$0xC260]  }
0x24b: {  	v22 =	vld [tilespmem:s26+$0xF270]  }
0x24c: {  	v23 =	vld [tilespmem:s26+$0x9270]  }
0x24d: {  	v24 =	vld [tilespmem:s26+$0xC270]  }
0x24e: {  	v25 =	vld [tilespmem:s26+$0xF600]  }
0x24f: {  	v26 =	vld [tilespmem:s26+$0x9600]  }
0x250: {  	v27 =	vld [tilespmem:s26+$0xC600]  }
0x251: {  	v28 =	vld [tilespmem:s26+$0xF610]  }
0x252: {  	v29 =	vld [tilespmem:s26+$0x9610]  }
0x253: {  	v30 =	vld [tilespmem:s26+$0xC610]  }
0x254: {  	v31 =	vld [tilespmem:s26+$0xF620]  }
0x255: {  	v32 =	vld [tilespmem:s26+$0x9620]  }
0x256: {  	v33 =	vld [tilespmem:s26+$0xC620]  }
0x257: {  	v34 =	vld [tilespmem:s26+$0xF630]  }
0x258: {  	v35 =	vld [tilespmem:s26+$0x9630]  }
0x259: {  	v36 =	vld [tilespmem:s26+$0xC630]  }
0x25a: {  	v3 =	vld [tilespmem:s26+$0xF640]  }
0x25b: {  	v37 =	vld [tilespmem:s26+$0xF650]  }
0x25c: {  	v38 =	vld [tilespmem:s26+$0x9650]  }
0x25d: {  	v39 =	vld [tilespmem:s26+$0xC650]  }
0x25e: {  	v40 =	vld [tilespmem:s26+$0xF660]  }
0x25f: {  	v41 =	vld [tilespmem:s26+$0x9660]  }
0x260: {  	v42 =	vld [tilespmem:s26+$0xC660]  }
0x261: {  	v43 =	vld [tilespmem:s26+$0xF670]  }
0x262: {  	v44 =	vld [tilespmem:s26+$0x9670]  }
0x263: {  	v45 =	vld [tilespmem:s26+$0xC670]  }
0x264: {  	v46 =	vld [tilespmem:s26+$0xFA00]  }
0x265: {  	v47 =	vld [tilespmem:s26+$0x9A00]  }
0x266: {  	v48 =	vld [tilespmem:s26+$0xCA00]  }
0x267: {  	v49 =	vld [tilespmem:s26+$0xFA10]  }
0x268: {  	v50 =	vld [tilespmem:s26+$0x9A10]  }
0x269: {  	v51 =	vld [tilespmem:s26+$0xCA10]  }
0x26a: {  	v52 =	vld [tilespmem:s26+$0xFA20]  }
0x26b: {  	v53 =	vld [tilespmem:s26+$0x9A20]  }
0x26c: {  	v54 =	vld [tilespmem:s26+$0xCA20]  }
0x26d: {  	v55 =	vld [tilespmem:s26+$0xFA30]  }
0x26e: {  	v56 =	vld [tilespmem:s26+$0x9A30]  }
0x26f: {  	v57 =	vld [tilespmem:s26+$0xCA30]  }
0x270: {  	v58 =	vld [tilespmem:s26+$0xFA50]  }
0x271: {  	v59 =	vld [tilespmem:s26+$0x9A50];
	v4 =	vadd.f32 v5, v4  }
0x272: {  	v60 =	vld [tilespmem:s26+$0xCA50];
	v7 =	vadd.f32 v8, v7  }
0x273: {  	v61 =	vld [tilespmem:s26+$0xFA60];
	v63 =	vadd.f32 v11, v10;
	v4 =	vadd.f32 v6, v4  }
0x274: {  	v62 =	vld [tilespmem:s26+$0x9A60];
	v7 =	vadd.f32 v9, v7;
	v9 =	vadd.f32 v14, v13  }
0x275: {  	v5 =	vld [tilespmem:s26+$0xCA60];
	[tilespmem:s26+$0xF200] =	vst v4;
	v4 =	vadd.f32 v12, v63  }
0x276: {  	v8 =	vld [tilespmem:s26+$0xFA70];
	v63 =	vadd.f32 v17, v16;
	v16 =	vadd.f32 v15, v9  }
0x277: {  	v10 =	vld [tilespmem:s26+$0x9A70];
	v17 =	vadd.f32 v20, v19;
	v20 =	vadd.f32 v23, v22  }
0x278: {  	v11 =	vld [tilespmem:s26+$0xCA70];
	v23 =	vadd.f32 v26, v25;
	v26 =	vadd.f32 v29, v28  }
0x279: {  	v13 =	vld [tilespmem:s26+$0x9E00];
	v29 =	vadd.f32 v32, v31;
	v32 =	vadd.f32 v35, v34  }
0x27a: {  	v14 =	vld [tilespmem:s26+$0xCE00];
	v35 =	vadd.f32 v38, v37;
	v38 =	vadd.f32 v41, v40  }
0x27b: {  	v12 =	vld [tilespmem:s26+$0xFE00];
	[tilespmem:s26+$0xF210] =	vst v7;
	v41 =	vadd.f32 v44, v43;
	v44 =	vadd.f32 v47, v46  }
0x27c: {  	v15 =	vld [tilespmem:s26+$0xFE10];
	v47 =	vadd.f32 v50, v49;
	[tilespmem:s26+$0xF220] =	vst v4;
	v19 =	vadd.f32 v18, v63  }
0x27d: {  	v49 =	vadd.f32 v53, v52;
	v50 =	vld [tilespmem:s26+$0xFE50];
	[tilespmem:s26+$0xF230] =	vst v16;
	v22 =	vadd.f32 v21, v17  }
0x27e: {  	v53 =	vadd.f32 v56, v55;
	v55 =	vld [tilespmem:s26+$0x9E50];
	v25 =	vadd.f32 v24, v20;
	[tilespmem:s26+$0xF250] =	vst v19  }
0x27f: {  	v16 =	vld [tilespmem:s26+$0x9E10];
	v28 =	vadd.f32 v27, v23;
	[tilespmem:s26+$0xF260] =	vst v22  }
0x280: {  	v17 =	vld [tilespmem:s26+$0xCE10];
	v31 =	vadd.f32 v30, v26;
	[tilespmem:s26+$0xF270] =	vst v25  }
0x281: {  	v18 =	vld [tilespmem:s26+$0xFE20];
	v34 =	vadd.f32 v33, v29;
	[tilespmem:s26+$0xF600] =	vst v28  }
0x282: {  	v37 =	vadd.f32 v36, v32;
	v20 =	vld [tilespmem:s26+$0xCE20];
	[tilespmem:s26+$0xF610] =	vst v31  }
0x283: {  	v40 =	vadd.f32 v39, v35;
	v21 =	vld [tilespmem:s26+$0xFE30];
	[tilespmem:s26+$0xF620] =	vst v34  }
0x284: {  	v43 =	vadd.f32 v42, v38;
	v23 =	vld [tilespmem:s26+$0xCE30];
	[tilespmem:s26+$0xF630] =	vst v37  }
0x285: {  	v46 =	vadd.f32 v45, v41;
	v63 =	vld [tilespmem:s26+$0xCE50];
	[tilespmem:s26+$0xF650] =	vst v40  }
0x286: {  	v48 =	vadd.f32 v48, v44;
	v32 =	vld [tilespmem:s26+$0xFE60];
	[tilespmem:s26+$0xF660] =	vst v43  }
0x287: {  	v52 =	vadd.f32 v51, v47;
	v35 =	vld [tilespmem:s26+$0x9E60];
	[tilespmem:s26+$0xF670] =	vst v46  }
0x288: {  	v59 =	vadd.f32 v59, v58;
	v56 =	vadd.f32 v54, v49;
	v19 =	vld [tilespmem:s26+$0x9E20];
	[tilespmem:s26+$0xFA00] =	vst v48  }
0x289: {  	v30 =	vadd.f32 v57, v53;
	v22 =	vld [tilespmem:s26+$0x9E30];
	[tilespmem:s26+$0xFA10] =	vst v52;
	v31 =	vadd.f32 v62, v61  }
0x28a: {  	v33 =	vadd.f32 v60, v59;
	[tilespmem:s26+$0xFA20] =	vst v56;
	v34 =	vadd.f32 v10, v8;
	v37 =	vld [tilespmem:s26+$0xFE70]  }
0x28b: {  	[tilespmem:s26+$0xFA30] =	vst v30;
	v43 =	vld [tilespmem:s26+$0xCE60];
	v36 =	vadd.f32 v13, v12;
	v5 =	vadd.f32 v5, v31  }
0x28c: {  	[tilespmem:s26+$0xFA50] =	vst v33;
	v40 =	vld [tilespmem:s26+$0x9E70];
	v48 =	vadd.f32 v55, v50;
	v38 =	vadd.f32 v11, v34  }
0x28d: {  	v49 =	vld [tilespmem:s26+$0x9640];
	v39 =	vadd.f32 v16, v15;
	v41 =	vadd.f32 v14, v36;
	[tilespmem:s26+$0xFA60] =	vst v5  }
0x28e: {  	v46 =	vld [tilespmem:s26+$0xCE70];
	v51 =	vadd.f32 v35, v32;
	v53 =	vadd.f32 v63, v48;
	[tilespmem:s26+$0xFA70] =	vst v38  }
0x28f: {  	v59 =	vld [tilespmem:s26+$0xFE40];
	v42 =	vadd.f32 v19, v18;
	v44 =	vadd.f32 v17, v39;
	[tilespmem:s26+$0xFE00] =	vst v41  }
0x290: {  	v60 =	vld [tilespmem:s26+$0x9E40];
	v45 =	vadd.f32 v22, v21;
	v6 =	vadd.f32 v43, v51;
	[tilespmem:s26+$0xFE50] =	vst v53  }
0x291: {  	v52 =	vld [tilespmem:s26+$0xC640];
	v54 =	vadd.f32 v40, v37;
	v47 =	vadd.f32 v20, v42;
	[tilespmem:s26+$0xFE10] =	vst v44  }
0x292: {  	v56 =	vld [tilespmem:s26+$0x9A40];
	v50 =	vadd.f32 v23, v45;
	[tilespmem:s26+$0xFE60] =	vst v6  }
0x293: {  	v61 =	vld [tilespmem:s26+$0xA200];
	v58 =	vadd.f32 v46, v54;
	[tilespmem:s26+$0xFE20] =	vst v47  }
0x294: {  	v62 =	vld [tilespmem:s26+$0xCE40];
	[tilespmem:s26+$0xFE30] =	vst v50  }
0x295: {  	s12 =	sadd.s32 $0x1000, s26;
	v55 =	vld [tilespmem:s26+$0xFA40];
	[tilespmem:s26+$0xFE70] =	vst v58  }
0x296: {  	v5 =	vld [tilespmem:s12+$0xF200]  }
0x297: {  	v1 =	vadd.f32 v2, v1;
	v57 =	vld [tilespmem:s26+$0xCA40]  }
0x298: {  	v3 =	vadd.f32 v49, v3;
	v63 =	vld [tilespmem:s26+$0xD200]  }
0x299: {  	v0 =	vadd.f32 v0, v1;
	v16 =	vadd.f32 v60, v59  }
0x29a: {  	v3 =	vadd.f32 v52, v3;
	v15 =	vadd.f32 v56, v55  }
0x29b: {  	[tilespmem:s26+$0xF240] =	vst v0;
	v2 =	vadd.f32 v62, v16;
	v18 =	vadd.f32 v61, v5  }
0x29c: {  	[tilespmem:s26+$0xF640] =	vst v3;
	v17 =	vadd.f32 v57, v15  }
0x29d: {  	[tilespmem:s26+$0xFE40] =	vst v2;
	v19 =	vadd.f32 v63, v18  }
0x29e: {  	[tilespmem:s26+$0xFA40] =	vst v17  }
0x29f: {  	v20 =	vld [tilespmem:s12+$0xF210];
	[tilespmem:s12+$0xF200] =	vst v19  }
0x2a0: {  	v21 =	vld [tilespmem:s26+$0xA210];
	_ =	sdelay $0x1  }
0x2a1: {  	v22 =	vld [tilespmem:s26+$0xD210];
	_ =	sdelay $0x2  }
0x2a2: {  	v0 =	vadd.f32 v21, v20;
	_ =	sdelay $0x1  }
0x2a3: {  	v0 =	vadd.f32 v22, v0;
	_ =	sdelay $0x1  }
0x2a4: {  	v23 =	vld [tilespmem:s12+$0xF220];
	[tilespmem:s12+$0xF210] =	vst v0  }
0x2a5: {  	v24 =	vld [tilespmem:s26+$0xA220];
	_ =	sdelay $0x1  }
0x2a6: {  	v25 =	vld [tilespmem:s26+$0xD220];
	_ =	sdelay $0x2  }
0x2a7: {  	v0 =	vadd.f32 v24, v23;
	_ =	sdelay $0x1  }
0x2a8: {  	v0 =	vadd.f32 v25, v0;
	_ =	sdelay $0x1  }
0x2a9: {  	v26 =	vld [tilespmem:s12+$0xF230];
	[tilespmem:s12+$0xF220] =	vst v0  }
0x2aa: {  	v27 =	vld [tilespmem:s26+$0xA230];
	_ =	sdelay $0x1  }
0x2ab: {  	v28 =	vld [tilespmem:s26+$0xD230];
	_ =	sdelay $0x2  }
0x2ac: {  	v0 =	vadd.f32 v27, v26;
	_ =	sdelay $0x1  }
0x2ad: {  	v0 =	vadd.f32 v28, v0;
	_ =	sdelay $0x1  }
0x2ae: {  	v29 =	vld [tilespmem:s12+$0xF240];
	[tilespmem:s12+$0xF230] =	vst v0  }
0x2af: {  	v30 =	vld [tilespmem:s26+$0xA240];
	_ =	sdelay $0x1  }
0x2b0: {  	v31 =	vld [tilespmem:s26+$0xD240];
	_ =	sdelay $0x2  }
0x2b1: {  	v0 =	vadd.f32 v30, v29;
	_ =	sdelay $0x1  }
0x2b2: {  	v0 =	vadd.f32 v31, v0;
	_ =	sdelay $0x1  }
0x2b3: {  	v32 =	vld [tilespmem:s12+$0xF250];
	[tilespmem:s12+$0xF240] =	vst v0  }
0x2b4: {  	v33 =	vld [tilespmem:s26+$0xA250];
	_ =	sdelay $0x1  }
0x2b5: {  	v34 =	vld [tilespmem:s26+$0xD250];
	_ =	sdelay $0x2  }
0x2b6: {  	v0 =	vadd.f32 v33, v32;
	_ =	sdelay $0x1  }
0x2b7: {  	v0 =	vadd.f32 v34, v0;
	_ =	sdelay $0x1  }
0x2b8: {  	v35 =	vld [tilespmem:s12+$0xF260];
	[tilespmem:s12+$0xF250] =	vst v0  }
0x2b9: {  	v36 =	vld [tilespmem:s26+$0xA260];
	_ =	sdelay $0x1  }
0x2ba: {  	v37 =	vld [tilespmem:s26+$0xD260];
	_ =	sdelay $0x2  }
0x2bb: {  	v0 =	vadd.f32 v36, v35;
	_ =	sdelay $0x1  }
0x2bc: {  	v0 =	vadd.f32 v37, v0;
	_ =	sdelay $0x1  }
0x2bd: {  	v38 =	vld [tilespmem:s12+$0xF270];
	[tilespmem:s12+$0xF260] =	vst v0  }
0x2be: {  	v39 =	vld [tilespmem:s26+$0xA270];
	_ =	sdelay $0x1  }
0x2bf: {  	v40 =	vld [tilespmem:s26+$0xD270];
	_ =	sdelay $0x2  }
0x2c0: {  	v0 =	vadd.f32 v39, v38;
	_ =	sdelay $0x1  }
0x2c1: {  	v0 =	vadd.f32 v40, v0;
	_ =	sdelay $0x1  }
0x2c2: {  	s28 =	sadd.s32 $0x1400, s26;
	[tilespmem:s12+$0xF270] =	vst v0  }
0x2c3: {  	v0 =	vld [tilespmem:s28+$0xF200]  }
0x2c4: {  	v41 =	vld [tilespmem:s26+$0xA600];
	_ =	sdelay $0x1  }
0x2c5: {  	v42 =	vld [tilespmem:s26+$0xD600];
	_ =	sdelay $0x2  }
0x2c6: {  	v0 =	vadd.f32 v41, v0;
	_ =	sdelay $0x1  }
0x2c7: {  	v0 =	vadd.f32 v42, v0;
	_ =	sdelay $0x1  }
0x2c8: {  	v43 =	vld [tilespmem:s28+$0xF210];
	[tilespmem:s28+$0xF200] =	vst v0  }
0x2c9: {  	v44 =	vld [tilespmem:s26+$0xA610];
	_ =	sdelay $0x1  }
0x2ca: {  	v45 =	vld [tilespmem:s26+$0xD610];
	_ =	sdelay $0x2  }
0x2cb: {  	v0 =	vadd.f32 v44, v43;
	_ =	sdelay $0x1  }
0x2cc: {  	v0 =	vadd.f32 v45, v0;
	_ =	sdelay $0x1  }
0x2cd: {  	v46 =	vld [tilespmem:s28+$0xF220];
	[tilespmem:s28+$0xF210] =	vst v0  }
0x2ce: {  	v47 =	vld [tilespmem:s26+$0xA620];
	_ =	sdelay $0x1  }
0x2cf: {  	v48 =	vld [tilespmem:s26+$0xD620];
	_ =	sdelay $0x2  }
0x2d0: {  	v0 =	vadd.f32 v47, v46;
	_ =	sdelay $0x1  }
0x2d1: {  	v0 =	vadd.f32 v48, v0;
	_ =	sdelay $0x1  }
0x2d2: {  	v49 =	vld [tilespmem:s28+$0xF230];
	[tilespmem:s28+$0xF220] =	vst v0  }
0x2d3: {  	v50 =	vld [tilespmem:s26+$0xA630];
	_ =	sdelay $0x1  }
0x2d4: {  	v51 =	vld [tilespmem:s26+$0xD630];
	_ =	sdelay $0x2  }
0x2d5: {  	v0 =	vadd.f32 v50, v49;
	_ =	sdelay $0x1  }
0x2d6: {  	v0 =	vadd.f32 v51, v0;
	_ =	sdelay $0x1  }
0x2d7: {  	v52 =	vld [tilespmem:s28+$0xF240];
	[tilespmem:s28+$0xF230] =	vst v0  }
0x2d8: {  	v53 =	vld [tilespmem:s26+$0xA640];
	_ =	sdelay $0x1  }
0x2d9: {  	v54 =	vld [tilespmem:s26+$0xD640];
	_ =	sdelay $0x2  }
0x2da: {  	v0 =	vadd.f32 v53, v52;
	_ =	sdelay $0x1  }
0x2db: {  	v0 =	vadd.f32 v54, v0;
	_ =	sdelay $0x1  }
0x2dc: {  	v55 =	vld [tilespmem:s28+$0xF250];
	[tilespmem:s28+$0xF240] =	vst v0  }
0x2dd: {  	v56 =	vld [tilespmem:s26+$0xA650];
	_ =	sdelay $0x1  }
0x2de: {  	v57 =	vld [tilespmem:s26+$0xD650];
	_ =	sdelay $0x2  }
0x2df: {  	v0 =	vadd.f32 v56, v55;
	_ =	sdelay $0x1  }
0x2e0: {  	v0 =	vadd.f32 v57, v0;
	_ =	sdelay $0x1  }
0x2e1: {  	v58 =	vld [tilespmem:s28+$0xF260];
	[tilespmem:s28+$0xF250] =	vst v0  }
0x2e2: {  	v59 =	vld [tilespmem:s26+$0xA660];
	_ =	sdelay $0x1  }
0x2e3: {  	v60 =	vld [tilespmem:s26+$0xD660];
	_ =	sdelay $0x2  }
0x2e4: {  	v0 =	vadd.f32 v59, v58;
	_ =	sdelay $0x1  }
0x2e5: {  	v0 =	vadd.f32 v60, v0;
	_ =	sdelay $0x1  }
0x2e6: {  	v61 =	vld [tilespmem:s28+$0xF270];
	[tilespmem:s28+$0xF260] =	vst v0  }
0x2e7: {  	v62 =	vld [tilespmem:s26+$0xA670];
	_ =	sdelay $0x1  }
0x2e8: {  	v63 =	vld [tilespmem:s26+$0xD670];
	_ =	sdelay $0x1  }
0x2e9: {  	p0 =	sne.s32 s11, $0xF  }
.Ltmp1:
0x2ea: {  	v0 =	vadd.f32 v62, v61;
	(pc) =	sbr.rel @p0 .LBB2_4-.Ltmp1, $3  }
0x2eb: {  	_ = 	snop  }
0x2ec: {  	v0 =	vadd.f32 v63, v0;
	_ =	sdelay $0x1  }
0x2ed: {  	s5 =	sadd.s32 $0x80, s5;
	s11 =	sadd.s32 $0x1, s11;
	[tilespmem:s28+$0xF270] =	vst v0  }
0x2ee: {  	s11 =	simm.s32 $0x0  }
0x2ef: {  	[hbm4b:s16+s11] =	stream.linear.scatter [tilespmem:s9], [sflag:$0x3], $0x3000, $0x38;
	[tilespmem:$0x12200] =	vst v63  }
0x2f0: {  	_ =	swait.ge [sflag:s23], $0x3000  }
0x2f1: {  	[sflag:s23] =	ssyncset.done $0x0  }
0x2f2: {  	s5 =	simm.s32 $0x9100;
	[sflag:s23] =	ssyncadd.s32 $0xFFFFD000  }
0x2f3: {  	[tilespmem:s5], [sflag:$0x3] =	stream.linear.gather [hbm4b:s17+s11], $0x10, $0x38;
	[tilespmem:$0x12200] =	vst v63  }
0x2f4: {  	_ =	swait.ge [sflag:s23], $0x10  }
0x2f5: {  	[sflag:s23] =	ssyncset.done $0x0  }
0x2f6: {  	s12 =	simm.s32 $0x9180;
	[sflag:s23] =	ssyncadd.s32 $0xFFFFFFF0  }
0x2f7: {  	[tilespmem:s12], [sflag:$0x3] =	stream.linear.gather [hbm4b:s18+s11], $0x10, $0x38;
	[tilespmem:$0x12200] =	vst v63  }
0x2f8: {  	_ =	swait.ge [sflag:s23], $0x10  }
0x2f9: {  	[sflag:s23] =	ssyncset.done $0x0  }
0x2fa: {  	[sflag:s23] =	ssyncadd.s32 $0xFFFFFFF0  }
0x2fb: {  	v0 =	vld [tilespmem:$0x9100];
	_ =	sdelay $0x3  }
0x2fc: {  	v2 =	vld [tilespmem:$0x1FFD0]  }
0x2fd: {  	v1 =	vshrl.u32 v0, $0x3  }
0x2fe: {  	v3 =	vld [tilespmem:$0x1FFE0];
	v1 =	vmul.u32 $0x30, v1  }
0x2ff: {  	v0 =	vand.u32 $0x7, v0  }
0x300: {  	v0 =	vor.u32 v0, v1  }
0x301: {  	v1 =	vperm.xlane v0, v2  }
0x302: {  	v4 =	vld [tilespmem:$0x1FFF0]  }
0x303: {  	v1 =	vadd.s32 v3, v1;
	_ =	sdelay $0x3  }
0x304: {  	s26 =	simm.s32 $0x9200;
	v0 =	vperm.xlane v0, v4  }
0x305: {  	[tilespmem:s26], [sflag:$0x2] =	stream.indirect_vreg.gather [hbm4b:s3+s11], $0x80, v1, vm0, $0xb8;
	[tilespmem:$0x12200] =	vst v63  }
0x306: {  	s28 =	simm.s32 $0x9A00;
	v0 =	vadd.s32 v3, v0  }
0x307: {  	[tilespmem:s28], [sflag:$0x2] =	stream.indirect_vreg.gather [hbm4b:s6+s11], $0x80, v1, vm0, $0xb8;
	[tilespmem:$0x12200] =	vst v63  }
0x308: {  	s12 =	simm.s32 $0xA200  }
0x309: {  	[tilespmem:s12], [sflag:$0x2] =	stream.indirect_vreg.gather [hbm4b:s7+s11], $0x80, v1, vm0, $0xb8;
	[tilespmem:$0x12200] =	vst v63  }
0x30a: {  	s26 =	simm.s32 $0xAA00  }
0x30b: {  	[tilespmem:s26], [sflag:$0x2] =	stream.indirect_vreg.gather [hbm4b:s3+s11], $0x80, v0, vm0, $0xb8;
	[tilespmem:$0x12200] =	vst v63  }
0x30c: {  	s28 =	simm.s32 $0xB200  }
0x30d: {  	[tilespmem:s28], [sflag:$0x2] =	stream.indirect_vreg.gather [hbm4b:s6+s11], $0x80, v0, vm0, $0xb8;
	[tilespmem:$0x12200] =	vst v63  }
0x30e: {  	s12 =	simm.s32 $0xBA00  }
0x30f: {  	[tilespmem:s12], [sflag:$0x2] =	stream.indirect_vreg.gather [hbm4b:s7+s11], $0x80, v0, vm0, $0xb8;
	[tilespmem:$0x12200] =	vst v63  }
0x310: {  	v0 =	vld [tilespmem:$0x9180];
	_ =	sdelay $0x4  }
0x311: {  	v1 =	vshrl.u32 v0, $0x3  }
0x312: {  	v1 =	vmul.u32 $0x30, v1  }
0x313: {  	v0 =	vand.u32 $0x7, v0  }
0x314: {  	v0 =	vor.u32 v0, v1  }
0x315: {  	v1 =	vperm.xlane v0, v2;
	_ =	sdelay $0x1  }
0x316: {  	v1 =	vadd.s32 v3, v1;
	_ =	sdelay $0x3  }
0x317: {  	s26 =	simm.s32 $0xC200;
	v0 =	vperm.xlane v0, v4  }
0x318: {  	[tilespmem:s26], [sflag:$0x2] =	stream.indirect_vreg.gather [hbm4b:s3+s11], $0x80, v1, vm0, $0xb8;
	[tilespmem:$0x12200] =	vst v63  }
0x319: {  	v0 =	vadd.s32 v3, v0  }
0x31a: {  	[tilespmem:s30], [sflag:$0x2] =	stream.indirect_vreg.gather [hbm4b:s6+s11], $0x80, v1, vm0, $0xb8;
	[tilespmem:$0x12200] =	vst v63  }
0x31b: {  	_ = 	snop  }
0x31c: {  	[tilespmem:s31], [sflag:$0x2] =	stream.indirect_vreg.gather [hbm4b:s7+s11], $0x80, v1, vm0, $0xb8;
	[tilespmem:$0x12200] =	vst v63  }
0x31d: {  	_ = 	snop  }
0x31e: {  	[tilespmem:s8], [sflag:$0x2] =	stream.indirect_vreg.gather [hbm4b:s3+s11], $0x80, v0, vm0, $0xb8;
	[tilespmem:$0x12200] =	vst v63  }
0x31f: {  	_ = 	snop  }
0x320: {  	[tilespmem:s0], [sflag:$0x2] =	stream.indirect_vreg.gather [hbm4b:s6+s11], $0x80, v0, vm0, $0xb8;
	[tilespmem:$0x12200] =	vst v63  }
0x321: {  	_ = 	snop  }
0x322: {  	[tilespmem:s2], [sflag:$0x2] =	stream.indirect_vreg.gather [hbm4b:s7+s11], $0x80, v0, vm0, $0xb8;
	[tilespmem:$0x12200] =	vst v63  }
0x323: {  	_ = 	snop  }
0x324: {  	[tilespmem:s9], [sflag:$0x2] =	stream.linear.gather [hbm4b:s19+s11], $0x3000, $0x38;
	[tilespmem:$0x12200] =	vst v63  }
0x325: {  	_ =	swait.ge [sflag:s10], $0x3000  }
0x326: {  	[sflag:s10] =	ssyncset.done $0x0  }
0x327: {  	[sflag:s10] =	ssyncadd.s32 $0xFFFFD000  }
0x328: {  	_ =	swait.ge [sflag:s10], $0x3000  }
0x329: {  	[sflag:s10] =	ssyncset.done $0x0  }
0x32a: {  	s28 =	simm.s32 $0x0;
	[sflag:s10] =	ssyncadd.s32 $0xFFFFD000  }
0x32b: {  	s5 =	smul.u32 $0x1800, s28;
	_ =	swait.ge [sflag:s10], $0x3000  }
0x32c: {  	s12 =	sand.u32 $0x380, s11;
	[sflag:s10] =	ssyncset.done $0x0  }
0x32d: {  	s26 =	sor.u32 s12, s5;
	[sflag:s10] =	ssyncadd.s32 $0xFFFFD000  }
0x32e: {  	v0 =	vld [tilespmem:s26+$0x3570];
	_ =	sdelay $0x4  }
0x32f: {  	[tilespmem:$0x1FA00] =	vst v0;
	v0 =	vld [tilespmem:s26+$0x3900];
	_ =	sdelay $0x4  }
0x330: {  	[tilespmem:$0x1FA10] =	vst v0;
	v0 =	vld [tilespmem:s26+$0x3910];
	_ =	sdelay $0x4  }
0x331: {  	[tilespmem:$0x1FA20] =	vst v0;
	v0 =	vld [tilespmem:s26+$0x3920];
	_ =	sdelay $0x4  }
0x332: {  	[tilespmem:$0x1FA30] =	vst v0;
	v0 =	vld [tilespmem:s26+$0x3930];
	_ =	sdelay $0x4  }
0x333: {  	[tilespmem:$0x1FA40] =	vst v0;
	v0 =	vld [tilespmem:s26+$0x3940];
	_ =	sdelay $0x4  }
0x334: {  	[tilespmem:$0x1FA50] =	vst v0;
	v0 =	vld [tilespmem:s26+$0x3950];
	_ =	sdelay $0x4  }
0x335: {  	[tilespmem:$0x1FA60] =	vst v0;
	v0 =	vld [tilespmem:s26+$0x3960];
	_ =	sdelay $0x4  }
0x336: {  	[tilespmem:$0x1FA70] =	vst v0;
	v0 =	vld [tilespmem:s26+$0x3970];
	_ =	sdelay $0x4  }
0x337: {  	[tilespmem:$0x1FA80] =	vst v0;
	v0 =	vld [tilespmem:s26+$0x3D00];
	_ =	sdelay $0x4  }
0x338: {  	[tilespmem:$0x1FA90] =	vst v0;
	v0 =	vld [tilespmem:s26+$0x3D10];
	_ =	sdelay $0x4  }
0x339: {  	[tilespmem:$0x1FAA0] =	vst v0;
	v0 =	vld [tilespmem:s26+$0x3D20];
	_ =	sdelay $0x4  }
0x33a: {  	[tilespmem:$0x1FAB0] =	vst v0;
	v0 =	vld [tilespmem:s26+$0x3D30];
	_ =	sdelay $0x4  }
0x33b: {  	[tilespmem:$0x1FAC0] =	vst v0;
	v0 =	vld [tilespmem:s26+$0x3D40];
	_ =	sdelay $0x4  }
0x33c: {  	[tilespmem:$0x1FAD0] =	vst v0;
	v0 =	vld [tilespmem:s26+$0x3D50];
	_ =	sdelay $0x4  }
0x33d: {  	[tilespmem:$0x1FAE0] =	vst v0;
	v0 =	vld [tilespmem:s26+$0x3D60];
	_ =	sdelay $0x4  }
0x33e: {  	[tilespmem:$0x1FAF0] =	vst v0;
	v0 =	vld [tilespmem:s26+$0x3D70];
	_ =	sdelay $0x4  }
0x33f: {  	[tilespmem:$0x1FB10] =	vst v0;
	v0 =	vld [tilespmem:s26+$0x4100];
	_ =	sdelay $0x4  }
0x340: {  	[tilespmem:$0x1FB30] =	vst v0;
	v0 =	vld [tilespmem:s26+$0x4110];
	_ =	sdelay $0x4  }
0x341: {  	[tilespmem:$0x1FB50] =	vst v0;
	v0 =	vld [tilespmem:s26+$0x4120];
	_ =	sdelay $0x4  }
0x342: {  	[tilespmem:$0x1FB70] =	vst v0;
	v0 =	vld [tilespmem:s26+$0x4130];
	_ =	sdelay $0x4  }
0x343: {  	[tilespmem:$0x1FB90] =	vst v0;
	v0 =	vld [tilespmem:s26+$0x4140];
	_ =	sdelay $0x4  }
0x344: {  	[tilespmem:$0x1FBB0] =	vst v0;
	v0 =	vld [tilespmem:s26+$0x4150];
	_ =	sdelay $0x4  }
0x345: {  	[tilespmem:$0x1F9B0] =	vst v0;
	v0 =	vld [tilespmem:s26+$0x4160];
	_ =	sdelay $0x4  }
0x346: {  	[tilespmem:$0x1F9C0] =	vst v0;
	v0 =	vld [tilespmem:s26+$0x4170];
	_ =	sdelay $0x4  }
0x347: {  	[tilespmem:$0x1F9D0] =	vst v0;
	v0 =	vld [tilespmem:s26+$0x4500];
	_ =	sdelay $0x4  }
0x348: {  	[tilespmem:$0x1F9E0] =	vst v0;
	v0 =	vld [tilespmem:s26+$0x4510];
	_ =	sdelay $0x4  }
0x349: {  	[tilespmem:$0x1F9F0] =	vst v0;
	v0 =	vld [tilespmem:s26+$0x1100];
	_ =	sdelay $0x4  }
0x34a: {  	[tilespmem:$0x1FB00] =	vst v0;
	v0 =	vld [tilespmem:s26+$0x1110];
	_ =	sdelay $0x4  }
0x34b: {  	[tilespmem:$0x1FB20] =	vst v0;
	v0 =	vld [tilespmem:s26+$0x1120];
	_ =	sdelay $0x1  }
0x34c: {  	v14 =	vld [tilespmem:s26+$0x3100]  }
0x34d: {  	v53 =	vld [tilespmem:s26+$0x3110]  }
0x34e: {  	v54 =	vld [tilespmem:s26+$0x3120]  }
0x34f: {  	[tilespmem:$0x1FB40] =	vst v0;
	v0 =	vld [tilespmem:s26+$0x1130]  }
0x350: {  	v55 =	vld [tilespmem:s26+$0x3130]  }
0x351: {  	v56 =	vld [tilespmem:s26+$0x3140]  }
0x352: {  	v57 =	vld [tilespmem:s26+$0x3150]  }
0x353: {  	v58 =	vld [tilespmem:s26+$0x3160]  }
0x354: {  	[tilespmem:$0x1FB60] =	vst v0;
	v0 =	vld [tilespmem:s26+$0x1140]  }
0x355: {  	v59 =	vld [tilespmem:s26+$0x3170]  }
0x356: {  	v60 =	vld [tilespmem:s26+$0x3500]  }
0x357: {  	v61 =	vld [tilespmem:s26+$0x3510]  }
0x358: {  	v37 =	vld [tilespmem:s26+$0x3520]  }
0x359: {  	[tilespmem:$0x1FB80] =	vst v0;
	v0 =	vld [tilespmem:s26+$0x1150]  }
0x35a: {  	v49 =	vld [tilespmem:s26+$0x3530]  }
0x35b: {  	v45 =	vld [tilespmem:s26+$0x3540]  }
0x35c: {  	v41 =	vld [tilespmem:s26+$0x3550]  }
0x35d: {  	v62 =	vld [tilespmem:s26+$0x100]  }
0x35e: {  	[tilespmem:$0x1FBA0] =	vst v0;
	v0 =	vld [tilespmem:s26+$0x1160]  }
0x35f: {  	v63 =	vld [tilespmem:s26+$0x110]  }
0x360: {  	v5 =	vld [tilespmem:s26+$0x120]  }
0x361: {  	v6 =	vld [tilespmem:s26+$0x130]  }
0x362: {  	v7 =	vld [tilespmem:s26+$0x140]  }
0x363: {  	[tilespmem:$0x1FBC0] =	vst v0;
	v0 =	vld [tilespmem:s26+$0x6100]  }
0x364: {  	v1 =	vld [tilespmem:s26+$0x6110]  }
0x365: {  	v2 =	vld [tilespmem:s26+$0x6120]  }
0x366: {  	v3 =	vld [tilespmem:s26+$0x6130]  }
0x367: {  	v8 =	vld [tilespmem:s26+$0x150]  }
0x368: {  	v0 =	vadd.f32 v62, v0;
	v62 =	vld [tilespmem:s26+$0x6150]  }
0x369: {  	v22 =	vld [tilespmem:s26+$0x170];
	v1 =	vadd.f32 v63, v1  }
0x36a: {  	v2 =	vadd.f32 v5, v2;
	v5 =	vld [tilespmem:s26+$0x6170]  }
0x36b: {  	v4 =	vld [tilespmem:s26+$0x6140];
	v3 =	vadd.f32 v6, v3;
	v1 =	vadd.f32 v53, v1  }
0x36c: {  	v21 =	vld [tilespmem:s26+$0x160]  }
0x36d: {  	v63 =	vld [tilespmem:s26+$0x6160];
	[tilespmem:s26+$0x6110] =	vst v1;
	v1 =	vadd.f32 v55, v3;
	v3 =	vadd.f32 v8, v62  }
0x36e: {  	v39 =	vld [tilespmem:s26+$0x3560];
	v0 =	vadd.f32 v14, v0  }
0x36f: {  	v23 =	vld [tilespmem:s26+$0x500];
	[tilespmem:s26+$0x6130] =	vst v1;
	v1 =	vadd.f32 v57, v3;
	v3 =	vadd.f32 v22, v5  }
0x370: {  	v24 =	vld [tilespmem:s26+$0x510];
	[tilespmem:s26+$0x6100] =	vst v0;
	v0 =	vadd.f32 v54, v2;
	v2 =	vadd.f32 v7, v4  }
0x371: {  	v25 =	vld [tilespmem:s26+$0x520];
	[tilespmem:s26+$0x6150] =	vst v1;
	v1 =	vadd.f32 v59, v3  }
0x372: {  	v27 =	vld [tilespmem:s26+$0x540];
	[tilespmem:s26+$0x6120] =	vst v0;
	v0 =	vadd.f32 v56, v2;
	v2 =	vadd.f32 v21, v63  }
0x373: {  	[tilespmem:s26+$0x6170] =	vst v1;
	v1 =	vld [tilespmem:s26+$0x6540]  }
0x374: {  	v26 =	vld [tilespmem:s26+$0x530];
	[tilespmem:s26+$0x6140] =	vst v0;
	v0 =	vadd.f32 v58, v2  }
0x375: {  	v28 =	vld [tilespmem:s26+$0x550]  }
0x376: {  	[tilespmem:s26+$0x6160] =	vst v0;
	v0 =	vld [tilespmem:s26+$0x6530]  }
0x377: {  	v4 =	vld [tilespmem:s26+$0x6500]  }
0x378: {  	v29 =	vld [tilespmem:s26+$0x560];
	v1 =	vadd.f32 v27, v1  }
0x379: {  	v30 =	vld [tilespmem:s26+$0x570]  }
0x37a: {  	v9 =	vld [tilespmem:s26+$0x950];
	v1 =	vadd.f32 v45, v1  }
0x37b: {  	v6 =	vld [tilespmem:s26+$0x6510];
	v0 =	vadd.f32 v26, v0  }
0x37c: {  	v4 =	vadd.f32 v23, v4;
	[tilespmem:s26+$0x6540] =	vst v1;
	v1 =	vld [tilespmem:s26+$0x6950]  }
0x37d: {  	v35 =	vld [tilespmem:s26+$0x940];
	v0 =	vadd.f32 v49, v0  }
0x37e: {  	v2 =	vld [tilespmem:s26+$0x6520];
	v4 =	vadd.f32 v60, v4  }
0x37f: {  	[tilespmem:s26+$0x6530] =	vst v0;
	v0 =	vld [tilespmem:s26+$0x6940]  }
0x380: {  	[tilespmem:s26+$0x6500] =	vst v4;
	v4 =	vld [tilespmem:s26+$0x6550]  }
0x381: {  	v3 =	vadd.f32 v24, v6;
	v1 =	vadd.f32 v9, v1;
	v9 =	vld [tilespmem:$0x1FA50]  }
0x382: {  	v31 =	vld [tilespmem:s26+$0x900]  }
0x383: {  	v32 =	vld [tilespmem:s26+$0x910];
	v3 =	vadd.f32 v61, v3  }
0x384: {  	v33 =	vld [tilespmem:s26+$0x920];
	v0 =	vadd.f32 v35, v0  }
0x385: {  	[tilespmem:s26+$0x6510] =	vst v3;
	v3 =	vld [tilespmem:s26+$0x6560];
	v4 =	vadd.f32 v28, v4  }
0x386: {  	v2 =	vadd.f32 v25, v2;
	v0 =	vadd.f32 v9, v0;
	v9 =	vld [tilespmem:$0x1FA60]  }
0x387: {  	v34 =	vld [tilespmem:s26+$0x930];
	v4 =	vadd.f32 v41, v4  }
0x388: {  	v10 =	vld [tilespmem:s26+$0x960];
	v2 =	vadd.f32 v37, v2  }
0x389: {  	[tilespmem:s26+$0x6550] =	vst v4;
	v4 =	vld [tilespmem:s26+$0x6960]  }
0x38a: {  	[tilespmem:s26+$0x6520] =	vst v2;
	v2 =	vld [tilespmem:s26+$0x6570];
	v3 =	vadd.f32 v29, v3  }
0x38b: {  	v1 =	vadd.f32 v9, v1;
	v9 =	vld [tilespmem:$0x1FA70]  }
0x38c: {  	v21 =	vld [tilespmem:$0x1FA00];
	v3 =	vadd.f32 v39, v3  }
0x38d: {  	v11 =	vld [tilespmem:s26+$0x970]  }
0x38e: {  	[tilespmem:s26+$0x6560] =	vst v3;
	v3 =	vld [tilespmem:s26+$0x6970];
	v4 =	vadd.f32 v10, v4  }
0x38f: {  	v5 =	vld [tilespmem:s26+$0x6900];
	v2 =	vadd.f32 v30, v2  }
0x390: {  	v4 =	vadd.f32 v9, v4;
	v9 =	vld [tilespmem:$0x1FA80]  }
0x391: {  	v2 =	vadd.f32 v21, v2;
	v21 =	vld [tilespmem:$0x1FA10]  }
0x392: {  	v12 =	vld [tilespmem:s26+$0xD00]  }
0x393: {  	[tilespmem:s26+$0x6570] =	vst v2;
	v2 =	vld [tilespmem:s26+$0x6D00];
	v3 =	vadd.f32 v11, v3  }
0x394: {  	v6 =	vld [tilespmem:s26+$0x6910];
	v5 =	vadd.f32 v31, v5  }
0x395: {  	v3 =	vadd.f32 v9, v3;
	v9 =	vld [tilespmem:$0x1FA90]  }
0x396: {  	v5 =	vadd.f32 v21, v5;
	v21 =	vld [tilespmem:$0x1FA20]  }
0x397: {  	v36 =	vld [tilespmem:s26+$0xD10]  }
0x398: {  	[tilespmem:s26+$0x6900] =	vst v5;
	v5 =	vld [tilespmem:s26+$0x6D10];
	v2 =	vadd.f32 v12, v2  }
0x399: {  	v7 =	vld [tilespmem:s26+$0x6920];
	v6 =	vadd.f32 v32, v6  }
0x39a: {  	v2 =	vadd.f32 v9, v2;
	v9 =	vld [tilespmem:$0x1FAA0]  }
0x39b: {  	v6 =	vadd.f32 v21, v6;
	v21 =	vld [tilespmem:$0x1FA30]  }
0x39c: {  	v52 =	vld [tilespmem:s26+$0xD20]  }
0x39d: {  	[tilespmem:s26+$0x6910] =	vst v6;
	v6 =	vld [tilespmem:s26+$0x6D20];
	v5 =	vadd.f32 v36, v5  }
0x39e: {  	v8 =	vld [tilespmem:s26+$0x6930];
	v7 =	vadd.f32 v33, v7  }
0x39f: {  	v5 =	vadd.f32 v9, v5;
	v9 =	vld [tilespmem:$0x1FAB0]  }
0x3a0: {  	v7 =	vadd.f32 v21, v7;
	v21 =	vld [tilespmem:$0x1FA40]  }
0x3a1: {  	v51 =	vld [tilespmem:s26+$0xD30]  }
0x3a2: {  	[tilespmem:s26+$0x6920] =	vst v7;
	v7 =	vld [tilespmem:s26+$0x6D30];
	v6 =	vadd.f32 v52, v6  }
0x3a3: {  	v8 =	vadd.f32 v34, v8  }
0x3a4: {  	v6 =	vadd.f32 v9, v6;
	v9 =	vld [tilespmem:$0x1FAC0]  }
0x3a5: {  	v8 =	vadd.f32 v21, v8  }
0x3a6: {  	v38 =	vld [tilespmem:s26+$0xD40]  }
0x3a7: {  	[tilespmem:s26+$0x6930] =	vst v8;
	v8 =	vld [tilespmem:s26+$0x6D40];
	v7 =	vadd.f32 v51, v7;
	_ =	sdelay $0x1  }
0x3a8: {  	v7 =	vadd.f32 v9, v7;
	v9 =	vld [tilespmem:$0x1FAD0];
	_ =	sdelay $0x1  }
0x3a9: {  	v47 =	vld [tilespmem:s26+$0xD50]  }
0x3aa: {  	[tilespmem:s26+$0x6940] =	vst v0;
	v0 =	vld [tilespmem:s26+$0x6D50];
	v8 =	vadd.f32 v38, v8;
	_ =	sdelay $0x1  }
0x3ab: {  	v8 =	vadd.f32 v9, v8;
	v9 =	vld [tilespmem:$0x1FAE0];
	_ =	sdelay $0x2  }
0x3ac: {  	v0 =	vadd.f32 v47, v0;
	_ =	sdelay $0x1  }
0x3ad: {  	v0 =	vadd.f32 v9, v0  }
0x3ae: {  	[tilespmem:s26+$0x6970] =	vst v3;
	v3 =	vld [tilespmem:s26+$0x7100]  }
0x3af: {  	[tilespmem:s26+$0x6D50] =	vst v0;
	v0 =	vld [tilespmem:$0x1FB00];
	_ =	sdelay $0x1  }
0x3b0: {  	v40 =	vld [tilespmem:s26+$0xD70]  }
0x3b1: {  	[tilespmem:s26+$0x6960] =	vst v4;
	v4 =	vld [tilespmem:s26+$0x6D70];
	_ =	sdelay $0x1  }
0x3b2: {  	v0 =	vadd.f32 v0, v3;
	v3 =	vld [tilespmem:$0x1FB10];
	_ =	sdelay $0x2  }
0x3b3: {  	v4 =	vadd.f32 v40, v4;
	_ =	sdelay $0x1  }
0x3b4: {  	v48 =	vld [tilespmem:s26+$0x4520];
	v3 =	vadd.f32 v3, v4  }
0x3b5: {  	[tilespmem:s26+$0x6D10] =	vst v5;
	v5 =	vld [tilespmem:s26+$0x7120]  }
0x3b6: {  	[tilespmem:s26+$0x6D70] =	vst v3;
	v3 =	vld [tilespmem:$0x1FB40]  }
0x3b7: {  	v46 =	vld [tilespmem:s26+$0x4530]  }
0x3b8: {  	[tilespmem:s26+$0x6D00] =	vst v2;
	v2 =	vld [tilespmem:s26+$0x7110]  }
0x3b9: {  	v4 =	vld [tilespmem:$0x1FB20]  }
0x3ba: {  	v44 =	vld [tilespmem:s26+$0x4540]  }
0x3bb: {  	v3 =	vadd.f32 v3, v5;
	v5 =	vld [tilespmem:$0x1FB50]  }
0x3bc: {  	v42 =	vld [tilespmem:s26+$0x4550]  }
0x3bd: {  	v43 =	vld [tilespmem:s26+$0xD60]  }
0x3be: {  	v20 =	vld [tilespmem:s26+$0x1170];
	v4 =	vadd.f32 v4, v2  }
0x3bf: {  	[tilespmem:s26+$0x6D20] =	vst v6;
	v6 =	vld [tilespmem:s26+$0x7130]  }
0x3c0: {  	v4 =	vadd.f32 v5, v4;
	v5 =	vld [tilespmem:$0x1FB60]  }
0x3c1: {  	v19 =	vld [tilespmem:s26+$0x1500]  }
0x3c2: {  	v18 =	vld [tilespmem:s26+$0x1510]  }
0x3c3: {  	v17 =	vld [tilespmem:s26+$0x1520]  }
0x3c4: {  	v16 =	vld [tilespmem:s26+$0x1530]  }
0x3c5: {  	v5 =	vadd.f32 v5, v6;
	v6 =	vld [tilespmem:$0x1FB70]  }
0x3c6: {  	v15 =	vld [tilespmem:s26+$0x1540]  }
0x3c7: {  	v13 =	vld [tilespmem:s26+$0x1550]  }
0x3c8: {  	[tilespmem:s26+$0x6950] =	vst v1;
	v1 =	vld [tilespmem:s26+$0x6D60]  }
0x3c9: {  	[tilespmem:s26+$0x6D30] =	vst v7;
	v7 =	vld [tilespmem:s26+$0x7140]  }
0x3ca: {  	v3 =	vadd.f32 v6, v3;
	v6 =	vld [tilespmem:$0x1FB90]  }
0x3cb: {  	[tilespmem:s26+$0x6D40] =	vst v8;
	v8 =	vld [tilespmem:s26+$0x7150]  }
0x3cc: {  	v9 =	vld [tilespmem:$0x1FAF0]  }
0x3cd: {  	[tilespmem:s26+$0x7110] =	vst v4;
	v4 =	vld [tilespmem:$0x1FB80]  }
0x3ce: {  	[tilespmem:s26+$0x7120] =	vst v3;
	v3 =	vld [tilespmem:$0x1FBB0]  }
0x3cf: {  	v21 =	vadd.f32 v6, v5;
	v5 =	vld [tilespmem:$0x1FBA0]  }
0x3d0: {  	v2 =	vld [tilespmem:$0x1FB30]  }
0x3d1: {  	v50 =	vld [tilespmem:s26+$0x1560];
	v1 =	vadd.f32 v43, v1  }
0x3d2: {  	v14 =	vld [tilespmem:s26+$0x1570];
	v7 =	vadd.f32 v4, v7  }
0x3d3: {  	v22 =	vld [tilespmem:s26+$0x7160];
	v1 =	vadd.f32 v9, v1  }
0x3d4: {  	v6 =	vadd.f32 v5, v8;
	v8 =	vadd.f32 v3, v7;
	v3 =	vld [tilespmem:$0x1FBC0]  }
0x3d5: {  	[tilespmem:s26+$0x6D60] =	vst v1;
	v1 =	vld [tilespmem:s26+$0x7170];
	v0 =	vadd.f32 v2, v0  }
0x3d6: {  	v2 =	vld [tilespmem:s26+$0x7500]  }
0x3d7: {  	[tilespmem:s26+$0x7100] =	vst v0;
	v0 =	vld [tilespmem:s26+$0x7510]  }
0x3d8: {  	v4 =	vld [tilespmem:s26+$0x7520]  }
0x3d9: {  	s5 =	simm.s32 $0x1;
	v5 =	vadd.f32 v3, v22;
	v3 =	vld [tilespmem:s26+$0x7530]  }
.LBB2_6:
0x3da: {  	v7 =	vld [tilespmem:$0x1F9B0];
	_ =	sdelay $0x4  }
0x3db: {  	v6 =	vadd.f32 v7, v6  }
0x3dc: {  	[tilespmem:s26+$0x7140] =	vst v8;
	v8 =	vld [tilespmem:$0x1F9C0]  }
0x3dd: {  	[tilespmem:s26+$0x7150] =	vst v6;
	v6 =	vld [tilespmem:$0x1F9D0];
	_ =	sdelay $0x2  }
0x3de: {  	v1 =	vadd.f32 v20, v1  }
0x3df: {  	v5 =	vadd.f32 v8, v5  }
0x3e0: {  	v1 =	vadd.f32 v6, v1  }
0x3e1: {  	[tilespmem:s26+$0x7160] =	vst v5;
	v5 =	vld [tilespmem:$0x1F9E0]  }
0x3e2: {  	[tilespmem:s26+$0x7170] =	vst v1;
	v1 =	vld [tilespmem:$0x1F9F0]  }
0x3e3: {  	v7 =	vld [tilespmem:s26+$0x7540]  }
0x3e4: {  	v2 =	vadd.f32 v19, v2;
	v8 =	vld [tilespmem:s26+$0x7550]  }
0x3e5: {  	s12 =	sshrl.u32 s5, $0x3;
	v0 =	vadd.f32 v18, v0;
	v6 =	vld [tilespmem:s26+$0x7560]  }
0x3e6: {  	s11 =	sadd.s32 $0x80, s11;
	s12 =	smul.u32 $0x1800, s12;
	v4 =	vadd.f32 v17, v4;
	v2 =	vadd.f32 v5, v2;
	v5 =	vld [tilespmem:s26+$0x7570]  }
0x3e7: {  	[tilespmem:s26+$0x7130] =	vst v21;
	s28 =	sand.u32 $0x380, s11;
	v0 =	vadd.f32 v1, v0;
	v1 =	vadd.f32 v16, v3;
	v3 =	vld [tilespmem:s26+$0x4560]  }
0x3e8: {  	s12 =	sor.u32 s28, s12;
	[tilespmem:s26+$0x7500] =	vst v2;
	v2 =	vadd.f32 v48, v4;
	v4 =	vadd.f32 v15, v7;
	v7 =	vld [tilespmem:s26+$0x4570]  }
0x3e9: {  	v53 =	vld [tilespmem:s12+$0x3100];
	[tilespmem:s26+$0x7510] =	vst v0;
	v0 =	vadd.f32 v46, v1;
	v1 =	vadd.f32 v13, v8  }
0x3ea: {  	v55 =	vld [tilespmem:s12+$0x3110];
	[tilespmem:s26+$0x7520] =	vst v2;
	v2 =	vadd.f32 v44, v4;
	v4 =	vadd.f32 v50, v6  }
0x3eb: {  	v56 =	vld [tilespmem:s12+$0x3120];
	[tilespmem:s26+$0x7530] =	vst v0;
	v0 =	vadd.f32 v42, v1;
	v1 =	vadd.f32 v14, v5  }
0x3ec: {  	v57 =	vld [tilespmem:s12+$0x3130];
	[tilespmem:s26+$0x7540] =	vst v2;
	v2 =	vadd.f32 v3, v4  }
0x3ed: {  	v54 =	vld [tilespmem:s12+$0x3140];
	[tilespmem:s26+$0x7550] =	vst v0;
	v0 =	vadd.f32 v7, v1  }
0x3ee: {  	v52 =	vld [tilespmem:s12+$0x3150];
	[tilespmem:s26+$0x7560] =	vst v2  }
0x3ef: {  	v51 =	vld [tilespmem:s12+$0x3160];
	[tilespmem:s26+$0x7570] =	vst v0;
	s26 =	smov.u32 s12  }
0x3f0: {  	v0 =	vld [tilespmem:s26+$0x3170];
	_ =	sdelay $0x4  }
0x3f1: {  	[tilespmem:$0x1F7D0] =	vst v0;
	v0 =	vld [tilespmem:s26+$0x3500];
	_ =	sdelay $0x4  }
0x3f2: {  	[tilespmem:$0x1F7E0] =	vst v0;
	v0 =	vld [tilespmem:s26+$0x3510];
	_ =	sdelay $0x4  }
0x3f3: {  	[tilespmem:$0x1F7F0] =	vst v0;
	v0 =	vld [tilespmem:s26+$0x3520];
	_ =	sdelay $0x4  }
0x3f4: {  	[tilespmem:$0x1F800] =	vst v0;
	v0 =	vld [tilespmem:s26+$0x3530];
	_ =	sdelay $0x4  }
0x3f5: {  	[tilespmem:$0x1F810] =	vst v0;
	v0 =	vld [tilespmem:s26+$0x3540];
	_ =	sdelay $0x4  }
0x3f6: {  	[tilespmem:$0x1F820] =	vst v0;
	v0 =	vld [tilespmem:s26+$0x3550];
	_ =	sdelay $0x4  }
0x3f7: {  	[tilespmem:$0x1F830] =	vst v0;
	v0 =	vld [tilespmem:s26+$0x3560];
	_ =	sdelay $0x3  }
0x3f8: {  	v49 =	vld [tilespmem:s26+$0x4520]  }
0x3f9: {  	[tilespmem:$0x1F840] =	vst v0;
	v0 =	vld [tilespmem:s26+$0x3570]  }
0x3fa: {  	v48 =	vld [tilespmem:s26+$0x4530]  }
0x3fb: {  	v47 =	vld [tilespmem:s26+$0x4540]  }
0x3fc: {  	v46 =	vld [tilespmem:s26+$0x4550]  }
0x3fd: {  	v36 =	vld [tilespmem:s26+$0x100]  }
0x3fe: {  	[tilespmem:$0x1F850] =	vst v0;
	v0 =	vld [tilespmem:s26+$0x3900]  }
0x3ff: {  	v9 =	vld [tilespmem:s26+$0x110]  }
0x400: {  	v37 =	vld [tilespmem:s26+$0x120]  }
0x401: {  	v10 =	vld [tilespmem:s26+$0x130]  }
0x402: {  	v38 =	vld [tilespmem:s26+$0x140]  }
0x403: {  	[tilespmem:$0x1F860] =	vst v0;
	v0 =	vld [tilespmem:s26+$0x3910]  }
0x404: {  	v11 =	vld [tilespmem:s26+$0x150]  }
0x405: {  	v39 =	vld [tilespmem:s26+$0x160]  }
0x406: {  	v12 =	vld [tilespmem:s26+$0x170]  }
0x407: {  	v40 =	vld [tilespmem:s26+$0x500]  }
0x408: {  	[tilespmem:$0x1F870] =	vst v0;
	v0 =	vld [tilespmem:s26+$0x3920]  }
0x409: {  	v8 =	vld [tilespmem:s26+$0x510]  }
0x40a: {  	v35 =	vld [tilespmem:s26+$0x520]  }
0x40b: {  	v7 =	vld [tilespmem:s26+$0x530]  }
0x40c: {  	v34 =	vld [tilespmem:s26+$0x540]  }
0x40d: {  	[tilespmem:$0x1F880] =	vst v0;
	v0 =	vld [tilespmem:s26+$0x3930]  }
0x40e: {  	v33 =	vld [tilespmem:s26+$0x550]  }
0x40f: {  	v41 =	vld [tilespmem:s26+$0x6100]  }
0x410: {  	v42 =	vld [tilespmem:s26+$0x6110]  }
0x411: {  	v44 =	vld [tilespmem:s26+$0x6130]  }
0x412: {  	[tilespmem:$0x1F890] =	vst v0;
	v0 =	vld [tilespmem:s26+$0x3940]  }
0x413: {  	v6 =	vld [tilespmem:s26+$0x560]  }
0x414: {  	v5 =	vld [tilespmem:s26+$0x570]  }
0x415: {  	v36 =	vadd.f32 v36, v41;
	v41 =	vld [tilespmem:s26+$0x6150];
	v9 =	vadd.f32 v9, v42  }
0x416: {  	v43 =	vld [tilespmem:s26+$0x6120]  }
0x417: {  	v10 =	vadd.f32 v10, v44;
	v9 =	vadd.f32 v55, v9;
	[tilespmem:$0x1F8A0] =	vst v0;
	v0 =	vld [tilespmem:s26+$0x3950]  }
0x418: {  	v32 =	vld [tilespmem:s26+$0x900]  }
0x419: {  	v4 =	vld [tilespmem:s26+$0x910];
	[tilespmem:s26+$0x6110] =	vst v9;
	v9 =	vadd.f32 v57, v10  }
0x41a: {  	v31 =	vld [tilespmem:s26+$0x920];
	v10 =	vadd.f32 v11, v41  }
0x41b: {  	v37 =	vadd.f32 v37, v43;
	v43 =	vld [tilespmem:s26+$0x6170];
	[tilespmem:s26+$0x6130] =	vst v9  }
0x41c: {  	v9 =	vadd.f32 v52, v10;
	[tilespmem:$0x1F8B0] =	vst v0;
	v0 =	vld [tilespmem:s26+$0x3960]  }
0x41d: {  	v30 =	vld [tilespmem:s26+$0x930]  }
0x41e: {  	[tilespmem:s26+$0x6150] =	vst v9;
	v9 =	vld [tilespmem:$0x1F7D0]  }
0x41f: {  	v29 =	vld [tilespmem:s26+$0x940]  }
0x420: {  	v28 =	vld [tilespmem:s26+$0x950]  }
0x421: {  	v10 =	vadd.f32 v12, v43;
	[tilespmem:$0x1F8C0] =	vst v0;
	v0 =	vld [tilespmem:s26+$0x3970]  }
0x422: {  	v27 =	vld [tilespmem:s26+$0x960]  }
0x423: {  	v45 =	vld [tilespmem:s26+$0x6140];
	v9 =	vadd.f32 v9, v10  }
0x424: {  	v36 =	vadd.f32 v53, v36;
	v53 =	vld [tilespmem:s26+$0x6510]  }
0x425: {  	[tilespmem:s26+$0x6170] =	vst v9;
	v9 =	vld [tilespmem:$0x1F7F0]  }
0x426: {  	[tilespmem:$0x1F8D0] =	vst v0;
	v0 =	vld [tilespmem:s26+$0x3D00]  }
0x427: {  	v26 =	vld [tilespmem:s26+$0x970]  }
0x428: {  	v25 =	vld [tilespmem:s26+$0xD00]  }
0x429: {  	v24 =	vld [tilespmem:s26+$0xD10];
	v8 =	vadd.f32 v8, v53  }
0x42a: {  	v57 =	vld [tilespmem:s26+$0x6530]  }
0x42b: {  	v45 =	vadd.f32 v38, v45;
	v8 =	vadd.f32 v9, v8;
	[tilespmem:$0x1F8E0] =	vst v0;
	v0 =	vld [tilespmem:s26+$0x3D10]  }
0x42c: {  	v23 =	vld [tilespmem:s26+$0xD20]  }
0x42d: {  	v55 =	vadd.f32 v54, v45;
	[tilespmem:s26+$0x6510] =	vst v8;
	v8 =	vld [tilespmem:$0x1F810]  }
0x42e: {  	v11 =	vld [tilespmem:s26+$0x6520]  }
0x42f: {  	[tilespmem:s26+$0x6140] =	vst v55;
	v55 =	vld [tilespmem:$0x1F800]  }
0x430: {  	v7 =	vadd.f32 v7, v57;
	[tilespmem:$0x1F8F0] =	vst v0;
	v0 =	vld [tilespmem:s26+$0x3D20]  }
0x431: {  	v22 =	vld [tilespmem:s26+$0xD30]  }
0x432: {  	v12 =	vld [tilespmem:s26+$0x6540];
	v7 =	vadd.f32 v8, v7  }
0x433: {  	v52 =	vld [tilespmem:s26+$0x6550];
	v11 =	vadd.f32 v35, v11  }
0x434: {  	[tilespmem:s26+$0x6530] =	vst v7;
	v7 =	vld [tilespmem:$0x1F830]  }
0x435: {  	v11 =	vadd.f32 v55, v11;
	[tilespmem:$0x1F900] =	vst v0;
	v0 =	vld [tilespmem:s26+$0x3D30]  }
0x436: {  	v21 =	vld [tilespmem:s26+$0xD40]  }
0x437: {  	[tilespmem:s26+$0x6520] =	vst v11;
	v11 =	vld [tilespmem:$0x1F820]  }
0x438: {  	v42 =	vld [tilespmem:s26+$0x6160];
	v8 =	vadd.f32 v33, v52  }
0x439: {  	v54 =	vld [tilespmem:s26+$0x6570]  }
0x43a: {  	v12 =	vadd.f32 v34, v12;
	v7 =	vadd.f32 v7, v8;
	[tilespmem:$0x1F910] =	vst v0;
	v0 =	vld [tilespmem:s26+$0x3D40]  }
0x43b: {  	v3 =	vld [tilespmem:s26+$0xD50];
	v56 =	vadd.f32 v56, v37  }
0x43c: {  	v11 =	vadd.f32 v11, v12;
	[tilespmem:s26+$0x6550] =	vst v7;
	v7 =	vld [tilespmem:$0x1F850]  }
0x43d: {  	[tilespmem:s26+$0x6120] =	vst v56;
	v10 =	vld [tilespmem:s26+$0x6560]  }
0x43e: {  	[tilespmem:s26+$0x6540] =	vst v11;
	v11 =	vld [tilespmem:$0x1F840]  }
0x43f: {  	v56 =	vadd.f32 v39, v42;
	v5 =	vadd.f32 v5, v54;
	[tilespmem:$0x1F920] =	vst v0;
	v0 =	vld [tilespmem:s26+$0x3D50]  }
0x440: {  	v1 =	vld [tilespmem:s26+$0xD60]  }
0x441: {  	v42 =	vmovc v46;
	v46 =	vmovc v48;
	v48 =	vmov v49;
	v49 =	vadd.f32 v51, v56;
	v56 =	vld [tilespmem:s26+$0x6910];
	v5 =	vadd.f32 v7, v5  }
0x442: {  	v6 =	vadd.f32 v6, v10;
	v9 =	vld [tilespmem:s26+$0x6900]  }
0x443: {  	[tilespmem:s26+$0x6570] =	vst v5;
	v5 =	vld [tilespmem:$0x1F870]  }
0x444: {  	v6 =	vadd.f32 v11, v6;
	[tilespmem:$0x1F930] =	vst v0;
	v0 =	vld [tilespmem:s26+$0x3D60]  }
0x445: {  	v2 =	vld [tilespmem:s26+$0xD70]  }
0x446: {  	[tilespmem:s26+$0x6560] =	vst v6;
	v6 =	vld [tilespmem:$0x1F860]  }
0x447: {  	v63 =	vld [tilespmem:s26+$0x1110];
	v4 =	vadd.f32 v4, v56  }
0x448: {  	v10 =	vld [tilespmem:s26+$0x6930]  }
0x449: {  	v9 =	vadd.f32 v32, v9;
	v4 =	vadd.f32 v5, v4;
	[tilespmem:$0x1F940] =	vst v0;
	v0 =	vld [tilespmem:s26+$0x3D70]  }
0x44a: {  	v62 =	vld [tilespmem:s26+$0x1120]  }
0x44b: {  	v6 =	vadd.f32 v6, v9;
	[tilespmem:s26+$0x6910] =	vst v4;
	v4 =	vld [tilespmem:$0x1F890]  }
0x44c: {  	v57 =	vld [tilespmem:s26+$0x6920]  }
0x44d: {  	[tilespmem:s26+$0x6900] =	vst v6;
	v6 =	vld [tilespmem:$0x1F880]  }
0x44e: {  	v5 =	vadd.f32 v30, v10;
	[tilespmem:$0x1F950] =	vst v0;
	v0 =	vld [tilespmem:s26+$0x4100]  }
0x44f: {  	v61 =	vld [tilespmem:s26+$0x1130]  }
0x450: {  	v8 =	vld [tilespmem:s26+$0x6940];
	v4 =	vadd.f32 v4, v5  }
0x451: {  	v11 =	vld [tilespmem:s26+$0x6950];
	v9 =	vadd.f32 v31, v57  }
0x452: {  	[tilespmem:s26+$0x6930] =	vst v4;
	v4 =	vld [tilespmem:$0x1F8B0]  }
0x453: {  	v6 =	vadd.f32 v6, v9;
	[tilespmem:$0x1F960] =	vst v0;
	v0 =	vld [tilespmem:s26+$0x4110]  }
0x454: {  	v60 =	vld [tilespmem:s26+$0x1140]  }
0x455: {  	[tilespmem:s26+$0x6920] =	vst v6;
	v6 =	vld [tilespmem:$0x1F8A0]  }
0x456: {  	v59 =	vld [tilespmem:s26+$0x1150];
	v5 =	vadd.f32 v28, v11  }
0x457: {  	v12 =	vld [tilespmem:s26+$0x6970]  }
0x458: {  	v8 =	vadd.f32 v29, v8;
	v4 =	vadd.f32 v4, v5;
	[tilespmem:$0x1F970] =	vst v0;
	v0 =	vld [tilespmem:s26+$0x4120]  }
0x459: {  	v58 =	vld [tilespmem:s26+$0x1160]  }
0x45a: {  	v6 =	vadd.f32 v6, v8;
	[tilespmem:s26+$0x6950] =	vst v4;
	v4 =	vld [tilespmem:$0x1F8D0]  }
0x45b: {  	v7 =	vld [tilespmem:s26+$0x6960]  }
0x45c: {  	[tilespmem:s26+$0x6940] =	vst v6;
	v6 =	vld [tilespmem:$0x1F8C0]  }
0x45d: {  	v5 =	vadd.f32 v26, v12;
	[tilespmem:$0x1F980] =	vst v0;
	v0 =	vld [tilespmem:s26+$0x4130]  }
0x45e: {  	v20 =	vld [tilespmem:s26+$0x1170]  }
0x45f: {  	v10 =	vld [tilespmem:s26+$0x6D00];
	v4 =	vadd.f32 v4, v5  }
0x460: {  	v7 =	vadd.f32 v27, v7;
	v9 =	vld [tilespmem:s26+$0x6D10]  }
0x461: {  	[tilespmem:s26+$0x6970] =	vst v4;
	v4 =	vld [tilespmem:$0x1F8F0]  }
0x462: {  	v6 =	vadd.f32 v6, v7;
	[tilespmem:$0x1F990] =	vst v0;
	v0 =	vld [tilespmem:s26+$0x4140]  }
0x463: {  	v19 =	vld [tilespmem:s26+$0x1500]  }
0x464: {  	[tilespmem:s26+$0x6960] =	vst v6;
	v6 =	vld [tilespmem:$0x1F8E0]  }
0x465: {  	v18 =	vld [tilespmem:s26+$0x1510];
	v5 =	vadd.f32 v24, v9  }
0x466: {  	v8 =	vld [tilespmem:s26+$0x6D30]  }
0x467: {  	v7 =	vadd.f32 v25, v10;
	v4 =	vadd.f32 v4, v5;
	[tilespmem:$0x1F9A0] =	vst v0;
	v0 =	vld [tilespmem:s26+$0x4150]  }
0x468: {  	v17 =	vld [tilespmem:s26+$0x1520]  }
0x469: {  	v6 =	vadd.f32 v6, v7;
	[tilespmem:s26+$0x6D10] =	vst v4;
	v4 =	vld [tilespmem:$0x1F910]  }
0x46a: {  	v11 =	vld [tilespmem:s26+$0x6D20]  }
0x46b: {  	[tilespmem:s26+$0x6D00] =	vst v6;
	v6 =	vld [tilespmem:$0x1F900]  }
0x46c: {  	v5 =	vadd.f32 v22, v8;
	[tilespmem:$0x1F9B0] =	vst v0;
	v0 =	vld [tilespmem:s26+$0x4160]  }
0x46d: {  	v16 =	vld [tilespmem:s26+$0x1530]  }
0x46e: {  	v10 =	vld [tilespmem:s26+$0x6D50];
	v4 =	vadd.f32 v4, v5  }
0x46f: {  	v12 =	vld [tilespmem:s26+$0x6D40];
	v7 =	vadd.f32 v23, v11  }
0x470: {  	[tilespmem:s26+$0x6D30] =	vst v4;
	v4 =	vld [tilespmem:$0x1F930]  }
0x471: {  	v6 =	vadd.f32 v6, v7;
	[tilespmem:$0x1F9C0] =	vst v0;
	v0 =	vld [tilespmem:s26+$0x4170]  }
0x472: {  	v15 =	vld [tilespmem:s26+$0x1540]  }
0x473: {  	v3 =	vadd.f32 v3, v10;
	[tilespmem:s26+$0x6D20] =	vst v6;
	v6 =	vld [tilespmem:$0x1F920]  }
0x474: {  	v13 =	vld [tilespmem:s26+$0x1550]  }
0x475: {  	v11 =	vld [tilespmem:s26+$0x6D70];
	v3 =	vadd.f32 v4, v3  }
0x476: {  	v7 =	vadd.f32 v21, v12;
	[tilespmem:$0x1F9D0] =	vst v0;
	v0 =	vld [tilespmem:s26+$0x4500]  }
0x477: {  	[tilespmem:s26+$0x6D50] =	vst v3;
	v3 =	vld [tilespmem:$0x1F950]  }
0x478: {  	v50 =	vld [tilespmem:s26+$0x1560];
	v6 =	vadd.f32 v6, v7  }
0x479: {  	v9 =	vld [tilespmem:s26+$0x6D60]  }
0x47a: {  	v2 =	vadd.f32 v2, v11;
	[tilespmem:s26+$0x6D40] =	vst v6;
	v6 =	vld [tilespmem:$0x1F940]  }
0x47b: {  	[tilespmem:$0x1F9E0] =	vst v0;
	v0 =	vld [tilespmem:s26+$0x4510]  }
0x47c: {  	v12 =	vld [tilespmem:s26+$0x7110];
	v2 =	vadd.f32 v3, v2  }
0x47d: {  	v14 =	vld [tilespmem:s26+$0x1570]  }
0x47e: {  	v1 =	vadd.f32 v1, v9;
	[tilespmem:s26+$0x6D70] =	vst v2;
	v2 =	vld [tilespmem:$0x1F970]  }
0x47f: {  	v8 =	vld [tilespmem:s26+$0x7100]  }
0x480: {  	v1 =	vadd.f32 v6, v1;
	[tilespmem:$0x1F9F0] =	vst v0;
	v0 =	vld [tilespmem:s26+$0x1100]  }
0x481: {  	v44 =	vld [tilespmem:s26+$0x6500];
	v3 =	vadd.f32 v63, v12  }
0x482: {  	[tilespmem:s26+$0x6D60] =	vst v1;
	v1 =	vld [tilespmem:$0x1F960]  }
0x483: {  	v7 =	vld [tilespmem:s26+$0x7130];
	v3 =	vadd.f32 v2, v3  }
0x484: {  	v53 =	vld [tilespmem:$0x1F7E0]  }
0x485: {  	[tilespmem:s26+$0x7110] =	vst v3;
	v3 =	vld [tilespmem:$0x1F990];
	v0 =	vadd.f32 v0, v8  }
0x486: {  	v9 =	vld [tilespmem:s26+$0x7160]  }
0x487: {  	v5 =	vld [tilespmem:s26+$0x7120];
	v0 =	vadd.f32 v1, v0  }
0x488: {  	v4 =	vld [tilespmem:s26+$0x7140];
	v7 =	vadd.f32 v61, v7  }
0x489: {  	[tilespmem:s26+$0x7100] =	vst v0;
	v0 =	vld [tilespmem:$0x1F980]  }
0x48a: {  	v21 =	vadd.f32 v3, v7;
	v3 =	vld [tilespmem:$0x1F9A0]  }
0x48b: {  	p0 =	sne.s32 s5, $0xF;
	v51 =	vadd.f32 v40, v44;
	v6 =	vld [tilespmem:s26+$0x7150]  }
.Ltmp2:
0x48c: {  	v5 =	vadd.f32 v62, v5;
	v2 =	vld [tilespmem:s26+$0x7500];
	(pc) =	sbr.rel @p0 .LBB2_6-.Ltmp2, $4  }
0x48d: {  	[tilespmem:s26+$0x6100] =	vst v36;
	v36 =	vadd.f32 v53, v51;
	v8 =	vadd.f32 v60, v4;
	v4 =	vld [tilespmem:s26+$0x7520]  }
0x48e: {  	[tilespmem:s26+$0x6160] =	vst v49;
	v1 =	vld [tilespmem:s26+$0x7170];
	v5 =	vadd.f32 v0, v5  }
0x48f: {  	[tilespmem:s26+$0x6500] =	vst v36;
	v8 =	vadd.f32 v3, v8;
	v3 =	vld [tilespmem:s26+$0x7530]  }
0x490: {  	s5 =	sadd.s32 $0x1, s5;
	v44 =	vmov v47;
	v6 =	vadd.f32 v59, v6;
	v0 =	vld [tilespmem:s26+$0x7510];
	[tilespmem:s26+$0x7120] =	vst v5;
	v5 =	vadd.f32 v58, v9  }
0x491: {  	v9 =	vld [tilespmem:$0x1F9B0]  }
0x492: {  	v41 =	vld [tilespmem:$0x1F9C0]  }
0x493: {  	v45 =	vld [tilespmem:$0x1F9D0]  }
0x494: {  	v49 =	vld [tilespmem:$0x1F9E0]  }
0x495: {  	v7 =	vld [tilespmem:s26+$0x7540]  }
0x496: {  	[tilespmem:s26+$0x7130] =	vst v21;
	v53 =	vld [tilespmem:$0x1F9F0];
	v1 =	vadd.f32 v20, v1;
	v6 =	vadd.f32 v9, v6  }
0x497: {  	[tilespmem:s26+$0x7140] =	vst v8;
	v40 =	vld [tilespmem:s26+$0x7550];
	v2 =	vadd.f32 v19, v2;
	v5 =	vadd.f32 v41, v5  }
0x498: {  	v43 =	vld [tilespmem:s26+$0x7560];
	v3 =	vadd.f32 v16, v3;
	v1 =	vadd.f32 v45, v1;
	[tilespmem:s26+$0x7150] =	vst v6  }
0x499: {  	v47 =	vld [tilespmem:s26+$0x7570];
	v0 =	vadd.f32 v18, v0;
	v2 =	vadd.f32 v49, v2;
	[tilespmem:s26+$0x7160] =	vst v5  }
0x49a: {  	v52 =	vld [tilespmem:s26+$0x4560];
	v51 =	vadd.f32 v17, v4;
	v56 =	vadd.f32 v46, v3;
	[tilespmem:s26+$0x7170] =	vst v1  }
0x49b: {  	v55 =	vld [tilespmem:s26+$0x4570];
	v54 =	vadd.f32 v15, v7;
	v0 =	vadd.f32 v53, v0;
	[tilespmem:s26+$0x7500] =	vst v2  }
0x49c: {  	v57 =	vadd.f32 v13, v40;
	v1 =	vadd.f32 v48, v51;
	[tilespmem:s26+$0x7530] =	vst v56  }
0x49d: {  	v59 =	vadd.f32 v50, v43;
	v58 =	vadd.f32 v44, v54;
	[tilespmem:s26+$0x7510] =	vst v0  }
0x49e: {  	v61 =	vadd.f32 v14, v47;
	v60 =	vadd.f32 v42, v57;
	[tilespmem:s26+$0x7520] =	vst v1  }
0x49f: {  	v62 =	vadd.f32 v52, v59;
	[tilespmem:s26+$0x7540] =	vst v58  }
0x4a0: {  	v63 =	vadd.f32 v55, v61;
	[tilespmem:s26+$0x7550] =	vst v60  }
0x4a1: {  	[tilespmem:s26+$0x7560] =	vst v62  }
0x4a2: {  	s5 =	simm.s32 $0x0;
	[tilespmem:s26+$0x7570] =	vst v63  }
0x4a3: {  	[hbm4b:s20+s5] =	stream.linear.scatter [tilespmem:s29], [sflag:$0x3], $0x3000, $0x38;
	[tilespmem:$0x12200] =	vst v63  }
0x4a4: {  	_ =	swait.ge [sflag:s23], $0x3000  }
0x4a5: {  	[sflag:s23] =	ssyncset.done $0x0  }
0x4a6: {  	[sflag:s23] =	ssyncadd.s32 $0xFFFFD000  }
0x4a7: {  	_ =	swait.ge [sflag:s24], $0x3000  }
0x4a8: {  	[sflag:s24] =	ssyncset.done $0x0  }
0x4a9: {  	[sflag:s24] =	ssyncadd.s32 $0xFFFFD000  }
0x4aa: {  	_ =	swait.ge [sflag:s24], $0x3000  }
0x4ab: {  	[sflag:s24] =	ssyncset.done $0x0  }
0x4ac: {  	[sflag:s24] =	ssyncadd.s32 $0xFFFFD000  }
0x4ad: {  	_ =	swait.ge [sflag:s24], $0x3000  }
0x4ae: {  	[sflag:s24] =	ssyncset.done $0x0  }
0x4af: {  	s11 =	simm.s32 $0x0;
	[sflag:s24] =	ssyncadd.s32 $0xFFFFD000  }
.LBB2_8:
0x4b0: {  	s12 =	sshrl.u32 s11, $0x3  }
0x4b1: {  	s12 =	smul.u32 $0x1800, s12  }
0x4b2: {  	s26 =	sand.u32 $0x380, s5  }
0x4b3: {  	s26 =	sor.u32 s26, s12  }
0x4b4: {  	v4 =	vld [tilespmem:s26+$0xF200]  }
0x4b5: {  	v5 =	vld [tilespmem:s26+$0x9200]  }
0x4b6: {  	v6 =	vld [tilespmem:s26+$0xC200]  }
0x4b7: {  	v7 =	vld [tilespmem:s26+$0xF210]  }
0x4b8: {  	v8 =	vld [tilespmem:s26+$0x9210]  }
0x4b9: {  	v9 =	vld [tilespmem:s26+$0xC210]  }
0x4ba: {  	v10 =	vld [tilespmem:s26+$0xF220]  }
0x4bb: {  	v11 =	vld [tilespmem:s26+$0x9220]  }
0x4bc: {  	v12 =	vld [tilespmem:s26+$0xC220]  }
0x4bd: {  	v13 =	vld [tilespmem:s26+$0xF230]  }
0x4be: {  	v14 =	vld [tilespmem:s26+$0x9230]  }
0x4bf: {  	v15 =	vld [tilespmem:s26+$0xC230]  }
0x4c0: {  	v1 =	vld [tilespmem:s26+$0xF240]  }
0x4c1: {  	v2 =	vld [tilespmem:s26+$0x9240]  }
0x4c2: {  	v0 =	vld [tilespmem:s26+$0xC240]  }
0x4c3: {  	v16 =	vld [tilespmem:s26+$0xF250]  }
0x4c4: {  	v17 =	vld [tilespmem:s26+$0x9250]  }
0x4c5: {  	v18 =	vld [tilespmem:s26+$0xC250]  }
0x4c6: {  	v19 =	vld [tilespmem:s26+$0xF260]  }
0x4c7: {  	v20 =	vld [tilespmem:s26+$0x9260]  }
0x4c8: {  	v21 =	vld [tilespmem:s26+$0xC260]  }
0x4c9: {  	v22 =	vld [tilespmem:s26+$0xF270]  }
0x4ca: {  	v23 =	vld [tilespmem:s26+$0x9270]  }
0x4cb: {  	v24 =	vld [tilespmem:s26+$0xC270]  }
0x4cc: {  	v25 =	vld [tilespmem:s26+$0xF600]  }
0x4cd: {  	v26 =	vld [tilespmem:s26+$0x9600]  }
0x4ce: {  	v27 =	vld [tilespmem:s26+$0xC600]  }
0x4cf: {  	v28 =	vld [tilespmem:s26+$0xF610]  }
0x4d0: {  	v29 =	vld [tilespmem:s26+$0x9610]  }
0x4d1: {  	v30 =	vld [tilespmem:s26+$0xC610]  }
0x4d2: {  	v31 =	vld [tilespmem:s26+$0xF620]  }
0x4d3: {  	v32 =	vld [tilespmem:s26+$0x9620]  }
0x4d4: {  	v33 =	vld [tilespmem:s26+$0xC620]  }
0x4d5: {  	v34 =	vld [tilespmem:s26+$0xF630]  }
0x4d6: {  	v35 =	vld [tilespmem:s26+$0x9630]  }
0x4d7: {  	v36 =	vld [tilespmem:s26+$0xC630]  }
0x4d8: {  	v3 =	vld [tilespmem:s26+$0xF640]  }
0x4d9: {  	v37 =	vld [tilespmem:s26+$0xF650]  }
0x4da: {  	v38 =	vld [tilespmem:s26+$0x9650]  }
0x4db: {  	v39 =	vld [tilespmem:s26+$0xC650]  }
0x4dc: {  	v40 =	vld [tilespmem:s26+$0xF660]  }
0x4dd: {  	v41 =	vld [tilespmem:s26+$0x9660]  }
0x4de: {  	v42 =	vld [tilespmem:s26+$0xC660]  }
0x4df: {  	v43 =	vld [tilespmem:s26+$0xF670]  }
0x4e0: {  	v44 =	vld [tilespmem:s26+$0x9670]  }
0x4e1: {  	v45 =	vld [tilespmem:s26+$0xC670]  }
0x4e2: {  	v46 =	vld [tilespmem:s26+$0xFA00]  }
0x4e3: {  	v47 =	vld [tilespmem:s26+$0x9A00]  }
0x4e4: {  	v48 =	vld [tilespmem:s26+$0xCA00]  }
0x4e5: {  	v49 =	vld [tilespmem:s26+$0xFA10]  }
0x4e6: {  	v50 =	vld [tilespmem:s26+$0x9A10]  }
0x4e7: {  	v51 =	vld [tilespmem:s26+$0xCA10]  }
0x4e8: {  	v52 =	vld [tilespmem:s26+$0xFA20]  }
0x4e9: {  	v53 =	vld [tilespmem:s26+$0x9A20]  }
0x4ea: {  	v54 =	vld [tilespmem:s26+$0xCA20]  }
0x4eb: {  	v55 =	vld [tilespmem:s26+$0xFA30]  }
0x4ec: {  	v56 =	vld [tilespmem:s26+$0x9A30]  }
0x4ed: {  	v57 =	vld [tilespmem:s26+$0xCA30]  }
0x4ee: {  	v58 =	vld [tilespmem:s26+$0xFA50]  }
0x4ef: {  	v59 =	vld [tilespmem:s26+$0x9A50];
	v4 =	vadd.f32 v5, v4  }
0x4f0: {  	v60 =	vld [tilespmem:s26+$0xCA50];
	v7 =	vadd.f32 v8, v7  }
0x4f1: {  	v61 =	vld [tilespmem:s26+$0xFA60];
	v63 =	vadd.f32 v11, v10;
	v4 =	vadd.f32 v6, v4  }
0x4f2: {  	v62 =	vld [tilespmem:s26+$0x9A60];
	v7 =	vadd.f32 v9, v7;
	v9 =	vadd.f32 v14, v13  }
0x4f3: {  	v5 =	vld [tilespmem:s26+$0xCA60];
	[tilespmem:s26+$0xF200] =	vst v4;
	v4 =	vadd.f32 v12, v63  }
0x4f4: {  	v8 =	vld [tilespmem:s26+$0xFA70];
	v63 =	vadd.f32 v17, v16;
	v16 =	vadd.f32 v15, v9  }
0x4f5: {  	v10 =	vld [tilespmem:s26+$0x9A70];
	v17 =	vadd.f32 v20, v19;
	v20 =	vadd.f32 v23, v22  }
0x4f6: {  	v11 =	vld [tilespmem:s26+$0xCA70];
	v23 =	vadd.f32 v26, v25;
	v26 =	vadd.f32 v29, v28  }
0x4f7: {  	v13 =	vld [tilespmem:s26+$0x9E00];
	v29 =	vadd.f32 v32, v31;
	v32 =	vadd.f32 v35, v34  }
0x4f8: {  	v14 =	vld [tilespmem:s26+$0xCE00];
	v35 =	vadd.f32 v38, v37;
	v38 =	vadd.f32 v41, v40  }
0x4f9: {  	v12 =	vld [tilespmem:s26+$0xFE00];
	[tilespmem:s26+$0xF210] =	vst v7;
	v41 =	vadd.f32 v44, v43;
	v44 =	vadd.f32 v47, v46  }
0x4fa: {  	v15 =	vld [tilespmem:s26+$0xFE10];
	v47 =	vadd.f32 v50, v49;
	[tilespmem:s26+$0xF220] =	vst v4;
	v19 =	vadd.f32 v18, v63  }
0x4fb: {  	v49 =	vadd.f32 v53, v52;
	v50 =	vld [tilespmem:s26+$0xFE50];
	[tilespmem:s26+$0xF230] =	vst v16;
	v22 =	vadd.f32 v21, v17  }
0x4fc: {  	v53 =	vadd.f32 v56, v55;
	v55 =	vld [tilespmem:s26+$0x9E50];
	v25 =	vadd.f32 v24, v20;
	[tilespmem:s26+$0xF250] =	vst v19  }
0x4fd: {  	v16 =	vld [tilespmem:s26+$0x9E10];
	v28 =	vadd.f32 v27, v23;
	[tilespmem:s26+$0xF260] =	vst v22  }
0x4fe: {  	v17 =	vld [tilespmem:s26+$0xCE10];
	v31 =	vadd.f32 v30, v26;
	[tilespmem:s26+$0xF270] =	vst v25  }
0x4ff: {  	v18 =	vld [tilespmem:s26+$0xFE20];
	v34 =	vadd.f32 v33, v29;
	[tilespmem:s26+$0xF600] =	vst v28  }
0x500: {  	v37 =	vadd.f32 v36, v32;
	v20 =	vld [tilespmem:s26+$0xCE20];
	[tilespmem:s26+$0xF610] =	vst v31  }
0x501: {  	v40 =	vadd.f32 v39, v35;
	v21 =	vld [tilespmem:s26+$0xFE30];
	[tilespmem:s26+$0xF620] =	vst v34  }
0x502: {  	v43 =	vadd.f32 v42, v38;
	v23 =	vld [tilespmem:s26+$0xCE30];
	[tilespmem:s26+$0xF630] =	vst v37  }
0x503: {  	v46 =	vadd.f32 v45, v41;
	v63 =	vld [tilespmem:s26+$0xCE50];
	[tilespmem:s26+$0xF650] =	vst v40  }
0x504: {  	v48 =	vadd.f32 v48, v44;
	v32 =	vld [tilespmem:s26+$0xFE60];
	[tilespmem:s26+$0xF660] =	vst v43  }
0x505: {  	v52 =	vadd.f32 v51, v47;
	v35 =	vld [tilespmem:s26+$0x9E60];
	[tilespmem:s26+$0xF670] =	vst v46  }
0x506: {  	v59 =	vadd.f32 v59, v58;
	v56 =	vadd.f32 v54, v49;
	v19 =	vld [tilespmem:s26+$0x9E20];
	[tilespmem:s26+$0xFA00] =	vst v48  }
0x507: {  	v30 =	vadd.f32 v57, v53;
	v22 =	vld [tilespmem:s26+$0x9E30];
	[tilespmem:s26+$0xFA10] =	vst v52;
	v31 =	vadd.f32 v62, v61  }
0x508: {  	v33 =	vadd.f32 v60, v59;
	[tilespmem:s26+$0xFA20] =	vst v56;
	v34 =	vadd.f32 v10, v8;
	v37 =	vld [tilespmem:s26+$0xFE70]  }
0x509: {  	[tilespmem:s26+$0xFA30] =	vst v30;
	v43 =	vld [tilespmem:s26+$0xCE60];
	v36 =	vadd.f32 v13, v12;
	v5 =	vadd.f32 v5, v31  }
0x50a: {  	[tilespmem:s26+$0xFA50] =	vst v33;
	v40 =	vld [tilespmem:s26+$0x9E70];
	v48 =	vadd.f32 v55, v50;
	v38 =	vadd.f32 v11, v34  }
0x50b: {  	v49 =	vld [tilespmem:s26+$0x9640];
	v39 =	vadd.f32 v16, v15;
	v41 =	vadd.f32 v14, v36;
	[tilespmem:s26+$0xFA60] =	vst v5  }
0x50c: {  	v46 =	vld [tilespmem:s26+$0xCE70];
	v51 =	vadd.f32 v35, v32;
	v53 =	vadd.f32 v63, v48;
	[tilespmem:s26+$0xFA70] =	vst v38  }
0x50d: {  	v59 =	vld [tilespmem:s26+$0xFE40];
	v42 =	vadd.f32 v19, v18;
	v44 =	vadd.f32 v17, v39;
	[tilespmem:s26+$0xFE00] =	vst v41  }
0x50e: {  	v60 =	vld [tilespmem:s26+$0x9E40];
	v45 =	vadd.f32 v22, v21;
	v6 =	vadd.f32 v43, v51;
	[tilespmem:s26+$0xFE50] =	vst v53  }
0x50f: {  	v52 =	vld [tilespmem:s26+$0xC640];
	v54 =	vadd.f32 v40, v37;
	v47 =	vadd.f32 v20, v42;
	[tilespmem:s26+$0xFE10] =	vst v44  }
0x510: {  	v56 =	vld [tilespmem:s26+$0x9A40];
	v50 =	vadd.f32 v23, v45;
	[tilespmem:s26+$0xFE60] =	vst v6  }
0x511: {  	v61 =	vld [tilespmem:s26+$0xA200];
	v58 =	vadd.f32 v46, v54;
	[tilespmem:s26+$0xFE20] =	vst v47  }
0x512: {  	v62 =	vld [tilespmem:s26+$0xCE40];
	[tilespmem:s26+$0xFE30] =	vst v50  }
0x513: {  	s12 =	sadd.s32 $0x1000, s26;
	v55 =	vld [tilespmem:s26+$0xFA40];
	[tilespmem:s26+$0xFE70] =	vst v58  }
0x514: {  	v5 =	vld [tilespmem:s12+$0xF200]  }
0x515: {  	v1 =	vadd.f32 v2, v1;
	v57 =	vld [tilespmem:s26+$0xCA40]  }
0x516: {  	v3 =	vadd.f32 v49, v3;
	v63 =	vld [tilespmem:s26+$0xD200]  }
0x517: {  	v0 =	vadd.f32 v0, v1;
	v16 =	vadd.f32 v60, v59  }
0x518: {  	v3 =	vadd.f32 v52, v3;
	v15 =	vadd.f32 v56, v55  }
0x519: {  	[tilespmem:s26+$0xF240] =	vst v0;
	v2 =	vadd.f32 v62, v16;
	v18 =	vadd.f32 v61, v5  }
0x51a: {  	[tilespmem:s26+$0xF640] =	vst v3;
	v17 =	vadd.f32 v57, v15  }
0x51b: {  	[tilespmem:s26+$0xFE40] =	vst v2;
	v19 =	vadd.f32 v63, v18  }
0x51c: {  	[tilespmem:s26+$0xFA40] =	vst v17  }
0x51d: {  	v20 =	vld [tilespmem:s12+$0xF210];
	[tilespmem:s12+$0xF200] =	vst v19  }
0x51e: {  	v21 =	vld [tilespmem:s26+$0xA210];
	_ =	sdelay $0x1  }
0x51f: {  	v22 =	vld [tilespmem:s26+$0xD210];
	_ =	sdelay $0x2  }
0x520: {  	v0 =	vadd.f32 v21, v20;
	_ =	sdelay $0x1  }
0x521: {  	v0 =	vadd.f32 v22, v0;
	_ =	sdelay $0x1  }
0x522: {  	v23 =	vld [tilespmem:s12+$0xF220];
	[tilespmem:s12+$0xF210] =	vst v0  }
0x523: {  	v24 =	vld [tilespmem:s26+$0xA220];
	_ =	sdelay $0x1  }
0x524: {  	v25 =	vld [tilespmem:s26+$0xD220];
	_ =	sdelay $0x2  }
0x525: {  	v0 =	vadd.f32 v24, v23;
	_ =	sdelay $0x1  }
0x526: {  	v0 =	vadd.f32 v25, v0;
	_ =	sdelay $0x1  }
0x527: {  	v26 =	vld [tilespmem:s12+$0xF230];
	[tilespmem:s12+$0xF220] =	vst v0  }
0x528: {  	v27 =	vld [tilespmem:s26+$0xA230];
	_ =	sdelay $0x1  }
0x529: {  	v28 =	vld [tilespmem:s26+$0xD230];
	_ =	sdelay $0x2  }
0x52a: {  	v0 =	vadd.f32 v27, v26;
	_ =	sdelay $0x1  }
0x52b: {  	v0 =	vadd.f32 v28, v0;
	_ =	sdelay $0x1  }
0x52c: {  	v29 =	vld [tilespmem:s12+$0xF240];
	[tilespmem:s12+$0xF230] =	vst v0  }
0x52d: {  	v30 =	vld [tilespmem:s26+$0xA240];
	_ =	sdelay $0x1  }
0x52e: {  	v31 =	vld [tilespmem:s26+$0xD240];
	_ =	sdelay $0x2  }
0x52f: {  	v0 =	vadd.f32 v30, v29;
	_ =	sdelay $0x1  }
0x530: {  	v0 =	vadd.f32 v31, v0;
	_ =	sdelay $0x1  }
0x531: {  	v32 =	vld [tilespmem:s12+$0xF250];
	[tilespmem:s12+$0xF240] =	vst v0  }
0x532: {  	v33 =	vld [tilespmem:s26+$0xA250];
	_ =	sdelay $0x1  }
0x533: {  	v34 =	vld [tilespmem:s26+$0xD250];
	_ =	sdelay $0x2  }
0x534: {  	v0 =	vadd.f32 v33, v32;
	_ =	sdelay $0x1  }
0x535: {  	v0 =	vadd.f32 v34, v0;
	_ =	sdelay $0x1  }
0x536: {  	v35 =	vld [tilespmem:s12+$0xF260];
	[tilespmem:s12+$0xF250] =	vst v0  }
0x537: {  	v36 =	vld [tilespmem:s26+$0xA260];
	_ =	sdelay $0x1  }
0x538: {  	v37 =	vld [tilespmem:s26+$0xD260];
	_ =	sdelay $0x2  }
0x539: {  	v0 =	vadd.f32 v36, v35;
	_ =	sdelay $0x1  }
0x53a: {  	v0 =	vadd.f32 v37, v0;
	_ =	sdelay $0x1  }
0x53b: {  	v38 =	vld [tilespmem:s12+$0xF270];
	[tilespmem:s12+$0xF260] =	vst v0  }
0x53c: {  	v39 =	vld [tilespmem:s26+$0xA270];
	_ =	sdelay $0x1  }
0x53d: {  	v40 =	vld [tilespmem:s26+$0xD270];
	_ =	sdelay $0x2  }
0x53e: {  	v0 =	vadd.f32 v39, v38;
	_ =	sdelay $0x1  }
0x53f: {  	v0 =	vadd.f32 v40, v0;
	_ =	sdelay $0x1  }
0x540: {  	s28 =	sadd.s32 $0x1400, s26;
	[tilespmem:s12+$0xF270] =	vst v0  }
0x541: {  	v0 =	vld [tilespmem:s28+$0xF200]  }
0x542: {  	v41 =	vld [tilespmem:s26+$0xA600];
	_ =	sdelay $0x1  }
0x543: {  	v42 =	vld [tilespmem:s26+$0xD600];
	_ =	sdelay $0x2  }
0x544: {  	v0 =	vadd.f32 v41, v0;
	_ =	sdelay $0x1  }
0x545: {  	v0 =	vadd.f32 v42, v0;
	_ =	sdelay $0x1  }
0x546: {  	v43 =	vld [tilespmem:s28+$0xF210];
	[tilespmem:s28+$0xF200] =	vst v0  }
0x547: {  	v44 =	vld [tilespmem:s26+$0xA610];
	_ =	sdelay $0x1  }
0x548: {  	v45 =	vld [tilespmem:s26+$0xD610];
	_ =	sdelay $0x2  }
0x549: {  	v0 =	vadd.f32 v44, v43;
	_ =	sdelay $0x1  }
0x54a: {  	v0 =	vadd.f32 v45, v0;
	_ =	sdelay $0x1  }
0x54b: {  	v46 =	vld [tilespmem:s28+$0xF220];
	[tilespmem:s28+$0xF210] =	vst v0  }
0x54c: {  	v47 =	vld [tilespmem:s26+$0xA620];
	_ =	sdelay $0x1  }
0x54d: {  	v48 =	vld [tilespmem:s26+$0xD620];
	_ =	sdelay $0x2  }
0x54e: {  	v0 =	vadd.f32 v47, v46;
	_ =	sdelay $0x1  }
0x54f: {  	v0 =	vadd.f32 v48, v0;
	_ =	sdelay $0x1  }
0x550: {  	v49 =	vld [tilespmem:s28+$0xF230];
	[tilespmem:s28+$0xF220] =	vst v0  }
0x551: {  	v50 =	vld [tilespmem:s26+$0xA630];
	_ =	sdelay $0x1  }
0x552: {  	v51 =	vld [tilespmem:s26+$0xD630];
	_ =	sdelay $0x2  }
0x553: {  	v0 =	vadd.f32 v50, v49;
	_ =	sdelay $0x1  }
0x554: {  	v0 =	vadd.f32 v51, v0;
	_ =	sdelay $0x1  }
0x555: {  	v52 =	vld [tilespmem:s28+$0xF240];
	[tilespmem:s28+$0xF230] =	vst v0  }
0x556: {  	v53 =	vld [tilespmem:s26+$0xA640];
	_ =	sdelay $0x1  }
0x557: {  	v54 =	vld [tilespmem:s26+$0xD640];
	_ =	sdelay $0x2  }
0x558: {  	v0 =	vadd.f32 v53, v52;
	_ =	sdelay $0x1  }
0x559: {  	v0 =	vadd.f32 v54, v0;
	_ =	sdelay $0x1  }
0x55a: {  	v55 =	vld [tilespmem:s28+$0xF250];
	[tilespmem:s28+$0xF240] =	vst v0  }
0x55b: {  	v56 =	vld [tilespmem:s26+$0xA650];
	_ =	sdelay $0x1  }
0x55c: {  	v57 =	vld [tilespmem:s26+$0xD650];
	_ =	sdelay $0x2  }
0x55d: {  	v0 =	vadd.f32 v56, v55;
	_ =	sdelay $0x1  }
0x55e: {  	v0 =	vadd.f32 v57, v0;
	_ =	sdelay $0x1  }
0x55f: {  	v58 =	vld [tilespmem:s28+$0xF260];
	[tilespmem:s28+$0xF250] =	vst v0  }
0x560: {  	v59 =	vld [tilespmem:s26+$0xA660];
	_ =	sdelay $0x1  }
0x561: {  	v60 =	vld [tilespmem:s26+$0xD660];
	_ =	sdelay $0x2  }
0x562: {  	v0 =	vadd.f32 v59, v58;
	_ =	sdelay $0x1  }
0x563: {  	v0 =	vadd.f32 v60, v0;
	_ =	sdelay $0x1  }
0x564: {  	v61 =	vld [tilespmem:s28+$0xF270];
	[tilespmem:s28+$0xF260] =	vst v0  }
0x565: {  	v62 =	vld [tilespmem:s26+$0xA670];
	_ =	sdelay $0x1  }
0x566: {  	v63 =	vld [tilespmem:s26+$0xD670];
	_ =	sdelay $0x1  }
0x567: {  	p0 =	sne.s32 s11, $0xF  }
.Ltmp3:
0x568: {  	v0 =	vadd.f32 v62, v61;
	(pc) =	sbr.rel @p0 .LBB2_8-.Ltmp3, $3  }
0x569: {  	_ = 	snop  }
0x56a: {  	v0 =	vadd.f32 v63, v0;
	_ =	sdelay $0x1  }
0x56b: {  	s5 =	sadd.s32 $0x80, s5;
	s11 =	sadd.s32 $0x1, s11;
	[tilespmem:s28+$0xF270] =	vst v0  }
0x56c: {  	s25 =	sadd.s32 $0x1, s25  }
0x56d: {  	p0 =	sne.s32 s25, s22  }
.Ltmp4:
0x56e: {  	_ = 	snop;
	(pc) =	sbr.rel @p0 .LBB2_1-.Ltmp4, $4  }
0x56f: {  	[hbm4b:s21+s1] =	stream.linear.scatter [tilespmem:s9], [sflag:$0x3], $0x3000, $0x38;
	[tilespmem:$0x12200] =	vst v63  }
0x570: {  	_ =	swait.ge [sflag:s23], $0x3000  }
0x571: {  	[sflag:s23] =	ssyncset.done $0x0  }
0x572: {  	[sflag:s23] =	ssyncadd.s32 $0xFFFFD000  }
0x573: {  	_ =	sfence.sel $0x180000  }
0x574: {  	[bflag:$0x0] =	sbarrier.arrive $0xFFFF  }
0x575: {  	_ =	strace $0x9000004A  }
0x576: {  	s0 =	stileid.u32;
	[bflag:$0x2] =	sbarrier.arrive $0xFFFF  }
0x577: {  	p0 =	sne.s32 s0, $0x0;
	s0 =	rddreg [dreg:$0x2]  }
0x578: {  	s0 =	sadd.s32 @!p0 $0x100000, s0  }
0x579: {  	[sflag:s0] =	ssyncadd.tile.s32 @!p0 $0x1;
	_ =	shalt  }
.Lfunc_end2:
_tile_overlayer_lowered:
.L_overlay_start_2:
0x57a: {  	(tag) =	ssettag $0x2  }
0x57b: {  	s0 =	rddreg [dreg:$0x0];
	s2 =	stileid.u32  }
0x57c: {  	s1 =	rddreg [dreg:$0x1];
	p0 =	sne.s32 s2, $0x0  }
0x57d: {  	s3 =	rddreg [dreg:$0x2];
	[bflag:$0x3] =	sbarrier.arrive $0xFFFF;
	s2 =	simm.s32 @!p0 $0x1C03  }
0x57e: {  	[timem:s3], [sflag:s2] =	dma.local @!p0 [hbm:s0], s1  }
0x57f: {  	s0 =	simm.s32 @!p0 $0x3  }
0x580: {  	_ =	swait.ge @!p0 [sflag:s0], s1  }
0x581: {  	s1 =	ssub.s32 @!p0 $0x0, s1;
	[sflag:s0] =	ssyncset.done @!p0 $0x0  }
0x582: {  	[sflag:s0] =	ssyncadd.s32 @!p0 s1  }
0x583: {  	[bflag:$0x3] =	sbarrier.arrive $0xFFFF  }
0x584: {  	_ =	shalt  }

// kernel: kernel.7.cloned.1.call-start
scs
__scs_entry_jumppad:
0x0: {  	(pc) =	sbr.rel $0x88, $3  }
0x1: {  	(tag) =	ssettag $0x0;
	lr =	simm.s32 $0x1  }
0x2: {  	[smem:$0x3F9A] =	sst lr;
	_ =	strace $0xD0000000  }
0x3: {  	_ = 	snop  }
0x4: {  	_ = 	snop  }
0x5: {  	_ = 	snop  }
0x6: {  	_ = 	snop  }
0x7: {  	_ = 	snop  }
__scs_overlays_trampoline_lowered:
0x8: {  	[smem:$0x3FA9] =	sst s0  }
0x9: {  	[smem:$0x3FAA] =	sst s1  }
0xa: {  	[smem:$0x3FAB] =	sst s2  }
0xb: {  	[smem:$0x3FAC] =	sst s3  }
0xc: {  	[smem:$0x3FAD] =	sst s4  }
0xd: {  	[smem:$0x3FAE] =	sst s5  }
0xe: {  	[smem:$0x3FAF] =	sst s6  }
0xf: {  	[smem:$0x3FB0] =	sst s7  }
0x10: {  	[smem:$0x3FB1] =	sst s8  }
0x11: {  	[smem:$0x3FB2] =	sst s9;
	s0 =	simm.s32 @!p0 $0x0  }
0x12: {  	s1 =	sld [smem:$0x3F98];
	s0 =	simm.s32 @p0 $0x1  }
0x13: {  	[smem:$0x3FB3] =	sst s0;
	s0 =	simm.s32 @!p1 $0x0  }
0x14: {  	s2 =	sld [smem:$0x3F97];
	s0 =	simm.s32 @p1 $0x1  }
0x15: {  	[smem:$0x3FB4] =	sst s0;
	s0 =	simm.s32 @!p2 $0x0  }
0x16: {  	s3 =	sld [smem:$0x3FDB];
	s0 =	simm.s32 @p2 $0x1  }
0x17: {  	s4 =	simm.s32 $0x1BF5;
	[smem:$0x3FB6] =	sst s0  }
0x18: {  	s0 =	sld [smem:$0x3F99];
	_ =	swait.ge [sflag:s4], $0x0  }
0x19: {  	s7 =	sld [smem:$0x3F9A]  }
0x1a: {  	s8 =	sadd.s32 $0xFFFFE003, lr  }
0x1b: {  	s9 =	sadd.s32 $0xFFFFFEF7, lr;
	s5 =	simm.s32 $0xFFFFFFFF;
	p2 =	slt.u32 s8, $0xFFFFF086  }
0x1c: {  	p1 =	slt.u32 s9, $0xF7A;
	s5 =	simm.s32 @!p2 $0x0  }
0x1d: {  	s5 =	simm.s32 @p1 $0x1;
	p0 =	seq.s32 s7, s2  }
0x1e: {  	s7 =	smul.u32 @!p0 $0xF7A, s2;
	p2 =	seq.s32 @!p0 s5, $0x0  }
0x1f: {  	s9 =	smul.u32 $0xF7A, s1;
	s8 =	simm.s32 @!p0 $0x1BF5;
	p2 =	por !p2, p0  }
0x20: {  	[sflag:s8] =	ssyncset.s32 @!p0 $0xFFFFF086;
	s6 =	sadd.s32 @!p0 s3, s7;
	s7 =	simm.s32 @!p0 $0x108  }
0x21: {  	s3 =	sadd.s32 s3, s9;
	s6 =	sadd.s32 @!p0 $0x88, s6;
	s7 =	simm.s32 @p2 $0x1082  }
0x22: {  	[simem:s7], [sflag:s8] =	dma.local @!p0 [hbm:s6], $0xF7A  }
0x23: {  	s9 =	sor.u32 $0xD0000000, s2;
	s6 =	simm.s32 $0x108;
	_ =	swait.ge @!p0 [sflag:s8], $0x0  }
0x24: {  	s3 =	sadd.s32 $0x88, s3;
	s6 =	simm.s32 @!p1 $0x1082;
	[sflag:s4] =	ssyncset.s32 $0xFFFFF086  }
0x25: {  	[simem:s6], [sflag:s4] =	dma.local [hbm:s3], $0xF7A  }
0x26: {  	[smem:$0x3F9A] =	sst s1;
	(tag) =	ssettag s2;
	_ =	strace s9  }
0x27: {  	s1 =	sld [smem:$0x3FAA]  }
0x28: {  	s2 =	sld [smem:$0x3FAB]  }
0x29: {  	s4 =	sld [smem:$0x3FAD]  }
0x2a: {  	p0 =	seq.s32 s5, $0x0;
	s5 =	sld [smem:$0x3FAE]  }
0x2b: {  	s6 =	sld [smem:$0x3FAF]  }
0x2c: {  	s7 =	sld [smem:$0x3FB0]  }
0x2d: {  	s3 =	simm.s32 $0x108;
	s8 =	sld [smem:$0x3FB1]  }
0x2e: {  	s3 =	simm.s32 @!p0 $0x1082;
	s9 =	sld [smem:$0x3FB2]  }
0x2f: {  	lr =	sadd.s32 s0, s3;
	s0 =	sld [smem:$0x3FA9]  }
0x30: {  	s3 =	sld [smem:$0x3FAC]  }
0x31: {  	[smem:$0x3FB5] =	sst s10  }
0x32: {  	s10 =	sld [smem:$0x3FB3];
	_ =	sdelay $0x3  }
0x33: {  	p0 =	seq.s32 s10, $0x1;
	s10 =	sld [smem:$0x3FB5];
	_ =	sdelay $0x3  }
0x34: {  	[smem:$0x3FB5] =	sst s10  }
0x35: {  	s10 =	sld [smem:$0x3FB4];
	_ =	sdelay $0x3  }
0x36: {  	p1 =	seq.s32 s10, $0x1;
	s10 =	sld [smem:$0x3FB5];
	_ =	sdelay $0x3  }
0x37: {  	[smem:$0x3FB5] =	sst s10  }
0x38: {  	s10 =	sld [smem:$0x3FB6]  }
0x39: {  	_ = 	snop;
	(pc) =	sbr.ind lr, $3  }
0x3a: {  	_ = 	snop  }
0x3b: {  	_ = 	snop  }
0x3c: {  	p2 =	seq.s32 s10, $0x1;
	s10 =	sld [smem:$0x3FB5]  }
0x3d: {  	_ =	shalt  }
0x3e: {  	_ =	shalt  }
0x3f: {  	_ =	shalt  }
0x40: {  	_ =	shalt  }
0x41: {  	_ =	shalt  }
0x42: {  	_ =	shalt  }
0x43: {  	_ =	shalt  }
0x44: {  	_ =	shalt  }
0x45: {  	_ =	shalt  }
0x46: {  	_ =	shalt  }
0x47: {  	_ =	shalt  }
0x48: {  	_ =	shalt  }
0x49: {  	_ =	shalt  }
0x4a: {  	_ =	shalt  }
0x4b: {  	_ =	shalt  }
0x4c: {  	_ =	shalt  }
0x4d: {  	_ =	shalt  }
0x4e: {  	_ =	shalt  }
0x4f: {  	_ =	shalt  }
0x50: {  	_ =	shalt  }
0x51: {  	_ =	shalt  }
0x52: {  	_ =	shalt  }
0x53: {  	_ =	shalt  }
0x54: {  	_ =	shalt  }
0x55: {  	_ =	shalt  }
0x56: {  	_ =	shalt  }
0x57: {  	_ =	shalt  }
0x58: {  	_ =	shalt  }
0x59: {  	_ =	shalt  }
0x5a: {  	_ =	shalt  }
0x5b: {  	_ =	shalt  }
0x5c: {  	_ =	shalt  }
0x5d: {  	_ =	shalt  }
0x5e: {  	_ =	shalt  }
0x5f: {  	_ =	shalt  }
0x60: {  	_ =	shalt  }
0x61: {  	_ =	shalt  }
0x62: {  	_ =	shalt  }
0x63: {  	_ =	shalt  }
0x64: {  	_ =	shalt  }
0x65: {  	_ =	shalt  }
0x66: {  	_ =	shalt  }
0x67: {  	_ =	shalt  }
0x68: {  	_ =	shalt  }
0x69: {  	_ =	shalt  }
0x6a: {  	_ =	shalt  }
0x6b: {  	_ =	shalt  }
0x6c: {  	_ =	shalt  }
0x6d: {  	_ =	shalt  }
0x6e: {  	_ =	shalt  }
0x6f: {  	_ =	shalt  }
0x70: {  	_ =	shalt  }
0x71: {  	_ =	shalt  }
0x72: {  	_ =	shalt  }
0x73: {  	_ =	shalt  }
0x74: {  	_ =	shalt  }
0x75: {  	_ =	shalt  }
0x76: {  	_ =	shalt  }
0x77: {  	_ =	shalt  }
0x78: {  	_ =	shalt  }
0x79: {  	_ =	shalt  }
0x7a: {  	_ =	shalt  }
0x7b: {  	_ =	shalt  }
0x7c: {  	_ =	shalt  }
0x7d: {  	_ =	shalt  }
0x7e: {  	_ =	shalt  }
0x7f: {  	_ =	shalt  }
0x80: {  	_ =	shalt  }
0x81: {  	_ =	shalt  }
0x82: {  	_ =	shalt  }
0x83: {  	_ =	shalt  }
0x84: {  	_ =	shalt  }
0x85: {  	_ =	shalt  }
0x86: {  	_ =	shalt  }
0x87: {  	_ =	shalt  }
.Lfunc_end0:
.L_simem_size_0:
called_computation_lowered:
.L_overlay_start_0:
0x88: {  	s2 =	sld [smem:$0x3FD9]  }
0x89: {  	s3 =	sld [smem:$0x3FFE];
	_ =	sdelay $0x1  }
0x8a: {  	s1 =	srdreg.scid  }
0x8b: {  	s0 =	sand.u32 $0x1, s1  }
0x8c: {  	s17 =	sshll.u32 s0, $0xA;
	s2 =	sadd.s32 s3, s2  }
0x8d: {  	s2 =	sadd.s32 s2, s17  }
0x8e: {  	[smem:$0x3FC1] =	sst s2  }
0x8f: {  	_ = 	snop  }
0x90: {  	s2 =	sld [smem:$0x3FC9]  }
0x91: {  	s18 =	sld [smem:$0x3FD0];
	(tm) =	ssettm $0x1  }
0x92: {  	s4 =	sld [smem:$0x3FFB];
	_ =	sdelay $0x3  }
0x93: {  	_ =	strace s4  }
0x94: {  	s4 =	sld [smem:$0x3FFC];
	_ =	sdelay $0x3  }
0x95: {  	_ =	strace s4  }
0x96: {  	s4 =	sld [smem:$0x3FFD];
	_ =	sdelay $0x3  }
0x97: {  	_ =	strace s4  }
0x98: {  	_ =	strace $0x8FFFFFFF  }
0x99: {  	s19 =	sld [smem:$0x3FDB];
	_ =	sdelay $0x1  }
0x9a: {  	s5 =	simm.s32 $_scs_section_size  }
0x9b: {  	s6 =	simm.s32 $_size__tile_overlayer_lowered;
	s7 =	simm.s32 $_tile_overlayer_lowered  }
0x9c: {  	s22 =	simm.s32 $0x1BFF;
	s21 =	sshll.u32 s7, $0x1;
	s4 =	sadd.s32 s5, s19  }
0x9d: {  	s8 =	simm.s32 $0x0;
	s20 =	sshll.u32 s6, $0x1;
	s6 =	sadd.s32 s21, s4  }
0x9e: {  	[timem:s8], [sflag:s22] =	dma.local [hbm:s6], s20  }
0x9f: {  	_ =	swait.ge [sflag:s22], s20  }
0xa0: {  	s5 =	ssub.s32 $0x0, s20;
	[sflag:s22] =	ssyncset.done $0x0  }
0xa1: {  	[sflag:s22] =	ssyncadd.s32 s5;
	_ =	sdelay $0x1  }
0xa2: {  	s23 =	simm.s32 $0x1B8B  }
0xa3: {  	_ =	swait.ge [sflag:s23], $0x1  }
0xa4: {  	[sflag:s23] =	ssyncset.done $0x0  }
0xa5: {  	s25 =	simm.s32 $0x1B8E;
	s24 =	sld [smem:$0x3FFE];
	[sflag:s23] =	ssyncadd.s32 $0xFFFFFFFF  }
0xa6: {  	s26 =	simm.s32 $execute0_lowered;
	[smem:$0x3FD2] =	sst s25  }
0xa7: {  	s6 =	sshll.u32 s26, $0x1;
	_ =	strace $0x80000046;
	[dreg:$0x1] =	wrdreg $0xFFFFFFFF  }
0xa8: {  	s28 =	simm.s32 $_size_execute0_lowered;
	s4 =	sadd.s32 s4, s6;
	[dreg:$0x0] =	wrdreg $0x0  }
0xa9: {  	s6 =	sshll.u32 s28, $0x1;
	[dreg:$0x2] =	wrdreg s4  }
0xaa: {  	[dreg:$0x3] =	wrdreg s6  }
0xab: {  	[dreg:$0x4] =	wrdreg $0xC0  }
0xac: {  	_ =	task [dreg:s8], $0x5FFFF  }
0xad: {  	[dreg:$0x1] =	wrdreg $0xFFFFFFFF  }
0xae: {  	[dreg:$0x0] =	wrdreg $0x60  }
0xaf: {  	[dreg:$0x2] =	wrdreg s24  }
0xb0: {  	[dreg:$0x3] =	wrdreg s2  }
0xb1: {  	[dreg:$0x4] =	wrdreg s18  }
0xb2: {  	[dreg:$0x5] =	wrdreg $0x9  }
0xb3: {  	_ =	task.clear_ibuf [dreg:s8], $0x6FFFF;
	_ =	strace $0x90000046  }
0xb4: {  	s29 =	simm.s32 $0x9;
	_ =	strace $0x80000048  }
0xb5: {  	_ =	swait.ge [sflag:s29], $0x1  }
0xb6: {  	[sflag:s29] =	ssyncadd.s32 $0xFFFFFFFF  }
0xb7: {  	_ =	strace $0x90000048  }
0xb8: {  	_ =	sfence  }
0xb9: {  	s30 =	sld [smem:$0x0];
	_ =	sdelay $0x2  }
0xba: {  	s31 =	sshll.u32 s1, $0xD;
	s1 =	sshrl.u32 s1, $0x2  }
0xbb: {  	s3 =	sand.u32 $0x4000, s31;
	s1 =	sadd.s32 s1, s30  }
0xbc: {  	s0 =	sor.u32 s3, s0;
	s1 =	sshll.u32 s1, $0x11  }
0xbd: {  	s0 =	sor.u32 s1, s0  }
0xbe: {  	s0 =	sadd.s32 $0x8F2B, s0  }
0xbf: {  	[sflag:s0] =	ssyncadd.remote.s32 $0x1  }
0xc0: {  	_ =	sfence.sel $0xFFFF  }
0xc1: {  	[dreg:$0x0] =	wrdreg $0xFFFFFFFF;
	(pc) =	sbr.abs _section_cstart, $3  }
0xc2: {  	[dreg:$0x1] =	wrdreg $0xFFFFFFFF  }
0xc3: {  	_ =	task.clear_ibuf [dreg:s8], $0x2FFFF;
	_ =	strace $0x9FFFFFFF  }
0xc4: {  	(tm) =	ssettm $0x7FFFFFFF  }
0xc5: {  	_ =	shalt  }
tec
execute0_lowered:
.L_overlay_start_1:
0x0: {  	(tag) =	ssettag $0x1  }
0x1: {  	s0 =	rddreg [dreg:$0x0];
	s1 =	srdreg.scid  }
0x2: {  	s3 =	stileid.u32;
	s7 =	rddreg [dreg:$0x1]  }
0x3: {  	s10 =	rddreg [dreg:$0x2];
	s13 =	simm.s32 $0x2;
	s14 =	simm.s32 $0x2200  }
0x4: {  	s31 =	simm.s32 $0x13A00;
	s12 =	simm.s32 $0x15200;
	s15 =	simm.s32 $0x15A00  }
0x5: {  	s16 =	simm.s32 $0x16200;
	s17 =	simm.s32 $0x16A00;
	s18 =	simm.s32 $0x17200  }
0x6: {  	s20 =	simm.s32 $0x18200;
	s21 =	simm.s32 $0x18A00;
	s23 =	simm.s32 $0x19A00  }
0x7: {  	s24 =	simm.s32 $0x1000;
	s25 =	simm.s32 $0x2000;
	s26 =	simm.s32 $0x1  }
0x8: {  	s28 =	simm.s32 $0x0;
	s1 =	sand.u32 $0x1, s1;
	s2 =	sshll.u32 s3, $0x1  }
0x9: {  	p0 =	sgt.u32 s3, $0x7;
	s4 =	sadd.s32 $0x2A00, s0;
	s6 =	sor.u32 s1, s2  }
0xa: {  	s2 =	simm.s32 $0x0;
	s1 =	ssub.s32 $0x2, s1;
	s5 =	sshll.u32 s6, $0x7  }
0xb: {  	[smem:$0x7FF] =	sst s2;
	s9 =	sshrl.u32 s1, $0x1;
	s19 =	smul.u32 $0x180, s6  }
0xc: {  	s6 =	sshll.u32 s6, $0x4;
	s3 =	sadd.s32 $0xFFFFF800, s5;
	_ =	strace $0x80000047  }
0xd: {  	s1 =	ssub.s32 s1, s9;
	s9 =	sadd.s32 $0x2E00, s0;
	s5 =	smov.u32 @p0 s3  }
0xe: {  	s3 =	sadd.s32 $0x2800, s0;
	s30 =	sshrl.u32 s19, $0x3;
	s22 =	sadd.s32 $0x180, s19  }
0xf: {  	s11 =	smax.u32 s1, $0x1;
	s1 =	simm.s32 $0x14200;
	s8 =	sshrl.u32 s5, $0x3  }
0x10: {  	v4 =	vlaneseq.u32;
	vm0 =	vmmov $0xffff;
	v0 =	vmov s19;
	s19 =	simm.s32 $0x17A00;
	s5 =	sadd.s32 $0x2C00, s0;
	s8 =	smul.u32 $0x300, s8  }
0x11: {  	v5 =	vimm.f32 $0.0e+00;
	v3 =	vshrl.u32 v4, $0x3;
	s6 =	sadd.s32 s3, s6;
	s10 =	sadd.s32 s10, s30;
	v1 =	vmov s22;
	s22 =	simm.s32 $0x19200  }
0x12: {  	v2 =	vand.u32 $0x7, v4;
	v4 =	vor.u32 $0x8, v4;
	v3 =	vmul.u32 $0x8, v3;
	s7 =	sadd.s32 s7, s8;
	s8 =	sadd.s32 $0x2D00, s0;
	s0 =	simm.s32 $0x14A00  }
.LBB2_1:
0x13: {  	s29 =	simm.s32 $0x2180  }
0x14: {  	[tilespmem:s29], [sflag:$0x2] =	stream.linear.gather [hbm4b:s6+s2], $0x80, $0x38;
	[tilespmem:$0x1A200] =	vst v63  }
0x15: {  	_ =	swait.ge [sflag:s13], $0x80  }
0x16: {  	[sflag:s13] =	ssyncset.done $0x0  }
0x17: {  	[sflag:s13] =	ssyncadd.s32 $0xFFFFFF80  }
0x18: {  	[tilespmem:s14], [sflag:$0x2] =	stream.linear.gather [hbm4b:s7+s2], $0x18000, $0x38;
	[tilespmem:$0x1A200] =	vst v63  }
0x19: {  	_ =	swait.ge [sflag:s13], $0x18000  }
0x1a: {  	[sflag:s13] =	ssyncset.done $0x0  }
0x1b: {  	[sflag:s13] =	ssyncadd.s32 $0xFFFE8000  }
0x1c: {  	v6 =	vld [tilespmem:$0x2180];
	_ =	sdelay $0x4  }
0x1d: {  	v7 =	vshrl.u32 v6, $0x3  }
0x1e: {  	v7 =	vmul.u32 $0x30, v7  }
0x1f: {  	v6 =	vand.u32 $0x7, v6  }
0x20: {  	v6 =	vor.u32 v6, v7  }
0x21: {  	v7 =	vperm.xlane v6, v2;
	_ =	sdelay $0x1  }
0x22: {  	v7 =	vadd.s32 v3, v7;
	_ =	sdelay $0x3  }
0x23: {  	v6 =	vperm.xlane v6, v4  }
0x24: {  	[hbm4b:s5+s2] =	stream.indirect_vreg.scatter [tilespmem:s14], [sflag:$0x1], $0x80, v7, vm0, $0xb8;
	[tilespmem:$0x1A200] =	vst v63  }
0x25: {  	s29 =	simm.s32 $0x2A00;
	v6 =	vadd.s32 v3, v6  }
0x26: {  	[hbm4b:s8+s2] =	stream.indirect_vreg.scatter [tilespmem:s29], [sflag:$0x1], $0x80, v7, vm0, $0xb8;
	[tilespmem:$0x1A200] =	vst v63  }
0x27: {  	s29 =	simm.s32 $0x3200  }
0x28: {  	[hbm4b:s9+s2] =	stream.indirect_vreg.scatter [tilespmem:s29], [sflag:$0x1], $0x80, v7, vm0, $0xb8;
	[tilespmem:$0x1A200] =	vst v63  }
0x29: {  	s29 =	simm.s32 $0x3A00  }
0x2a: {  	[hbm4b:s5+s2] =	stream.indirect_vreg.scatter [tilespmem:s29], [sflag:$0x1], $0x80, v6, vm0, $0xb8;
	[tilespmem:$0x1A200] =	vst v63  }
0x2b: {  	s29 =	simm.s32 $0x4200  }
0x2c: {  	[hbm4b:s8+s2] =	stream.indirect_vreg.scatter [tilespmem:s29], [sflag:$0x1], $0x80, v6, vm0, $0xb8;
	[tilespmem:$0x1A200] =	vst v63  }
0x2d: {  	s29 =	simm.s32 $0x4A00  }
0x2e: {  	[hbm4b:s9+s2] =	stream.indirect_vreg.scatter [tilespmem:s29], [sflag:$0x1], $0x80, v6, vm0, $0xb8;
	[tilespmem:$0x1A200] =	vst v63  }
0x2f: {  	v6 =	vld [tilespmem:$0x2190];
	_ =	sdelay $0x4  }
0x30: {  	v7 =	vshrl.u32 v6, $0x3  }
0x31: {  	v7 =	vmul.u32 $0x30, v7  }
0x32: {  	v6 =	vand.u32 $0x7, v6  }
0x33: {  	v6 =	vor.u32 v6, v7  }
0x34: {  	v7 =	vperm.xlane v6, v2;
	_ =	sdelay $0x1  }
0x35: {  	v7 =	vadd.s32 v3, v7;
	_ =	sdelay $0x3  }
0x36: {  	s29 =	simm.s32 $0x5200;
	v6 =	vperm.xlane v6, v4  }
0x37: {  	[hbm4b:s5+s2] =	stream.indirect_vreg.scatter [tilespmem:s29], [sflag:$0x1], $0x80, v7, vm0, $0xb8;
	[tilespmem:$0x1A200] =	vst v63  }
0x38: {  	v6 =	vadd.s32 v3, v6;
	s29 =	simm.s32 $0x5A00  }
0x39: {  	[hbm4b:s8+s2] =	stream.indirect_vreg.scatter [tilespmem:s29], [sflag:$0x1], $0x80, v7, vm0, $0xb8;
	[tilespmem:$0x1A200] =	vst v63  }
0x3a: {  	s29 =	simm.s32 $0x6200  }
0x3b: {  	[hbm4b:s9+s2] =	stream.indirect_vreg.scatter [tilespmem:s29], [sflag:$0x1], $0x80, v7, vm0, $0xb8;
	[tilespmem:$0x1A200] =	vst v63  }
0x3c: {  	s29 =	simm.s32 $0x6A00  }
0x3d: {  	[hbm4b:s5+s2] =	stream.indirect_vreg.scatter [tilespmem:s29], [sflag:$0x1], $0x80, v6, vm0, $0xb8;
	[tilespmem:$0x1A200] =	vst v63  }
0x3e: {  	s29 =	simm.s32 $0x7200  }
0x3f: {  	[hbm4b:s8+s2] =	stream.indirect_vreg.scatter [tilespmem:s29], [sflag:$0x1], $0x80, v6, vm0, $0xb8;
	[tilespmem:$0x1A200] =	vst v63  }
0x40: {  	s29 =	simm.s32 $0x7A00  }
0x41: {  	[hbm4b:s9+s2] =	stream.indirect_vreg.scatter [tilespmem:s29], [sflag:$0x1], $0x80, v6, vm0, $0xb8;
	[tilespmem:$0x1A200] =	vst v63  }
0x42: {  	v6 =	vld [tilespmem:$0x21A0];
	_ =	sdelay $0x4  }
0x43: {  	v7 =	vshrl.u32 v6, $0x3  }
0x44: {  	v7 =	vmul.u32 $0x30, v7  }
0x45: {  	v6 =	vand.u32 $0x7, v6  }
0x46: {  	v6 =	vor.u32 v6, v7  }
0x47: {  	v7 =	vperm.xlane v6, v2;
	_ =	sdelay $0x1  }
0x48: {  	v7 =	vadd.s32 v3, v7;
	_ =	sdelay $0x3  }
0x49: {  	s29 =	simm.s32 $0x8200;
	v6 =	vperm.xlane v6, v4  }
0x4a: {  	[hbm4b:s5+s2] =	stream.indirect_vreg.scatter [tilespmem:s29], [sflag:$0x1], $0x80, v7, vm0, $0xb8;
	[tilespmem:$0x1A200] =	vst v63  }
0x4b: {  	v6 =	vadd.s32 v3, v6;
	s29 =	simm.s32 $0x8A00  }
0x4c: {  	[hbm4b:s8+s2] =	stream.indirect_vreg.scatter [tilespmem:s29], [sflag:$0x1], $0x80, v7, vm0, $0xb8;
	[tilespmem:$0x1A200] =	vst v63  }
0x4d: {  	s29 =	simm.s32 $0x9200  }
0x4e: {  	[hbm4b:s9+s2] =	stream.indirect_vreg.scatter [tilespmem:s29], [sflag:$0x1], $0x80, v7, vm0, $0xb8;
	[tilespmem:$0x1A200] =	vst v63  }
0x4f: {  	s29 =	simm.s32 $0x9A00  }
0x50: {  	[hbm4b:s5+s2] =	stream.indirect_vreg.scatter [tilespmem:s29], [sflag:$0x1], $0x80, v6, vm0, $0xb8;
	[tilespmem:$0x1A200] =	vst v63  }
0x51: {  	s29 =	simm.s32 $0xA200  }
0x52: {  	[hbm4b:s8+s2] =	stream.indirect_vreg.scatter [tilespmem:s29], [sflag:$0x1], $0x80, v6, vm0, $0xb8;
	[tilespmem:$0x1A200] =	vst v63  }
0x53: {  	s29 =	simm.s32 $0xAA00  }
0x54: {  	[hbm4b:s9+s2] =	stream.indirect_vreg.scatter [tilespmem:s29], [sflag:$0x1], $0x80, v6, vm0, $0xb8;
	[tilespmem:$0x1A200] =	vst v63  }
0x55: {  	v6 =	vld [tilespmem:$0x21B0];
	_ =	sdelay $0x4  }
0x56: {  	v7 =	vshrl.u32 v6, $0x3  }
0x57: {  	v7 =	vmul.u32 $0x30, v7  }
0x58: {  	v6 =	vand.u32 $0x7, v6  }
0x59: {  	v6 =	vor.u32 v6, v7  }
0x5a: {  	v7 =	vperm.xlane v6, v2;
	_ =	sdelay $0x1  }
0x5b: {  	v7 =	vadd.s32 v3, v7;
	_ =	sdelay $0x3  }
0x5c: {  	s29 =	simm.s32 $0xB200;
	v6 =	vperm.xlane v6, v4  }
0x5d: {  	[hbm4b:s5+s2] =	stream.indirect_vreg.scatter [tilespmem:s29], [sflag:$0x1], $0x80, v7, vm0, $0xb8;
	[tilespmem:$0x1A200] =	vst v63  }
0x5e: {  	v6 =	vadd.s32 v3, v6;
	s29 =	simm.s32 $0xBA00  }
0x5f: {  	[hbm4b:s8+s2] =	stream.indirect_vreg.scatter [tilespmem:s29], [sflag:$0x1], $0x80, v7, vm0, $0xb8;
	[tilespmem:$0x1A200] =	vst v63  }
0x60: {  	s29 =	simm.s32 $0xC200  }
0x61: {  	[hbm4b:s9+s2] =	stream.indirect_vreg.scatter [tilespmem:s29], [sflag:$0x1], $0x80, v7, vm0, $0xb8;
	[tilespmem:$0x1A200] =	vst v63  }
0x62: {  	s29 =	simm.s32 $0xCA00  }
0x63: {  	[hbm4b:s5+s2] =	stream.indirect_vreg.scatter [tilespmem:s29], [sflag:$0x1], $0x80, v6, vm0, $0xb8;
	[tilespmem:$0x1A200] =	vst v63  }
0x64: {  	s29 =	simm.s32 $0xD200  }
0x65: {  	[hbm4b:s8+s2] =	stream.indirect_vreg.scatter [tilespmem:s29], [sflag:$0x1], $0x80, v6, vm0, $0xb8;
	[tilespmem:$0x1A200] =	vst v63  }
0x66: {  	s29 =	simm.s32 $0xDA00  }
0x67: {  	[hbm4b:s9+s2] =	stream.indirect_vreg.scatter [tilespmem:s29], [sflag:$0x1], $0x80, v6, vm0, $0xb8;
	[tilespmem:$0x1A200] =	vst v63  }
0x68: {  	v6 =	vld [tilespmem:$0x21C0];
	_ =	sdelay $0x4  }
0x69: {  	v7 =	vshrl.u32 v6, $0x3  }
0x6a: {  	v7 =	vmul.u32 $0x30, v7  }
0x6b: {  	v6 =	vand.u32 $0x7, v6  }
0x6c: {  	v6 =	vor.u32 v6, v7  }
0x6d: {  	v7 =	vperm.xlane v6, v2;
	_ =	sdelay $0x1  }
0x6e: {  	v7 =	vadd.s32 v3, v7;
	_ =	sdelay $0x3  }
0x6f: {  	s29 =	simm.s32 $0xE200;
	v6 =	vperm.xlane v6, v4  }
0x70: {  	[hbm4b:s5+s2] =	stream.indirect_vreg.scatter [tilespmem:s29], [sflag:$0x1], $0x80, v7, vm0, $0xb8;
	[tilespmem:$0x1A200] =	vst v63  }
0x71: {  	v6 =	vadd.s32 v3, v6;
	s29 =	simm.s32 $0xEA00  }
0x72: {  	[hbm4b:s8+s2] =	stream.indirect_vreg.scatter [tilespmem:s29], [sflag:$0x1], $0x80, v7, vm0, $0xb8;
	[tilespmem:$0x1A200] =	vst v63  }
0x73: {  	s29 =	simm.s32 $0xF200  }
0x74: {  	[hbm4b:s9+s2] =	stream.indirect_vreg.scatter [tilespmem:s29], [sflag:$0x1], $0x80, v7, vm0, $0xb8;
	[tilespmem:$0x1A200] =	vst v63  }
0x75: {  	s29 =	simm.s32 $0xFA00  }
0x76: {  	[hbm4b:s5+s2] =	stream.indirect_vreg.scatter [tilespmem:s29], [sflag:$0x1], $0x80, v6, vm0, $0xb8;
	[tilespmem:$0x1A200] =	vst v63  }
0x77: {  	s29 =	simm.s32 $0x10200  }
0x78: {  	[hbm4b:s8+s2] =	stream.indirect_vreg.scatter [tilespmem:s29], [sflag:$0x1], $0x80, v6, vm0, $0xb8;
	[tilespmem:$0x1A200] =	vst v63  }
0x79: {  	s29 =	simm.s32 $0x10A00  }
0x7a: {  	[hbm4b:s9+s2] =	stream.indirect_vreg.scatter [tilespmem:s29], [sflag:$0x1], $0x80, v6, vm0, $0xb8;
	[tilespmem:$0x1A200] =	vst v63  }
0x7b: {  	v6 =	vld [tilespmem:$0x21D0];
	_ =	sdelay $0x4  }
0x7c: {  	v7 =	vshrl.u32 v6, $0x3  }
0x7d: {  	v7 =	vmul.u32 $0x30, v7  }
0x7e: {  	v6 =	vand.u32 $0x7, v6  }
0x7f: {  	v6 =	vor.u32 v6, v7  }
0x80: {  	v7 =	vperm.xlane v6, v2;
	_ =	sdelay $0x1  }
0x81: {  	v7 =	vadd.s32 v3, v7;
	_ =	sdelay $0x3  }
0x82: {  	s29 =	simm.s32 $0x11200;
	v6 =	vperm.xlane v6, v4  }
0x83: {  	[hbm4b:s5+s2] =	stream.indirect_vreg.scatter [tilespmem:s29], [sflag:$0x1], $0x80, v7, vm0, $0xb8;
	[tilespmem:$0x1A200] =	vst v63  }
0x84: {  	v6 =	vadd.s32 v3, v6;
	s29 =	simm.s32 $0x11A00  }
0x85: {  	[hbm4b:s8+s2] =	stream.indirect_vreg.scatter [tilespmem:s29], [sflag:$0x1], $0x80, v7, vm0, $0xb8;
	[tilespmem:$0x1A200] =	vst v63  }
0x86: {  	s29 =	simm.s32 $0x12200  }
0x87: {  	[hbm4b:s9+s2] =	stream.indirect_vreg.scatter [tilespmem:s29], [sflag:$0x1], $0x80, v7, vm0, $0xb8;
	[tilespmem:$0x1A200] =	vst v63  }
0x88: {  	s29 =	simm.s32 $0x12A00  }
0x89: {  	[hbm4b:s5+s2] =	stream.indirect_vreg.scatter [tilespmem:s29], [sflag:$0x1], $0x80, v6, vm0, $0xb8;
	[tilespmem:$0x1A200] =	vst v63  }
0x8a: {  	s29 =	simm.s32 $0x13200  }
0x8b: {  	[hbm4b:s8+s2] =	stream.indirect_vreg.scatter [tilespmem:s29], [sflag:$0x1], $0x80, v6, vm0, $0xb8;
	[tilespmem:$0x1A200] =	vst v63  }
0x8c: {  	_ = 	snop  }
0x8d: {  	[hbm4b:s9+s2] =	stream.indirect_vreg.scatter [tilespmem:s31], [sflag:$0x1], $0x80, v6, vm0, $0xb8;
	[tilespmem:$0x1A200] =	vst v63  }
0x8e: {  	v6 =	vld [tilespmem:$0x21E0];
	_ =	sdelay $0x4  }
0x8f: {  	v7 =	vshrl.u32 v6, $0x3  }
0x90: {  	v7 =	vmul.u32 $0x30, v7  }
0x91: {  	v6 =	vand.u32 $0x7, v6  }
0x92: {  	v6 =	vor.u32 v6, v7  }
0x93: {  	v7 =	vperm.xlane v6, v2;
	_ =	sdelay $0x1  }
0x94: {  	v7 =	vadd.s32 v3, v7;
	_ =	sdelay $0x3  }
0x95: {  	v6 =	vperm.xlane v6, v4  }
0x96: {  	[hbm4b:s5+s2] =	stream.indirect_vreg.scatter [tilespmem:s1], [sflag:$0x1], $0x80, v7, vm0, $0xb8;
	[tilespmem:$0x1A200] =	vst v63  }
0x97: {  	v6 =	vadd.s32 v3, v6  }
0x98: {  	[hbm4b:s8+s2] =	stream.indirect_vreg.scatter [tilespmem:s0], [sflag:$0x1], $0x80, v7, vm0, $0xb8;
	[tilespmem:$0x1A200] =	vst v63  }
0x99: {  	_ = 	snop  }
0x9a: {  	[hbm4b:s9+s2] =	stream.indirect_vreg.scatter [tilespmem:s12], [sflag:$0x1], $0x80, v7, vm0, $0xb8;
	[tilespmem:$0x1A200] =	vst v63  }
0x9b: {  	_ = 	snop  }
0x9c: {  	[hbm4b:s5+s2] =	stream.indirect_vreg.scatter [tilespmem:s15], [sflag:$0x1], $0x80, v6, vm0, $0xb8;
	[tilespmem:$0x1A200] =	vst v63  }
0x9d: {  	_ = 	snop  }
0x9e: {  	[hbm4b:s8+s2] =	stream.indirect_vreg.scatter [tilespmem:s16], [sflag:$0x1], $0x80, v6, vm0, $0xb8;
	[tilespmem:$0x1A200] =	vst v63  }
0x9f: {  	_ = 	snop  }
0xa0: {  	[hbm4b:s9+s2] =	stream.indirect_vreg.scatter [tilespmem:s17], [sflag:$0x1], $0x80, v6, vm0, $0xb8;
	[tilespmem:$0x1A200] =	vst v63  }
0xa1: {  	v6 =	vld [tilespmem:$0x21F0];
	_ =	sdelay $0x4  }
0xa2: {  	v7 =	vshrl.u32 v6, $0x3  }
0xa3: {  	v7 =	vmul.u32 $0x30, v7  }
0xa4: {  	v6 =	vand.u32 $0x7, v6  }
0xa5: {  	v6 =	vor.u32 v6, v7  }
0xa6: {  	v7 =	vperm.xlane v6, v2;
	_ =	sdelay $0x1  }
0xa7: {  	v7 =	vadd.s32 v3, v7;
	_ =	sdelay $0x3  }
0xa8: {  	v6 =	vperm.xlane v6, v4  }
0xa9: {  	[hbm4b:s5+s2] =	stream.indirect_vreg.scatter [tilespmem:s18], [sflag:$0x1], $0x80, v7, vm0, $0xb8;
	[tilespmem:$0x1A200] =	vst v63  }
0xaa: {  	v6 =	vadd.s32 v3, v6  }
0xab: {  	[hbm4b:s8+s2] =	stream.indirect_vreg.scatter [tilespmem:s19], [sflag:$0x1], $0x80, v7, vm0, $0xb8;
	[tilespmem:$0x1A200] =	vst v63  }
0xac: {  	_ = 	snop  }
0xad: {  	[hbm4b:s9+s2] =	stream.indirect_vreg.scatter [tilespmem:s20], [sflag:$0x1], $0x80, v7, vm0, $0xb8;
	[tilespmem:$0x1A200] =	vst v63  }
0xae: {  	_ = 	snop  }
0xaf: {  	[hbm4b:s5+s2] =	stream.indirect_vreg.scatter [tilespmem:s21], [sflag:$0x1], $0x80, v6, vm0, $0xb8;
	[tilespmem:$0x1A200] =	vst v63  }
0xb0: {  	_ = 	snop  }
0xb1: {  	[hbm4b:s8+s2] =	stream.indirect_vreg.scatter [tilespmem:s22], [sflag:$0x1], $0x80, v6, vm0, $0xb8;
	[tilespmem:$0x1A200] =	vst v63  }
0xb2: {  	_ = 	snop  }
0xb3: {  	[hbm4b:s9+s2] =	stream.indirect_vreg.scatter [tilespmem:s23], [sflag:$0x1], $0x80, v6, vm0, $0xb8;
	[tilespmem:$0x1A200] =	vst v63  }
0xb4: {  	_ = 	snop  }
0xb5: {  	[tilespmem:s2], [sflag:$0x2] =	stream.linear.gather [hbm4b:s3+s2], $0x1000, $0x38;
	[tilespmem:$0x1A200] =	vst v63  }
0xb6: {  	_ =	swait.ge [sflag:s13], $0x1000  }
0xb7: {  	[sflag:s13] =	ssyncset.done $0x0  }
0xb8: {  	[sflag:s13] =	ssyncadd.s32 $0xFFFFF000  }
0xb9: {  	[tilespmem:s24], [sflag:$0x2] =	stream.linear.gather [hbm4b:s4+s2], $0x1000, $0x38;
	[tilespmem:$0x1A200] =	vst v63  }
0xba: {  	_ =	swait.ge [sflag:s13], $0x1000  }
0xbb: {  	[sflag:s13] =	ssyncset.done $0x0  }
0xbc: {  	[sflag:s13] =	ssyncadd.s32 $0xFFFFF000  }
0xbd: {  	[tilespmem:$0x2000] =	vst v5  }
0xbe: {  	[tilespmem:$0x2010] =	vst v5  }
0xbf: {  	[tilespmem:$0x2020] =	vst v5  }
0xc0: {  	[tilespmem:$0x2030] =	vst v5  }
0xc1: {  	[tilespmem:$0x2040] =	vst v5  }
0xc2: {  	[tilespmem:$0x2050] =	vst v5  }
0xc3: {  	[tilespmem:$0x2060] =	vst v5  }
0xc4: {  	[tilespmem:$0x2070] =	vst v5  }
0xc5: {  	[tilespmem:$0x2080] =	vst v5  }
0xc6: {  	[tilespmem:$0x2090] =	vst v5  }
0xc7: {  	[tilespmem:$0x20A0] =	vst v5  }
0xc8: {  	[tilespmem:$0x20B0] =	vst v5  }
0xc9: {  	[tilespmem:$0x20C0] =	vst v5  }
0xca: {  	[tilespmem:$0x20D0] =	vst v5  }
0xcb: {  	[tilespmem:$0x20E0] =	vst v5  }
0xcc: {  	[tilespmem:$0x20F0] =	vst v5  }
0xcd: {  	[tilespmem:$0x2100] =	vst v5  }
0xce: {  	[tilespmem:$0x2110] =	vst v5  }
0xcf: {  	[tilespmem:$0x2120] =	vst v5  }
0xd0: {  	[tilespmem:$0x2130] =	vst v5  }
0xd1: {  	[tilespmem:$0x2140] =	vst v5  }
0xd2: {  	[tilespmem:$0x2150] =	vst v5  }
0xd3: {  	[tilespmem:$0x2160] =	vst v5  }
0xd4: {  	s30 =	simm.s32 $0x40;
	s29 =	simm.s32 $0x0;
	[tilespmem:$0x2170] =	vst v5  }
.LBB2_2:
0xd5: {  	p0 =	sne.s32 s30, $0x3FC0;
	v6 =	vld [tilespmem:s29+$0x0];
	_ =	sdelay $0x4  }
0xd6: {  	v7 =	vsub.s32 v6, v0;
	vm1 =	vge.s32 v6, v0;
	vm2 =	vlt.s32 v6, v1  }
0xd7: {  	v6 =	vand.u32 $0x7F, v6;
	vm1 =	vmand vm1, vm2;
	v7 =	vand.u32 $0xFFFFFF80, v7  }
0xd8: {  	v8 =	vld [tilespmem:s29+$0x1000];
	v6 =	vor.u32 v6, v7  }
.Ltmp0:
0xd9: {  	(pc) =	sbr.rel @p0 .LBB2_2-.Ltmp0, $2  }
0xda: {  	_ =	sdelay $0x2  }
0xdb: {  	s29 =	sshra.s32 s30, $0x2;
	s30 =	sadd.s32 $0x40, s30;
	[tilespmem:v6+s25+$0x0] =	vst.idx.msk vm1, v8  }
0xdc: {  	v6 =	vld [tilespmem:s29+$0x0];
	_ =	sdelay $0x4  }
0xdd: {  	v7 =	vsub.s32 v6, v0;
	vm1 =	vge.s32 v6, v0;
	vm2 =	vlt.s32 v6, v1  }
0xde: {  	v6 =	vand.u32 $0x7F, v6;
	vm1 =	vmand vm1, vm2;
	v7 =	vand.u32 $0xFFFFFF80, v7  }
0xdf: {  	v8 =	vld [tilespmem:s29+$0x1000];
	v6 =	vor.u32 v6, v7;
	_ =	sdelay $0x4  }
0xe0: {  	s28 =	sadd.s32 $0x1, s28;
	[tilespmem:v6+s25+$0x0] =	vst.idx.msk vm1, v8  }
0xe1: {  	[hbm4b:s10+s2] =	stream.linear.scatter [tilespmem:s25], [sflag:$0x2], $0x180, $0x38;
	[tilespmem:$0x1A200] =	vst v63  }
0xe2: {  	p0 =	sne.s32 s28, s11;
	_ =	swait.ge [sflag:s13], $0x180  }
.Ltmp1:
0xe3: {  	[sflag:s13] =	ssyncset.done $0x0;
	(pc) =	sbr.rel @p0 .LBB2_1-.Ltmp1, $4  }
0xe4: {  	[sflag:s13] =	ssyncadd.s32 $0xFFFFFE80  }
0xe5: {  	_ =	swait.ge [sflag:s26], $0x18000  }
0xe6: {  	[sflag:s26] =	ssyncset.done $0x0  }
0xe7: {  	[sflag:s26] =	ssyncadd.s32 $0xFFFE8000  }
0xe8: {  	_ =	sfence.sel $0x180000  }
0xe9: {  	[bflag:$0x0] =	sbarrier.arrive $0xFFFF  }
0xea: {  	_ =	strace $0x90000047  }
0xeb: {  	s0 =	stileid.u32;
	[bflag:$0x2] =	sbarrier.arrive $0xFFFF  }
0xec: {  	p0 =	sne.s32 s0, $0x0;
	s0 =	rddreg [dreg:$0x3]  }
0xed: {  	s0 =	sadd.s32 @!p0 $0x100000, s0  }
0xee: {  	[sflag:s0] =	ssyncadd.tile.s32 @!p0 $0x1;
	_ =	shalt  }
.Lfunc_end2:
_tile_overlayer_lowered:
.L_overlay_start_2:
0xef: {  	(tag) =	ssettag $0x2  }
0xf0: {  	s0 =	rddreg [dreg:$0x0];
	s2 =	stileid.u32  }
0xf1: {  	s1 =	rddreg [dreg:$0x1];
	p0 =	sne.s32 s2, $0x0  }
0xf2: {  	s3 =	rddreg [dreg:$0x2];
	[bflag:$0x3] =	sbarrier.arrive $0xFFFF;
	s2 =	simm.s32 @!p0 $0x1C02  }
0xf3: {  	[timem:s3], [sflag:s2] =	dma.local @!p0 [hbm:s0], s1  }
0xf4: {  	s0 =	simm.s32 @!p0 $0x2  }
0xf5: {  	_ =	swait.ge @!p0 [sflag:s0], s1  }
0xf6: {  	s1 =	ssub.s32 @!p0 $0x0, s1;
	[sflag:s0] =	ssyncset.done @!p0 $0x0  }
0xf7: {  	[sflag:s0] =	ssyncadd.s32 @!p0 s1  }
0xf8: {  	[bflag:$0x3] =	sbarrier.arrive $0xFFFF  }
0xf9: {  	_ =	shalt  }

</sc_bundles>
